<compile_context>
chip_gen: v7x
topology: tpu7x:2x2x1
jax: 0.10.2.dev20260603
libtpu: 0.0.44.dev20260713+nightly
codegen_flags: <defaults>
</compile_context>

<pallas_src>
import functools
import math

import jax
import jax.numpy as jnp
from jax import lax
from jax.experimental import pallas as pl
from jax.experimental.pallas import tpu as pltpu
from jax.experimental.pallas import tpu_sc as plsc

N = 10000
E = 320000
D = 128
NC = 2
NS = 16
NW = NC * NS
NPAD = 10112
ROWS_PER_TILE = NPAD // NS
DUMP = N
E_PER_TILE = E // NW
K = 80
NBUF = 4
OUTERS = 31
TAIL = K
GROUPS = K // 16

_E1 = math.exp(1.0)
_A_P = (_E1 + 1.0) / (_E1 - 1.0)
_C_P = -1.0 / (_E1 - 1.0)


def _mesh():
    return plsc.VectorSubcoreMesh(
        core_axis_name="c", subcore_axis_name="s",
        num_cores=NC, num_subcores=NS)


def _deg_body(row_hbm, col_hbm, zeros_hbm, ones_hbm, deg_out,
              row_v, col_v, rr_v, ones_v, sem_i, sem_s, acc):
    cid = lax.axis_index("c")
    sid = lax.axis_index("s")
    wid = cid * NS + sid
    r0 = sid * ROWS_PER_TILE
    pltpu.sync_copy(zeros_hbm.at[pl.ds(r0, ROWS_PER_TILE)],
                    acc.at[pl.ds(r0, ROWS_PER_TILE)])
    pltpu.sync_copy(ones_hbm, ones_v)
    plsc.subcore_barrier()
    base0 = wid * E_PER_TILE

    def outer(o, carry):
        @pl.when(o > 0)
        def _():
            for j in range(NBUF):
                pltpu.make_async_copy(ones_v, acc.at[rr_v.at[j]], sem_s).wait()

        for j in range(NBUF):
            b = base0 + (o * NBUF + j) * K
            pltpu.async_copy(row_hbm.at[pl.ds(b, K)], row_v.at[j], sem_i)
            pltpu.async_copy(col_hbm.at[pl.ds(b, K)], col_v.at[j], sem_i)
        for j in range(NBUF):
            pltpu.make_async_copy(row_hbm.at[pl.ds(0, K)], row_v.at[j],
                                  sem_i).wait()
            pltpu.make_async_copy(col_hbm.at[pl.ds(0, K)], col_v.at[j],
                                  sem_i).wait()
        for j in range(NBUF):
            for g in range(GROUPS):
                r = row_v[j, pl.ds(g * 16, 16)]
                c = col_v[j, pl.ds(g * 16, 16)]
                rr_v[j, pl.ds(g * 16, 16)] = jnp.where(r == c, DUMP, r)
            pltpu.async_copy(ones_v, acc.at[rr_v.at[j]], sem_s, add=True)
        return carry

    lax.fori_loop(0, OUTERS, outer, 0)
    for j in range(NBUF):
        pltpu.make_async_copy(ones_v, acc.at[rr_v.at[j]], sem_s).wait()

    tb = base0 + OUTERS * NBUF * K
    pltpu.sync_copy(row_hbm.at[pl.ds(tb, K)], row_v.at[0])
    pltpu.sync_copy(col_hbm.at[pl.ds(tb, K)], col_v.at[0])
    for g in range(GROUPS):
        r = row_v[0, pl.ds(g * 16, 16)]
        c = col_v[0, pl.ds(g * 16, 16)]
        rr_v[0, pl.ds(g * 16, 16)] = jnp.where(r == c, DUMP, r)
    pltpu.sync_copy(ones_v, acc.at[rr_v.at[0]], add=True)

    plsc.subcore_barrier()
    pltpu.sync_copy(acc.at[pl.ds(r0, ROWS_PER_TILE)],
                    deg_out.at[cid, pl.ds(r0, ROWS_PER_TILE)])


def _spmm_body(src_hbm, row_hbm, col_hbm, zeros_hbm, out_hbm,
               row_v, colp_v, rows_v,
               sem_i, sem_g0, sem_g1, sem_g2, sem_g3,
               sem_s0, sem_s1, sem_s2, sem_s3, acc):
    cid = lax.axis_index("c")
    sid = lax.axis_index("s")
    wid = cid * NS + sid
    r0 = sid * ROWS_PER_TILE
    base0 = wid * E_PER_TILE
    sem_g = (sem_g0, sem_g1, sem_g2, sem_g3)[:NBUF]
    sem_s = (sem_s0, sem_s1, sem_s2, sem_s3)[:NBUF]

    for j in range(NBUF):
        b0 = base0 + j * K
        pltpu.async_copy(row_hbm.at[pl.ds(b0, K)], row_v.at[0, j], sem_i)
        pltpu.async_copy(col_hbm.at[pl.ds(b0, K)], colp_v.at[0, j], sem_i)

    pltpu.sync_copy(zeros_hbm.at[pl.ds(r0, ROWS_PER_TILE)],
                    acc.at[pl.ds(r0, ROWS_PER_TILE)])
    plsc.subcore_barrier()

    def outer(o, carry):
        s = o % 2
        for j in range(NBUF):
            pltpu.make_async_copy(row_hbm.at[pl.ds(0, K)], row_v.at[s, j],
                                  sem_i).wait()
            pltpu.make_async_copy(col_hbm.at[pl.ds(0, K)], colp_v.at[s, j],
                                  sem_i).wait()
        for j in range(NBUF):
            for g in range(GROUPS):
                r = row_v[s, j, pl.ds(g * 16, 16)]
                c = colp_v[s, j, pl.ds(g * 16, 16)]
                colp_v[s, j, pl.ds(g * 16, 16)] = jnp.where(r == c, DUMP, c)
        for j in range(NBUF):
            @pl.when(o >= 1)
            def _():
                pltpu.make_async_copy(rows_v.at[j],
                                      acc.at[colp_v.at[1 - s, j]],
                                      sem_s[j]).wait()

            @pl.when(o + 1 < OUTERS)
            def _():
                b = base0 + ((o + 1) * NBUF + j) * K
                pltpu.async_copy(row_hbm.at[pl.ds(b, K)],
                                 row_v.at[1 - s, j], sem_i)
                pltpu.async_copy(col_hbm.at[pl.ds(b, K)],
                                 colp_v.at[1 - s, j], sem_i)

            pltpu.async_copy(src_hbm.at[row_v.at[s, j]], rows_v.at[j],
                             sem_g[j])
        for j in range(NBUF):
            pltpu.make_async_copy(src_hbm.at[row_v.at[s, j]], rows_v.at[j],
                                  sem_g[j]).wait()
            pltpu.async_copy(rows_v.at[j], acc.at[colp_v.at[s, j]], sem_s[j],
                             add=True)
        return carry

    lax.fori_loop(0, OUTERS, outer, 0)
    s_last = (OUTERS - 1) % 2
    for j in range(NBUF):
        pltpu.make_async_copy(rows_v.at[j], acc.at[colp_v.at[s_last, j]],
                              sem_s[j]).wait()

    tb = base0 + OUTERS * NBUF * K
    pltpu.sync_copy(row_hbm.at[pl.ds(tb, K)], row_v.at[0, 0])
    pltpu.sync_copy(col_hbm.at[pl.ds(tb, K)], colp_v.at[0, 0])
    for g in range(GROUPS):
        r = row_v[0, 0, pl.ds(g * 16, 16)]
        c = colp_v[0, 0, pl.ds(g * 16, 16)]
        colp_v[0, 0, pl.ds(g * 16, 16)] = jnp.where(r == c, DUMP, c)
    pltpu.async_copy(src_hbm.at[row_v.at[0, 0]], rows_v.at[0], sem_g0).wait()
    pltpu.sync_copy(rows_v.at[0], acc.at[colp_v.at[0, 0]], add=True)

    plsc.subcore_barrier()
    pltpu.sync_copy(acc.at[pl.ds(r0, ROWS_PER_TILE)],
                    out_hbm.at[cid, pl.ds(r0, ROWS_PER_TILE)])


@functools.lru_cache(maxsize=None)
def _make_deg_kernel():
    return pl.kernel(
        _deg_body,
        out_type=jax.ShapeDtypeStruct((NC, NPAD, D), jnp.float32),
        mesh=_mesh(),
        scratch_types=[
            pltpu.VMEM((NBUF, K), jnp.int32),
            pltpu.VMEM((NBUF, K), jnp.int32),
            pltpu.VMEM((NBUF, K), jnp.int32),
            pltpu.VMEM((K, D), jnp.float32),
            pltpu.SemaphoreType.DMA,
            pltpu.SemaphoreType.DMA,
            pltpu.VMEM_SHARED((NPAD, D), jnp.float32),
        ],
    )


@functools.lru_cache(maxsize=None)
def _make_spmm_kernel():
    return pl.kernel(
        _spmm_body,
        out_type=jax.ShapeDtypeStruct((NC, NPAD, D), jnp.float32),
        mesh=_mesh(),
        scratch_types=[
            pltpu.VMEM((2, NBUF, K), jnp.int32),
            pltpu.VMEM((2, NBUF, K), jnp.int32),
            pltpu.VMEM((NBUF, K, D), jnp.float32),
            pltpu.SemaphoreType.DMA,
            pltpu.SemaphoreType.DMA,
            pltpu.SemaphoreType.DMA,
            pltpu.SemaphoreType.DMA,
            pltpu.SemaphoreType.DMA,
            pltpu.SemaphoreType.DMA,
            pltpu.SemaphoreType.DMA,
            pltpu.SemaphoreType.DMA,
            pltpu.SemaphoreType.DMA,
            pltpu.VMEM_SHARED((NPAD, D), jnp.float32),
        ],
    )


_B = 2000


def _tc1a_body(x_ref, pm_ref, w1t_ref, t1_ref):
    pm = pm_ref[...]
    a = 1.0 + pm * (_A_P - 1.0)
    c = pm * _C_P
    y = a * x_ref[...] + c
    t1_ref[...] = jnp.dot(y, w1t_ref[...], preferred_element_type=jnp.float32)


def _tc1b_body(degp_ref, t1_ref, u_ref, dis_ref):
    deg = degp_ref[0, :, 0:1] + degp_ref[1, :, 0:1] + 1.0
    dis = lax.rsqrt(deg)
    u_ref[...] = dis * t1_ref[...]
    dis_ref[...] = dis


def _tc2_body(p_ref, u_ref, dis_ref, b1_ref, w2t_ref, v_ref):
    agg = p_ref[0] + p_ref[1] + u_ref[...]
    dis = dis_ref[...]
    h = jnp.maximum(dis * agg + b1_ref[...], 0.0)
    v_ref[...] = jnp.dot(dis * h, w2t_ref[...],
                         preferred_element_type=jnp.float32)


def _tc3_body(p_ref, v_ref, dis_ref, b2_ref, o_ref):
    o_ref[...] = dis_ref[...] * (p_ref[0] + p_ref[1] + v_ref[...]) + b2_ref[...]


def kernel(x, edge_index, priv_mask, W1, b1, W2, b2):
    row = edge_index[0]
    col = edge_index[1]
    pm = priv_mask.astype(jnp.float32)
    w1t = W1.T
    w2t = W2.T
    b1r = b1.reshape(1, D)
    b2r = b2.reshape(1, D)
    ones_src = jnp.ones((K, D), jnp.float32)
    zeros_d = jnp.zeros((NPAD, D), jnp.float32)

    degp = _make_deg_kernel()(row, col, zeros_d, ones_src)

    t1 = pl.pallas_call(
        _tc1a_body,
        grid=(N // _B,),
        in_specs=[
            pl.BlockSpec((_B, D), lambda i: (i, 0)),
            pl.BlockSpec((_B, 1), lambda i: (i, 0)),
            pl.BlockSpec((D, D), lambda i: (0, 0)),
        ],
        out_specs=pl.BlockSpec((_B, D), lambda i: (i, 0)),
        out_shape=jax.ShapeDtypeStruct((N, D), jnp.float32),
    )(x, pm, w1t)

    u, dis = pl.pallas_call(
        _tc1b_body,
        grid=(N // _B,),
        in_specs=[
            pl.BlockSpec((NC, _B, D), lambda i: (0, i, 0)),
            pl.BlockSpec((_B, D), lambda i: (i, 0)),
        ],
        out_specs=[
            pl.BlockSpec((_B, D), lambda i: (i, 0)),
            pl.BlockSpec((_B, 1), lambda i: (i, 0)),
        ],
        out_shape=[
            jax.ShapeDtypeStruct((N, D), jnp.float32),
            jax.ShapeDtypeStruct((N, 1), jnp.float32),
        ],
    )(degp, t1)

    p1 = _make_spmm_kernel()(u, row, col, zeros_d)

    v = pl.pallas_call(
        _tc2_body,
        grid=(N // _B,),
        in_specs=[
            pl.BlockSpec((NC, _B, D), lambda i: (0, i, 0)),
            pl.BlockSpec((_B, D), lambda i: (i, 0)),
            pl.BlockSpec((_B, 1), lambda i: (i, 0)),
            pl.BlockSpec((1, D), lambda i: (0, 0)),
            pl.BlockSpec((D, D), lambda i: (0, 0)),
        ],
        out_specs=pl.BlockSpec((_B, D), lambda i: (i, 0)),
        out_shape=jax.ShapeDtypeStruct((N, D), jnp.float32),
    )(p1, u, dis, b1r, w2t)

    p2 = _make_spmm_kernel()(v, row, col, zeros_d)

    out = pl.pallas_call(
        _tc3_body,
        grid=(N // _B,),
        in_specs=[
            pl.BlockSpec((NC, _B, D), lambda i: (0, i, 0)),
            pl.BlockSpec((_B, D), lambda i: (i, 0)),
            pl.BlockSpec((_B, 1), lambda i: (i, 0)),
            pl.BlockSpec((1, D), lambda i: (0, 0)),
        ],
        out_specs=pl.BlockSpec((_B, D), lambda i: (i, 0)),
        out_shape=jax.ShapeDtypeStruct((N, D), jnp.float32),
    )(p2, v, dis, b2r)

    return out

# --- scband reference (transcript-rebuilt; emitter-appended) ---
"""Pipeline reference for scband-gcn-28295244546111 (READ-ONLY COPY).

The authoritative reference and input builder live on the scoring server;
editing this copy changes nothing except your own understanding.
"""

import math
import jax, jax.numpy as jnp
import numpy as np

N = 10000
E = 320000
D_IN = 128
D_HID = 128
D_OUT = 128
EPS = 1.0
ALPHA = 0.0
DELTA = 1.0


def _gcn_norm(edge_index, num_nodes):
    # add_remaining_self_loops: drop existing self-loops, append one per node
    row, col = edge_index[0], edge_index[1]
    mask = (row != col).astype(jnp.float32)
    loops = jnp.arange(num_nodes, dtype=row.dtype)
    row = jnp.concatenate([row, loops])
    col = jnp.concatenate([col, loops])
    mask = jnp.concatenate([mask, jnp.ones((num_nodes,), jnp.float32)])
    deg = jnp.zeros((num_nodes,), jnp.float32).at[row].add(mask)
    dis = jnp.where(deg > 0, deg ** -0.5, 0.0)
    w = (dis[row] * dis[col] * mask)[:, None]
    return row, col, w


def _conv(x, row, col, w, num_nodes, p=None):
    x_j = x[row]
    if p is None:
        # second conv called with priv_mask=False: p_j*... = 0, ~p_j = True
        msg = w * x_j
    else:
        pj = p[row].astype(x.dtype)
        e = math.exp(EPS)
        priv = ((e + 1.0) * x_j - 1.0) * DELTA / (e - 1.0) + ALPHA
        msg = w * (pj * priv + (1.0 - pj) * x_j)
    return jnp.zeros((num_nodes, x.shape[1]), x.dtype).at[col].add(msg)


def setup_inputs(seed: int = 0):
    key = jax.random.key(seed)
    ks = jax.random.split(key, 8)
    x = jax.random.normal(ks[0], (N, D_IN), dtype=jnp.float32)
    edge_index = jax.random.randint(ks[1], (2, E), 0, N, dtype=jnp.int32)
    priv_mask = jax.random.randint(ks[2], (N, 1), 0, 2, dtype=jnp.int32) > 0
    s1 = 1.0 / math.sqrt(D_IN)
    W1 = jax.random.uniform(ks[3], (D_HID, D_IN), jnp.float32, -s1, s1)
    b1 = jax.random.uniform(ks[4], (D_HID,), jnp.float32, -s1, s1)
    s2 = 1.0 / math.sqrt(D_HID)
    W2 = jax.random.uniform(ks[5], (D_OUT, D_HID), jnp.float32, -s2, s2)
    b2 = jax.random.uniform(ks[6], (D_OUT,), jnp.float32, -s2, s2)
    return {"x": x, "edge_index": edge_index, "priv_mask": priv_mask,
            "W1": W1, "b1": b1, "W2": W2, "b2": b2}


def reference(x, edge_index, priv_mask, W1, b1, W2, b2):
    num_nodes = x.shape[0]
    row, col, w = _gcn_norm(edge_index, num_nodes)
    h = _conv(x, row, col, w, num_nodes, p=priv_mask)
    h = h @ W1.T + b1
    h = jax.nn.relu(h)
    # dropout is identity in eval mode
    h = _conv(h, row, col, w, num_nodes, p=None)
    out = h @ W2.T + b2
    return out

if __name__ == "__main__":
    import jax
    _d = setup_inputs()
    print(jax.jit(kernel)(*tuple(_d.values())))

</pallas_src>

<mosaic_0001>
#map = affine_map<(d0, d1) -> (0, 0)>
#map1 = affine_map<(d0, d1) -> (0)>
#map2 = affine_map<(d0, d1) -> (0, 0, 0)>
module attributes {stable_mosaic.version = 14 : i64} {
  func.func @_spmm_body(%arg0: i32, %arg1: i32, %arg2: memref<10000x128xf32, #tpu.memory_space<hbm>>, %arg3: memref<320000xi32, #tpu.memory_space<hbm>>, %arg4: memref<320000xi32, #tpu.memory_space<hbm>>, %arg5: memref<10112x128xf32, #tpu.memory_space<hbm>>, %arg6: memref<2x10112x128xf32, #tpu.memory_space<hbm>>, %arg7: memref<2x4x80xi32, #tpu.memory_space<vmem>>, %arg8: memref<2x4x80xi32, #tpu.memory_space<vmem>>, %arg9: memref<4x80x128xf32, #tpu.memory_space<vmem>>, %arg10: memref<!tpu.dma_semaphore, #tpu.memory_space<semaphore_mem>>, %arg11: memref<!tpu.dma_semaphore, #tpu.memory_space<semaphore_mem>>, %arg12: memref<!tpu.dma_semaphore, #tpu.memory_space<semaphore_mem>>, %arg13: memref<!tpu.dma_semaphore, #tpu.memory_space<semaphore_mem>>, %arg14: memref<!tpu.dma_semaphore, #tpu.memory_space<semaphore_mem>>, %arg15: memref<!tpu.dma_semaphore, #tpu.memory_space<semaphore_mem>>, %arg16: memref<!tpu.dma_semaphore, #tpu.memory_space<semaphore_mem>>, %arg17: memref<!tpu.dma_semaphore, #tpu.memory_space<semaphore_mem>>, %arg18: memref<!tpu.dma_semaphore, #tpu.memory_space<semaphore_mem>>, %arg19: memref<10112x128xf32, #tpu.memory_space<vmem_shared>>) attributes {dimension_semantics = [#tpu.dimension_semantics<core_parallel>, #tpu.dimension_semantics<subcore_parallel>], iteration_bounds = array<i64: 2, 16>, scalar_prefetch = 0 : i64, scratch_operands = 13 : i64, tpu.core_type = #tpu.core_type<sc_vector_subcore>, window_params = [{transform_indices = #map}, {transform_indices = #map1}, {transform_indices = #map1}, {transform_indices = #map}, {transform_indices = #map2}]} {
    %mul3A = arith.constant 16 : i32
    %mul3A_0 = arith.muli %arg0, %mul3A : i32
    %add3A = arith.addi %mul3A_0, %arg1 : i32
    %mul3A_1 = arith.constant 632 : i32
    %mul3A_2 = arith.muli %arg1, %mul3A_1 : i32
    %mul3A_3 = arith.constant 10000 : i32
    %mul3A_4 = arith.muli %add3A, %mul3A_3 : i32
    %add3A_5 = arith.constant 0 : i32
    %add3A_6 = arith.addi %mul3A_4, %add3A_5 : i32
    %dma_start3A = arith.constant 0 : i32
    %dma_start3A_7 = arith.constant 0 : i32
    %dma_start3A_8 = arith.constant 0 : i32
    %dma_start3A_9 = tpu.memref_slice %arg7[%dma_start3A, %dma_start3A_7, %dma_start3A_8] : memref<2x4x80xi32, #tpu.memory_space<vmem>> -> memref<1x1x80xi32, #tpu.memory_space<vmem>>
    %dma_start3A_10 = tpu.memref_squeeze %dma_start3A_9 : memref<1x1x80xi32, #tpu.memory_space<vmem>> -> memref<80xi32, #tpu.memory_space<vmem>>
    %dma_start3A_11 = tpu.memref_slice %arg3[%add3A_6] : memref<320000xi32, #tpu.memory_space<hbm>> -> memref<80xi32, #tpu.memory_space<hbm>>
    %dma_start3A_12 = arith.constant 0 : i32
    %dma_start3A_13 = tpu.memref_slice %arg7[%dma_start3A, %dma_start3A_7, %dma_start3A_12] : memref<2x4x80xi32, #tpu.memory_space<vmem>> -> memref<1x1x80xi32, #tpu.memory_space<vmem>>
    %dma_start3A_14 = tpu.memref_squeeze %dma_start3A_13 : memref<1x1x80xi32, #tpu.memory_space<vmem>> -> memref<80xi32, #tpu.memory_space<vmem>>
    %dma_start3A_15 = tpu.memref_slice %arg3[%add3A_6] : memref<320000xi32, #tpu.memory_space<hbm>> -> memref<80xi32, #tpu.memory_space<hbm>>
    tpu.enqueue_dma source(%dma_start3A_15 : memref<80xi32, #tpu.memory_space<hbm>>) target(%dma_start3A_14 : memref<80xi32, #tpu.memory_space<vmem>>) target_semaphore(%arg10 : memref<!tpu.dma_semaphore, #tpu.memory_space<semaphore_mem>>)
    %dma_start3A_16 = arith.constant 0 : i32
    %dma_start3A_17 = arith.constant 0 : i32
    %dma_start3A_18 = arith.constant 0 : i32
    %dma_start3A_19 = tpu.memref_slice %arg8[%dma_start3A_16, %dma_start3A_17, %dma_start3A_18] : memref<2x4x80xi32, #tpu.memory_space<vmem>> -> memref<1x1x80xi32, #tpu.memory_space<vmem>>
    %dma_start3A_20 = tpu.memref_squeeze %dma_start3A_19 : memref<1x1x80xi32, #tpu.memory_space<vmem>> -> memref<80xi32, #tpu.memory_space<vmem>>
    %dma_start3A_21 = tpu.memref_slice %arg4[%add3A_6] : memref<320000xi32, #tpu.memory_space<hbm>> -> memref<80xi32, #tpu.memory_space<hbm>>
    %dma_start3A_22 = arith.constant 0 : i32
    %dma_start3A_23 = tpu.memref_slice %arg8[%dma_start3A_16, %dma_start3A_17, %dma_start3A_22] : memref<2x4x80xi32, #tpu.memory_space<vmem>> -> memref<1x1x80xi32, #tpu.memory_space<vmem>>
    %dma_start3A_24 = tpu.memref_squeeze %dma_start3A_23 : memref<1x1x80xi32, #tpu.memory_space<vmem>> -> memref<80xi32, #tpu.memory_space<vmem>>
    %dma_start3A_25 = tpu.memref_slice %arg4[%add3A_6] : memref<320000xi32, #tpu.memory_space<hbm>> -> memref<80xi32, #tpu.memory_space<hbm>>
    tpu.enqueue_dma source(%dma_start3A_25 : memref<80xi32, #tpu.memory_space<hbm>>) target(%dma_start3A_24 : memref<80xi32, #tpu.memory_space<vmem>>) target_semaphore(%arg10 : memref<!tpu.dma_semaphore, #tpu.memory_space<semaphore_mem>>)
    %add3A_26 = arith.constant 80 : i32
    %add3A_27 = arith.addi %mul3A_4, %add3A_26 : i32
    %dma_start3A_28 = arith.constant 0 : i32
    %dma_start3A_29 = arith.constant 1 : i32
    %dma_start3A_30 = arith.constant 0 : i32
    %dma_start3A_31 = tpu.memref_slice %arg7[%dma_start3A_28, %dma_start3A_29, %dma_start3A_30] : memref<2x4x80xi32, #tpu.memory_space<vmem>> -> memref<1x1x80xi32, #tpu.memory_space<vmem>>
    %dma_start3A_32 = tpu.memref_squeeze %dma_start3A_31 : memref<1x1x80xi32, #tpu.memory_space<vmem>> -> memref<80xi32, #tpu.memory_space<vmem>>
    %dma_start3A_33 = tpu.memref_slice %arg3[%add3A_27] : memref<320000xi32, #tpu.memory_space<hbm>> -> memref<80xi32, #tpu.memory_space<hbm>>
    %dma_start3A_34 = arith.constant 0 : i32
    %dma_start3A_35 = tpu.memref_slice %arg7[%dma_start3A_28, %dma_start3A_29, %dma_start3A_34] : memref<2x4x80xi32, #tpu.memory_space<vmem>> -> memref<1x1x80xi32, #tpu.memory_space<vmem>>
    %dma_start3A_36 = tpu.memref_squeeze %dma_start3A_35 : memref<1x1x80xi32, #tpu.memory_space<vmem>> -> memref<80xi32, #tpu.memory_space<vmem>>
    %dma_start3A_37 = tpu.memref_slice %arg3[%add3A_27] : memref<320000xi32, #tpu.memory_space<hbm>> -> memref<80xi32, #tpu.memory_space<hbm>>
    tpu.enqueue_dma source(%dma_start3A_37 : memref<80xi32, #tpu.memory_space<hbm>>) target(%dma_start3A_36 : memref<80xi32, #tpu.memory_space<vmem>>) target_semaphore(%arg10 : memref<!tpu.dma_semaphore, #tpu.memory_space<semaphore_mem>>)
    %dma_start3A_38 = arith.constant 0 : i32
    %dma_start3A_39 = arith.constant 1 : i32
    %dma_start3A_40 = arith.constant 0 : i32
    %dma_start3A_41 = tpu.memref_slice %arg8[%dma_start3A_38, %dma_start3A_39, %dma_start3A_40] : memref<2x4x80xi32, #tpu.memory_space<vmem>> -> memref<1x1x80xi32, #tpu.memory_space<vmem>>
    %dma_start3A_42 = tpu.memref_squeeze %dma_start3A_41 : memref<1x1x80xi32, #tpu.memory_space<vmem>> -> memref<80xi32, #tpu.memory_space<vmem>>
    %dma_start3A_43 = tpu.memref_slice %arg4[%add3A_27] : memref<320000xi32, #tpu.memory_space<hbm>> -> memref<80xi32, #tpu.memory_space<hbm>>
    %dma_start3A_44 = arith.constant 0 : i32
    %dma_start3A_45 = tpu.memref_slice %arg8[%dma_start3A_38, %dma_start3A_39, %dma_start3A_44] : memref<2x4x80xi32, #tpu.memory_space<vmem>> -> memref<1x1x80xi32, #tpu.memory_space<vmem>>
    %dma_start3A_46 = tpu.memref_squeeze %dma_start3A_45 : memref<1x1x80xi32, #tpu.memory_space<vmem>> -> memref<80xi32, #tpu.memory_space<vmem>>
    %dma_start3A_47 = tpu.memref_slice %arg4[%add3A_27] : memref<320000xi32, #tpu.memory_space<hbm>> -> memref<80xi32, #tpu.memory_space<hbm>>
    tpu.enqueue_dma source(%dma_start3A_47 : memref<80xi32, #tpu.memory_space<hbm>>) target(%dma_start3A_46 : memref<80xi32, #tpu.memory_space<vmem>>) target_semaphore(%arg10 : memref<!tpu.dma_semaphore, #tpu.memory_space<semaphore_mem>>)
    %add3A_48 = arith.constant 160 : i32
    %add3A_49 = arith.addi %mul3A_4, %add3A_48 : i32
    %dma_start3A_50 = arith.constant 0 : i32
    %dma_start3A_51 = arith.constant 2 : i32
    %dma_start3A_52 = arith.constant 0 : i32
    %dma_start3A_53 = tpu.memref_slice %arg7[%dma_start3A_50, %dma_start3A_51, %dma_start3A_52] : memref<2x4x80xi32, #tpu.memory_space<vmem>> -> memref<1x1x80xi32, #tpu.memory_space<vmem>>
    %dma_start3A_54 = tpu.memref_squeeze %dma_start3A_53 : memref<1x1x80xi32, #tpu.memory_space<vmem>> -> memref<80xi32, #tpu.memory_space<vmem>>
    %dma_start3A_55 = tpu.memref_slice %arg3[%add3A_49] : memref<320000xi32, #tpu.memory_space<hbm>> -> memref<80xi32, #tpu.memory_space<hbm>>
    %dma_start3A_56 = arith.constant 0 : i32
    %dma_start3A_57 = tpu.memref_slice %arg7[%dma_start3A_50, %dma_start3A_51, %dma_start3A_56] : memref<2x4x80xi32, #tpu.memory_space<vmem>> -> memref<1x1x80xi32, #tpu.memory_space<vmem>>
    %dma_start3A_58 = tpu.memref_squeeze %dma_start3A_57 : memref<1x1x80xi32, #tpu.memory_space<vmem>> -> memref<80xi32, #tpu.memory_space<vmem>>
    %dma_start3A_59 = tpu.memref_slice %arg3[%add3A_49] : memref<320000xi32, #tpu.memory_space<hbm>> -> memref<80xi32, #tpu.memory_space<hbm>>
    tpu.enqueue_dma source(%dma_start3A_59 : memref<80xi32, #tpu.memory_space<hbm>>) target(%dma_start3A_58 : memref<80xi32, #tpu.memory_space<vmem>>) target_semaphore(%arg10 : memref<!tpu.dma_semaphore, #tpu.memory_space<semaphore_mem>>)
    %dma_start3A_60 = arith.constant 0 : i32
    %dma_start3A_61 = arith.constant 2 : i32
    %dma_start3A_62 = arith.constant 0 : i32
    %dma_start3A_63 = tpu.memref_slice %arg8[%dma_start3A_60, %dma_start3A_61, %dma_start3A_62] : memref<2x4x80xi32, #tpu.memory_space<vmem>> -> memref<1x1x80xi32, #tpu.memory_space<vmem>>
    %dma_start3A_64 = tpu.memref_squeeze %dma_start3A_63 : memref<1x1x80xi32, #tpu.memory_space<vmem>> -> memref<80xi32, #tpu.memory_space<vmem>>
    %dma_start3A_65 = tpu.memref_slice %arg4[%add3A_49] : memref<320000xi32, #tpu.memory_space<hbm>> -> memref<80xi32, #tpu.memory_space<hbm>>
    %dma_start3A_66 = arith.constant 0 : i32
    %dma_start3A_67 = tpu.memref_slice %arg8[%dma_start3A_60, %dma_start3A_61, %dma_start3A_66] : memref<2x4x80xi32, #tpu.memory_space<vmem>> -> memref<1x1x80xi32, #tpu.memory_space<vmem>>
    %dma_start3A_68 = tpu.memref_squeeze %dma_start3A_67 : memref<1x1x80xi32, #tpu.memory_space<vmem>> -> memref<80xi32, #tpu.memory_space<vmem>>
    %dma_start3A_69 = tpu.memref_slice %arg4[%add3A_49] : memref<320000xi32, #tpu.memory_space<hbm>> -> memref<80xi32, #tpu.memory_space<hbm>>
    tpu.enqueue_dma source(%dma_start3A_69 : memref<80xi32, #tpu.memory_space<hbm>>) target(%dma_start3A_68 : memref<80xi32, #tpu.memory_space<vmem>>) target_semaphore(%arg10 : memref<!tpu.dma_semaphore, #tpu.memory_space<semaphore_mem>>)
    %add3A_70 = arith.constant 240 : i32
    %add3A_71 = arith.addi %mul3A_4, %add3A_70 : i32
    %dma_start3A_72 = arith.constant 0 : i32
    %dma_start3A_73 = arith.constant 3 : i32
    %dma_start3A_74 = arith.constant 0 : i32
    %dma_start3A_75 = tpu.memref_slice %arg7[%dma_start3A_72, %dma_start3A_73, %dma_start3A_74] : memref<2x4x80xi32, #tpu.memory_space<vmem>> -> memref<1x1x80xi32, #tpu.memory_space<vmem>>
    %dma_start3A_76 = tpu.memref_squeeze %dma_start3A_75 : memref<1x1x80xi32, #tpu.memory_space<vmem>> -> memref<80xi32, #tpu.memory_space<vmem>>
    %dma_start3A_77 = tpu.memref_slice %arg3[%add3A_71] : memref<320000xi32, #tpu.memory_space<hbm>> -> memref<80xi32, #tpu.memory_space<hbm>>
    %dma_start3A_78 = arith.constant 0 : i32
    %dma_start3A_79 = tpu.memref_slice %arg7[%dma_start3A_72, %dma_start3A_73, %dma_start3A_78] : memref<2x4x80xi32, #tpu.memory_space<vmem>> -> memref<1x1x80xi32, #tpu.memory_space<vmem>>
    %dma_start3A_80 = tpu.memref_squeeze %dma_start3A_79 : memref<1x1x80xi32, #tpu.memory_space<vmem>> -> memref<80xi32, #tpu.memory_space<vmem>>
    %dma_start3A_81 = tpu.memref_slice %arg3[%add3A_71] : memref<320000xi32, #tpu.memory_space<hbm>> -> memref<80xi32, #tpu.memory_space<hbm>>
    tpu.enqueue_dma source(%dma_start3A_81 : memref<80xi32, #tpu.memory_space<hbm>>) target(%dma_start3A_80 : memref<80xi32, #tpu.memory_space<vmem>>) target_semaphore(%arg10 : memref<!tpu.dma_semaphore, #tpu.memory_space<semaphore_mem>>)
    %dma_start3A_82 = arith.constant 0 : i32
    %dma_start3A_83 = arith.constant 3 : i32
    %dma_start3A_84 = arith.constant 0 : i32
    %dma_start3A_85 = tpu.memref_slice %arg8[%dma_start3A_82, %dma_start3A_83, %dma_start3A_84] : memref<2x4x80xi32, #tpu.memory_space<vmem>> -> memref<1x1x80xi32, #tpu.memory_space<vmem>>
    %dma_start3A_86 = tpu.memref_squeeze %dma_start3A_85 : memref<1x1x80xi32, #tpu.memory_space<vmem>> -> memref<80xi32, #tpu.memory_space<vmem>>
    %dma_start3A_87 = tpu.memref_slice %arg4[%add3A_71] : memref<320000xi32, #tpu.memory_space<hbm>> -> memref<80xi32, #tpu.memory_space<hbm>>
    %dma_start3A_88 = arith.constant 0 : i32
    %dma_start3A_89 = tpu.memref_slice %arg8[%dma_start3A_82, %dma_start3A_83, %dma_start3A_88] : memref<2x4x80xi32, #tpu.memory_space<vmem>> -> memref<1x1x80xi32, #tpu.memory_space<vmem>>
    %dma_start3A_90 = tpu.memref_squeeze %dma_start3A_89 : memref<1x1x80xi32, #tpu.memory_space<vmem>> -> memref<80xi32, #tpu.memory_space<vmem>>
    %dma_start3A_91 = tpu.memref_slice %arg4[%add3A_71] : memref<320000xi32, #tpu.memory_space<hbm>> -> memref<80xi32, #tpu.memory_space<hbm>>
    tpu.enqueue_dma source(%dma_start3A_91 : memref<80xi32, #tpu.memory_space<hbm>>) target(%dma_start3A_90 : memref<80xi32, #tpu.memory_space<vmem>>) target_semaphore(%arg10 : memref<!tpu.dma_semaphore, #tpu.memory_space<semaphore_mem>>)
    "tpu.region"() ({
      %run_scoped3A_307 = tpu.sem_alloc : memref<!tpu.dma_semaphore, #tpu.memory_space<semaphore_mem>>
      %dma_start3A_308 = arith.constant 0 : i32
      %dma_start3A_309 = tpu.memref_slice %arg19[%mul3A_2, %dma_start3A_308] : memref<10112x128xf32, #tpu.memory_space<vmem_shared>> -> memref<632x128xf32, #tpu.memory_space<vmem_shared>>
      %dma_start3A_310 = arith.constant 0 : i32
      %dma_start3A_311 = tpu.memref_slice %arg5[%mul3A_2, %dma_start3A_310] : memref<10112x128xf32, #tpu.memory_space<hbm>> -> memref<632x128xf32, #tpu.memory_space<hbm>>
      tpu.enqueue_dma source(%dma_start3A_311 : memref<632x128xf32, #tpu.memory_space<hbm>>) target(%dma_start3A_309 : memref<632x128xf32, #tpu.memory_space<vmem_shared>>) target_semaphore(%run_scoped3A_307 : memref<!tpu.dma_semaphore, #tpu.memory_space<semaphore_mem>>)
      %dma_wait3A_312 = arith.constant 0 : i32
      %dma_wait3A_313 = tpu.memref_slice %arg19[%mul3A_2, %dma_wait3A_312] : memref<10112x128xf32, #tpu.memory_space<vmem_shared>> -> memref<632x128xf32, #tpu.memory_space<vmem_shared>>
      %dma_wait3A_314 = arith.constant 0 : i32
      %dma_wait3A_315 = tpu.memref_slice %arg5[%mul3A_2, %dma_wait3A_314] : memref<10112x128xf32, #tpu.memory_space<hbm>> -> memref<632x128xf32, #tpu.memory_space<hbm>>
      tpu.wait_dma2 semaphore(%run_scoped3A_307 : memref<!tpu.dma_semaphore, #tpu.memory_space<semaphore_mem>>) src(%dma_wait3A_315 : memref<632x128xf32, #tpu.memory_space<hbm>>) dst(%dma_wait3A_313 : memref<632x128xf32, #tpu.memory_space<vmem_shared>>)
      tpu.yield
    }) : () -> ()
    %barrier3A = arith.constant 0 : index
    tpu.barrier barrier_id(%barrier3A)
    %scan3A = arith.constant 0 : i32
    %scan3A_92 = arith.constant 0 : i32
    %scan3A_93 = arith.constant 31 : i32
    %scan3A_94 = arith.addi %scan3A_92, %scan3A_93 : i32
    %scan3A_95 = arith.constant 1 : i32
    scf.for %scan3A_307 = %scan3A_92 to %scan3A_94 step %scan3A_95  : i32 {
      %jit3A_308 = arith.constant 2 : i32
      %eq3A_309 = arith.constant 0 : i32
      %eq3A_310 = arith.cmpi eq, %jit3A_308, %eq3A_309 : i32
      %jit3A_311 = arith.constant 1 : i32
      %select_n3A_312 = arith.select %eq3A_310, %jit3A_311, %jit3A_308 : i32
      %rem3A = arith.remsi %scan3A_307, %select_n3A_312 : i32
      %ne3A = arith.constant 0 : i32
      %ne3A_313 = arith.cmpi ne, %rem3A, %ne3A : i32
      %lt3A = arith.constant 0 : i32
      %lt3A_314 = arith.cmpi slt, %rem3A, %lt3A : i32
      %lt3A_315 = arith.constant 0 : i32
      %lt3A_316 = arith.cmpi slt, %select_n3A_312, %lt3A_315 : i32
      %ne3A_317 = arith.xori %lt3A_314, %lt3A_316 : i1
      %and3A = arith.andi %ne3A_317, %ne3A_313 : i1
      %add3A_318 = arith.addi %rem3A, %select_n3A_312 : i32
      %select_n3A_319 = arith.select %and3A, %add3A_318, %rem3A : i32
      %dma_wait3A_320 = arith.constant 0 : i32
      %dma_wait3A_321 = arith.constant 0 : i32
      %dma_wait3A_322 = tpu.memref_slice %arg7[%select_n3A_319, %dma_wait3A_320, %dma_wait3A_321] : memref<2x4x80xi32, #tpu.memory_space<vmem>> -> memref<1x1x80xi32, #tpu.memory_space<vmem>>
      %dma_wait3A_323 = tpu.memref_squeeze %dma_wait3A_322 : memref<1x1x80xi32, #tpu.memory_space<vmem>> -> memref<80xi32, #tpu.memory_space<vmem>>
      %dma_wait3A_324 = arith.constant 0 : i32
      %dma_wait3A_325 = tpu.memref_slice %arg3[%dma_wait3A_324] : memref<320000xi32, #tpu.memory_space<hbm>> -> memref<80xi32, #tpu.memory_space<hbm>>
      %dma_wait3A_326 = arith.constant 0 : i32
      %dma_wait3A_327 = tpu.memref_slice %arg7[%select_n3A_319, %dma_wait3A_320, %dma_wait3A_326] : memref<2x4x80xi32, #tpu.memory_space<vmem>> -> memref<1x1x80xi32, #tpu.memory_space<vmem>>
      %dma_wait3A_328 = tpu.memref_squeeze %dma_wait3A_327 : memref<1x1x80xi32, #tpu.memory_space<vmem>> -> memref<80xi32, #tpu.memory_space<vmem>>
      %dma_wait3A_329 = arith.constant 0 : i32
      %dma_wait3A_330 = tpu.memref_slice %arg3[%dma_wait3A_329] : memref<320000xi32, #tpu.memory_space<hbm>> -> memref<80xi32, #tpu.memory_space<hbm>>
      tpu.wait_dma2 semaphore(%arg10 : memref<!tpu.dma_semaphore, #tpu.memory_space<semaphore_mem>>) src(%dma_wait3A_330 : memref<80xi32, #tpu.memory_space<hbm>>) dst(%dma_wait3A_328 : memref<80xi32, #tpu.memory_space<vmem>>)
      %dma_wait3A_331 = arith.constant 0 : i32
      %dma_wait3A_332 = arith.constant 0 : i32
      %dma_wait3A_333 = tpu.memref_slice %arg8[%select_n3A_319, %dma_wait3A_331, %dma_wait3A_332] : memref<2x4x80xi32, #tpu.memory_space<vmem>> -> memref<1x1x80xi32, #tpu.memory_space<vmem>>
      %dma_wait3A_334 = tpu.memref_squeeze %dma_wait3A_333 : memref<1x1x80xi32, #tpu.memory_space<vmem>> -> memref<80xi32, #tpu.memory_space<vmem>>
      %dma_wait3A_335 = arith.constant 0 : i32
      %dma_wait3A_336 = tpu.memref_slice %arg4[%dma_wait3A_335] : memref<320000xi32, #tpu.memory_space<hbm>> -> memref<80xi32, #tpu.memory_space<hbm>>
      %dma_wait3A_337 = arith.constant 0 : i32
      %dma_wait3A_338 = tpu.memref_slice %arg8[%select_n3A_319, %dma_wait3A_331, %dma_wait3A_337] : memref<2x4x80xi32, #tpu.memory_space<vmem>> -> memref<1x1x80xi32, #tpu.memory_space<vmem>>
      %dma_wait3A_339 = tpu.memref_squeeze %dma_wait3A_338 : memref<1x1x80xi32, #tpu.memory_space<vmem>> -> memref<80xi32, #tpu.memory_space<vmem>>
      %dma_wait3A_340 = arith.constant 0 : i32
      %dma_wait3A_341 = tpu.memref_slice %arg4[%dma_wait3A_340] : memref<320000xi32, #tpu.memory_space<hbm>> -> memref<80xi32, #tpu.memory_space<hbm>>
      tpu.wait_dma2 semaphore(%arg10 : memref<!tpu.dma_semaphore, #tpu.memory_space<semaphore_mem>>) src(%dma_wait3A_341 : memref<80xi32, #tpu.memory_space<hbm>>) dst(%dma_wait3A_339 : memref<80xi32, #tpu.memory_space<vmem>>)
      %dma_wait3A_342 = arith.constant 1 : i32
      %dma_wait3A_343 = arith.constant 0 : i32
      %dma_wait3A_344 = tpu.memref_slice %arg7[%select_n3A_319, %dma_wait3A_342, %dma_wait3A_343] : memref<2x4x80xi32, #tpu.memory_space<vmem>> -> memref<1x1x80xi32, #tpu.memory_space<vmem>>
      %dma_wait3A_345 = tpu.memref_squeeze %dma_wait3A_344 : memref<1x1x80xi32, #tpu.memory_space<vmem>> -> memref<80xi32, #tpu.memory_space<vmem>>
      %dma_wait3A_346 = arith.constant 0 : i32
      %dma_wait3A_347 = tpu.memref_slice %arg3[%dma_wait3A_346] : memref<320000xi32, #tpu.memory_space<hbm>> -> memref<80xi32, #tpu.memory_space<hbm>>
      %dma_wait3A_348 = arith.constant 0 : i32
      %dma_wait3A_349 = tpu.memref_slice %arg7[%select_n3A_319, %dma_wait3A_342, %dma_wait3A_348] : memref<2x4x80xi32, #tpu.memory_space<vmem>> -> memref<1x1x80xi32, #tpu.memory_space<vmem>>
      %dma_wait3A_350 = tpu.memref_squeeze %dma_wait3A_349 : memref<1x1x80xi32, #tpu.memory_space<vmem>> -> memref<80xi32, #tpu.memory_space<vmem>>
      %dma_wait3A_351 = arith.constant 0 : i32
      %dma_wait3A_352 = tpu.memref_slice %arg3[%dma_wait3A_351] : memref<320000xi32, #tpu.memory_space<hbm>> -> memref<80xi32, #tpu.memory_space<hbm>>
      tpu.wait_dma2 semaphore(%arg10 : memref<!tpu.dma_semaphore, #tpu.memory_space<semaphore_mem>>) src(%dma_wait3A_352 : memref<80xi32, #tpu.memory_space<hbm>>) dst(%dma_wait3A_350 : memref<80xi32, #tpu.memory_space<vmem>>)
      %dma_wait3A_353 = arith.constant 1 : i32
      %dma_wait3A_354 = arith.constant 0 : i32
      %dma_wait3A_355 = tpu.memref_slice %arg8[%select_n3A_319, %dma_wait3A_353, %dma_wait3A_354] : memref<2x4x80xi32, #tpu.memory_space<vmem>> -> memref<1x1x80xi32, #tpu.memory_space<vmem>>
      %dma_wait3A_356 = tpu.memref_squeeze %dma_wait3A_355 : memref<1x1x80xi32, #tpu.memory_space<vmem>> -> memref<80xi32, #tpu.memory_space<vmem>>
      %dma_wait3A_357 = arith.constant 0 : i32
      %dma_wait3A_358 = tpu.memref_slice %arg4[%dma_wait3A_357] : memref<320000xi32, #tpu.memory_space<hbm>> -> memref<80xi32, #tpu.memory_space<hbm>>
      %dma_wait3A_359 = arith.constant 0 : i32
      %dma_wait3A_360 = tpu.memref_slice %arg8[%select_n3A_319, %dma_wait3A_353, %dma_wait3A_359] : memref<2x4x80xi32, #tpu.memory_space<vmem>> -> memref<1x1x80xi32, #tpu.memory_space<vmem>>
      %dma_wait3A_361 = tpu.memref_squeeze %dma_wait3A_360 : memref<1x1x80xi32, #tpu.memory_space<vmem>> -> memref<80xi32, #tpu.memory_space<vmem>>
      %dma_wait3A_362 = arith.constant 0 : i32
      %dma_wait3A_363 = tpu.memref_slice %arg4[%dma_wait3A_362] : memref<320000xi32, #tpu.memory_space<hbm>> -> memref<80xi32, #tpu.memory_space<hbm>>
      tpu.wait_dma2 semaphore(%arg10 : memref<!tpu.dma_semaphore, #tpu.memory_space<semaphore_mem>>) src(%dma_wait3A_363 : memref<80xi32, #tpu.memory_space<hbm>>) dst(%dma_wait3A_361 : memref<80xi32, #tpu.memory_space<vmem>>)
      %dma_wait3A_364 = arith.constant 2 : i32
      %dma_wait3A_365 = arith.constant 0 : i32
      %dma_wait3A_366 = tpu.memref_slice %arg7[%select_n3A_319, %dma_wait3A_364, %dma_wait3A_365] : memref<2x4x80xi32, #tpu.memory_space<vmem>> -> memref<1x1x80xi32, #tpu.memory_space<vmem>>
      %dma_wait3A_367 = tpu.memref_squeeze %dma_wait3A_366 : memref<1x1x80xi32, #tpu.memory_space<vmem>> -> memref<80xi32, #tpu.memory_space<vmem>>
      %dma_wait3A_368 = arith.constant 0 : i32
      %dma_wait3A_369 = tpu.memref_slice %arg3[%dma_wait3A_368] : memref<320000xi32, #tpu.memory_space<hbm>> -> memref<80xi32, #tpu.memory_space<hbm>>
      %dma_wait3A_370 = arith.constant 0 : i32
      %dma_wait3A_371 = tpu.memref_slice %arg7[%select_n3A_319, %dma_wait3A_364, %dma_wait3A_370] : memref<2x4x80xi32, #tpu.memory_space<vmem>> -> memref<1x1x80xi32, #tpu.memory_space<vmem>>
      %dma_wait3A_372 = tpu.memref_squeeze %dma_wait3A_371 : memref<1x1x80xi32, #tpu.memory_space<vmem>> -> memref<80xi32, #tpu.memory_space<vmem>>
      %dma_wait3A_373 = arith.constant 0 : i32
      %dma_wait3A_374 = tpu.memref_slice %arg3[%dma_wait3A_373] : memref<320000xi32, #tpu.memory_space<hbm>> -> memref<80xi32, #tpu.memory_space<hbm>>
      tpu.wait_dma2 semaphore(%arg10 : memref<!tpu.dma_semaphore, #tpu.memory_space<semaphore_mem>>) src(%dma_wait3A_374 : memref<80xi32, #tpu.memory_space<hbm>>) dst(%dma_wait3A_372 : memref<80xi32, #tpu.memory_space<vmem>>)
      %dma_wait3A_375 = arith.constant 2 : i32
      %dma_wait3A_376 = arith.constant 0 : i32
      %dma_wait3A_377 = tpu.memref_slice %arg8[%select_n3A_319, %dma_wait3A_375, %dma_wait3A_376] : memref<2x4x80xi32, #tpu.memory_space<vmem>> -> memref<1x1x80xi32, #tpu.memory_space<vmem>>
      %dma_wait3A_378 = tpu.memref_squeeze %dma_wait3A_377 : memref<1x1x80xi32, #tpu.memory_space<vmem>> -> memref<80xi32, #tpu.memory_space<vmem>>
      %dma_wait3A_379 = arith.constant 0 : i32
      %dma_wait3A_380 = tpu.memref_slice %arg4[%dma_wait3A_379] : memref<320000xi32, #tpu.memory_space<hbm>> -> memref<80xi32, #tpu.memory_space<hbm>>
      %dma_wait3A_381 = arith.constant 0 : i32
      %dma_wait3A_382 = tpu.memref_slice %arg8[%select_n3A_319, %dma_wait3A_375, %dma_wait3A_381] : memref<2x4x80xi32, #tpu.memory_space<vmem>> -> memref<1x1x80xi32, #tpu.memory_space<vmem>>
      %dma_wait3A_383 = tpu.memref_squeeze %dma_wait3A_382 : memref<1x1x80xi32, #tpu.memory_space<vmem>> -> memref<80xi32, #tpu.memory_space<vmem>>
      %dma_wait3A_384 = arith.constant 0 : i32
      %dma_wait3A_385 = tpu.memref_slice %arg4[%dma_wait3A_384] : memref<320000xi32, #tpu.memory_space<hbm>> -> memref<80xi32, #tpu.memory_space<hbm>>
      tpu.wait_dma2 semaphore(%arg10 : memref<!tpu.dma_semaphore, #tpu.memory_space<semaphore_mem>>) src(%dma_wait3A_385 : memref<80xi32, #tpu.memory_space<hbm>>) dst(%dma_wait3A_383 : memref<80xi32, #tpu.memory_space<vmem>>)
      %dma_wait3A_386 = arith.constant 3 : i32
      %dma_wait3A_387 = arith.constant 0 : i32
      %dma_wait3A_388 = tpu.memref_slice %arg7[%select_n3A_319, %dma_wait3A_386, %dma_wait3A_387] : memref<2x4x80xi32, #tpu.memory_space<vmem>> -> memref<1x1x80xi32, #tpu.memory_space<vmem>>
      %dma_wait3A_389 = tpu.memref_squeeze %dma_wait3A_388 : memref<1x1x80xi32, #tpu.memory_space<vmem>> -> memref<80xi32, #tpu.memory_space<vmem>>
      %dma_wait3A_390 = arith.constant 0 : i32
      %dma_wait3A_391 = tpu.memref_slice %arg3[%dma_wait3A_390] : memref<320000xi32, #tpu.memory_space<hbm>> -> memref<80xi32, #tpu.memory_space<hbm>>
      %dma_wait3A_392 = arith.constant 0 : i32
      %dma_wait3A_393 = tpu.memref_slice %arg7[%select_n3A_319, %dma_wait3A_386, %dma_wait3A_392] : memref<2x4x80xi32, #tpu.memory_space<vmem>> -> memref<1x1x80xi32, #tpu.memory_space<vmem>>
      %dma_wait3A_394 = tpu.memref_squeeze %dma_wait3A_393 : memref<1x1x80xi32, #tpu.memory_space<vmem>> -> memref<80xi32, #tpu.memory_space<vmem>>
      %dma_wait3A_395 = arith.constant 0 : i32
      %dma_wait3A_396 = tpu.memref_slice %arg3[%dma_wait3A_395] : memref<320000xi32, #tpu.memory_space<hbm>> -> memref<80xi32, #tpu.memory_space<hbm>>
      tpu.wait_dma2 semaphore(%arg10 : memref<!tpu.dma_semaphore, #tpu.memory_space<semaphore_mem>>) src(%dma_wait3A_396 : memref<80xi32, #tpu.memory_space<hbm>>) dst(%dma_wait3A_394 : memref<80xi32, #tpu.memory_space<vmem>>)
      %dma_wait3A_397 = arith.constant 3 : i32
      %dma_wait3A_398 = arith.constant 0 : i32
      %dma_wait3A_399 = tpu.memref_slice %arg8[%select_n3A_319, %dma_wait3A_397, %dma_wait3A_398] : memref<2x4x80xi32, #tpu.memory_space<vmem>> -> memref<1x1x80xi32, #tpu.memory_space<vmem>>
      %dma_wait3A_400 = tpu.memref_squeeze %dma_wait3A_399 : memref<1x1x80xi32, #tpu.memory_space<vmem>> -> memref<80xi32, #tpu.memory_space<vmem>>
      %dma_wait3A_401 = arith.constant 0 : i32
      %dma_wait3A_402 = tpu.memref_slice %arg4[%dma_wait3A_401] : memref<320000xi32, #tpu.memory_space<hbm>> -> memref<80xi32, #tpu.memory_space<hbm>>
      %dma_wait3A_403 = arith.constant 0 : i32
      %dma_wait3A_404 = tpu.memref_slice %arg8[%select_n3A_319, %dma_wait3A_397, %dma_wait3A_403] : memref<2x4x80xi32, #tpu.memory_space<vmem>> -> memref<1x1x80xi32, #tpu.memory_space<vmem>>
      %dma_wait3A_405 = tpu.memref_squeeze %dma_wait3A_404 : memref<1x1x80xi32, #tpu.memory_space<vmem>> -> memref<80xi32, #tpu.memory_space<vmem>>
      %dma_wait3A_406 = arith.constant 0 : i32
      %dma_wait3A_407 = tpu.memref_slice %arg4[%dma_wait3A_406] : memref<320000xi32, #tpu.memory_space<hbm>> -> memref<80xi32, #tpu.memory_space<hbm>>
      tpu.wait_dma2 semaphore(%arg10 : memref<!tpu.dma_semaphore, #tpu.memory_space<semaphore_mem>>) src(%dma_wait3A_407 : memref<80xi32, #tpu.memory_space<hbm>>) dst(%dma_wait3A_405 : memref<80xi32, #tpu.memory_space<vmem>>)
      %get3A_408 = arith.constant 0 : i32
      %get3A_409 = arith.index_cast %select_n3A_319 : i32 to index
      %get3A_410 = arith.index_cast %get3A_408 : i32 to index
      %get3A_411 = arith.constant 0 : index
      %get3A_412 = tpu.vector_load %arg7[%get3A_409, %get3A_410, %get3A_411] {strides = array<i32>} : memref<2x4x80xi32, #tpu.memory_space<vmem>>, vector<1x1x16xi32>,
      %get3A_413 = vector.shape_cast %get3A_412 : vector<1x1x16xi32> to vector<16xi32>
      %get3A_414 = arith.constant 0 : i32
      %get3A_415 = arith.index_cast %select_n3A_319 : i32 to index
      %get3A_416 = arith.index_cast %get3A_414 : i32 to index
      %get3A_417 = arith.constant 0 : index
      %get3A_418 = tpu.vector_load %arg8[%get3A_415, %get3A_416, %get3A_417] {strides = array<i32>} : memref<2x4x80xi32, #tpu.memory_space<vmem>>, vector<1x1x16xi32>,
      %get3A_419 = vector.shape_cast %get3A_418 : vector<1x1x16xi32> to vector<16xi32>
      %eq3A_420 = arith.cmpi eq, %get3A_413, %get3A_419 : vector<16xi32>
      %jit3A_421 = arith.constant 10000 : i32
      %broadcast_in_dim3A_422 = vector.broadcast %jit3A_421 : i32 to vector<16xi32>
      %select_n3A_423 = arith.select %eq3A_420, %broadcast_in_dim3A_422, %get3A_419 : vector<16xi1>, vector<16xi32>
      %swap3A_424 = arith.constant 0 : i32
      %swap3A_425 = arith.index_cast %select_n3A_319 : i32 to index
      %swap3A_426 = arith.index_cast %swap3A_424 : i32 to index
      %swap3A_427 = arith.constant 0 : index
      %swap3A_428 = tpu.vector_load %arg8[%swap3A_425, %swap3A_426, %swap3A_427] {strides = array<i32>} : memref<2x4x80xi32, #tpu.memory_space<vmem>>, vector<1x1x16xi32>,
      %swap3A_429 = vector.shape_cast %swap3A_428 : vector<1x1x16xi32> to vector<16xi32>
      %swap3A_430 = vector.shape_cast %select_n3A_423 : vector<16xi32> to vector<1x1x16xi32>
      tpu.vector_store %arg8[%swap3A_425, %swap3A_426, %swap3A_427], %swap3A_430 {strides = array<i32>} : memref<2x4x80xi32, #tpu.memory_space<vmem>>, vector<1x1x16xi32>,
      %get3A_431 = arith.constant 0 : i32
      %get3A_432 = arith.index_cast %select_n3A_319 : i32 to index
      %get3A_433 = arith.index_cast %get3A_431 : i32 to index
      %get3A_434 = arith.constant 16 : index
      %get3A_435 = tpu.vector_load %arg7[%get3A_432, %get3A_433, %get3A_434] {strides = array<i32>} : memref<2x4x80xi32, #tpu.memory_space<vmem>>, vector<1x1x16xi32>,
      %get3A_436 = vector.shape_cast %get3A_435 : vector<1x1x16xi32> to vector<16xi32>
      %get3A_437 = arith.constant 0 : i32
      %get3A_438 = arith.index_cast %select_n3A_319 : i32 to index
      %get3A_439 = arith.index_cast %get3A_437 : i32 to index
      %get3A_440 = arith.constant 16 : index
      %get3A_441 = tpu.vector_load %arg8[%get3A_438, %get3A_439, %get3A_440] {strides = array<i32>} : memref<2x4x80xi32, #tpu.memory_space<vmem>>, vector<1x1x16xi32>,
      %get3A_442 = vector.shape_cast %get3A_441 : vector<1x1x16xi32> to vector<16xi32>
      %eq3A_443 = arith.cmpi eq, %get3A_436, %get3A_442 : vector<16xi32>
      %jit3A_444 = arith.constant 10000 : i32
      %broadcast_in_dim3A_445 = vector.broadcast %jit3A_444 : i32 to vector<16xi32>
      %select_n3A_446 = arith.select %eq3A_443, %broadcast_in_dim3A_445, %get3A_442 : vector<16xi1>, vector<16xi32>
      %swap3A_447 = arith.constant 0 : i32
      %swap3A_448 = arith.index_cast %select_n3A_319 : i32 to index
      %swap3A_449 = arith.index_cast %swap3A_447 : i32 to index
      %swap3A_450 = arith.constant 16 : index
      %swap3A_451 = tpu.vector_load %arg8[%swap3A_448, %swap3A_449, %swap3A_450] {strides = array<i32>} : memref<2x4x80xi32, #tpu.memory_space<vmem>>, vector<1x1x16xi32>,
      %swap3A_452 = vector.shape_cast %swap3A_451 : vector<1x1x16xi32> to vector<16xi32>
      %swap3A_453 = vector.shape_cast %select_n3A_446 : vector<16xi32> to vector<1x1x16xi32>
      tpu.vector_store %arg8[%swap3A_448, %swap3A_449, %swap3A_450], %swap3A_453 {strides = array<i32>} : memref<2x4x80xi32, #tpu.memory_space<vmem>>, vector<1x1x16xi32>,
      %get3A_454 = arith.constant 0 : i32
      %get3A_455 = arith.index_cast %select_n3A_319 : i32 to index
      %get3A_456 = arith.index_cast %get3A_454 : i32 to index
      %get3A_457 = arith.constant 32 : index
      %get3A_458 = tpu.vector_load %arg7[%get3A_455, %get3A_456, %get3A_457] {strides = array<i32>} : memref<2x4x80xi32, #tpu.memory_space<vmem>>, vector<1x1x16xi32>,
      %get3A_459 = vector.shape_cast %get3A_458 : vector<1x1x16xi32> to vector<16xi32>
      %get3A_460 = arith.constant 0 : i32
      %get3A_461 = arith.index_cast %select_n3A_319 : i32 to index
      %get3A_462 = arith.index_cast %get3A_460 : i32 to index
      %get3A_463 = arith.constant 32 : index
      %get3A_464 = tpu.vector_load %arg8[%get3A_461, %get3A_462, %get3A_463] {strides = array<i32>} : memref<2x4x80xi32, #tpu.memory_space<vmem>>, vector<1x1x16xi32>,
      %get3A_465 = vector.shape_cast %get3A_464 : vector<1x1x16xi32> to vector<16xi32>
      %eq3A_466 = arith.cmpi eq, %get3A_459, %get3A_465 : vector<16xi32>
      %jit3A_467 = arith.constant 10000 : i32
      %broadcast_in_dim3A_468 = vector.broadcast %jit3A_467 : i32 to vector<16xi32>
      %select_n3A_469 = arith.select %eq3A_466, %broadcast_in_dim3A_468, %get3A_465 : vector<16xi1>, vector<16xi32>
      %swap3A_470 = arith.constant 0 : i32
      %swap3A_471 = arith.index_cast %select_n3A_319 : i32 to index
      %swap3A_472 = arith.index_cast %swap3A_470 : i32 to index
      %swap3A_473 = arith.constant 32 : index
      %swap3A_474 = tpu.vector_load %arg8[%swap3A_471, %swap3A_472, %swap3A_473] {strides = array<i32>} : memref<2x4x80xi32, #tpu.memory_space<vmem>>, vector<1x1x16xi32>,
      %swap3A_475 = vector.shape_cast %swap3A_474 : vector<1x1x16xi32> to vector<16xi32>
      %swap3A_476 = vector.shape_cast %select_n3A_469 : vector<16xi32> to vector<1x1x16xi32>
      tpu.vector_store %arg8[%swap3A_471, %swap3A_472, %swap3A_473], %swap3A_476 {strides = array<i32>} : memref<2x4x80xi32, #tpu.memory_space<vmem>>, vector<1x1x16xi32>,
      %get3A_477 = arith.constant 0 : i32
      %get3A_478 = arith.index_cast %select_n3A_319 : i32 to index
      %get3A_479 = arith.index_cast %get3A_477 : i32 to index
      %get3A_480 = arith.constant 48 : index
      %get3A_481 = tpu.vector_load %arg7[%get3A_478, %get3A_479, %get3A_480] {strides = array<i32>} : memref<2x4x80xi32, #tpu.memory_space<vmem>>, vector<1x1x16xi32>,
      %get3A_482 = vector.shape_cast %get3A_481 : vector<1x1x16xi32> to vector<16xi32>
      %get3A_483 = arith.constant 0 : i32
      %get3A_484 = arith.index_cast %select_n3A_319 : i32 to index
      %get3A_485 = arith.index_cast %get3A_483 : i32 to index
      %get3A_486 = arith.constant 48 : index
      %get3A_487 = tpu.vector_load %arg8[%get3A_484, %get3A_485, %get3A_486] {strides = array<i32>} : memref<2x4x80xi32, #tpu.memory_space<vmem>>, vector<1x1x16xi32>,
      %get3A_488 = vector.shape_cast %get3A_487 : vector<1x1x16xi32> to vector<16xi32>
      %eq3A_489 = arith.cmpi eq, %get3A_482, %get3A_488 : vector<16xi32>
      %jit3A_490 = arith.constant 10000 : i32
      %broadcast_in_dim3A_491 = vector.broadcast %jit3A_490 : i32 to vector<16xi32>
      %select_n3A_492 = arith.select %eq3A_489, %broadcast_in_dim3A_491, %get3A_488 : vector<16xi1>, vector<16xi32>
      %swap3A_493 = arith.constant 0 : i32
      %swap3A_494 = arith.index_cast %select_n3A_319 : i32 to index
      %swap3A_495 = arith.index_cast %swap3A_493 : i32 to index
      %swap3A_496 = arith.constant 48 : index
      %swap3A_497 = tpu.vector_load %arg8[%swap3A_494, %swap3A_495, %swap3A_496] {strides = array<i32>} : memref<2x4x80xi32, #tpu.memory_space<vmem>>, vector<1x1x16xi32>,
      %swap3A_498 = vector.shape_cast %swap3A_497 : vector<1x1x16xi32> to vector<16xi32>
      %swap3A_499 = vector.shape_cast %select_n3A_492 : vector<16xi32> to vector<1x1x16xi32>
      tpu.vector_store %arg8[%swap3A_494, %swap3A_495, %swap3A_496], %swap3A_499 {strides = array<i32>} : memref<2x4x80xi32, #tpu.memory_space<vmem>>, vector<1x1x16xi32>,
      %get3A_500 = arith.constant 0 : i32
      %get3A_501 = arith.index_cast %select_n3A_319 : i32 to index
      %get3A_502 = arith.index_cast %get3A_500 : i32 to index
      %get3A_503 = arith.constant 64 : index
      %get3A_504 = tpu.vector_load %arg7[%get3A_501, %get3A_502, %get3A_503] {strides = array<i32>} : memref<2x4x80xi32, #tpu.memory_space<vmem>>, vector<1x1x16xi32>,
      %get3A_505 = vector.shape_cast %get3A_504 : vector<1x1x16xi32> to vector<16xi32>
      %get3A_506 = arith.constant 0 : i32
      %get3A_507 = arith.index_cast %select_n3A_319 : i32 to index
      %get3A_508 = arith.index_cast %get3A_506 : i32 to index
      %get3A_509 = arith.constant 64 : index
      %get3A_510 = tpu.vector_load %arg8[%get3A_507, %get3A_508, %get3A_509] {strides = array<i32>} : memref<2x4x80xi32, #tpu.memory_space<vmem>>, vector<1x1x16xi32>,
      %get3A_511 = vector.shape_cast %get3A_510 : vector<1x1x16xi32> to vector<16xi32>
      %eq3A_512 = arith.cmpi eq, %get3A_505, %get3A_511 : vector<16xi32>
      %jit3A_513 = arith.constant 10000 : i32
      %broadcast_in_dim3A_514 = vector.broadcast %jit3A_513 : i32 to vector<16xi32>
      %select_n3A_515 = arith.select %eq3A_512, %broadcast_in_dim3A_514, %get3A_511 : vector<16xi1>, vector<16xi32>
      %swap3A_516 = arith.constant 0 : i32
      %swap3A_517 = arith.index_cast %select_n3A_319 : i32 to index
      %swap3A_518 = arith.index_cast %swap3A_516 : i32 to index
      %swap3A_519 = arith.constant 64 : index
      %swap3A_520 = tpu.vector_load %arg8[%swap3A_517, %swap3A_518, %swap3A_519] {strides = array<i32>} : memref<2x4x80xi32, #tpu.memory_space<vmem>>, vector<1x1x16xi32>,
      %swap3A_521 = vector.shape_cast %swap3A_520 : vector<1x1x16xi32> to vector<16xi32>
      %swap3A_522 = vector.shape_cast %select_n3A_515 : vector<16xi32> to vector<1x1x16xi32>
      tpu.vector_store %arg8[%swap3A_517, %swap3A_518, %swap3A_519], %swap3A_522 {strides = array<i32>} : memref<2x4x80xi32, #tpu.memory_space<vmem>>, vector<1x1x16xi32>,
      %get3A_523 = arith.constant 1 : i32
      %get3A_524 = arith.index_cast %select_n3A_319 : i32 to index
      %get3A_525 = arith.index_cast %get3A_523 : i32 to index
      %get3A_526 = arith.constant 0 : index
      %get3A_527 = tpu.vector_load %arg7[%get3A_524, %get3A_525, %get3A_526] {strides = array<i32>} : memref<2x4x80xi32, #tpu.memory_space<vmem>>, vector<1x1x16xi32>,
      %get3A_528 = vector.shape_cast %get3A_527 : vector<1x1x16xi32> to vector<16xi32>
      %get3A_529 = arith.constant 1 : i32
      %get3A_530 = arith.index_cast %select_n3A_319 : i32 to index
      %get3A_531 = arith.index_cast %get3A_529 : i32 to index
      %get3A_532 = arith.constant 0 : index
      %get3A_533 = tpu.vector_load %arg8[%get3A_530, %get3A_531, %get3A_532] {strides = array<i32>} : memref<2x4x80xi32, #tpu.memory_space<vmem>>, vector<1x1x16xi32>,
      %get3A_534 = vector.shape_cast %get3A_533 : vector<1x1x16xi32> to vector<16xi32>
      %eq3A_535 = arith.cmpi eq, %get3A_528, %get3A_534 : vector<16xi32>
      %jit3A_536 = arith.constant 10000 : i32
      %broadcast_in_dim3A_537 = vector.broadcast %jit3A_536 : i32 to vector<16xi32>
      %select_n3A_538 = arith.select %eq3A_535, %broadcast_in_dim3A_537, %get3A_534 : vector<16xi1>, vector<16xi32>
      %swap3A_539 = arith.constant 1 : i32
      %swap3A_540 = arith.index_cast %select_n3A_319 : i32 to index
      %swap3A_541 = arith.index_cast %swap3A_539 : i32 to index
      %swap3A_542 = arith.constant 0 : index
      %swap3A_543 = tpu.vector_load %arg8[%swap3A_540, %swap3A_541, %swap3A_542] {strides = array<i32>} : memref<2x4x80xi32, #tpu.memory_space<vmem>>, vector<1x1x16xi32>,
      %swap3A_544 = vector.shape_cast %swap3A_543 : vector<1x1x16xi32> to vector<16xi32>
      %swap3A_545 = vector.shape_cast %select_n3A_538 : vector<16xi32> to vector<1x1x16xi32>
      tpu.vector_store %arg8[%swap3A_540, %swap3A_541, %swap3A_542], %swap3A_545 {strides = array<i32>} : memref<2x4x80xi32, #tpu.memory_space<vmem>>, vector<1x1x16xi32>,
      %get3A_546 = arith.constant 1 : i32
      %get3A_547 = arith.index_cast %select_n3A_319 : i32 to index
      %get3A_548 = arith.index_cast %get3A_546 : i32 to index
      %get3A_549 = arith.constant 16 : index
      %get3A_550 = tpu.vector_load %arg7[%get3A_547, %get3A_548, %get3A_549] {strides = array<i32>} : memref<2x4x80xi32, #tpu.memory_space<vmem>>, vector<1x1x16xi32>,
      %get3A_551 = vector.shape_cast %get3A_550 : vector<1x1x16xi32> to vector<16xi32>
      %get3A_552 = arith.constant 1 : i32
      %get3A_553 = arith.index_cast %select_n3A_319 : i32 to index
      %get3A_554 = arith.index_cast %get3A_552 : i32 to index
      %get3A_555 = arith.constant 16 : index
      %get3A_556 = tpu.vector_load %arg8[%get3A_553, %get3A_554, %get3A_555] {strides = array<i32>} : memref<2x4x80xi32, #tpu.memory_space<vmem>>, vector<1x1x16xi32>,
      %get3A_557 = vector.shape_cast %get3A_556 : vector<1x1x16xi32> to vector<16xi32>
      %eq3A_558 = arith.cmpi eq, %get3A_551, %get3A_557 : vector<16xi32>
      %jit3A_559 = arith.constant 10000 : i32
      %broadcast_in_dim3A_560 = vector.broadcast %jit3A_559 : i32 to vector<16xi32>
      %select_n3A_561 = arith.select %eq3A_558, %broadcast_in_dim3A_560, %get3A_557 : vector<16xi1>, vector<16xi32>
      %swap3A_562 = arith.constant 1 : i32
      %swap3A_563 = arith.index_cast %select_n3A_319 : i32 to index
      %swap3A_564 = arith.index_cast %swap3A_562 : i32 to index
      %swap3A_565 = arith.constant 16 : index
      %swap3A_566 = tpu.vector_load %arg8[%swap3A_563, %swap3A_564, %swap3A_565] {strides = array<i32>} : memref<2x4x80xi32, #tpu.memory_space<vmem>>, vector<1x1x16xi32>,
      %swap3A_567 = vector.shape_cast %swap3A_566 : vector<1x1x16xi32> to vector<16xi32>
      %swap3A_568 = vector.shape_cast %select_n3A_561 : vector<16xi32> to vector<1x1x16xi32>
      tpu.vector_store %arg8[%swap3A_563, %swap3A_564, %swap3A_565], %swap3A_568 {strides = array<i32>} : memref<2x4x80xi32, #tpu.memory_space<vmem>>, vector<1x1x16xi32>,
      %get3A_569 = arith.constant 1 : i32
      %get3A_570 = arith.index_cast %select_n3A_319 : i32 to index
      %get3A_571 = arith.index_cast %get3A_569 : i32 to index
      %get3A_572 = arith.constant 32 : index
      %get3A_573 = tpu.vector_load %arg7[%get3A_570, %get3A_571, %get3A_572] {strides = array<i32>} : memref<2x4x80xi32, #tpu.memory_space<vmem>>, vector<1x1x16xi32>,
      %get3A_574 = vector.shape_cast %get3A_573 : vector<1x1x16xi32> to vector<16xi32>
      %get3A_575 = arith.constant 1 : i32
      %get3A_576 = arith.index_cast %select_n3A_319 : i32 to index
      %get3A_577 = arith.index_cast %get3A_575 : i32 to index
      %get3A_578 = arith.constant 32 : index
      %get3A_579 = tpu.vector_load %arg8[%get3A_576, %get3A_577, %get3A_578] {strides = array<i32>} : memref<2x4x80xi32, #tpu.memory_space<vmem>>, vector<1x1x16xi32>,
      %get3A_580 = vector.shape_cast %get3A_579 : vector<1x1x16xi32> to vector<16xi32>
      %eq3A_581 = arith.cmpi eq, %get3A_574, %get3A_580 : vector<16xi32>
      %jit3A_582 = arith.constant 10000 : i32
      %broadcast_in_dim3A_583 = vector.broadcast %jit3A_582 : i32 to vector<16xi32>
      %select_n3A_584 = arith.select %eq3A_581, %broadcast_in_dim3A_583, %get3A_580 : vector<16xi1>, vector<16xi32>
      %swap3A_585 = arith.constant 1 : i32
      %swap3A_586 = arith.index_cast %select_n3A_319 : i32 to index
      %swap3A_587 = arith.index_cast %swap3A_585 : i32 to index
      %swap3A_588 = arith.constant 32 : index
      %swap3A_589 = tpu.vector_load %arg8[%swap3A_586, %swap3A_587, %swap3A_588] {strides = array<i32>} : memref<2x4x80xi32, #tpu.memory_space<vmem>>, vector<1x1x16xi32>,
      %swap3A_590 = vector.shape_cast %swap3A_589 : vector<1x1x16xi32> to vector<16xi32>
      %swap3A_591 = vector.shape_cast %select_n3A_584 : vector<16xi32> to vector<1x1x16xi32>
      tpu.vector_store %arg8[%swap3A_586, %swap3A_587, %swap3A_588], %swap3A_591 {strides = array<i32>} : memref<2x4x80xi32, #tpu.memory_space<vmem>>, vector<1x1x16xi32>,
      %get3A_592 = arith.constant 1 : i32
      %get3A_593 = arith.index_cast %select_n3A_319 : i32 to index
      %get3A_594 = arith.index_cast %get3A_592 : i32 to index
      %get3A_595 = arith.constant 48 : index
      %get3A_596 = tpu.vector_load %arg7[%get3A_593, %get3A_594, %get3A_595] {strides = array<i32>} : memref<2x4x80xi32, #tpu.memory_space<vmem>>, vector<1x1x16xi32>,
      %get3A_597 = vector.shape_cast %get3A_596 : vector<1x1x16xi32> to vector<16xi32>
      %get3A_598 = arith.constant 1 : i32
      %get3A_599 = arith.index_cast %select_n3A_319 : i32 to index
      %get3A_600 = arith.index_cast %get3A_598 : i32 to index
      %get3A_601 = arith.constant 48 : index
      %get3A_602 = tpu.vector_load %arg8[%get3A_599, %get3A_600, %get3A_601] {strides = array<i32>} : memref<2x4x80xi32, #tpu.memory_space<vmem>>, vector<1x1x16xi32>,
      %get3A_603 = vector.shape_cast %get3A_602 : vector<1x1x16xi32> to vector<16xi32>
      %eq3A_604 = arith.cmpi eq, %get3A_597, %get3A_603 : vector<16xi32>
      %jit3A_605 = arith.constant 10000 : i32
      %broadcast_in_dim3A_606 = vector.broadcast %jit3A_605 : i32 to vector<16xi32>
      %select_n3A_607 = arith.select %eq3A_604, %broadcast_in_dim3A_606, %get3A_603 : vector<16xi1>, vector<16xi32>
      %swap3A_608 = arith.constant 1 : i32
      %swap3A_609 = arith.index_cast %select_n3A_319 : i32 to index
      %swap3A_610 = arith.index_cast %swap3A_608 : i32 to index
      %swap3A_611 = arith.constant 48 : index
      %swap3A_612 = tpu.vector_load %arg8[%swap3A_609, %swap3A_610, %swap3A_611] {strides = array<i32>} : memref<2x4x80xi32, #tpu.memory_space<vmem>>, vector<1x1x16xi32>,
      %swap3A_613 = vector.shape_cast %swap3A_612 : vector<1x1x16xi32> to vector<16xi32>
      %swap3A_614 = vector.shape_cast %select_n3A_607 : vector<16xi32> to vector<1x1x16xi32>
      tpu.vector_store %arg8[%swap3A_609, %swap3A_610, %swap3A_611], %swap3A_614 {strides = array<i32>} : memref<2x4x80xi32, #tpu.memory_space<vmem>>, vector<1x1x16xi32>,
      %get3A_615 = arith.constant 1 : i32
      %get3A_616 = arith.index_cast %select_n3A_319 : i32 to index
      %get3A_617 = arith.index_cast %get3A_615 : i32 to index
      %get3A_618 = arith.constant 64 : index
      %get3A_619 = tpu.vector_load %arg7[%get3A_616, %get3A_617, %get3A_618] {strides = array<i32>} : memref<2x4x80xi32, #tpu.memory_space<vmem>>, vector<1x1x16xi32>,
      %get3A_620 = vector.shape_cast %get3A_619 : vector<1x1x16xi32> to vector<16xi32>
      %get3A_621 = arith.constant 1 : i32
      %get3A_622 = arith.index_cast %select_n3A_319 : i32 to index
      %get3A_623 = arith.index_cast %get3A_621 : i32 to index
      %get3A_624 = arith.constant 64 : index
      %get3A_625 = tpu.vector_load %arg8[%get3A_622, %get3A_623, %get3A_624] {strides = array<i32>} : memref<2x4x80xi32, #tpu.memory_space<vmem>>, vector<1x1x16xi32>,
      %get3A_626 = vector.shape_cast %get3A_625 : vector<1x1x16xi32> to vector<16xi32>
      %eq3A_627 = arith.cmpi eq, %get3A_620, %get3A_626 : vector<16xi32>
      %jit3A_628 = arith.constant 10000 : i32
      %broadcast_in_dim3A_629 = vector.broadcast %jit3A_628 : i32 to vector<16xi32>
      %select_n3A_630 = arith.select %eq3A_627, %broadcast_in_dim3A_629, %get3A_626 : vector<16xi1>, vector<16xi32>
      %swap3A_631 = arith.constant 1 : i32
      %swap3A_632 = arith.index_cast %select_n3A_319 : i32 to index
      %swap3A_633 = arith.index_cast %swap3A_631 : i32 to index
      %swap3A_634 = arith.constant 64 : index
      %swap3A_635 = tpu.vector_load %arg8[%swap3A_632, %swap3A_633, %swap3A_634] {strides = array<i32>} : memref<2x4x80xi32, #tpu.memory_space<vmem>>, vector<1x1x16xi32>,
      %swap3A_636 = vector.shape_cast %swap3A_635 : vector<1x1x16xi32> to vector<16xi32>
      %swap3A_637 = vector.shape_cast %select_n3A_630 : vector<16xi32> to vector<1x1x16xi32>
      tpu.vector_store %arg8[%swap3A_632, %swap3A_633, %swap3A_634], %swap3A_637 {strides = array<i32>} : memref<2x4x80xi32, #tpu.memory_space<vmem>>, vector<1x1x16xi32>,
      %get3A_638 = arith.constant 2 : i32
      %get3A_639 = arith.index_cast %select_n3A_319 : i32 to index
      %get3A_640 = arith.index_cast %get3A_638 : i32 to index
      %get3A_641 = arith.constant 0 : index
      %get3A_642 = tpu.vector_load %arg7[%get3A_639, %get3A_640, %get3A_641] {strides = array<i32>} : memref<2x4x80xi32, #tpu.memory_space<vmem>>, vector<1x1x16xi32>,
      %get3A_643 = vector.shape_cast %get3A_642 : vector<1x1x16xi32> to vector<16xi32>
      %get3A_644 = arith.constant 2 : i32
      %get3A_645 = arith.index_cast %select_n3A_319 : i32 to index
      %get3A_646 = arith.index_cast %get3A_644 : i32 to index
      %get3A_647 = arith.constant 0 : index
      %get3A_648 = tpu.vector_load %arg8[%get3A_645, %get3A_646, %get3A_647] {strides = array<i32>} : memref<2x4x80xi32, #tpu.memory_space<vmem>>, vector<1x1x16xi32>,
      %get3A_649 = vector.shape_cast %get3A_648 : vector<1x1x16xi32> to vector<16xi32>
      %eq3A_650 = arith.cmpi eq, %get3A_643, %get3A_649 : vector<16xi32>
      %jit3A_651 = arith.constant 10000 : i32
      %broadcast_in_dim3A_652 = vector.broadcast %jit3A_651 : i32 to vector<16xi32>
      %select_n3A_653 = arith.select %eq3A_650, %broadcast_in_dim3A_652, %get3A_649 : vector<16xi1>, vector<16xi32>
      %swap3A_654 = arith.constant 2 : i32
      %swap3A_655 = arith.index_cast %select_n3A_319 : i32 to index
      %swap3A_656 = arith.index_cast %swap3A_654 : i32 to index
      %swap3A_657 = arith.constant 0 : index
      %swap3A_658 = tpu.vector_load %arg8[%swap3A_655, %swap3A_656, %swap3A_657] {strides = array<i32>} : memref<2x4x80xi32, #tpu.memory_space<vmem>>, vector<1x1x16xi32>,
      %swap3A_659 = vector.shape_cast %swap3A_658 : vector<1x1x16xi32> to vector<16xi32>
      %swap3A_660 = vector.shape_cast %select_n3A_653 : vector<16xi32> to vector<1x1x16xi32>
      tpu.vector_store %arg8[%swap3A_655, %swap3A_656, %swap3A_657], %swap3A_660 {strides = array<i32>} : memref<2x4x80xi32, #tpu.memory_space<vmem>>, vector<1x1x16xi32>,
      %get3A_661 = arith.constant 2 : i32
      %get3A_662 = arith.index_cast %select_n3A_319 : i32 to index
      %get3A_663 = arith.index_cast %get3A_661 : i32 to index
      %get3A_664 = arith.constant 16 : index
      %get3A_665 = tpu.vector_load %arg7[%get3A_662, %get3A_663, %get3A_664] {strides = array<i32>} : memref<2x4x80xi32, #tpu.memory_space<vmem>>, vector<1x1x16xi32>,
      %get3A_666 = vector.shape_cast %get3A_665 : vector<1x1x16xi32> to vector<16xi32>
      %get3A_667 = arith.constant 2 : i32
      %get3A_668 = arith.index_cast %select_n3A_319 : i32 to index
      %get3A_669 = arith.index_cast %get3A_667 : i32 to index
      %get3A_670 = arith.constant 16 : index
      %get3A_671 = tpu.vector_load %arg8[%get3A_668, %get3A_669, %get3A_670] {strides = array<i32>} : memref<2x4x80xi32, #tpu.memory_space<vmem>>, vector<1x1x16xi32>,
      %get3A_672 = vector.shape_cast %get3A_671 : vector<1x1x16xi32> to vector<16xi32>
      %eq3A_673 = arith.cmpi eq, %get3A_666, %get3A_672 : vector<16xi32>
      %jit3A_674 = arith.constant 10000 : i32
      %broadcast_in_dim3A_675 = vector.broadcast %jit3A_674 : i32 to vector<16xi32>
      %select_n3A_676 = arith.select %eq3A_673, %broadcast_in_dim3A_675, %get3A_672 : vector<16xi1>, vector<16xi32>
      %swap3A_677 = arith.constant 2 : i32
      %swap3A_678 = arith.index_cast %select_n3A_319 : i32 to index
      %swap3A_679 = arith.index_cast %swap3A_677 : i32 to index
      %swap3A_680 = arith.constant 16 : index
      %swap3A_681 = tpu.vector_load %arg8[%swap3A_678, %swap3A_679, %swap3A_680] {strides = array<i32>} : memref<2x4x80xi32, #tpu.memory_space<vmem>>, vector<1x1x16xi32>,
      %swap3A_682 = vector.shape_cast %swap3A_681 : vector<1x1x16xi32> to vector<16xi32>
      %swap3A_683 = vector.shape_cast %select_n3A_676 : vector<16xi32> to vector<1x1x16xi32>
      tpu.vector_store %arg8[%swap3A_678, %swap3A_679, %swap3A_680], %swap3A_683 {strides = array<i32>} : memref<2x4x80xi32, #tpu.memory_space<vmem>>, vector<1x1x16xi32>,
      %get3A_684 = arith.constant 2 : i32
      %get3A_685 = arith.index_cast %select_n3A_319 : i32 to index
      %get3A_686 = arith.index_cast %get3A_684 : i32 to index
      %get3A_687 = arith.constant 32 : index
      %get3A_688 = tpu.vector_load %arg7[%get3A_685, %get3A_686, %get3A_687] {strides = array<i32>} : memref<2x4x80xi32, #tpu.memory_space<vmem>>, vector<1x1x16xi32>,
      %get3A_689 = vector.shape_cast %get3A_688 : vector<1x1x16xi32> to vector<16xi32>
      %get3A_690 = arith.constant 2 : i32
      %get3A_691 = arith.index_cast %select_n3A_319 : i32 to index
      %get3A_692 = arith.index_cast %get3A_690 : i32 to index
      %get3A_693 = arith.constant 32 : index
      %get3A_694 = tpu.vector_load %arg8[%get3A_691, %get3A_692, %get3A_693] {strides = array<i32>} : memref<2x4x80xi32, #tpu.memory_space<vmem>>, vector<1x1x16xi32>,
      %get3A_695 = vector.shape_cast %get3A_694 : vector<1x1x16xi32> to vector<16xi32>
      %eq3A_696 = arith.cmpi eq, %get3A_689, %get3A_695 : vector<16xi32>
      %jit3A_697 = arith.constant 10000 : i32
      %broadcast_in_dim3A_698 = vector.broadcast %jit3A_697 : i32 to vector<16xi32>
      %select_n3A_699 = arith.select %eq3A_696, %broadcast_in_dim3A_698, %get3A_695 : vector<16xi1>, vector<16xi32>
      %swap3A_700 = arith.constant 2 : i32
      %swap3A_701 = arith.index_cast %select_n3A_319 : i32 to index
      %swap3A_702 = arith.index_cast %swap3A_700 : i32 to index
      %swap3A_703 = arith.constant 32 : index
      %swap3A_704 = tpu.vector_load %arg8[%swap3A_701, %swap3A_702, %swap3A_703] {strides = array<i32>} : memref<2x4x80xi32, #tpu.memory_space<vmem>>, vector<1x1x16xi32>,
      %swap3A_705 = vector.shape_cast %swap3A_704 : vector<1x1x16xi32> to vector<16xi32>
      %swap3A_706 = vector.shape_cast %select_n3A_699 : vector<16xi32> to vector<1x1x16xi32>
      tpu.vector_store %arg8[%swap3A_701, %swap3A_702, %swap3A_703], %swap3A_706 {strides = array<i32>} : memref<2x4x80xi32, #tpu.memory_space<vmem>>, vector<1x1x16xi32>,
      %get3A_707 = arith.constant 2 : i32
      %get3A_708 = arith.index_cast %select_n3A_319 : i32 to index
      %get3A_709 = arith.index_cast %get3A_707 : i32 to index
      %get3A_710 = arith.constant 48 : index
      %get3A_711 = tpu.vector_load %arg7[%get3A_708, %get3A_709, %get3A_710] {strides = array<i32>} : memref<2x4x80xi32, #tpu.memory_space<vmem>>, vector<1x1x16xi32>,
      %get3A_712 = vector.shape_cast %get3A_711 : vector<1x1x16xi32> to vector<16xi32>
      %get3A_713 = arith.constant 2 : i32
      %get3A_714 = arith.index_cast %select_n3A_319 : i32 to index
      %get3A_715 = arith.index_cast %get3A_713 : i32 to index
      %get3A_716 = arith.constant 48 : index
      %get3A_717 = tpu.vector_load %arg8[%get3A_714, %get3A_715, %get3A_716] {strides = array<i32>} : memref<2x4x80xi32, #tpu.memory_space<vmem>>, vector<1x1x16xi32>,
      %get3A_718 = vector.shape_cast %get3A_717 : vector<1x1x16xi32> to vector<16xi32>
      %eq3A_719 = arith.cmpi eq, %get3A_712, %get3A_718 : vector<16xi32>
      %jit3A_720 = arith.constant 10000 : i32
      %broadcast_in_dim3A_721 = vector.broadcast %jit3A_720 : i32 to vector<16xi32>
      %select_n3A_722 = arith.select %eq3A_719, %broadcast_in_dim3A_721, %get3A_718 : vector<16xi1>, vector<16xi32>
      %swap3A_723 = arith.constant 2 : i32
      %swap3A_724 = arith.index_cast %select_n3A_319 : i32 to index
      %swap3A_725 = arith.index_cast %swap3A_723 : i32 to index
      %swap3A_726 = arith.constant 48 : index
      %swap3A_727 = tpu.vector_load %arg8[%swap3A_724, %swap3A_725, %swap3A_726] {strides = array<i32>} : memref<2x4x80xi32, #tpu.memory_space<vmem>>, vector<1x1x16xi32>,
      %swap3A_728 = vector.shape_cast %swap3A_727 : vector<1x1x16xi32> to vector<16xi32>
      %swap3A_729 = vector.shape_cast %select_n3A_722 : vector<16xi32> to vector<1x1x16xi32>
      tpu.vector_store %arg8[%swap3A_724, %swap3A_725, %swap3A_726], %swap3A_729 {strides = array<i32>} : memref<2x4x80xi32, #tpu.memory_space<vmem>>, vector<1x1x16xi32>,
      %get3A_730 = arith.constant 2 : i32
      %get3A_731 = arith.index_cast %select_n3A_319 : i32 to index
      %get3A_732 = arith.index_cast %get3A_730 : i32 to index
      %get3A_733 = arith.constant 64 : index
      %get3A_734 = tpu.vector_load %arg7[%get3A_731, %get3A_732, %get3A_733] {strides = array<i32>} : memref<2x4x80xi32, #tpu.memory_space<vmem>>, vector<1x1x16xi32>,
      %get3A_735 = vector.shape_cast %get3A_734 : vector<1x1x16xi32> to vector<16xi32>
      %get3A_736 = arith.constant 2 : i32
      %get3A_737 = arith.index_cast %select_n3A_319 : i32 to index
      %get3A_738 = arith.index_cast %get3A_736 : i32 to index
      %get3A_739 = arith.constant 64 : index
      %get3A_740 = tpu.vector_load %arg8[%get3A_737, %get3A_738, %get3A_739] {strides = array<i32>} : memref<2x4x80xi32, #tpu.memory_space<vmem>>, vector<1x1x16xi32>,
      %get3A_741 = vector.shape_cast %get3A_740 : vector<1x1x16xi32> to vector<16xi32>
      %eq3A_742 = arith.cmpi eq, %get3A_735, %get3A_741 : vector<16xi32>
      %jit3A_743 = arith.constant 10000 : i32
      %broadcast_in_dim3A_744 = vector.broadcast %jit3A_743 : i32 to vector<16xi32>
      %select_n3A_745 = arith.select %eq3A_742, %broadcast_in_dim3A_744, %get3A_741 : vector<16xi1>, vector<16xi32>
      %swap3A_746 = arith.constant 2 : i32
      %swap3A_747 = arith.index_cast %select_n3A_319 : i32 to index
      %swap3A_748 = arith.index_cast %swap3A_746 : i32 to index
      %swap3A_749 = arith.constant 64 : index
      %swap3A_750 = tpu.vector_load %arg8[%swap3A_747, %swap3A_748, %swap3A_749] {strides = array<i32>} : memref<2x4x80xi32, #tpu.memory_space<vmem>>, vector<1x1x16xi32>,
      %swap3A_751 = vector.shape_cast %swap3A_750 : vector<1x1x16xi32> to vector<16xi32>
      %swap3A_752 = vector.shape_cast %select_n3A_745 : vector<16xi32> to vector<1x1x16xi32>
      tpu.vector_store %arg8[%swap3A_747, %swap3A_748, %swap3A_749], %swap3A_752 {strides = array<i32>} : memref<2x4x80xi32, #tpu.memory_space<vmem>>, vector<1x1x16xi32>,
      %get3A_753 = arith.constant 3 : i32
      %get3A_754 = arith.index_cast %select_n3A_319 : i32 to index
      %get3A_755 = arith.index_cast %get3A_753 : i32 to index
      %get3A_756 = arith.constant 0 : index
      %get3A_757 = tpu.vector_load %arg7[%get3A_754, %get3A_755, %get3A_756] {strides = array<i32>} : memref<2x4x80xi32, #tpu.memory_space<vmem>>, vector<1x1x16xi32>,
      %get3A_758 = vector.shape_cast %get3A_757 : vector<1x1x16xi32> to vector<16xi32>
      %get3A_759 = arith.constant 3 : i32
      %get3A_760 = arith.index_cast %select_n3A_319 : i32 to index
      %get3A_761 = arith.index_cast %get3A_759 : i32 to index
      %get3A_762 = arith.constant 0 : index
      %get3A_763 = tpu.vector_load %arg8[%get3A_760, %get3A_761, %get3A_762] {strides = array<i32>} : memref<2x4x80xi32, #tpu.memory_space<vmem>>, vector<1x1x16xi32>,
      %get3A_764 = vector.shape_cast %get3A_763 : vector<1x1x16xi32> to vector<16xi32>
      %eq3A_765 = arith.cmpi eq, %get3A_758, %get3A_764 : vector<16xi32>
      %jit3A_766 = arith.constant 10000 : i32
      %broadcast_in_dim3A_767 = vector.broadcast %jit3A_766 : i32 to vector<16xi32>
      %select_n3A_768 = arith.select %eq3A_765, %broadcast_in_dim3A_767, %get3A_764 : vector<16xi1>, vector<16xi32>
      %swap3A_769 = arith.constant 3 : i32
      %swap3A_770 = arith.index_cast %select_n3A_319 : i32 to index
      %swap3A_771 = arith.index_cast %swap3A_769 : i32 to index
      %swap3A_772 = arith.constant 0 : index
      %swap3A_773 = tpu.vector_load %arg8[%swap3A_770, %swap3A_771, %swap3A_772] {strides = array<i32>} : memref<2x4x80xi32, #tpu.memory_space<vmem>>, vector<1x1x16xi32>,
      %swap3A_774 = vector.shape_cast %swap3A_773 : vector<1x1x16xi32> to vector<16xi32>
      %swap3A_775 = vector.shape_cast %select_n3A_768 : vector<16xi32> to vector<1x1x16xi32>
      tpu.vector_store %arg8[%swap3A_770, %swap3A_771, %swap3A_772], %swap3A_775 {strides = array<i32>} : memref<2x4x80xi32, #tpu.memory_space<vmem>>, vector<1x1x16xi32>,
      %get3A_776 = arith.constant 3 : i32
      %get3A_777 = arith.index_cast %select_n3A_319 : i32 to index
      %get3A_778 = arith.index_cast %get3A_776 : i32 to index
      %get3A_779 = arith.constant 16 : index
      %get3A_780 = tpu.vector_load %arg7[%get3A_777, %get3A_778, %get3A_779] {strides = array<i32>} : memref<2x4x80xi32, #tpu.memory_space<vmem>>, vector<1x1x16xi32>,
      %get3A_781 = vector.shape_cast %get3A_780 : vector<1x1x16xi32> to vector<16xi32>
      %get3A_782 = arith.constant 3 : i32
      %get3A_783 = arith.index_cast %select_n3A_319 : i32 to index
      %get3A_784 = arith.index_cast %get3A_782 : i32 to index
      %get3A_785 = arith.constant 16 : index
      %get3A_786 = tpu.vector_load %arg8[%get3A_783, %get3A_784, %get3A_785] {strides = array<i32>} : memref<2x4x80xi32, #tpu.memory_space<vmem>>, vector<1x1x16xi32>,
      %get3A_787 = vector.shape_cast %get3A_786 : vector<1x1x16xi32> to vector<16xi32>
      %eq3A_788 = arith.cmpi eq, %get3A_781, %get3A_787 : vector<16xi32>
      %jit3A_789 = arith.constant 10000 : i32
      %broadcast_in_dim3A_790 = vector.broadcast %jit3A_789 : i32 to vector<16xi32>
      %select_n3A_791 = arith.select %eq3A_788, %broadcast_in_dim3A_790, %get3A_787 : vector<16xi1>, vector<16xi32>
      %swap3A_792 = arith.constant 3 : i32
      %swap3A_793 = arith.index_cast %select_n3A_319 : i32 to index
      %swap3A_794 = arith.index_cast %swap3A_792 : i32 to index
      %swap3A_795 = arith.constant 16 : index
      %swap3A_796 = tpu.vector_load %arg8[%swap3A_793, %swap3A_794, %swap3A_795] {strides = array<i32>} : memref<2x4x80xi32, #tpu.memory_space<vmem>>, vector<1x1x16xi32>,
      %swap3A_797 = vector.shape_cast %swap3A_796 : vector<1x1x16xi32> to vector<16xi32>
      %swap3A_798 = vector.shape_cast %select_n3A_791 : vector<16xi32> to vector<1x1x16xi32>
      tpu.vector_store %arg8[%swap3A_793, %swap3A_794, %swap3A_795], %swap3A_798 {strides = array<i32>} : memref<2x4x80xi32, #tpu.memory_space<vmem>>, vector<1x1x16xi32>,
      %get3A_799 = arith.constant 3 : i32
      %get3A_800 = arith.index_cast %select_n3A_319 : i32 to index
      %get3A_801 = arith.index_cast %get3A_799 : i32 to index
      %get3A_802 = arith.constant 32 : index
      %get3A_803 = tpu.vector_load %arg7[%get3A_800, %get3A_801, %get3A_802] {strides = array<i32>} : memref<2x4x80xi32, #tpu.memory_space<vmem>>, vector<1x1x16xi32>,
      %get3A_804 = vector.shape_cast %get3A_803 : vector<1x1x16xi32> to vector<16xi32>
      %get3A_805 = arith.constant 3 : i32
      %get3A_806 = arith.index_cast %select_n3A_319 : i32 to index
      %get3A_807 = arith.index_cast %get3A_805 : i32 to index
      %get3A_808 = arith.constant 32 : index
      %get3A_809 = tpu.vector_load %arg8[%get3A_806, %get3A_807, %get3A_808] {strides = array<i32>} : memref<2x4x80xi32, #tpu.memory_space<vmem>>, vector<1x1x16xi32>,
      %get3A_810 = vector.shape_cast %get3A_809 : vector<1x1x16xi32> to vector<16xi32>
      %eq3A_811 = arith.cmpi eq, %get3A_804, %get3A_810 : vector<16xi32>
      %jit3A_812 = arith.constant 10000 : i32
      %broadcast_in_dim3A_813 = vector.broadcast %jit3A_812 : i32 to vector<16xi32>
      %select_n3A_814 = arith.select %eq3A_811, %broadcast_in_dim3A_813, %get3A_810 : vector<16xi1>, vector<16xi32>
      %swap3A_815 = arith.constant 3 : i32
      %swap3A_816 = arith.index_cast %select_n3A_319 : i32 to index
      %swap3A_817 = arith.index_cast %swap3A_815 : i32 to index
      %swap3A_818 = arith.constant 32 : index
      %swap3A_819 = tpu.vector_load %arg8[%swap3A_816, %swap3A_817, %swap3A_818] {strides = array<i32>} : memref<2x4x80xi32, #tpu.memory_space<vmem>>, vector<1x1x16xi32>,
      %swap3A_820 = vector.shape_cast %swap3A_819 : vector<1x1x16xi32> to vector<16xi32>
      %swap3A_821 = vector.shape_cast %select_n3A_814 : vector<16xi32> to vector<1x1x16xi32>
      tpu.vector_store %arg8[%swap3A_816, %swap3A_817, %swap3A_818], %swap3A_821 {strides = array<i32>} : memref<2x4x80xi32, #tpu.memory_space<vmem>>, vector<1x1x16xi32>,
      %get3A_822 = arith.constant 3 : i32
      %get3A_823 = arith.index_cast %select_n3A_319 : i32 to index
      %get3A_824 = arith.index_cast %get3A_822 : i32 to index
      %get3A_825 = arith.constant 48 : index
      %get3A_826 = tpu.vector_load %arg7[%get3A_823, %get3A_824, %get3A_825] {strides = array<i32>} : memref<2x4x80xi32, #tpu.memory_space<vmem>>, vector<1x1x16xi32>,
      %get3A_827 = vector.shape_cast %get3A_826 : vector<1x1x16xi32> to vector<16xi32>
      %get3A_828 = arith.constant 3 : i32
      %get3A_829 = arith.index_cast %select_n3A_319 : i32 to index
      %get3A_830 = arith.index_cast %get3A_828 : i32 to index
      %get3A_831 = arith.constant 48 : index
      %get3A_832 = tpu.vector_load %arg8[%get3A_829, %get3A_830, %get3A_831] {strides = array<i32>} : memref<2x4x80xi32, #tpu.memory_space<vmem>>, vector<1x1x16xi32>,
      %get3A_833 = vector.shape_cast %get3A_832 : vector<1x1x16xi32> to vector<16xi32>
      %eq3A_834 = arith.cmpi eq, %get3A_827, %get3A_833 : vector<16xi32>
      %jit3A_835 = arith.constant 10000 : i32
      %broadcast_in_dim3A_836 = vector.broadcast %jit3A_835 : i32 to vector<16xi32>
      %select_n3A_837 = arith.select %eq3A_834, %broadcast_in_dim3A_836, %get3A_833 : vector<16xi1>, vector<16xi32>
      %swap3A_838 = arith.constant 3 : i32
      %swap3A_839 = arith.index_cast %select_n3A_319 : i32 to index
      %swap3A_840 = arith.index_cast %swap3A_838 : i32 to index
      %swap3A_841 = arith.constant 48 : index
      %swap3A_842 = tpu.vector_load %arg8[%swap3A_839, %swap3A_840, %swap3A_841] {strides = array<i32>} : memref<2x4x80xi32, #tpu.memory_space<vmem>>, vector<1x1x16xi32>,
      %swap3A_843 = vector.shape_cast %swap3A_842 : vector<1x1x16xi32> to vector<16xi32>
      %swap3A_844 = vector.shape_cast %select_n3A_837 : vector<16xi32> to vector<1x1x16xi32>
      tpu.vector_store %arg8[%swap3A_839, %swap3A_840, %swap3A_841], %swap3A_844 {strides = array<i32>} : memref<2x4x80xi32, #tpu.memory_space<vmem>>, vector<1x1x16xi32>,
      %get3A_845 = arith.constant 3 : i32
      %get3A_846 = arith.index_cast %select_n3A_319 : i32 to index
      %get3A_847 = arith.index_cast %get3A_845 : i32 to index
      %get3A_848 = arith.constant 64 : index
      %get3A_849 = tpu.vector_load %arg7[%get3A_846, %get3A_847, %get3A_848] {strides = array<i32>} : memref<2x4x80xi32, #tpu.memory_space<vmem>>, vector<1x1x16xi32>,
      %get3A_850 = vector.shape_cast %get3A_849 : vector<1x1x16xi32> to vector<16xi32>
      %get3A_851 = arith.constant 3 : i32
      %get3A_852 = arith.index_cast %select_n3A_319 : i32 to index
      %get3A_853 = arith.index_cast %get3A_851 : i32 to index
      %get3A_854 = arith.constant 64 : index
      %get3A_855 = tpu.vector_load %arg8[%get3A_852, %get3A_853, %get3A_854] {strides = array<i32>} : memref<2x4x80xi32, #tpu.memory_space<vmem>>, vector<1x1x16xi32>,
      %get3A_856 = vector.shape_cast %get3A_855 : vector<1x1x16xi32> to vector<16xi32>
      %eq3A_857 = arith.cmpi eq, %get3A_850, %get3A_856 : vector<16xi32>
      %jit3A_858 = arith.constant 10000 : i32
      %broadcast_in_dim3A_859 = vector.broadcast %jit3A_858 : i32 to vector<16xi32>
      %select_n3A_860 = arith.select %eq3A_857, %broadcast_in_dim3A_859, %get3A_856 : vector<16xi1>, vector<16xi32>
      %swap3A_861 = arith.constant 3 : i32
      %swap3A_862 = arith.index_cast %select_n3A_319 : i32 to index
      %swap3A_863 = arith.index_cast %swap3A_861 : i32 to index
      %swap3A_864 = arith.constant 64 : index
      %swap3A_865 = tpu.vector_load %arg8[%swap3A_862, %swap3A_863, %swap3A_864] {strides = array<i32>} : memref<2x4x80xi32, #tpu.memory_space<vmem>>, vector<1x1x16xi32>,
      %swap3A_866 = vector.shape_cast %swap3A_865 : vector<1x1x16xi32> to vector<16xi32>
      %swap3A_867 = vector.shape_cast %select_n3A_860 : vector<16xi32> to vector<1x1x16xi32>
      tpu.vector_store %arg8[%swap3A_862, %swap3A_863, %swap3A_864], %swap3A_867 {strides = array<i32>} : memref<2x4x80xi32, #tpu.memory_space<vmem>>, vector<1x1x16xi32>,
      %ge3A = arith.constant 1 : i32
      %ge3A_868 = arith.cmpi sge, %scan3A_307, %ge3A : i32
      %convert_element_type3A = arith.extui %ge3A_868 : i1 to i32
      %cond3A = arith.constant 0 : i32
      %cond3A_869 = arith.cmpi ne, %convert_element_type3A, %cond3A : i32
      scf.if %cond3A_869 {
        %sub3A = arith.constant 1 : i32
        %sub3A_1057 = arith.subi %sub3A, %select_n3A_319 : i32
        %dma_wait3A_1058 = arith.constant 0 : i32
        %dma_wait3A_1059 = arith.constant 0 : i32
        %dma_wait3A_1060 = arith.constant 0 : i32
        %dma_wait3A_1061 = arith.constant 0 : i32
        %dma_wait3A_1062 = tpu.memref_slice %arg9[%dma_wait3A_1058, %dma_wait3A_1060, %dma_wait3A_1061] : memref<4x80x128xf32, #tpu.memory_space<vmem>> -> memref<1x80x128xf32, #tpu.memory_space<vmem>>
        %dma_wait3A_1063 = tpu.memref_squeeze %dma_wait3A_1062 : memref<1x80x128xf32, #tpu.memory_space<vmem>> -> memref<80x128xf32, #tpu.memory_space<vmem>>
        %dma_wait3A_1064 = arith.constant 0 : i32
        %dma_wait3A_1065 = tpu.memref_slice %arg8[%sub3A_1057, %dma_wait3A_1059, %dma_wait3A_1064] : memref<2x4x80xi32, #tpu.memory_space<vmem>> -> memref<1x1x80xi32, #tpu.memory_space<vmem>>
        %dma_wait3A_1066 = tpu.memref_squeeze %dma_wait3A_1065 : memref<1x1x80xi32, #tpu.memory_space<vmem>> -> memref<80xi32, #tpu.memory_space<vmem>>
        %dma_wait3A_1067 = arith.constant 0 : i32
        %dma_wait3A_1068 = arith.constant 0 : i32
        %dma_wait3A_1069 = tpu.memref_slice %arg19[%dma_wait3A_1067, %dma_wait3A_1068] : memref<10112x128xf32, #tpu.memory_space<vmem_shared>> -> memref<10112x128xf32, #tpu.memory_space<vmem_shared>>
        tpu.wait_indirect_dma semaphore(%arg15 : memref<!tpu.dma_semaphore, #tpu.memory_space<semaphore_mem>>) src(%dma_wait3A_1063 : memref<80x128xf32, #tpu.memory_space<vmem>>) dst(%dma_wait3A_1069 : memref<10112x128xf32, #tpu.memory_space<vmem_shared>>)
      } else {
      }
      %add3A_870 = arith.constant 1 : i32
      %add3A_871 = arith.addi %scan3A_307, %add3A_870 : i32
      %lt3A_872 = arith.constant 31 : i32
      %lt3A_873 = arith.cmpi slt, %add3A_871, %lt3A_872 : i32
      %convert_element_type3A_874 = arith.extui %lt3A_873 : i1 to i32
      %cond3A_875 = arith.constant 0 : i32
      %cond3A_876 = arith.cmpi ne, %convert_element_type3A_874, %cond3A_875 : i32
      scf.if %cond3A_876 {
        %add3A_1057 = arith.constant 1 : i32
        %add3A_1058 = arith.addi %scan3A_307, %add3A_1057 : i32
        %mul3A_1059 = arith.constant 4 : i32
        %mul3A_1060 = arith.muli %add3A_1058, %mul3A_1059 : i32
        %add3A_1061 = arith.constant 0 : i32
        %add3A_1062 = arith.addi %mul3A_1060, %add3A_1061 : i32
        %mul3A_1063 = arith.constant 80 : i32
        %mul3A_1064 = arith.muli %add3A_1062, %mul3A_1063 : i32
        %add3A_1065 = arith.addi %mul3A_4, %mul3A_1064 : i32
        %sub3A = arith.constant 1 : i32
        %sub3A_1066 = arith.subi %sub3A, %select_n3A_319 : i32
        %dma_start3A_1067 = arith.constant 0 : i32
        %dma_start3A_1068 = arith.constant 0 : i32
        %dma_start3A_1069 = tpu.memref_slice %arg7[%sub3A_1066, %dma_start3A_1067, %dma_start3A_1068] : memref<2x4x80xi32, #tpu.memory_space<vmem>> -> memref<1x1x80xi32, #tpu.memory_space<vmem>>
        %dma_start3A_1070 = tpu.memref_squeeze %dma_start3A_1069 : memref<1x1x80xi32, #tpu.memory_space<vmem>> -> memref<80xi32, #tpu.memory_space<vmem>>
        %dma_start3A_1071 = tpu.memref_slice %arg3[%add3A_1065] : memref<320000xi32, #tpu.memory_space<hbm>> -> memref<80xi32, #tpu.memory_space<hbm>>
        %dma_start3A_1072 = arith.constant 0 : i32
        %dma_start3A_1073 = tpu.memref_slice %arg7[%sub3A_1066, %dma_start3A_1067, %dma_start3A_1072] : memref<2x4x80xi32, #tpu.memory_space<vmem>> -> memref<1x1x80xi32, #tpu.memory_space<vmem>>
        %dma_start3A_1074 = tpu.memref_squeeze %dma_start3A_1073 : memref<1x1x80xi32, #tpu.memory_space<vmem>> -> memref<80xi32, #tpu.memory_space<vmem>>
        %dma_start3A_1075 = tpu.memref_slice %arg3[%add3A_1065] : memref<320000xi32, #tpu.memory_space<hbm>> -> memref<80xi32, #tpu.memory_space<hbm>>
        tpu.enqueue_dma source(%dma_start3A_1075 : memref<80xi32, #tpu.memory_space<hbm>>) target(%dma_start3A_1074 : memref<80xi32, #tpu.memory_space<vmem>>) target_semaphore(%arg10 : memref<!tpu.dma_semaphore, #tpu.memory_space<semaphore_mem>>)
        %sub3A_1076 = arith.constant 1 : i32
        %sub3A_1077 = arith.subi %sub3A_1076, %select_n3A_319 : i32
        %dma_start3A_1078 = arith.constant 0 : i32
        %dma_start3A_1079 = arith.constant 0 : i32
        %dma_start3A_1080 = tpu.memref_slice %arg8[%sub3A_1077, %dma_start3A_1078, %dma_start3A_1079] : memref<2x4x80xi32, #tpu.memory_space<vmem>> -> memref<1x1x80xi32, #tpu.memory_space<vmem>>
        %dma_start3A_1081 = tpu.memref_squeeze %dma_start3A_1080 : memref<1x1x80xi32, #tpu.memory_space<vmem>> -> memref<80xi32, #tpu.memory_space<vmem>>
        %dma_start3A_1082 = tpu.memref_slice %arg4[%add3A_1065] : memref<320000xi32, #tpu.memory_space<hbm>> -> memref<80xi32, #tpu.memory_space<hbm>>
        %dma_start3A_1083 = arith.constant 0 : i32
        %dma_start3A_1084 = tpu.memref_slice %arg8[%sub3A_1077, %dma_start3A_1078, %dma_start3A_1083] : memref<2x4x80xi32, #tpu.memory_space<vmem>> -> memref<1x1x80xi32, #tpu.memory_space<vmem>>
        %dma_start3A_1085 = tpu.memref_squeeze %dma_start3A_1084 : memref<1x1x80xi32, #tpu.memory_space<vmem>> -> memref<80xi32, #tpu.memory_space<vmem>>
        %dma_start3A_1086 = tpu.memref_slice %arg4[%add3A_1065] : memref<320000xi32, #tpu.memory_space<hbm>> -> memref<80xi32, #tpu.memory_space<hbm>>
        tpu.enqueue_dma source(%dma_start3A_1086 : memref<80xi32, #tpu.memory_space<hbm>>) target(%dma_start3A_1085 : memref<80xi32, #tpu.memory_space<vmem>>) target_semaphore(%arg10 : memref<!tpu.dma_semaphore, #tpu.memory_space<semaphore_mem>>)
      } else {
      }
      %dma_start3A_877 = arith.constant 0 : i32
      %dma_start3A_878 = arith.constant 0 : i32
      %dma_start3A_879 = arith.constant 0 : i32
      %dma_start3A_880 = arith.constant 0 : i32
      %dma_start3A_881 = tpu.memref_slice %arg9[%dma_start3A_878, %dma_start3A_879, %dma_start3A_880] : memref<4x80x128xf32, #tpu.memory_space<vmem>> -> memref<1x80x128xf32, #tpu.memory_space<vmem>>
      %dma_start3A_882 = tpu.memref_squeeze %dma_start3A_881 : memref<1x80x128xf32, #tpu.memory_space<vmem>> -> memref<80x128xf32, #tpu.memory_space<vmem>>
      %dma_start3A_883 = arith.constant 0 : i32
      %dma_start3A_884 = tpu.memref_slice %arg7[%select_n3A_319, %dma_start3A_877, %dma_start3A_883] : memref<2x4x80xi32, #tpu.memory_space<vmem>> -> memref<1x1x80xi32, #tpu.memory_space<vmem>>
      %dma_start3A_885 = tpu.memref_squeeze %dma_start3A_884 : memref<1x1x80xi32, #tpu.memory_space<vmem>> -> memref<80xi32, #tpu.memory_space<vmem>>
      %dma_start3A_886 = arith.constant 0 : i32
      %dma_start3A_887 = arith.constant 0 : i32
      %dma_start3A_888 = tpu.memref_slice %arg2[%dma_start3A_886, %dma_start3A_887] : memref<10000x128xf32, #tpu.memory_space<hbm>> -> memref<10000x128xf32, #tpu.memory_space<hbm>>
      tpu.enqueue_indirect_dma source(%dma_start3A_888 : memref<10000x128xf32, #tpu.memory_space<hbm>>) target(%dma_start3A_882 : memref<80x128xf32, #tpu.memory_space<vmem>>) offsets(%dma_start3A_885 : memref<80xi32, #tpu.memory_space<vmem>>) semaphore(%arg11 : memref<!tpu.dma_semaphore, #tpu.memory_space<semaphore_mem>>)
      %ge3A_889 = arith.constant 1 : i32
      %ge3A_890 = arith.cmpi sge, %scan3A_307, %ge3A_889 : i32
      %convert_element_type3A_891 = arith.extui %ge3A_890 : i1 to i32
      %cond3A_892 = arith.constant 0 : i32
      %cond3A_893 = arith.cmpi ne, %convert_element_type3A_891, %cond3A_892 : i32
      scf.if %cond3A_893 {
        %sub3A = arith.constant 1 : i32
        %sub3A_1057 = arith.subi %sub3A, %select_n3A_319 : i32
        %dma_wait3A_1058 = arith.constant 1 : i32
        %dma_wait3A_1059 = arith.constant 1 : i32
        %dma_wait3A_1060 = arith.constant 0 : i32
        %dma_wait3A_1061 = arith.constant 0 : i32
        %dma_wait3A_1062 = tpu.memref_slice %arg9[%dma_wait3A_1058, %dma_wait3A_1060, %dma_wait3A_1061] : memref<4x80x128xf32, #tpu.memory_space<vmem>> -> memref<1x80x128xf32, #tpu.memory_space<vmem>>
        %dma_wait3A_1063 = tpu.memref_squeeze %dma_wait3A_1062 : memref<1x80x128xf32, #tpu.memory_space<vmem>> -> memref<80x128xf32, #tpu.memory_space<vmem>>
        %dma_wait3A_1064 = arith.constant 0 : i32
        %dma_wait3A_1065 = tpu.memref_slice %arg8[%sub3A_1057, %dma_wait3A_1059, %dma_wait3A_1064] : memref<2x4x80xi32, #tpu.memory_space<vmem>> -> memref<1x1x80xi32, #tpu.memory_space<vmem>>
        %dma_wait3A_1066 = tpu.memref_squeeze %dma_wait3A_1065 : memref<1x1x80xi32, #tpu.memory_space<vmem>> -> memref<80xi32, #tpu.memory_space<vmem>>
        %dma_wait3A_1067 = arith.constant 0 : i32
        %dma_wait3A_1068 = arith.constant 0 : i32
        %dma_wait3A_1069 = tpu.memref_slice %arg19[%dma_wait3A_1067, %dma_wait3A_1068] : memref<10112x128xf32, #tpu.memory_space<vmem_shared>> -> memref<10112x128xf32, #tpu.memory_space<vmem_shared>>
        tpu.wait_indirect_dma semaphore(%arg16 : memref<!tpu.dma_semaphore, #tpu.memory_space<semaphore_mem>>) src(%dma_wait3A_1063 : memref<80x128xf32, #tpu.memory_space<vmem>>) dst(%dma_wait3A_1069 : memref<10112x128xf32, #tpu.memory_space<vmem_shared>>)
      } else {
      }
      %add3A_894 = arith.constant 1 : i32
      %add3A_895 = arith.addi %scan3A_307, %add3A_894 : i32
      %lt3A_896 = arith.constant 31 : i32
      %lt3A_897 = arith.cmpi slt, %add3A_895, %lt3A_896 : i32
      %convert_element_type3A_898 = arith.extui %lt3A_897 : i1 to i32
      %cond3A_899 = arith.constant 0 : i32
      %cond3A_900 = arith.cmpi ne, %convert_element_type3A_898, %cond3A_899 : i32
      scf.if %cond3A_900 {
        %add3A_1057 = arith.constant 1 : i32
        %add3A_1058 = arith.addi %scan3A_307, %add3A_1057 : i32
        %mul3A_1059 = arith.constant 4 : i32
        %mul3A_1060 = arith.muli %add3A_1058, %mul3A_1059 : i32
        %add3A_1061 = arith.constant 1 : i32
        %add3A_1062 = arith.addi %mul3A_1060, %add3A_1061 : i32
        %mul3A_1063 = arith.constant 80 : i32
        %mul3A_1064 = arith.muli %add3A_1062, %mul3A_1063 : i32
        %add3A_1065 = arith.addi %mul3A_4, %mul3A_1064 : i32
        %sub3A = arith.constant 1 : i32
        %sub3A_1066 = arith.subi %sub3A, %select_n3A_319 : i32
        %dma_start3A_1067 = arith.constant 1 : i32
        %dma_start3A_1068 = arith.constant 0 : i32
        %dma_start3A_1069 = tpu.memref_slice %arg7[%sub3A_1066, %dma_start3A_1067, %dma_start3A_1068] : memref<2x4x80xi32, #tpu.memory_space<vmem>> -> memref<1x1x80xi32, #tpu.memory_space<vmem>>
        %dma_start3A_1070 = tpu.memref_squeeze %dma_start3A_1069 : memref<1x1x80xi32, #tpu.memory_space<vmem>> -> memref<80xi32, #tpu.memory_space<vmem>>
        %dma_start3A_1071 = tpu.memref_slice %arg3[%add3A_1065] : memref<320000xi32, #tpu.memory_space<hbm>> -> memref<80xi32, #tpu.memory_space<hbm>>
        %dma_start3A_1072 = arith.constant 0 : i32
        %dma_start3A_1073 = tpu.memref_slice %arg7[%sub3A_1066, %dma_start3A_1067, %dma_start3A_1072] : memref<2x4x80xi32, #tpu.memory_space<vmem>> -> memref<1x1x80xi32, #tpu.memory_space<vmem>>
        %dma_start3A_1074 = tpu.memref_squeeze %dma_start3A_1073 : memref<1x1x80xi32, #tpu.memory_space<vmem>> -> memref<80xi32, #tpu.memory_space<vmem>>
        %dma_start3A_1075 = tpu.memref_slice %arg3[%add3A_1065] : memref<320000xi32, #tpu.memory_space<hbm>> -> memref<80xi32, #tpu.memory_space<hbm>>
        tpu.enqueue_dma source(%dma_start3A_1075 : memref<80xi32, #tpu.memory_space<hbm>>) target(%dma_start3A_1074 : memref<80xi32, #tpu.memory_space<vmem>>) target_semaphore(%arg10 : memref<!tpu.dma_semaphore, #tpu.memory_space<semaphore_mem>>)
        %sub3A_1076 = arith.constant 1 : i32
        %sub3A_1077 = arith.subi %sub3A_1076, %select_n3A_319 : i32
        %dma_start3A_1078 = arith.constant 1 : i32
        %dma_start3A_1079 = arith.constant 0 : i32
        %dma_start3A_1080 = tpu.memref_slice %arg8[%sub3A_1077, %dma_start3A_1078, %dma_start3A_1079] : memref<2x4x80xi32, #tpu.memory_space<vmem>> -> memref<1x1x80xi32, #tpu.memory_space<vmem>>
        %dma_start3A_1081 = tpu.memref_squeeze %dma_start3A_1080 : memref<1x1x80xi32, #tpu.memory_space<vmem>> -> memref<80xi32, #tpu.memory_space<vmem>>
        %dma_start3A_1082 = tpu.memref_slice %arg4[%add3A_1065] : memref<320000xi32, #tpu.memory_space<hbm>> -> memref<80xi32, #tpu.memory_space<hbm>>
        %dma_start3A_1083 = arith.constant 0 : i32
        %dma_start3A_1084 = tpu.memref_slice %arg8[%sub3A_1077, %dma_start3A_1078, %dma_start3A_1083] : memref<2x4x80xi32, #tpu.memory_space<vmem>> -> memref<1x1x80xi32, #tpu.memory_space<vmem>>
        %dma_start3A_1085 = tpu.memref_squeeze %dma_start3A_1084 : memref<1x1x80xi32, #tpu.memory_space<vmem>> -> memref<80xi32, #tpu.memory_space<vmem>>
        %dma_start3A_1086 = tpu.memref_slice %arg4[%add3A_1065] : memref<320000xi32, #tpu.memory_space<hbm>> -> memref<80xi32, #tpu.memory_space<hbm>>
        tpu.enqueue_dma source(%dma_start3A_1086 : memref<80xi32, #tpu.memory_space<hbm>>) target(%dma_start3A_1085 : memref<80xi32, #tpu.memory_space<vmem>>) target_semaphore(%arg10 : memref<!tpu.dma_semaphore, #tpu.memory_space<semaphore_mem>>)
      } else {
      }
      %dma_start3A_901 = arith.constant 1 : i32
      %dma_start3A_902 = arith.constant 1 : i32
      %dma_start3A_903 = arith.constant 0 : i32
      %dma_start3A_904 = arith.constant 0 : i32
      %dma_start3A_905 = tpu.memref_slice %arg9[%dma_start3A_902, %dma_start3A_903, %dma_start3A_904] : memref<4x80x128xf32, #tpu.memory_space<vmem>> -> memref<1x80x128xf32, #tpu.memory_space<vmem>>
      %dma_start3A_906 = tpu.memref_squeeze %dma_start3A_905 : memref<1x80x128xf32, #tpu.memory_space<vmem>> -> memref<80x128xf32, #tpu.memory_space<vmem>>
      %dma_start3A_907 = arith.constant 0 : i32
      %dma_start3A_908 = tpu.memref_slice %arg7[%select_n3A_319, %dma_start3A_901, %dma_start3A_907] : memref<2x4x80xi32, #tpu.memory_space<vmem>> -> memref<1x1x80xi32, #tpu.memory_space<vmem>>
      %dma_start3A_909 = tpu.memref_squeeze %dma_start3A_908 : memref<1x1x80xi32, #tpu.memory_space<vmem>> -> memref<80xi32, #tpu.memory_space<vmem>>
      %dma_start3A_910 = arith.constant 0 : i32
      %dma_start3A_911 = arith.constant 0 : i32
      %dma_start3A_912 = tpu.memref_slice %arg2[%dma_start3A_910, %dma_start3A_911] : memref<10000x128xf32, #tpu.memory_space<hbm>> -> memref<10000x128xf32, #tpu.memory_space<hbm>>
      tpu.enqueue_indirect_dma source(%dma_start3A_912 : memref<10000x128xf32, #tpu.memory_space<hbm>>) target(%dma_start3A_906 : memref<80x128xf32, #tpu.memory_space<vmem>>) offsets(%dma_start3A_909 : memref<80xi32, #tpu.memory_space<vmem>>) semaphore(%arg12 : memref<!tpu.dma_semaphore, #tpu.memory_space<semaphore_mem>>)
      %ge3A_913 = arith.constant 1 : i32
      %ge3A_914 = arith.cmpi sge, %scan3A_307, %ge3A_913 : i32
      %convert_element_type3A_915 = arith.extui %ge3A_914 : i1 to i32
      %cond3A_916 = arith.constant 0 : i32
      %cond3A_917 = arith.cmpi ne, %convert_element_type3A_915, %cond3A_916 : i32
      scf.if %cond3A_917 {
        %sub3A = arith.constant 1 : i32
        %sub3A_1057 = arith.subi %sub3A, %select_n3A_319 : i32
        %dma_wait3A_1058 = arith.constant 2 : i32
        %dma_wait3A_1059 = arith.constant 2 : i32
        %dma_wait3A_1060 = arith.constant 0 : i32
        %dma_wait3A_1061 = arith.constant 0 : i32
        %dma_wait3A_1062 = tpu.memref_slice %arg9[%dma_wait3A_1058, %dma_wait3A_1060, %dma_wait3A_1061] : memref<4x80x128xf32, #tpu.memory_space<vmem>> -> memref<1x80x128xf32, #tpu.memory_space<vmem>>
        %dma_wait3A_1063 = tpu.memref_squeeze %dma_wait3A_1062 : memref<1x80x128xf32, #tpu.memory_space<vmem>> -> memref<80x128xf32, #tpu.memory_space<vmem>>
        %dma_wait3A_1064 = arith.constant 0 : i32
        %dma_wait3A_1065 = tpu.memref_slice %arg8[%sub3A_1057, %dma_wait3A_1059, %dma_wait3A_1064] : memref<2x4x80xi32, #tpu.memory_space<vmem>> -> memref<1x1x80xi32, #tpu.memory_space<vmem>>
        %dma_wait3A_1066 = tpu.memref_squeeze %dma_wait3A_1065 : memref<1x1x80xi32, #tpu.memory_space<vmem>> -> memref<80xi32, #tpu.memory_space<vmem>>
        %dma_wait3A_1067 = arith.constant 0 : i32
        %dma_wait3A_1068 = arith.constant 0 : i32
        %dma_wait3A_1069 = tpu.memref_slice %arg19[%dma_wait3A_1067, %dma_wait3A_1068] : memref<10112x128xf32, #tpu.memory_space<vmem_shared>> -> memref<10112x128xf32, #tpu.memory_space<vmem_shared>>
        tpu.wait_indirect_dma semaphore(%arg17 : memref<!tpu.dma_semaphore, #tpu.memory_space<semaphore_mem>>) src(%dma_wait3A_1063 : memref<80x128xf32, #tpu.memory_space<vmem>>) dst(%dma_wait3A_1069 : memref<10112x128xf32, #tpu.memory_space<vmem_shared>>)
      } else {
      }
      %add3A_918 = arith.constant 1 : i32
      %add3A_919 = arith.addi %scan3A_307, %add3A_918 : i32
      %lt3A_920 = arith.constant 31 : i32
      %lt3A_921 = arith.cmpi slt, %add3A_919, %lt3A_920 : i32
      %convert_element_type3A_922 = arith.extui %lt3A_921 : i1 to i32
      %cond3A_923 = arith.constant 0 : i32
      %cond3A_924 = arith.cmpi ne, %convert_element_type3A_922, %cond3A_923 : i32
      scf.if %cond3A_924 {
        %add3A_1057 = arith.constant 1 : i32
        %add3A_1058 = arith.addi %scan3A_307, %add3A_1057 : i32
        %mul3A_1059 = arith.constant 4 : i32
        %mul3A_1060 = arith.muli %add3A_1058, %mul3A_1059 : i32
        %add3A_1061 = arith.constant 2 : i32
        %add3A_1062 = arith.addi %mul3A_1060, %add3A_1061 : i32
        %mul3A_1063 = arith.constant 80 : i32
        %mul3A_1064 = arith.muli %add3A_1062, %mul3A_1063 : i32
        %add3A_1065 = arith.addi %mul3A_4, %mul3A_1064 : i32
        %sub3A = arith.constant 1 : i32
        %sub3A_1066 = arith.subi %sub3A, %select_n3A_319 : i32
        %dma_start3A_1067 = arith.constant 2 : i32
        %dma_start3A_1068 = arith.constant 0 : i32
        %dma_start3A_1069 = tpu.memref_slice %arg7[%sub3A_1066, %dma_start3A_1067, %dma_start3A_1068] : memref<2x4x80xi32, #tpu.memory_space<vmem>> -> memref<1x1x80xi32, #tpu.memory_space<vmem>>
        %dma_start3A_1070 = tpu.memref_squeeze %dma_start3A_1069 : memref<1x1x80xi32, #tpu.memory_space<vmem>> -> memref<80xi32, #tpu.memory_space<vmem>>
        %dma_start3A_1071 = tpu.memref_slice %arg3[%add3A_1065] : memref<320000xi32, #tpu.memory_space<hbm>> -> memref<80xi32, #tpu.memory_space<hbm>>
        %dma_start3A_1072 = arith.constant 0 : i32
        %dma_start3A_1073 = tpu.memref_slice %arg7[%sub3A_1066, %dma_start3A_1067, %dma_start3A_1072] : memref<2x4x80xi32, #tpu.memory_space<vmem>> -> memref<1x1x80xi32, #tpu.memory_space<vmem>>
        %dma_start3A_1074 = tpu.memref_squeeze %dma_start3A_1073 : memref<1x1x80xi32, #tpu.memory_space<vmem>> -> memref<80xi32, #tpu.memory_space<vmem>>
        %dma_start3A_1075 = tpu.memref_slice %arg3[%add3A_1065] : memref<320000xi32, #tpu.memory_space<hbm>> -> memref<80xi32, #tpu.memory_space<hbm>>
        tpu.enqueue_dma source(%dma_start3A_1075 : memref<80xi32, #tpu.memory_space<hbm>>) target(%dma_start3A_1074 : memref<80xi32, #tpu.memory_space<vmem>>) target_semaphore(%arg10 : memref<!tpu.dma_semaphore, #tpu.memory_space<semaphore_mem>>)
        %sub3A_1076 = arith.constant 1 : i32
        %sub3A_1077 = arith.subi %sub3A_1076, %select_n3A_319 : i32
        %dma_start3A_1078 = arith.constant 2 : i32
        %dma_start3A_1079 = arith.constant 0 : i32
        %dma_start3A_1080 = tpu.memref_slice %arg8[%sub3A_1077, %dma_start3A_1078, %dma_start3A_1079] : memref<2x4x80xi32, #tpu.memory_space<vmem>> -> memref<1x1x80xi32, #tpu.memory_space<vmem>>
        %dma_start3A_1081 = tpu.memref_squeeze %dma_start3A_1080 : memref<1x1x80xi32, #tpu.memory_space<vmem>> -> memref<80xi32, #tpu.memory_space<vmem>>
        %dma_start3A_1082 = tpu.memref_slice %arg4[%add3A_1065] : memref<320000xi32, #tpu.memory_space<hbm>> -> memref<80xi32, #tpu.memory_space<hbm>>
        %dma_start3A_1083 = arith.constant 0 : i32
        %dma_start3A_1084 = tpu.memref_slice %arg8[%sub3A_1077, %dma_start3A_1078, %dma_start3A_1083] : memref<2x4x80xi32, #tpu.memory_space<vmem>> -> memref<1x1x80xi32, #tpu.memory_space<vmem>>
        %dma_start3A_1085 = tpu.memref_squeeze %dma_start3A_1084 : memref<1x1x80xi32, #tpu.memory_space<vmem>> -> memref<80xi32, #tpu.memory_space<vmem>>
        %dma_start3A_1086 = tpu.memref_slice %arg4[%add3A_1065] : memref<320000xi32, #tpu.memory_space<hbm>> -> memref<80xi32, #tpu.memory_space<hbm>>
        tpu.enqueue_dma source(%dma_start3A_1086 : memref<80xi32, #tpu.memory_space<hbm>>) target(%dma_start3A_1085 : memref<80xi32, #tpu.memory_space<vmem>>) target_semaphore(%arg10 : memref<!tpu.dma_semaphore, #tpu.memory_space<semaphore_mem>>)
      } else {
      }
      %dma_start3A_925 = arith.constant 2 : i32
      %dma_start3A_926 = arith.constant 2 : i32
      %dma_start3A_927 = arith.constant 0 : i32
      %dma_start3A_928 = arith.constant 0 : i32
      %dma_start3A_929 = tpu.memref_slice %arg9[%dma_start3A_926, %dma_start3A_927, %dma_start3A_928] : memref<4x80x128xf32, #tpu.memory_space<vmem>> -> memref<1x80x128xf32, #tpu.memory_space<vmem>>
      %dma_start3A_930 = tpu.memref_squeeze %dma_start3A_929 : memref<1x80x128xf32, #tpu.memory_space<vmem>> -> memref<80x128xf32, #tpu.memory_space<vmem>>
      %dma_start3A_931 = arith.constant 0 : i32
      %dma_start3A_932 = tpu.memref_slice %arg7[%select_n3A_319, %dma_start3A_925, %dma_start3A_931] : memref<2x4x80xi32, #tpu.memory_space<vmem>> -> memref<1x1x80xi32, #tpu.memory_space<vmem>>
      %dma_start3A_933 = tpu.memref_squeeze %dma_start3A_932 : memref<1x1x80xi32, #tpu.memory_space<vmem>> -> memref<80xi32, #tpu.memory_space<vmem>>
      %dma_start3A_934 = arith.constant 0 : i32
      %dma_start3A_935 = arith.constant 0 : i32
      %dma_start3A_936 = tpu.memref_slice %arg2[%dma_start3A_934, %dma_start3A_935] : memref<10000x128xf32, #tpu.memory_space<hbm>> -> memref<10000x128xf32, #tpu.memory_space<hbm>>
      tpu.enqueue_indirect_dma source(%dma_start3A_936 : memref<10000x128xf32, #tpu.memory_space<hbm>>) target(%dma_start3A_930 : memref<80x128xf32, #tpu.memory_space<vmem>>) offsets(%dma_start3A_933 : memref<80xi32, #tpu.memory_space<vmem>>) semaphore(%arg13 : memref<!tpu.dma_semaphore, #tpu.memory_space<semaphore_mem>>)
      %ge3A_937 = arith.constant 1 : i32
      %ge3A_938 = arith.cmpi sge, %scan3A_307, %ge3A_937 : i32
      %convert_element_type3A_939 = arith.extui %ge3A_938 : i1 to i32
      %cond3A_940 = arith.constant 0 : i32
      %cond3A_941 = arith.cmpi ne, %convert_element_type3A_939, %cond3A_940 : i32
      scf.if %cond3A_941 {
        %sub3A = arith.constant 1 : i32
        %sub3A_1057 = arith.subi %sub3A, %select_n3A_319 : i32
        %dma_wait3A_1058 = arith.constant 3 : i32
        %dma_wait3A_1059 = arith.constant 3 : i32
        %dma_wait3A_1060 = arith.constant 0 : i32
        %dma_wait3A_1061 = arith.constant 0 : i32
        %dma_wait3A_1062 = tpu.memref_slice %arg9[%dma_wait3A_1058, %dma_wait3A_1060, %dma_wait3A_1061] : memref<4x80x128xf32, #tpu.memory_space<vmem>> -> memref<1x80x128xf32, #tpu.memory_space<vmem>>
        %dma_wait3A_1063 = tpu.memref_squeeze %dma_wait3A_1062 : memref<1x80x128xf32, #tpu.memory_space<vmem>> -> memref<80x128xf32, #tpu.memory_space<vmem>>
        %dma_wait3A_1064 = arith.constant 0 : i32
        %dma_wait3A_1065 = tpu.memref_slice %arg8[%sub3A_1057, %dma_wait3A_1059, %dma_wait3A_1064] : memref<2x4x80xi32, #tpu.memory_space<vmem>> -> memref<1x1x80xi32, #tpu.memory_space<vmem>>
        %dma_wait3A_1066 = tpu.memref_squeeze %dma_wait3A_1065 : memref<1x1x80xi32, #tpu.memory_space<vmem>> -> memref<80xi32, #tpu.memory_space<vmem>>
        %dma_wait3A_1067 = arith.constant 0 : i32
        %dma_wait3A_1068 = arith.constant 0 : i32
        %dma_wait3A_1069 = tpu.memref_slice %arg19[%dma_wait3A_1067, %dma_wait3A_1068] : memref<10112x128xf32, #tpu.memory_space<vmem_shared>> -> memref<10112x128xf32, #tpu.memory_space<vmem_shared>>
        tpu.wait_indirect_dma semaphore(%arg18 : memref<!tpu.dma_semaphore, #tpu.memory_space<semaphore_mem>>) src(%dma_wait3A_1063 : memref<80x128xf32, #tpu.memory_space<vmem>>) dst(%dma_wait3A_1069 : memref<10112x128xf32, #tpu.memory_space<vmem_shared>>)
      } else {
      }
      %add3A_942 = arith.constant 1 : i32
      %add3A_943 = arith.addi %scan3A_307, %add3A_942 : i32
      %lt3A_944 = arith.constant 31 : i32
      %lt3A_945 = arith.cmpi slt, %add3A_943, %lt3A_944 : i32
      %convert_element_type3A_946 = arith.extui %lt3A_945 : i1 to i32
      %cond3A_947 = arith.constant 0 : i32
      %cond3A_948 = arith.cmpi ne, %convert_element_type3A_946, %cond3A_947 : i32
      scf.if %cond3A_948 {
        %add3A_1057 = arith.constant 1 : i32
        %add3A_1058 = arith.addi %scan3A_307, %add3A_1057 : i32
        %mul3A_1059 = arith.constant 4 : i32
        %mul3A_1060 = arith.muli %add3A_1058, %mul3A_1059 : i32
        %add3A_1061 = arith.constant 3 : i32
        %add3A_1062 = arith.addi %mul3A_1060, %add3A_1061 : i32
        %mul3A_1063 = arith.constant 80 : i32
        %mul3A_1064 = arith.muli %add3A_1062, %mul3A_1063 : i32
        %add3A_1065 = arith.addi %mul3A_4, %mul3A_1064 : i32
        %sub3A = arith.constant 1 : i32
        %sub3A_1066 = arith.subi %sub3A, %select_n3A_319 : i32
        %dma_start3A_1067 = arith.constant 3 : i32
        %dma_start3A_1068 = arith.constant 0 : i32
        %dma_start3A_1069 = tpu.memref_slice %arg7[%sub3A_1066, %dma_start3A_1067, %dma_start3A_1068] : memref<2x4x80xi32, #tpu.memory_space<vmem>> -> memref<1x1x80xi32, #tpu.memory_space<vmem>>
        %dma_start3A_1070 = tpu.memref_squeeze %dma_start3A_1069 : memref<1x1x80xi32, #tpu.memory_space<vmem>> -> memref<80xi32, #tpu.memory_space<vmem>>
        %dma_start3A_1071 = tpu.memref_slice %arg3[%add3A_1065] : memref<320000xi32, #tpu.memory_space<hbm>> -> memref<80xi32, #tpu.memory_space<hbm>>
        %dma_start3A_1072 = arith.constant 0 : i32
        %dma_start3A_1073 = tpu.memref_slice %arg7[%sub3A_1066, %dma_start3A_1067, %dma_start3A_1072] : memref<2x4x80xi32, #tpu.memory_space<vmem>> -> memref<1x1x80xi32, #tpu.memory_space<vmem>>
        %dma_start3A_1074 = tpu.memref_squeeze %dma_start3A_1073 : memref<1x1x80xi32, #tpu.memory_space<vmem>> -> memref<80xi32, #tpu.memory_space<vmem>>
        %dma_start3A_1075 = tpu.memref_slice %arg3[%add3A_1065] : memref<320000xi32, #tpu.memory_space<hbm>> -> memref<80xi32, #tpu.memory_space<hbm>>
        tpu.enqueue_dma source(%dma_start3A_1075 : memref<80xi32, #tpu.memory_space<hbm>>) target(%dma_start3A_1074 : memref<80xi32, #tpu.memory_space<vmem>>) target_semaphore(%arg10 : memref<!tpu.dma_semaphore, #tpu.memory_space<semaphore_mem>>)
        %sub3A_1076 = arith.constant 1 : i32
        %sub3A_1077 = arith.subi %sub3A_1076, %select_n3A_319 : i32
        %dma_start3A_1078 = arith.constant 3 : i32
        %dma_start3A_1079 = arith.constant 0 : i32
        %dma_start3A_1080 = tpu.memref_slice %arg8[%sub3A_1077, %dma_start3A_1078, %dma_start3A_1079] : memref<2x4x80xi32, #tpu.memory_space<vmem>> -> memref<1x1x80xi32, #tpu.memory_space<vmem>>
        %dma_start3A_1081 = tpu.memref_squeeze %dma_start3A_1080 : memref<1x1x80xi32, #tpu.memory_space<vmem>> -> memref<80xi32, #tpu.memory_space<vmem>>
        %dma_start3A_1082 = tpu.memref_slice %arg4[%add3A_1065] : memref<320000xi32, #tpu.memory_space<hbm>> -> memref<80xi32, #tpu.memory_space<hbm>>
        %dma_start3A_1083 = arith.constant 0 : i32
        %dma_start3A_1084 = tpu.memref_slice %arg8[%sub3A_1077, %dma_start3A_1078, %dma_start3A_1083] : memref<2x4x80xi32, #tpu.memory_space<vmem>> -> memref<1x1x80xi32, #tpu.memory_space<vmem>>
        %dma_start3A_1085 = tpu.memref_squeeze %dma_start3A_1084 : memref<1x1x80xi32, #tpu.memory_space<vmem>> -> memref<80xi32, #tpu.memory_space<vmem>>
        %dma_start3A_1086 = tpu.memref_slice %arg4[%add3A_1065] : memref<320000xi32, #tpu.memory_space<hbm>> -> memref<80xi32, #tpu.memory_space<hbm>>
        tpu.enqueue_dma source(%dma_start3A_1086 : memref<80xi32, #tpu.memory_space<hbm>>) target(%dma_start3A_1085 : memref<80xi32, #tpu.memory_space<vmem>>) target_semaphore(%arg10 : memref<!tpu.dma_semaphore, #tpu.memory_space<semaphore_mem>>)
      } else {
      }
      %dma_start3A_949 = arith.constant 3 : i32
      %dma_start3A_950 = arith.constant 3 : i32
      %dma_start3A_951 = arith.constant 0 : i32
      %dma_start3A_952 = arith.constant 0 : i32
      %dma_start3A_953 = tpu.memref_slice %arg9[%dma_start3A_950, %dma_start3A_951, %dma_start3A_952] : memref<4x80x128xf32, #tpu.memory_space<vmem>> -> memref<1x80x128xf32, #tpu.memory_space<vmem>>
      %dma_start3A_954 = tpu.memref_squeeze %dma_start3A_953 : memref<1x80x128xf32, #tpu.memory_space<vmem>> -> memref<80x128xf32, #tpu.memory_space<vmem>>
      %dma_start3A_955 = arith.constant 0 : i32
      %dma_start3A_956 = tpu.memref_slice %arg7[%select_n3A_319, %dma_start3A_949, %dma_start3A_955] : memref<2x4x80xi32, #tpu.memory_space<vmem>> -> memref<1x1x80xi32, #tpu.memory_space<vmem>>
      %dma_start3A_957 = tpu.memref_squeeze %dma_start3A_956 : memref<1x1x80xi32, #tpu.memory_space<vmem>> -> memref<80xi32, #tpu.memory_space<vmem>>
      %dma_start3A_958 = arith.constant 0 : i32
      %dma_start3A_959 = arith.constant 0 : i32
      %dma_start3A_960 = tpu.memref_slice %arg2[%dma_start3A_958, %dma_start3A_959] : memref<10000x128xf32, #tpu.memory_space<hbm>> -> memref<10000x128xf32, #tpu.memory_space<hbm>>
      tpu.enqueue_indirect_dma source(%dma_start3A_960 : memref<10000x128xf32, #tpu.memory_space<hbm>>) target(%dma_start3A_954 : memref<80x128xf32, #tpu.memory_space<vmem>>) offsets(%dma_start3A_957 : memref<80xi32, #tpu.memory_space<vmem>>) semaphore(%arg14 : memref<!tpu.dma_semaphore, #tpu.memory_space<semaphore_mem>>)
      %dma_wait3A_961 = arith.constant 0 : i32
      %dma_wait3A_962 = arith.constant 0 : i32
      %dma_wait3A_963 = arith.constant 0 : i32
      %dma_wait3A_964 = arith.constant 0 : i32
      %dma_wait3A_965 = tpu.memref_slice %arg9[%dma_wait3A_962, %dma_wait3A_963, %dma_wait3A_964] : memref<4x80x128xf32, #tpu.memory_space<vmem>> -> memref<1x80x128xf32, #tpu.memory_space<vmem>>
      %dma_wait3A_966 = tpu.memref_squeeze %dma_wait3A_965 : memref<1x80x128xf32, #tpu.memory_space<vmem>> -> memref<80x128xf32, #tpu.memory_space<vmem>>
      %dma_wait3A_967 = arith.constant 0 : i32
      %dma_wait3A_968 = tpu.memref_slice %arg7[%select_n3A_319, %dma_wait3A_961, %dma_wait3A_967] : memref<2x4x80xi32, #tpu.memory_space<vmem>> -> memref<1x1x80xi32, #tpu.memory_space<vmem>>
      %dma_wait3A_969 = tpu.memref_squeeze %dma_wait3A_968 : memref<1x1x80xi32, #tpu.memory_space<vmem>> -> memref<80xi32, #tpu.memory_space<vmem>>
      %dma_wait3A_970 = arith.constant 0 : i32
      %dma_wait3A_971 = arith.constant 0 : i32
      %dma_wait3A_972 = tpu.memref_slice %arg2[%dma_wait3A_970, %dma_wait3A_971] : memref<10000x128xf32, #tpu.memory_space<hbm>> -> memref<10000x128xf32, #tpu.memory_space<hbm>>
      tpu.wait_indirect_dma semaphore(%arg11 : memref<!tpu.dma_semaphore, #tpu.memory_space<semaphore_mem>>) src(%dma_wait3A_972 : memref<10000x128xf32, #tpu.memory_space<hbm>>) dst(%dma_wait3A_966 : memref<80x128xf32, #tpu.memory_space<vmem>>)
      %dma_start3A_973 = arith.constant 0 : i32
      %dma_start3A_974 = arith.constant 0 : i32
      %dma_start3A_975 = arith.constant 0 : i32
      %dma_start3A_976 = arith.constant 0 : i32
      %dma_start3A_977 = tpu.memref_slice %arg9[%dma_start3A_973, %dma_start3A_975, %dma_start3A_976] : memref<4x80x128xf32, #tpu.memory_space<vmem>> -> memref<1x80x128xf32, #tpu.memory_space<vmem>>
      %dma_start3A_978 = tpu.memref_squeeze %dma_start3A_977 : memref<1x80x128xf32, #tpu.memory_space<vmem>> -> memref<80x128xf32, #tpu.memory_space<vmem>>
      %dma_start3A_979 = arith.constant 0 : i32
      %dma_start3A_980 = tpu.memref_slice %arg8[%select_n3A_319, %dma_start3A_974, %dma_start3A_979] : memref<2x4x80xi32, #tpu.memory_space<vmem>> -> memref<1x1x80xi32, #tpu.memory_space<vmem>>
      %dma_start3A_981 = tpu.memref_squeeze %dma_start3A_980 : memref<1x1x80xi32, #tpu.memory_space<vmem>> -> memref<80xi32, #tpu.memory_space<vmem>>
      %dma_start3A_982 = arith.constant 0 : i32
      %dma_start3A_983 = arith.constant 0 : i32
      %dma_start3A_984 = tpu.memref_slice %arg19[%dma_start3A_982, %dma_start3A_983] : memref<10112x128xf32, #tpu.memory_space<vmem_shared>> -> memref<10112x128xf32, #tpu.memory_space<vmem_shared>>
      tpu.enqueue_indirect_dma source(%dma_start3A_978 : memref<80x128xf32, #tpu.memory_space<vmem>>) target(%dma_start3A_984 : memref<10112x128xf32, #tpu.memory_space<vmem_shared>>) offsets(%dma_start3A_981 : memref<80xi32, #tpu.memory_space<vmem>>) semaphore(%arg15 : memref<!tpu.dma_semaphore, #tpu.memory_space<semaphore_mem>>) {add = true}
      %dma_wait3A_985 = arith.constant 1 : i32
      %dma_wait3A_986 = arith.constant 1 : i32
      %dma_wait3A_987 = arith.constant 0 : i32
      %dma_wait3A_988 = arith.constant 0 : i32
      %dma_wait3A_989 = tpu.memref_slice %arg9[%dma_wait3A_986, %dma_wait3A_987, %dma_wait3A_988] : memref<4x80x128xf32, #tpu.memory_space<vmem>> -> memref<1x80x128xf32, #tpu.memory_space<vmem>>
      %dma_wait3A_990 = tpu.memref_squeeze %dma_wait3A_989 : memref<1x80x128xf32, #tpu.memory_space<vmem>> -> memref<80x128xf32, #tpu.memory_space<vmem>>
      %dma_wait3A_991 = arith.constant 0 : i32
      %dma_wait3A_992 = tpu.memref_slice %arg7[%select_n3A_319, %dma_wait3A_985, %dma_wait3A_991] : memref<2x4x80xi32, #tpu.memory_space<vmem>> -> memref<1x1x80xi32, #tpu.memory_space<vmem>>
      %dma_wait3A_993 = tpu.memref_squeeze %dma_wait3A_992 : memref<1x1x80xi32, #tpu.memory_space<vmem>> -> memref<80xi32, #tpu.memory_space<vmem>>
      %dma_wait3A_994 = arith.constant 0 : i32
      %dma_wait3A_995 = arith.constant 0 : i32
      %dma_wait3A_996 = tpu.memref_slice %arg2[%dma_wait3A_994, %dma_wait3A_995] : memref<10000x128xf32, #tpu.memory_space<hbm>> -> memref<10000x128xf32, #tpu.memory_space<hbm>>
      tpu.wait_indirect_dma semaphore(%arg12 : memref<!tpu.dma_semaphore, #tpu.memory_space<semaphore_mem>>) src(%dma_wait3A_996 : memref<10000x128xf32, #tpu.memory_space<hbm>>) dst(%dma_wait3A_990 : memref<80x128xf32, #tpu.memory_space<vmem>>)
      %dma_start3A_997 = arith.constant 1 : i32
      %dma_start3A_998 = arith.constant 1 : i32
      %dma_start3A_999 = arith.constant 0 : i32
      %dma_start3A_1000 = arith.constant 0 : i32
      %dma_start3A_1001 = tpu.memref_slice %arg9[%dma_start3A_997, %dma_start3A_999, %dma_start3A_1000] : memref<4x80x128xf32, #tpu.memory_space<vmem>> -> memref<1x80x128xf32, #tpu.memory_space<vmem>>
      %dma_start3A_1002 = tpu.memref_squeeze %dma_start3A_1001 : memref<1x80x128xf32, #tpu.memory_space<vmem>> -> memref<80x128xf32, #tpu.memory_space<vmem>>
      %dma_start3A_1003 = arith.constant 0 : i32
      %dma_start3A_1004 = tpu.memref_slice %arg8[%select_n3A_319, %dma_start3A_998, %dma_start3A_1003] : memref<2x4x80xi32, #tpu.memory_space<vmem>> -> memref<1x1x80xi32, #tpu.memory_space<vmem>>
      %dma_start3A_1005 = tpu.memref_squeeze %dma_start3A_1004 : memref<1x1x80xi32, #tpu.memory_space<vmem>> -> memref<80xi32, #tpu.memory_space<vmem>>
      %dma_start3A_1006 = arith.constant 0 : i32
      %dma_start3A_1007 = arith.constant 0 : i32
      %dma_start3A_1008 = tpu.memref_slice %arg19[%dma_start3A_1006, %dma_start3A_1007] : memref<10112x128xf32, #tpu.memory_space<vmem_shared>> -> memref<10112x128xf32, #tpu.memory_space<vmem_shared>>
      tpu.enqueue_indirect_dma source(%dma_start3A_1002 : memref<80x128xf32, #tpu.memory_space<vmem>>) target(%dma_start3A_1008 : memref<10112x128xf32, #tpu.memory_space<vmem_shared>>) offsets(%dma_start3A_1005 : memref<80xi32, #tpu.memory_space<vmem>>) semaphore(%arg16 : memref<!tpu.dma_semaphore, #tpu.memory_space<semaphore_mem>>) {add = true}
      %dma_wait3A_1009 = arith.constant 2 : i32
      %dma_wait3A_1010 = arith.constant 2 : i32
      %dma_wait3A_1011 = arith.constant 0 : i32
      %dma_wait3A_1012 = arith.constant 0 : i32
      %dma_wait3A_1013 = tpu.memref_slice %arg9[%dma_wait3A_1010, %dma_wait3A_1011, %dma_wait3A_1012] : memref<4x80x128xf32, #tpu.memory_space<vmem>> -> memref<1x80x128xf32, #tpu.memory_space<vmem>>
      %dma_wait3A_1014 = tpu.memref_squeeze %dma_wait3A_1013 : memref<1x80x128xf32, #tpu.memory_space<vmem>> -> memref<80x128xf32, #tpu.memory_space<vmem>>
      %dma_wait3A_1015 = arith.constant 0 : i32
      %dma_wait3A_1016 = tpu.memref_slice %arg7[%select_n3A_319, %dma_wait3A_1009, %dma_wait3A_1015] : memref<2x4x80xi32, #tpu.memory_space<vmem>> -> memref<1x1x80xi32, #tpu.memory_space<vmem>>
      %dma_wait3A_1017 = tpu.memref_squeeze %dma_wait3A_1016 : memref<1x1x80xi32, #tpu.memory_space<vmem>> -> memref<80xi32, #tpu.memory_space<vmem>>
      %dma_wait3A_1018 = arith.constant 0 : i32
      %dma_wait3A_1019 = arith.constant 0 : i32
      %dma_wait3A_1020 = tpu.memref_slice %arg2[%dma_wait3A_1018, %dma_wait3A_1019] : memref<10000x128xf32, #tpu.memory_space<hbm>> -> memref<10000x128xf32, #tpu.memory_space<hbm>>
      tpu.wait_indirect_dma semaphore(%arg13 : memref<!tpu.dma_semaphore, #tpu.memory_space<semaphore_mem>>) src(%dma_wait3A_1020 : memref<10000x128xf32, #tpu.memory_space<hbm>>) dst(%dma_wait3A_1014 : memref<80x128xf32, #tpu.memory_space<vmem>>)
      %dma_start3A_1021 = arith.constant 2 : i32
      %dma_start3A_1022 = arith.constant 2 : i32
      %dma_start3A_1023 = arith.constant 0 : i32
      %dma_start3A_1024 = arith.constant 0 : i32
      %dma_start3A_1025 = tpu.memref_slice %arg9[%dma_start3A_1021, %dma_start3A_1023, %dma_start3A_1024] : memref<4x80x128xf32, #tpu.memory_space<vmem>> -> memref<1x80x128xf32, #tpu.memory_space<vmem>>
      %dma_start3A_1026 = tpu.memref_squeeze %dma_start3A_1025 : memref<1x80x128xf32, #tpu.memory_space<vmem>> -> memref<80x128xf32, #tpu.memory_space<vmem>>
      %dma_start3A_1027 = arith.constant 0 : i32
      %dma_start3A_1028 = tpu.memref_slice %arg8[%select_n3A_319, %dma_start3A_1022, %dma_start3A_1027] : memref<2x4x80xi32, #tpu.memory_space<vmem>> -> memref<1x1x80xi32, #tpu.memory_space<vmem>>
      %dma_start3A_1029 = tpu.memref_squeeze %dma_start3A_1028 : memref<1x1x80xi32, #tpu.memory_space<vmem>> -> memref<80xi32, #tpu.memory_space<vmem>>
      %dma_start3A_1030 = arith.constant 0 : i32
      %dma_start3A_1031 = arith.constant 0 : i32
      %dma_start3A_1032 = tpu.memref_slice %arg19[%dma_start3A_1030, %dma_start3A_1031] : memref<10112x128xf32, #tpu.memory_space<vmem_shared>> -> memref<10112x128xf32, #tpu.memory_space<vmem_shared>>
      tpu.enqueue_indirect_dma source(%dma_start3A_1026 : memref<80x128xf32, #tpu.memory_space<vmem>>) target(%dma_start3A_1032 : memref<10112x128xf32, #tpu.memory_space<vmem_shared>>) offsets(%dma_start3A_1029 : memref<80xi32, #tpu.memory_space<vmem>>) semaphore(%arg17 : memref<!tpu.dma_semaphore, #tpu.memory_space<semaphore_mem>>) {add = true}
      %dma_wait3A_1033 = arith.constant 3 : i32
      %dma_wait3A_1034 = arith.constant 3 : i32
      %dma_wait3A_1035 = arith.constant 0 : i32
      %dma_wait3A_1036 = arith.constant 0 : i32
      %dma_wait3A_1037 = tpu.memref_slice %arg9[%dma_wait3A_1034, %dma_wait3A_1035, %dma_wait3A_1036] : memref<4x80x128xf32, #tpu.memory_space<vmem>> -> memref<1x80x128xf32, #tpu.memory_space<vmem>>
      %dma_wait3A_1038 = tpu.memref_squeeze %dma_wait3A_1037 : memref<1x80x128xf32, #tpu.memory_space<vmem>> -> memref<80x128xf32, #tpu.memory_space<vmem>>
      %dma_wait3A_1039 = arith.constant 0 : i32
      %dma_wait3A_1040 = tpu.memref_slice %arg7[%select_n3A_319, %dma_wait3A_1033, %dma_wait3A_1039] : memref<2x4x80xi32, #tpu.memory_space<vmem>> -> memref<1x1x80xi32, #tpu.memory_space<vmem>>
      %dma_wait3A_1041 = tpu.memref_squeeze %dma_wait3A_1040 : memref<1x1x80xi32, #tpu.memory_space<vmem>> -> memref<80xi32, #tpu.memory_space<vmem>>
      %dma_wait3A_1042 = arith.constant 0 : i32
      %dma_wait3A_1043 = arith.constant 0 : i32
      %dma_wait3A_1044 = tpu.memref_slice %arg2[%dma_wait3A_1042, %dma_wait3A_1043] : memref<10000x128xf32, #tpu.memory_space<hbm>> -> memref<10000x128xf32, #tpu.memory_space<hbm>>
      tpu.wait_indirect_dma semaphore(%arg14 : memref<!tpu.dma_semaphore, #tpu.memory_space<semaphore_mem>>) src(%dma_wait3A_1044 : memref<10000x128xf32, #tpu.memory_space<hbm>>) dst(%dma_wait3A_1038 : memref<80x128xf32, #tpu.memory_space<vmem>>)
      %dma_start3A_1045 = arith.constant 3 : i32
      %dma_start3A_1046 = arith.constant 3 : i32
      %dma_start3A_1047 = arith.constant 0 : i32
      %dma_start3A_1048 = arith.constant 0 : i32
      %dma_start3A_1049 = tpu.memref_slice %arg9[%dma_start3A_1045, %dma_start3A_1047, %dma_start3A_1048] : memref<4x80x128xf32, #tpu.memory_space<vmem>> -> memref<1x80x128xf32, #tpu.memory_space<vmem>>
      %dma_start3A_1050 = tpu.memref_squeeze %dma_start3A_1049 : memref<1x80x128xf32, #tpu.memory_space<vmem>> -> memref<80x128xf32, #tpu.memory_space<vmem>>
      %dma_start3A_1051 = arith.constant 0 : i32
      %dma_start3A_1052 = tpu.memref_slice %arg8[%select_n3A_319, %dma_start3A_1046, %dma_start3A_1051] : memref<2x4x80xi32, #tpu.memory_space<vmem>> -> memref<1x1x80xi32, #tpu.memory_space<vmem>>
      %dma_start3A_1053 = tpu.memref_squeeze %dma_start3A_1052 : memref<1x1x80xi32, #tpu.memory_space<vmem>> -> memref<80xi32, #tpu.memory_space<vmem>>
      %dma_start3A_1054 = arith.constant 0 : i32
      %dma_start3A_1055 = arith.constant 0 : i32
      %dma_start3A_1056 = tpu.memref_slice %arg19[%dma_start3A_1054, %dma_start3A_1055] : memref<10112x128xf32, #tpu.memory_space<vmem_shared>> -> memref<10112x128xf32, #tpu.memory_space<vmem_shared>>
      tpu.enqueue_indirect_dma source(%dma_start3A_1050 : memref<80x128xf32, #tpu.memory_space<vmem>>) target(%dma_start3A_1056 : memref<10112x128xf32, #tpu.memory_space<vmem_shared>>) offsets(%dma_start3A_1053 : memref<80xi32, #tpu.memory_space<vmem>>) semaphore(%arg18 : memref<!tpu.dma_semaphore, #tpu.memory_space<semaphore_mem>>) {add = true}
    }
    %scan3A_96 = arith.constant 31 : i32
    %dma_wait3A = arith.constant 0 : i32
    %dma_wait3A_97 = arith.constant 0 : i32
    %dma_wait3A_98 = arith.constant 0 : i32
    %dma_wait3A_99 = arith.constant 0 : i32
    %dma_wait3A_100 = arith.constant 0 : i32
    %dma_wait3A_101 = tpu.memref_slice %arg9[%dma_wait3A, %dma_wait3A_99, %dma_wait3A_100] : memref<4x80x128xf32, #tpu.memory_space<vmem>> -> memref<1x80x128xf32, #tpu.memory_space<vmem>>
    %dma_wait3A_102 = tpu.memref_squeeze %dma_wait3A_101 : memref<1x80x128xf32, #tpu.memory_space<vmem>> -> memref<80x128xf32, #tpu.memory_space<vmem>>
    %dma_wait3A_103 = arith.constant 0 : i32
    %dma_wait3A_104 = tpu.memref_slice %arg8[%dma_wait3A_97, %dma_wait3A_98, %dma_wait3A_103] : memref<2x4x80xi32, #tpu.memory_space<vmem>> -> memref<1x1x80xi32, #tpu.memory_space<vmem>>
    %dma_wait3A_105 = tpu.memref_squeeze %dma_wait3A_104 : memref<1x1x80xi32, #tpu.memory_space<vmem>> -> memref<80xi32, #tpu.memory_space<vmem>>
    %dma_wait3A_106 = arith.constant 0 : i32
    %dma_wait3A_107 = arith.constant 0 : i32
    %dma_wait3A_108 = tpu.memref_slice %arg19[%dma_wait3A_106, %dma_wait3A_107] : memref<10112x128xf32, #tpu.memory_space<vmem_shared>> -> memref<10112x128xf32, #tpu.memory_space<vmem_shared>>
    tpu.wait_indirect_dma semaphore(%arg15 : memref<!tpu.dma_semaphore, #tpu.memory_space<semaphore_mem>>) src(%dma_wait3A_102 : memref<80x128xf32, #tpu.memory_space<vmem>>) dst(%dma_wait3A_108 : memref<10112x128xf32, #tpu.memory_space<vmem_shared>>)
    %dma_wait3A_109 = arith.constant 1 : i32
    %dma_wait3A_110 = arith.constant 0 : i32
    %dma_wait3A_111 = arith.constant 1 : i32
    %dma_wait3A_112 = arith.constant 0 : i32
    %dma_wait3A_113 = arith.constant 0 : i32
    %dma_wait3A_114 = tpu.memref_slice %arg9[%dma_wait3A_109, %dma_wait3A_112, %dma_wait3A_113] : memref<4x80x128xf32, #tpu.memory_space<vmem>> -> memref<1x80x128xf32, #tpu.memory_space<vmem>>
    %dma_wait3A_115 = tpu.memref_squeeze %dma_wait3A_114 : memref<1x80x128xf32, #tpu.memory_space<vmem>> -> memref<80x128xf32, #tpu.memory_space<vmem>>
    %dma_wait3A_116 = arith.constant 0 : i32
    %dma_wait3A_117 = tpu.memref_slice %arg8[%dma_wait3A_110, %dma_wait3A_111, %dma_wait3A_116] : memref<2x4x80xi32, #tpu.memory_space<vmem>> -> memref<1x1x80xi32, #tpu.memory_space<vmem>>
    %dma_wait3A_118 = tpu.memref_squeeze %dma_wait3A_117 : memref<1x1x80xi32, #tpu.memory_space<vmem>> -> memref<80xi32, #tpu.memory_space<vmem>>
    %dma_wait3A_119 = arith.constant 0 : i32
    %dma_wait3A_120 = arith.constant 0 : i32
    %dma_wait3A_121 = tpu.memref_slice %arg19[%dma_wait3A_119, %dma_wait3A_120] : memref<10112x128xf32, #tpu.memory_space<vmem_shared>> -> memref<10112x128xf32, #tpu.memory_space<vmem_shared>>
    tpu.wait_indirect_dma semaphore(%arg16 : memref<!tpu.dma_semaphore, #tpu.memory_space<semaphore_mem>>) src(%dma_wait3A_115 : memref<80x128xf32, #tpu.memory_space<vmem>>) dst(%dma_wait3A_121 : memref<10112x128xf32, #tpu.memory_space<vmem_shared>>)
    %dma_wait3A_122 = arith.constant 2 : i32
    %dma_wait3A_123 = arith.constant 0 : i32
    %dma_wait3A_124 = arith.constant 2 : i32
    %dma_wait3A_125 = arith.constant 0 : i32
    %dma_wait3A_126 = arith.constant 0 : i32
    %dma_wait3A_127 = tpu.memref_slice %arg9[%dma_wait3A_122, %dma_wait3A_125, %dma_wait3A_126] : memref<4x80x128xf32, #tpu.memory_space<vmem>> -> memref<1x80x128xf32, #tpu.memory_space<vmem>>
    %dma_wait3A_128 = tpu.memref_squeeze %dma_wait3A_127 : memref<1x80x128xf32, #tpu.memory_space<vmem>> -> memref<80x128xf32, #tpu.memory_space<vmem>>
    %dma_wait3A_129 = arith.constant 0 : i32
    %dma_wait3A_130 = tpu.memref_slice %arg8[%dma_wait3A_123, %dma_wait3A_124, %dma_wait3A_129] : memref<2x4x80xi32, #tpu.memory_space<vmem>> -> memref<1x1x80xi32, #tpu.memory_space<vmem>>
    %dma_wait3A_131 = tpu.memref_squeeze %dma_wait3A_130 : memref<1x1x80xi32, #tpu.memory_space<vmem>> -> memref<80xi32, #tpu.memory_space<vmem>>
    %dma_wait3A_132 = arith.constant 0 : i32
    %dma_wait3A_133 = arith.constant 0 : i32
    %dma_wait3A_134 = tpu.memref_slice %arg19[%dma_wait3A_132, %dma_wait3A_133] : memref<10112x128xf32, #tpu.memory_space<vmem_shared>> -> memref<10112x128xf32, #tpu.memory_space<vmem_shared>>
    tpu.wait_indirect_dma semaphore(%arg17 : memref<!tpu.dma_semaphore, #tpu.memory_space<semaphore_mem>>) src(%dma_wait3A_128 : memref<80x128xf32, #tpu.memory_space<vmem>>) dst(%dma_wait3A_134 : memref<10112x128xf32, #tpu.memory_space<vmem_shared>>)
    %dma_wait3A_135 = arith.constant 3 : i32
    %dma_wait3A_136 = arith.constant 0 : i32
    %dma_wait3A_137 = arith.constant 3 : i32
    %dma_wait3A_138 = arith.constant 0 : i32
    %dma_wait3A_139 = arith.constant 0 : i32
    %dma_wait3A_140 = tpu.memref_slice %arg9[%dma_wait3A_135, %dma_wait3A_138, %dma_wait3A_139] : memref<4x80x128xf32, #tpu.memory_space<vmem>> -> memref<1x80x128xf32, #tpu.memory_space<vmem>>
    %dma_wait3A_141 = tpu.memref_squeeze %dma_wait3A_140 : memref<1x80x128xf32, #tpu.memory_space<vmem>> -> memref<80x128xf32, #tpu.memory_space<vmem>>
    %dma_wait3A_142 = arith.constant 0 : i32
    %dma_wait3A_143 = tpu.memref_slice %arg8[%dma_wait3A_136, %dma_wait3A_137, %dma_wait3A_142] : memref<2x4x80xi32, #tpu.memory_space<vmem>> -> memref<1x1x80xi32, #tpu.memory_space<vmem>>
    %dma_wait3A_144 = tpu.memref_squeeze %dma_wait3A_143 : memref<1x1x80xi32, #tpu.memory_space<vmem>> -> memref<80xi32, #tpu.memory_space<vmem>>
    %dma_wait3A_145 = arith.constant 0 : i32
    %dma_wait3A_146 = arith.constant 0 : i32
    %dma_wait3A_147 = tpu.memref_slice %arg19[%dma_wait3A_145, %dma_wait3A_146] : memref<10112x128xf32, #tpu.memory_space<vmem_shared>> -> memref<10112x128xf32, #tpu.memory_space<vmem_shared>>
    tpu.wait_indirect_dma semaphore(%arg18 : memref<!tpu.dma_semaphore, #tpu.memory_space<semaphore_mem>>) src(%dma_wait3A_141 : memref<80x128xf32, #tpu.memory_space<vmem>>) dst(%dma_wait3A_147 : memref<10112x128xf32, #tpu.memory_space<vmem_shared>>)
    %add3A_148 = arith.constant 9920 : i32
    %add3A_149 = arith.addi %mul3A_4, %add3A_148 : i32
    %run_scoped3A = arith.constant 0 : i32
    %run_scoped3A_150 = arith.constant 0 : i32
    "tpu.region"() ({
      %run_scoped3A_307 = tpu.sem_alloc : memref<!tpu.dma_semaphore, #tpu.memory_space<semaphore_mem>>
      %dma_start3A_308 = arith.constant 0 : i32
      %dma_start3A_309 = tpu.memref_slice %arg7[%run_scoped3A, %run_scoped3A_150, %dma_start3A_308] : memref<2x4x80xi32, #tpu.memory_space<vmem>> -> memref<1x1x80xi32, #tpu.memory_space<vmem>>
      %dma_start3A_310 = tpu.memref_squeeze %dma_start3A_309 : memref<1x1x80xi32, #tpu.memory_space<vmem>> -> memref<80xi32, #tpu.memory_space<vmem>>
      %dma_start3A_311 = tpu.memref_slice %arg3[%add3A_149] : memref<320000xi32, #tpu.memory_space<hbm>> -> memref<80xi32, #tpu.memory_space<hbm>>
      %dma_start3A_312 = arith.constant 0 : i32
      %dma_start3A_313 = tpu.memref_slice %arg7[%run_scoped3A, %run_scoped3A_150, %dma_start3A_312] : memref<2x4x80xi32, #tpu.memory_space<vmem>> -> memref<1x1x80xi32, #tpu.memory_space<vmem>>
      %dma_start3A_314 = tpu.memref_squeeze %dma_start3A_313 : memref<1x1x80xi32, #tpu.memory_space<vmem>> -> memref<80xi32, #tpu.memory_space<vmem>>
      %dma_start3A_315 = tpu.memref_slice %arg3[%add3A_149] : memref<320000xi32, #tpu.memory_space<hbm>> -> memref<80xi32, #tpu.memory_space<hbm>>
      tpu.enqueue_dma source(%dma_start3A_315 : memref<80xi32, #tpu.memory_space<hbm>>) target(%dma_start3A_314 : memref<80xi32, #tpu.memory_space<vmem>>) target_semaphore(%run_scoped3A_307 : memref<!tpu.dma_semaphore, #tpu.memory_space<semaphore_mem>>)
      %dma_wait3A_316 = arith.constant 0 : i32
      %dma_wait3A_317 = tpu.memref_slice %arg7[%run_scoped3A, %run_scoped3A_150, %dma_wait3A_316] : memref<2x4x80xi32, #tpu.memory_space<vmem>> -> memref<1x1x80xi32, #tpu.memory_space<vmem>>
      %dma_wait3A_318 = tpu.memref_squeeze %dma_wait3A_317 : memref<1x1x80xi32, #tpu.memory_space<vmem>> -> memref<80xi32, #tpu.memory_space<vmem>>
      %dma_wait3A_319 = tpu.memref_slice %arg3[%add3A_149] : memref<320000xi32, #tpu.memory_space<hbm>> -> memref<80xi32, #tpu.memory_space<hbm>>
      %dma_wait3A_320 = arith.constant 0 : i32
      %dma_wait3A_321 = tpu.memref_slice %arg7[%run_scoped3A, %run_scoped3A_150, %dma_wait3A_320] : memref<2x4x80xi32, #tpu.memory_space<vmem>> -> memref<1x1x80xi32, #tpu.memory_space<vmem>>
      %dma_wait3A_322 = tpu.memref_squeeze %dma_wait3A_321 : memref<1x1x80xi32, #tpu.memory_space<vmem>> -> memref<80xi32, #tpu.memory_space<vmem>>
      %dma_wait3A_323 = tpu.memref_slice %arg3[%add3A_149] : memref<320000xi32, #tpu.memory_space<hbm>> -> memref<80xi32, #tpu.memory_space<hbm>>
      tpu.wait_dma2 semaphore(%run_scoped3A_307 : memref<!tpu.dma_semaphore, #tpu.memory_space<semaphore_mem>>) src(%dma_wait3A_323 : memref<80xi32, #tpu.memory_space<hbm>>) dst(%dma_wait3A_322 : memref<80xi32, #tpu.memory_space<vmem>>)
      tpu.yield
    }) : () -> ()
    %run_scoped3A_151 = arith.constant 0 : i32
    %run_scoped3A_152 = arith.constant 0 : i32
    "tpu.region"() ({
      %run_scoped3A_307 = tpu.sem_alloc : memref<!tpu.dma_semaphore, #tpu.memory_space<semaphore_mem>>
      %dma_start3A_308 = arith.constant 0 : i32
      %dma_start3A_309 = tpu.memref_slice %arg8[%run_scoped3A_151, %run_scoped3A_152, %dma_start3A_308] : memref<2x4x80xi32, #tpu.memory_space<vmem>> -> memref<1x1x80xi32, #tpu.memory_space<vmem>>
      %dma_start3A_310 = tpu.memref_squeeze %dma_start3A_309 : memref<1x1x80xi32, #tpu.memory_space<vmem>> -> memref<80xi32, #tpu.memory_space<vmem>>
      %dma_start3A_311 = tpu.memref_slice %arg4[%add3A_149] : memref<320000xi32, #tpu.memory_space<hbm>> -> memref<80xi32, #tpu.memory_space<hbm>>
      %dma_start3A_312 = arith.constant 0 : i32
      %dma_start3A_313 = tpu.memref_slice %arg8[%run_scoped3A_151, %run_scoped3A_152, %dma_start3A_312] : memref<2x4x80xi32, #tpu.memory_space<vmem>> -> memref<1x1x80xi32, #tpu.memory_space<vmem>>
      %dma_start3A_314 = tpu.memref_squeeze %dma_start3A_313 : memref<1x1x80xi32, #tpu.memory_space<vmem>> -> memref<80xi32, #tpu.memory_space<vmem>>
      %dma_start3A_315 = tpu.memref_slice %arg4[%add3A_149] : memref<320000xi32, #tpu.memory_space<hbm>> -> memref<80xi32, #tpu.memory_space<hbm>>
      tpu.enqueue_dma source(%dma_start3A_315 : memref<80xi32, #tpu.memory_space<hbm>>) target(%dma_start3A_314 : memref<80xi32, #tpu.memory_space<vmem>>) target_semaphore(%run_scoped3A_307 : memref<!tpu.dma_semaphore, #tpu.memory_space<semaphore_mem>>)
      %dma_wait3A_316 = arith.constant 0 : i32
      %dma_wait3A_317 = tpu.memref_slice %arg8[%run_scoped3A_151, %run_scoped3A_152, %dma_wait3A_316] : memref<2x4x80xi32, #tpu.memory_space<vmem>> -> memref<1x1x80xi32, #tpu.memory_space<vmem>>
      %dma_wait3A_318 = tpu.memref_squeeze %dma_wait3A_317 : memref<1x1x80xi32, #tpu.memory_space<vmem>> -> memref<80xi32, #tpu.memory_space<vmem>>
      %dma_wait3A_319 = tpu.memref_slice %arg4[%add3A_149] : memref<320000xi32, #tpu.memory_space<hbm>> -> memref<80xi32, #tpu.memory_space<hbm>>
      %dma_wait3A_320 = arith.constant 0 : i32
      %dma_wait3A_321 = tpu.memref_slice %arg8[%run_scoped3A_151, %run_scoped3A_152, %dma_wait3A_320] : memref<2x4x80xi32, #tpu.memory_space<vmem>> -> memref<1x1x80xi32, #tpu.memory_space<vmem>>
      %dma_wait3A_322 = tpu.memref_squeeze %dma_wait3A_321 : memref<1x1x80xi32, #tpu.memory_space<vmem>> -> memref<80xi32, #tpu.memory_space<vmem>>
      %dma_wait3A_323 = tpu.memref_slice %arg4[%add3A_149] : memref<320000xi32, #tpu.memory_space<hbm>> -> memref<80xi32, #tpu.memory_space<hbm>>
      tpu.wait_dma2 semaphore(%run_scoped3A_307 : memref<!tpu.dma_semaphore, #tpu.memory_space<semaphore_mem>>) src(%dma_wait3A_323 : memref<80xi32, #tpu.memory_space<hbm>>) dst(%dma_wait3A_322 : memref<80xi32, #tpu.memory_space<vmem>>)
      tpu.yield
    }) : () -> ()
    %get3A = arith.constant 0 : i32
    %get3A_153 = arith.constant 0 : i32
    %get3A_154 = arith.index_cast %get3A : i32 to index
    %get3A_155 = arith.index_cast %get3A_153 : i32 to index
    %get3A_156 = arith.constant 0 : index
    %get3A_157 = tpu.vector_load %arg7[%get3A_154, %get3A_155, %get3A_156] {strides = array<i32>} : memref<2x4x80xi32, #tpu.memory_space<vmem>>, vector<1x1x16xi32>,
    %get3A_158 = vector.shape_cast %get3A_157 : vector<1x1x16xi32> to vector<16xi32>
    %get3A_159 = arith.constant 0 : i32
    %get3A_160 = arith.constant 0 : i32
    %get3A_161 = arith.index_cast %get3A_159 : i32 to index
    %get3A_162 = arith.index_cast %get3A_160 : i32 to index
    %get3A_163 = arith.constant 0 : index
    %get3A_164 = tpu.vector_load %arg8[%get3A_161, %get3A_162, %get3A_163] {strides = array<i32>} : memref<2x4x80xi32, #tpu.memory_space<vmem>>, vector<1x1x16xi32>,
    %get3A_165 = vector.shape_cast %get3A_164 : vector<1x1x16xi32> to vector<16xi32>
    %eq3A = arith.cmpi eq, %get3A_158, %get3A_165 : vector<16xi32>
    %jit3A = arith.constant 10000 : i32
    %broadcast_in_dim3A = vector.broadcast %jit3A : i32 to vector<16xi32>
    %select_n3A = arith.select %eq3A, %broadcast_in_dim3A, %get3A_165 : vector<16xi1>, vector<16xi32>
    %swap3A = arith.constant 0 : i32
    %swap3A_166 = arith.constant 0 : i32
    %swap3A_167 = arith.index_cast %swap3A : i32 to index
    %swap3A_168 = arith.index_cast %swap3A_166 : i32 to index
    %swap3A_169 = arith.constant 0 : index
    %swap3A_170 = tpu.vector_load %arg8[%swap3A_167, %swap3A_168, %swap3A_169] {strides = array<i32>} : memref<2x4x80xi32, #tpu.memory_space<vmem>>, vector<1x1x16xi32>,
    %swap3A_171 = vector.shape_cast %swap3A_170 : vector<1x1x16xi32> to vector<16xi32>
    %swap3A_172 = vector.shape_cast %select_n3A : vector<16xi32> to vector<1x1x16xi32>
    tpu.vector_store %arg8[%swap3A_167, %swap3A_168, %swap3A_169], %swap3A_172 {strides = array<i32>} : memref<2x4x80xi32, #tpu.memory_space<vmem>>, vector<1x1x16xi32>,
    %get3A_173 = arith.constant 0 : i32
    %get3A_174 = arith.constant 0 : i32
    %get3A_175 = arith.index_cast %get3A_173 : i32 to index
    %get3A_176 = arith.index_cast %get3A_174 : i32 to index
    %get3A_177 = arith.constant 16 : index
    %get3A_178 = tpu.vector_load %arg7[%get3A_175, %get3A_176, %get3A_177] {strides = array<i32>} : memref<2x4x80xi32, #tpu.memory_space<vmem>>, vector<1x1x16xi32>,
    %get3A_179 = vector.shape_cast %get3A_178 : vector<1x1x16xi32> to vector<16xi32>
    %get3A_180 = arith.constant 0 : i32
    %get3A_181 = arith.constant 0 : i32
    %get3A_182 = arith.index_cast %get3A_180 : i32 to index
    %get3A_183 = arith.index_cast %get3A_181 : i32 to index
    %get3A_184 = arith.constant 16 : index
    %get3A_185 = tpu.vector_load %arg8[%get3A_182, %get3A_183, %get3A_184] {strides = array<i32>} : memref<2x4x80xi32, #tpu.memory_space<vmem>>, vector<1x1x16xi32>,
    %get3A_186 = vector.shape_cast %get3A_185 : vector<1x1x16xi32> to vector<16xi32>
    %eq3A_187 = arith.cmpi eq, %get3A_179, %get3A_186 : vector<16xi32>
    %jit3A_188 = arith.constant 10000 : i32
    %broadcast_in_dim3A_189 = vector.broadcast %jit3A_188 : i32 to vector<16xi32>
    %select_n3A_190 = arith.select %eq3A_187, %broadcast_in_dim3A_189, %get3A_186 : vector<16xi1>, vector<16xi32>
    %swap3A_191 = arith.constant 0 : i32
    %swap3A_192 = arith.constant 0 : i32
    %swap3A_193 = arith.index_cast %swap3A_191 : i32 to index
    %swap3A_194 = arith.index_cast %swap3A_192 : i32 to index
    %swap3A_195 = arith.constant 16 : index
    %swap3A_196 = tpu.vector_load %arg8[%swap3A_193, %swap3A_194, %swap3A_195] {strides = array<i32>} : memref<2x4x80xi32, #tpu.memory_space<vmem>>, vector<1x1x16xi32>,
    %swap3A_197 = vector.shape_cast %swap3A_196 : vector<1x1x16xi32> to vector<16xi32>
    %swap3A_198 = vector.shape_cast %select_n3A_190 : vector<16xi32> to vector<1x1x16xi32>
    tpu.vector_store %arg8[%swap3A_193, %swap3A_194, %swap3A_195], %swap3A_198 {strides = array<i32>} : memref<2x4x80xi32, #tpu.memory_space<vmem>>, vector<1x1x16xi32>,
    %get3A_199 = arith.constant 0 : i32
    %get3A_200 = arith.constant 0 : i32
    %get3A_201 = arith.index_cast %get3A_199 : i32 to index
    %get3A_202 = arith.index_cast %get3A_200 : i32 to index
    %get3A_203 = arith.constant 32 : index
    %get3A_204 = tpu.vector_load %arg7[%get3A_201, %get3A_202, %get3A_203] {strides = array<i32>} : memref<2x4x80xi32, #tpu.memory_space<vmem>>, vector<1x1x16xi32>,
    %get3A_205 = vector.shape_cast %get3A_204 : vector<1x1x16xi32> to vector<16xi32>
    %get3A_206 = arith.constant 0 : i32
    %get3A_207 = arith.constant 0 : i32
    %get3A_208 = arith.index_cast %get3A_206 : i32 to index
    %get3A_209 = arith.index_cast %get3A_207 : i32 to index
    %get3A_210 = arith.constant 32 : index
    %get3A_211 = tpu.vector_load %arg8[%get3A_208, %get3A_209, %get3A_210] {strides = array<i32>} : memref<2x4x80xi32, #tpu.memory_space<vmem>>, vector<1x1x16xi32>,
    %get3A_212 = vector.shape_cast %get3A_211 : vector<1x1x16xi32> to vector<16xi32>
    %eq3A_213 = arith.cmpi eq, %get3A_205, %get3A_212 : vector<16xi32>
    %jit3A_214 = arith.constant 10000 : i32
    %broadcast_in_dim3A_215 = vector.broadcast %jit3A_214 : i32 to vector<16xi32>
    %select_n3A_216 = arith.select %eq3A_213, %broadcast_in_dim3A_215, %get3A_212 : vector<16xi1>, vector<16xi32>
    %swap3A_217 = arith.constant 0 : i32
    %swap3A_218 = arith.constant 0 : i32
    %swap3A_219 = arith.index_cast %swap3A_217 : i32 to index
    %swap3A_220 = arith.index_cast %swap3A_218 : i32 to index
    %swap3A_221 = arith.constant 32 : index
    %swap3A_222 = tpu.vector_load %arg8[%swap3A_219, %swap3A_220, %swap3A_221] {strides = array<i32>} : memref<2x4x80xi32, #tpu.memory_space<vmem>>, vector<1x1x16xi32>,
    %swap3A_223 = vector.shape_cast %swap3A_222 : vector<1x1x16xi32> to vector<16xi32>
    %swap3A_224 = vector.shape_cast %select_n3A_216 : vector<16xi32> to vector<1x1x16xi32>
    tpu.vector_store %arg8[%swap3A_219, %swap3A_220, %swap3A_221], %swap3A_224 {strides = array<i32>} : memref<2x4x80xi32, #tpu.memory_space<vmem>>, vector<1x1x16xi32>,
    %get3A_225 = arith.constant 0 : i32
    %get3A_226 = arith.constant 0 : i32
    %get3A_227 = arith.index_cast %get3A_225 : i32 to index
    %get3A_228 = arith.index_cast %get3A_226 : i32 to index
    %get3A_229 = arith.constant 48 : index
    %get3A_230 = tpu.vector_load %arg7[%get3A_227, %get3A_228, %get3A_229] {strides = array<i32>} : memref<2x4x80xi32, #tpu.memory_space<vmem>>, vector<1x1x16xi32>,
    %get3A_231 = vector.shape_cast %get3A_230 : vector<1x1x16xi32> to vector<16xi32>
    %get3A_232 = arith.constant 0 : i32
    %get3A_233 = arith.constant 0 : i32
    %get3A_234 = arith.index_cast %get3A_232 : i32 to index
    %get3A_235 = arith.index_cast %get3A_233 : i32 to index
    %get3A_236 = arith.constant 48 : index
    %get3A_237 = tpu.vector_load %arg8[%get3A_234, %get3A_235, %get3A_236] {strides = array<i32>} : memref<2x4x80xi32, #tpu.memory_space<vmem>>, vector<1x1x16xi32>,
    %get3A_238 = vector.shape_cast %get3A_237 : vector<1x1x16xi32> to vector<16xi32>
    %eq3A_239 = arith.cmpi eq, %get3A_231, %get3A_238 : vector<16xi32>
    %jit3A_240 = arith.constant 10000 : i32
    %broadcast_in_dim3A_241 = vector.broadcast %jit3A_240 : i32 to vector<16xi32>
    %select_n3A_242 = arith.select %eq3A_239, %broadcast_in_dim3A_241, %get3A_238 : vector<16xi1>, vector<16xi32>
    %swap3A_243 = arith.constant 0 : i32
    %swap3A_244 = arith.constant 0 : i32
    %swap3A_245 = arith.index_cast %swap3A_243 : i32 to index
    %swap3A_246 = arith.index_cast %swap3A_244 : i32 to index
    %swap3A_247 = arith.constant 48 : index
    %swap3A_248 = tpu.vector_load %arg8[%swap3A_245, %swap3A_246, %swap3A_247] {strides = array<i32>} : memref<2x4x80xi32, #tpu.memory_space<vmem>>, vector<1x1x16xi32>,
    %swap3A_249 = vector.shape_cast %swap3A_248 : vector<1x1x16xi32> to vector<16xi32>
    %swap3A_250 = vector.shape_cast %select_n3A_242 : vector<16xi32> to vector<1x1x16xi32>
    tpu.vector_store %arg8[%swap3A_245, %swap3A_246, %swap3A_247], %swap3A_250 {strides = array<i32>} : memref<2x4x80xi32, #tpu.memory_space<vmem>>, vector<1x1x16xi32>,
    %get3A_251 = arith.constant 0 : i32
    %get3A_252 = arith.constant 0 : i32
    %get3A_253 = arith.index_cast %get3A_251 : i32 to index
    %get3A_254 = arith.index_cast %get3A_252 : i32 to index
    %get3A_255 = arith.constant 64 : index
    %get3A_256 = tpu.vector_load %arg7[%get3A_253, %get3A_254, %get3A_255] {strides = array<i32>} : memref<2x4x80xi32, #tpu.memory_space<vmem>>, vector<1x1x16xi32>,
    %get3A_257 = vector.shape_cast %get3A_256 : vector<1x1x16xi32> to vector<16xi32>
    %get3A_258 = arith.constant 0 : i32
    %get3A_259 = arith.constant 0 : i32
    %get3A_260 = arith.index_cast %get3A_258 : i32 to index
    %get3A_261 = arith.index_cast %get3A_259 : i32 to index
    %get3A_262 = arith.constant 64 : index
    %get3A_263 = tpu.vector_load %arg8[%get3A_260, %get3A_261, %get3A_262] {strides = array<i32>} : memref<2x4x80xi32, #tpu.memory_space<vmem>>, vector<1x1x16xi32>,
    %get3A_264 = vector.shape_cast %get3A_263 : vector<1x1x16xi32> to vector<16xi32>
    %eq3A_265 = arith.cmpi eq, %get3A_257, %get3A_264 : vector<16xi32>
    %jit3A_266 = arith.constant 10000 : i32
    %broadcast_in_dim3A_267 = vector.broadcast %jit3A_266 : i32 to vector<16xi32>
    %select_n3A_268 = arith.select %eq3A_265, %broadcast_in_dim3A_267, %get3A_264 : vector<16xi1>, vector<16xi32>
    %swap3A_269 = arith.constant 0 : i32
    %swap3A_270 = arith.constant 0 : i32
    %swap3A_271 = arith.index_cast %swap3A_269 : i32 to index
    %swap3A_272 = arith.index_cast %swap3A_270 : i32 to index
    %swap3A_273 = arith.constant 64 : index
    %swap3A_274 = tpu.vector_load %arg8[%swap3A_271, %swap3A_272, %swap3A_273] {strides = array<i32>} : memref<2x4x80xi32, #tpu.memory_space<vmem>>, vector<1x1x16xi32>,
    %swap3A_275 = vector.shape_cast %swap3A_274 : vector<1x1x16xi32> to vector<16xi32>
    %swap3A_276 = vector.shape_cast %select_n3A_268 : vector<16xi32> to vector<1x1x16xi32>
    tpu.vector_store %arg8[%swap3A_271, %swap3A_272, %swap3A_273], %swap3A_276 {strides = array<i32>} : memref<2x4x80xi32, #tpu.memory_space<vmem>>, vector<1x1x16xi32>,
    %dma_start3A_277 = arith.constant 0 : i32
    %dma_start3A_278 = arith.constant 0 : i32
    %dma_start3A_279 = arith.constant 0 : i32
    %dma_start3A_280 = arith.constant 0 : i32
    %dma_start3A_281 = arith.constant 0 : i32
    %dma_start3A_282 = tpu.memref_slice %arg9[%dma_start3A_279, %dma_start3A_280, %dma_start3A_281] : memref<4x80x128xf32, #tpu.memory_space<vmem>> -> memref<1x80x128xf32, #tpu.memory_space<vmem>>
    %dma_start3A_283 = tpu.memref_squeeze %dma_start3A_282 : memref<1x80x128xf32, #tpu.memory_space<vmem>> -> memref<80x128xf32, #tpu.memory_space<vmem>>
    %dma_start3A_284 = arith.constant 0 : i32
    %dma_start3A_285 = tpu.memref_slice %arg7[%dma_start3A_277, %dma_start3A_278, %dma_start3A_284] : memref<2x4x80xi32, #tpu.memory_space<vmem>> -> memref<1x1x80xi32, #tpu.memory_space<vmem>>
    %dma_start3A_286 = tpu.memref_squeeze %dma_start3A_285 : memref<1x1x80xi32, #tpu.memory_space<vmem>> -> memref<80xi32, #tpu.memory_space<vmem>>
    %dma_start3A_287 = arith.constant 0 : i32
    %dma_start3A_288 = arith.constant 0 : i32
    %dma_start3A_289 = tpu.memref_slice %arg2[%dma_start3A_287, %dma_start3A_288] : memref<10000x128xf32, #tpu.memory_space<hbm>> -> memref<10000x128xf32, #tpu.memory_space<hbm>>
    tpu.enqueue_indirect_dma source(%dma_start3A_289 : memref<10000x128xf32, #tpu.memory_space<hbm>>) target(%dma_start3A_283 : memref<80x128xf32, #tpu.memory_space<vmem>>) offsets(%dma_start3A_286 : memref<80xi32, #tpu.memory_space<vmem>>) semaphore(%arg11 : memref<!tpu.dma_semaphore, #tpu.memory_space<semaphore_mem>>)
    %dma_wait3A_290 = arith.constant 0 : i32
    %dma_wait3A_291 = arith.constant 0 : i32
    %dma_wait3A_292 = arith.constant 0 : i32
    %dma_wait3A_293 = arith.constant 0 : i32
    %dma_wait3A_294 = arith.constant 0 : i32
    %dma_wait3A_295 = tpu.memref_slice %arg9[%dma_wait3A_292, %dma_wait3A_293, %dma_wait3A_294] : memref<4x80x128xf32, #tpu.memory_space<vmem>> -> memref<1x80x128xf32, #tpu.memory_space<vmem>>
    %dma_wait3A_296 = tpu.memref_squeeze %dma_wait3A_295 : memref<1x80x128xf32, #tpu.memory_space<vmem>> -> memref<80x128xf32, #tpu.memory_space<vmem>>
    %dma_wait3A_297 = arith.constant 0 : i32
    %dma_wait3A_298 = tpu.memref_slice %arg7[%dma_wait3A_290, %dma_wait3A_291, %dma_wait3A_297] : memref<2x4x80xi32, #tpu.memory_space<vmem>> -> memref<1x1x80xi32, #tpu.memory_space<vmem>>
    %dma_wait3A_299 = tpu.memref_squeeze %dma_wait3A_298 : memref<1x1x80xi32, #tpu.memory_space<vmem>> -> memref<80xi32, #tpu.memory_space<vmem>>
    %dma_wait3A_300 = arith.constant 0 : i32
    %dma_wait3A_301 = arith.constant 0 : i32
    %dma_wait3A_302 = tpu.memref_slice %arg2[%dma_wait3A_300, %dma_wait3A_301] : memref<10000x128xf32, #tpu.memory_space<hbm>> -> memref<10000x128xf32, #tpu.memory_space<hbm>>
    tpu.wait_indirect_dma semaphore(%arg11 : memref<!tpu.dma_semaphore, #tpu.memory_space<semaphore_mem>>) src(%dma_wait3A_302 : memref<10000x128xf32, #tpu.memory_space<hbm>>) dst(%dma_wait3A_296 : memref<80x128xf32, #tpu.memory_space<vmem>>)
    %run_scoped3A_303 = arith.constant 0 : i32
    %run_scoped3A_304 = arith.constant 0 : i32
    %run_scoped3A_305 = arith.constant 0 : i32
    "tpu.region"() ({
      %run_scoped3A_307 = tpu.sem_alloc : memref<!tpu.dma_semaphore, #tpu.memory_space<semaphore_mem>>
      %dma_start3A_308 = arith.constant 0 : i32
      %dma_start3A_309 = arith.constant 0 : i32
      %dma_start3A_310 = tpu.memref_slice %arg9[%run_scoped3A_303, %dma_start3A_308, %dma_start3A_309] : memref<4x80x128xf32, #tpu.memory_space<vmem>> -> memref<1x80x128xf32, #tpu.memory_space<vmem>>
      %dma_start3A_311 = tpu.memref_squeeze %dma_start3A_310 : memref<1x80x128xf32, #tpu.memory_space<vmem>> -> memref<80x128xf32, #tpu.memory_space<vmem>>
      %dma_start3A_312 = arith.constant 0 : i32
      %dma_start3A_313 = tpu.memref_slice %arg8[%run_scoped3A_304, %run_scoped3A_305, %dma_start3A_312] : memref<2x4x80xi32, #tpu.memory_space<vmem>> -> memref<1x1x80xi32, #tpu.memory_space<vmem>>
      %dma_start3A_314 = tpu.memref_squeeze %dma_start3A_313 : memref<1x1x80xi32, #tpu.memory_space<vmem>> -> memref<80xi32, #tpu.memory_space<vmem>>
      %dma_start3A_315 = arith.constant 0 : i32
      %dma_start3A_316 = arith.constant 0 : i32
      %dma_start3A_317 = tpu.memref_slice %arg19[%dma_start3A_315, %dma_start3A_316] : memref<10112x128xf32, #tpu.memory_space<vmem_shared>> -> memref<10112x128xf32, #tpu.memory_space<vmem_shared>>
      tpu.enqueue_indirect_dma source(%dma_start3A_311 : memref<80x128xf32, #tpu.memory_space<vmem>>) target(%dma_start3A_317 : memref<10112x128xf32, #tpu.memory_space<vmem_shared>>) offsets(%dma_start3A_314 : memref<80xi32, #tpu.memory_space<vmem>>) semaphore(%run_scoped3A_307 : memref<!tpu.dma_semaphore, #tpu.memory_space<semaphore_mem>>) {add = true}
      %dma_wait3A_318 = arith.constant 0 : i32
      %dma_wait3A_319 = arith.constant 0 : i32
      %dma_wait3A_320 = tpu.memref_slice %arg9[%run_scoped3A_303, %dma_wait3A_318, %dma_wait3A_319] : memref<4x80x128xf32, #tpu.memory_space<vmem>> -> memref<1x80x128xf32, #tpu.memory_space<vmem>>
      %dma_wait3A_321 = tpu.memref_squeeze %dma_wait3A_320 : memref<1x80x128xf32, #tpu.memory_space<vmem>> -> memref<80x128xf32, #tpu.memory_space<vmem>>
      %dma_wait3A_322 = arith.constant 0 : i32
      %dma_wait3A_323 = tpu.memref_slice %arg8[%run_scoped3A_304, %run_scoped3A_305, %dma_wait3A_322] : memref<2x4x80xi32, #tpu.memory_space<vmem>> -> memref<1x1x80xi32, #tpu.memory_space<vmem>>
      %dma_wait3A_324 = tpu.memref_squeeze %dma_wait3A_323 : memref<1x1x80xi32, #tpu.memory_space<vmem>> -> memref<80xi32, #tpu.memory_space<vmem>>
      %dma_wait3A_325 = arith.constant 0 : i32
      %dma_wait3A_326 = arith.constant 0 : i32
      %dma_wait3A_327 = tpu.memref_slice %arg19[%dma_wait3A_325, %dma_wait3A_326] : memref<10112x128xf32, #tpu.memory_space<vmem_shared>> -> memref<10112x128xf32, #tpu.memory_space<vmem_shared>>
      tpu.wait_indirect_dma semaphore(%run_scoped3A_307 : memref<!tpu.dma_semaphore, #tpu.memory_space<semaphore_mem>>) src(%dma_wait3A_321 : memref<80x128xf32, #tpu.memory_space<vmem>>) dst(%dma_wait3A_327 : memref<10112x128xf32, #tpu.memory_space<vmem_shared>>)
      tpu.yield
    }) : () -> ()
    %barrier3A_306 = arith.constant 0 : index
    tpu.barrier barrier_id(%barrier3A_306)
    "tpu.region"() ({
      %run_scoped3A_307 = tpu.sem_alloc : memref<!tpu.dma_semaphore, #tpu.memory_space<semaphore_mem>>
      %dma_start3A_308 = arith.constant 0 : i32
      %dma_start3A_309 = tpu.memref_slice %arg6[%arg0, %mul3A_2, %dma_start3A_308] : memref<2x10112x128xf32, #tpu.memory_space<hbm>> -> memref<1x632x128xf32, #tpu.memory_space<hbm>>
      %dma_start3A_310 = tpu.memref_squeeze %dma_start3A_309 : memref<1x632x128xf32, #tpu.memory_space<hbm>> -> memref<632x128xf32, #tpu.memory_space<hbm>>
      %dma_start3A_311 = arith.constant 0 : i32
      %dma_start3A_312 = tpu.memref_slice %arg19[%mul3A_2, %dma_start3A_311] : memref<10112x128xf32, #tpu.memory_space<vmem_shared>> -> memref<632x128xf32, #tpu.memory_space<vmem_shared>>
      tpu.enqueue_dma source(%dma_start3A_312 : memref<632x128xf32, #tpu.memory_space<vmem_shared>>) target(%dma_start3A_310 : memref<632x128xf32, #tpu.memory_space<hbm>>) target_semaphore(%run_scoped3A_307 : memref<!tpu.dma_semaphore, #tpu.memory_space<semaphore_mem>>)
      %dma_wait3A_313 = arith.constant 0 : i32
      %dma_wait3A_314 = tpu.memref_slice %arg6[%arg0, %mul3A_2, %dma_wait3A_313] : memref<2x10112x128xf32, #tpu.memory_space<hbm>> -> memref<1x632x128xf32, #tpu.memory_space<hbm>>
      %dma_wait3A_315 = tpu.memref_squeeze %dma_wait3A_314 : memref<1x632x128xf32, #tpu.memory_space<hbm>> -> memref<632x128xf32, #tpu.memory_space<hbm>>
      %dma_wait3A_316 = arith.constant 0 : i32
      %dma_wait3A_317 = tpu.memref_slice %arg19[%mul3A_2, %dma_wait3A_316] : memref<10112x128xf32, #tpu.memory_space<vmem_shared>> -> memref<632x128xf32, #tpu.memory_space<vmem_shared>>
      tpu.wait_dma2 semaphore(%run_scoped3A_307 : memref<!tpu.dma_semaphore, #tpu.memory_space<semaphore_mem>>) src(%dma_wait3A_317 : memref<632x128xf32, #tpu.memory_space<vmem_shared>>) dst(%dma_wait3A_315 : memref<632x128xf32, #tpu.memory_space<hbm>>)
      tpu.yield
    }) : () -> ()
    return
  }
}

#map = affine_map<(d0, d1) -> (0)>
#map1 = affine_map<(d0, d1) -> (0, 0)>
#map2 = affine_map<(d0, d1) -> (0, 0, 0)>
module attributes {stable_mosaic.version = 14 : i64} {
  func.func @_deg_body(%arg0: i32, %arg1: i32, %arg2: memref<320000xi32, #tpu.memory_space<hbm>>, %arg3: memref<320000xi32, #tpu.memory_space<hbm>>, %arg4: memref<10112x128xf32, #tpu.memory_space<hbm>>, %arg5: memref<80x128xf32, #tpu.memory_space<hbm>>, %arg6: memref<2x10112x128xf32, #tpu.memory_space<hbm>>, %arg7: memref<4x80xi32, #tpu.memory_space<vmem>>, %arg8: memref<4x80xi32, #tpu.memory_space<vmem>>, %arg9: memref<4x80xi32, #tpu.memory_space<vmem>>, %arg10: memref<80x128xf32, #tpu.memory_space<vmem>>, %arg11: memref<!tpu.dma_semaphore, #tpu.memory_space<semaphore_mem>>, %arg12: memref<!tpu.dma_semaphore, #tpu.memory_space<semaphore_mem>>, %arg13: memref<10112x128xf32, #tpu.memory_space<vmem_shared>>) attributes {dimension_semantics = [#tpu.dimension_semantics<core_parallel>, #tpu.dimension_semantics<subcore_parallel>], iteration_bounds = array<i64: 2, 16>, scalar_prefetch = 0 : i64, scratch_operands = 7 : i64, tpu.core_type = #tpu.core_type<sc_vector_subcore>, window_params = [{transform_indices = #map}, {transform_indices = #map}, {transform_indices = #map1}, {transform_indices = #map1}, {transform_indices = #map2}]} {
    %mul3A = arith.constant 16 : i32
    %mul3A_0 = arith.muli %arg0, %mul3A : i32
    %add3A = arith.addi %mul3A_0, %arg1 : i32
    %mul3A_1 = arith.constant 632 : i32
    %mul3A_2 = arith.muli %arg1, %mul3A_1 : i32
    "tpu.region"() ({
      %run_scoped3A_136 = tpu.sem_alloc : memref<!tpu.dma_semaphore, #tpu.memory_space<semaphore_mem>>
      %dma_start3A = arith.constant 0 : i32
      %dma_start3A_137 = tpu.memref_slice %arg13[%mul3A_2, %dma_start3A] : memref<10112x128xf32, #tpu.memory_space<vmem_shared>> -> memref<632x128xf32, #tpu.memory_space<vmem_shared>>
      %dma_start3A_138 = arith.constant 0 : i32
      %dma_start3A_139 = tpu.memref_slice %arg4[%mul3A_2, %dma_start3A_138] : memref<10112x128xf32, #tpu.memory_space<hbm>> -> memref<632x128xf32, #tpu.memory_space<hbm>>
      tpu.enqueue_dma source(%dma_start3A_139 : memref<632x128xf32, #tpu.memory_space<hbm>>) target(%dma_start3A_137 : memref<632x128xf32, #tpu.memory_space<vmem_shared>>) target_semaphore(%run_scoped3A_136 : memref<!tpu.dma_semaphore, #tpu.memory_space<semaphore_mem>>)
      %dma_wait3A_140 = arith.constant 0 : i32
      %dma_wait3A_141 = tpu.memref_slice %arg13[%mul3A_2, %dma_wait3A_140] : memref<10112x128xf32, #tpu.memory_space<vmem_shared>> -> memref<632x128xf32, #tpu.memory_space<vmem_shared>>
      %dma_wait3A_142 = arith.constant 0 : i32
      %dma_wait3A_143 = tpu.memref_slice %arg4[%mul3A_2, %dma_wait3A_142] : memref<10112x128xf32, #tpu.memory_space<hbm>> -> memref<632x128xf32, #tpu.memory_space<hbm>>
      tpu.wait_dma2 semaphore(%run_scoped3A_136 : memref<!tpu.dma_semaphore, #tpu.memory_space<semaphore_mem>>) src(%dma_wait3A_143 : memref<632x128xf32, #tpu.memory_space<hbm>>) dst(%dma_wait3A_141 : memref<632x128xf32, #tpu.memory_space<vmem_shared>>)
      tpu.yield
    }) : () -> ()
    "tpu.region"() ({
      %run_scoped3A_136 = tpu.sem_alloc : memref<!tpu.dma_semaphore, #tpu.memory_space<semaphore_mem>>
      tpu.enqueue_dma source(%arg5 : memref<80x128xf32, #tpu.memory_space<hbm>>) target(%arg10 : memref<80x128xf32, #tpu.memory_space<vmem>>) target_semaphore(%run_scoped3A_136 : memref<!tpu.dma_semaphore, #tpu.memory_space<semaphore_mem>>)
      tpu.wait_dma2 semaphore(%run_scoped3A_136 : memref<!tpu.dma_semaphore, #tpu.memory_space<semaphore_mem>>) src(%arg5 : memref<80x128xf32, #tpu.memory_space<hbm>>) dst(%arg10 : memref<80x128xf32, #tpu.memory_space<vmem>>)
      tpu.yield
    }) : () -> ()
    %barrier3A = arith.constant 0 : index
    tpu.barrier barrier_id(%barrier3A)
    %mul3A_3 = arith.constant 10000 : i32
    %mul3A_4 = arith.muli %add3A, %mul3A_3 : i32
    %scan3A = arith.constant 0 : i32
    %scan3A_5 = arith.constant 0 : i32
    %scan3A_6 = arith.constant 31 : i32
    %scan3A_7 = arith.addi %scan3A_5, %scan3A_6 : i32
    %scan3A_8 = arith.constant 1 : i32
    scf.for %scan3A_136 = %scan3A_5 to %scan3A_7 step %scan3A_8  : i32 {
      %gt3A = arith.constant 0 : i32
      %gt3A_137 = arith.cmpi sgt, %scan3A_136, %gt3A : i32
      %convert_element_type3A = arith.extui %gt3A_137 : i1 to i32
      %cond3A = arith.constant 0 : i32
      %cond3A_138 = arith.cmpi ne, %convert_element_type3A, %cond3A : i32
      scf.if %cond3A_138 {
        %dma_wait3A_754 = arith.constant 0 : i32
        %dma_wait3A_755 = arith.constant 0 : i32
        %dma_wait3A_756 = tpu.memref_slice %arg9[%dma_wait3A_754, %dma_wait3A_755] : memref<4x80xi32, #tpu.memory_space<vmem>> -> memref<1x80xi32, #tpu.memory_space<vmem>>
        %dma_wait3A_757 = tpu.memref_squeeze %dma_wait3A_756 : memref<1x80xi32, #tpu.memory_space<vmem>> -> memref<80xi32, #tpu.memory_space<vmem>>
        %dma_wait3A_758 = arith.constant 0 : i32
        %dma_wait3A_759 = arith.constant 0 : i32
        %dma_wait3A_760 = tpu.memref_slice %arg13[%dma_wait3A_758, %dma_wait3A_759] : memref<10112x128xf32, #tpu.memory_space<vmem_shared>> -> memref<10112x128xf32, #tpu.memory_space<vmem_shared>>
        tpu.wait_indirect_dma semaphore(%arg12 : memref<!tpu.dma_semaphore, #tpu.memory_space<semaphore_mem>>) src(%arg10 : memref<80x128xf32, #tpu.memory_space<vmem>>) dst(%dma_wait3A_760 : memref<10112x128xf32, #tpu.memory_space<vmem_shared>>)
        %dma_wait3A_761 = arith.constant 1 : i32
        %dma_wait3A_762 = arith.constant 0 : i32
        %dma_wait3A_763 = tpu.memref_slice %arg9[%dma_wait3A_761, %dma_wait3A_762] : memref<4x80xi32, #tpu.memory_space<vmem>> -> memref<1x80xi32, #tpu.memory_space<vmem>>
        %dma_wait3A_764 = tpu.memref_squeeze %dma_wait3A_763 : memref<1x80xi32, #tpu.memory_space<vmem>> -> memref<80xi32, #tpu.memory_space<vmem>>
        %dma_wait3A_765 = arith.constant 0 : i32
        %dma_wait3A_766 = arith.constant 0 : i32
        %dma_wait3A_767 = tpu.memref_slice %arg13[%dma_wait3A_765, %dma_wait3A_766] : memref<10112x128xf32, #tpu.memory_space<vmem_shared>> -> memref<10112x128xf32, #tpu.memory_space<vmem_shared>>
        tpu.wait_indirect_dma semaphore(%arg12 : memref<!tpu.dma_semaphore, #tpu.memory_space<semaphore_mem>>) src(%arg10 : memref<80x128xf32, #tpu.memory_space<vmem>>) dst(%dma_wait3A_767 : memref<10112x128xf32, #tpu.memory_space<vmem_shared>>)
        %dma_wait3A_768 = arith.constant 2 : i32
        %dma_wait3A_769 = arith.constant 0 : i32
        %dma_wait3A_770 = tpu.memref_slice %arg9[%dma_wait3A_768, %dma_wait3A_769] : memref<4x80xi32, #tpu.memory_space<vmem>> -> memref<1x80xi32, #tpu.memory_space<vmem>>
        %dma_wait3A_771 = tpu.memref_squeeze %dma_wait3A_770 : memref<1x80xi32, #tpu.memory_space<vmem>> -> memref<80xi32, #tpu.memory_space<vmem>>
        %dma_wait3A_772 = arith.constant 0 : i32
        %dma_wait3A_773 = arith.constant 0 : i32
        %dma_wait3A_774 = tpu.memref_slice %arg13[%dma_wait3A_772, %dma_wait3A_773] : memref<10112x128xf32, #tpu.memory_space<vmem_shared>> -> memref<10112x128xf32, #tpu.memory_space<vmem_shared>>
        tpu.wait_indirect_dma semaphore(%arg12 : memref<!tpu.dma_semaphore, #tpu.memory_space<semaphore_mem>>) src(%arg10 : memref<80x128xf32, #tpu.memory_space<vmem>>) dst(%dma_wait3A_774 : memref<10112x128xf32, #tpu.memory_space<vmem_shared>>)
        %dma_wait3A_775 = arith.constant 3 : i32
        %dma_wait3A_776 = arith.constant 0 : i32
        %dma_wait3A_777 = tpu.memref_slice %arg9[%dma_wait3A_775, %dma_wait3A_776] : memref<4x80xi32, #tpu.memory_space<vmem>> -> memref<1x80xi32, #tpu.memory_space<vmem>>
        %dma_wait3A_778 = tpu.memref_squeeze %dma_wait3A_777 : memref<1x80xi32, #tpu.memory_space<vmem>> -> memref<80xi32, #tpu.memory_space<vmem>>
        %dma_wait3A_779 = arith.constant 0 : i32
        %dma_wait3A_780 = arith.constant 0 : i32
        %dma_wait3A_781 = tpu.memref_slice %arg13[%dma_wait3A_779, %dma_wait3A_780] : memref<10112x128xf32, #tpu.memory_space<vmem_shared>> -> memref<10112x128xf32, #tpu.memory_space<vmem_shared>>
        tpu.wait_indirect_dma semaphore(%arg12 : memref<!tpu.dma_semaphore, #tpu.memory_space<semaphore_mem>>) src(%arg10 : memref<80x128xf32, #tpu.memory_space<vmem>>) dst(%dma_wait3A_781 : memref<10112x128xf32, #tpu.memory_space<vmem_shared>>)
      } else {
      }
      %mul3A_139 = arith.constant 4 : i32
      %mul3A_140 = arith.muli %scan3A_136, %mul3A_139 : i32
      %add3A_141 = arith.constant 0 : i32
      %add3A_142 = arith.addi %mul3A_140, %add3A_141 : i32
      %mul3A_143 = arith.constant 80 : i32
      %mul3A_144 = arith.muli %add3A_142, %mul3A_143 : i32
      %add3A_145 = arith.addi %mul3A_4, %mul3A_144 : i32
      %dma_start3A = arith.constant 0 : i32
      %dma_start3A_146 = arith.constant 0 : i32
      %dma_start3A_147 = tpu.memref_slice %arg7[%dma_start3A, %dma_start3A_146] : memref<4x80xi32, #tpu.memory_space<vmem>> -> memref<1x80xi32, #tpu.memory_space<vmem>>
      %dma_start3A_148 = tpu.memref_squeeze %dma_start3A_147 : memref<1x80xi32, #tpu.memory_space<vmem>> -> memref<80xi32, #tpu.memory_space<vmem>>
      %dma_start3A_149 = tpu.memref_slice %arg2[%add3A_145] : memref<320000xi32, #tpu.memory_space<hbm>> -> memref<80xi32, #tpu.memory_space<hbm>>
      %dma_start3A_150 = arith.constant 0 : i32
      %dma_start3A_151 = tpu.memref_slice %arg7[%dma_start3A, %dma_start3A_150] : memref<4x80xi32, #tpu.memory_space<vmem>> -> memref<1x80xi32, #tpu.memory_space<vmem>>
      %dma_start3A_152 = tpu.memref_squeeze %dma_start3A_151 : memref<1x80xi32, #tpu.memory_space<vmem>> -> memref<80xi32, #tpu.memory_space<vmem>>
      %dma_start3A_153 = tpu.memref_slice %arg2[%add3A_145] : memref<320000xi32, #tpu.memory_space<hbm>> -> memref<80xi32, #tpu.memory_space<hbm>>
      tpu.enqueue_dma source(%dma_start3A_153 : memref<80xi32, #tpu.memory_space<hbm>>) target(%dma_start3A_152 : memref<80xi32, #tpu.memory_space<vmem>>) target_semaphore(%arg11 : memref<!tpu.dma_semaphore, #tpu.memory_space<semaphore_mem>>)
      %dma_start3A_154 = arith.constant 0 : i32
      %dma_start3A_155 = arith.constant 0 : i32
      %dma_start3A_156 = tpu.memref_slice %arg8[%dma_start3A_154, %dma_start3A_155] : memref<4x80xi32, #tpu.memory_space<vmem>> -> memref<1x80xi32, #tpu.memory_space<vmem>>
      %dma_start3A_157 = tpu.memref_squeeze %dma_start3A_156 : memref<1x80xi32, #tpu.memory_space<vmem>> -> memref<80xi32, #tpu.memory_space<vmem>>
      %dma_start3A_158 = tpu.memref_slice %arg3[%add3A_145] : memref<320000xi32, #tpu.memory_space<hbm>> -> memref<80xi32, #tpu.memory_space<hbm>>
      %dma_start3A_159 = arith.constant 0 : i32
      %dma_start3A_160 = tpu.memref_slice %arg8[%dma_start3A_154, %dma_start3A_159] : memref<4x80xi32, #tpu.memory_space<vmem>> -> memref<1x80xi32, #tpu.memory_space<vmem>>
      %dma_start3A_161 = tpu.memref_squeeze %dma_start3A_160 : memref<1x80xi32, #tpu.memory_space<vmem>> -> memref<80xi32, #tpu.memory_space<vmem>>
      %dma_start3A_162 = tpu.memref_slice %arg3[%add3A_145] : memref<320000xi32, #tpu.memory_space<hbm>> -> memref<80xi32, #tpu.memory_space<hbm>>
      tpu.enqueue_dma source(%dma_start3A_162 : memref<80xi32, #tpu.memory_space<hbm>>) target(%dma_start3A_161 : memref<80xi32, #tpu.memory_space<vmem>>) target_semaphore(%arg11 : memref<!tpu.dma_semaphore, #tpu.memory_space<semaphore_mem>>)
      %mul3A_163 = arith.constant 4 : i32
      %mul3A_164 = arith.muli %scan3A_136, %mul3A_163 : i32
      %add3A_165 = arith.constant 1 : i32
      %add3A_166 = arith.addi %mul3A_164, %add3A_165 : i32
      %mul3A_167 = arith.constant 80 : i32
      %mul3A_168 = arith.muli %add3A_166, %mul3A_167 : i32
      %add3A_169 = arith.addi %mul3A_4, %mul3A_168 : i32
      %dma_start3A_170 = arith.constant 1 : i32
      %dma_start3A_171 = arith.constant 0 : i32
      %dma_start3A_172 = tpu.memref_slice %arg7[%dma_start3A_170, %dma_start3A_171] : memref<4x80xi32, #tpu.memory_space<vmem>> -> memref<1x80xi32, #tpu.memory_space<vmem>>
      %dma_start3A_173 = tpu.memref_squeeze %dma_start3A_172 : memref<1x80xi32, #tpu.memory_space<vmem>> -> memref<80xi32, #tpu.memory_space<vmem>>
      %dma_start3A_174 = tpu.memref_slice %arg2[%add3A_169] : memref<320000xi32, #tpu.memory_space<hbm>> -> memref<80xi32, #tpu.memory_space<hbm>>
      %dma_start3A_175 = arith.constant 0 : i32
      %dma_start3A_176 = tpu.memref_slice %arg7[%dma_start3A_170, %dma_start3A_175] : memref<4x80xi32, #tpu.memory_space<vmem>> -> memref<1x80xi32, #tpu.memory_space<vmem>>
      %dma_start3A_177 = tpu.memref_squeeze %dma_start3A_176 : memref<1x80xi32, #tpu.memory_space<vmem>> -> memref<80xi32, #tpu.memory_space<vmem>>
      %dma_start3A_178 = tpu.memref_slice %arg2[%add3A_169] : memref<320000xi32, #tpu.memory_space<hbm>> -> memref<80xi32, #tpu.memory_space<hbm>>
      tpu.enqueue_dma source(%dma_start3A_178 : memref<80xi32, #tpu.memory_space<hbm>>) target(%dma_start3A_177 : memref<80xi32, #tpu.memory_space<vmem>>) target_semaphore(%arg11 : memref<!tpu.dma_semaphore, #tpu.memory_space<semaphore_mem>>)
      %dma_start3A_179 = arith.constant 1 : i32
      %dma_start3A_180 = arith.constant 0 : i32
      %dma_start3A_181 = tpu.memref_slice %arg8[%dma_start3A_179, %dma_start3A_180] : memref<4x80xi32, #tpu.memory_space<vmem>> -> memref<1x80xi32, #tpu.memory_space<vmem>>
      %dma_start3A_182 = tpu.memref_squeeze %dma_start3A_181 : memref<1x80xi32, #tpu.memory_space<vmem>> -> memref<80xi32, #tpu.memory_space<vmem>>
      %dma_start3A_183 = tpu.memref_slice %arg3[%add3A_169] : memref<320000xi32, #tpu.memory_space<hbm>> -> memref<80xi32, #tpu.memory_space<hbm>>
      %dma_start3A_184 = arith.constant 0 : i32
      %dma_start3A_185 = tpu.memref_slice %arg8[%dma_start3A_179, %dma_start3A_184] : memref<4x80xi32, #tpu.memory_space<vmem>> -> memref<1x80xi32, #tpu.memory_space<vmem>>
      %dma_start3A_186 = tpu.memref_squeeze %dma_start3A_185 : memref<1x80xi32, #tpu.memory_space<vmem>> -> memref<80xi32, #tpu.memory_space<vmem>>
      %dma_start3A_187 = tpu.memref_slice %arg3[%add3A_169] : memref<320000xi32, #tpu.memory_space<hbm>> -> memref<80xi32, #tpu.memory_space<hbm>>
      tpu.enqueue_dma source(%dma_start3A_187 : memref<80xi32, #tpu.memory_space<hbm>>) target(%dma_start3A_186 : memref<80xi32, #tpu.memory_space<vmem>>) target_semaphore(%arg11 : memref<!tpu.dma_semaphore, #tpu.memory_space<semaphore_mem>>)
      %mul3A_188 = arith.constant 4 : i32
      %mul3A_189 = arith.muli %scan3A_136, %mul3A_188 : i32
      %add3A_190 = arith.constant 2 : i32
      %add3A_191 = arith.addi %mul3A_189, %add3A_190 : i32
      %mul3A_192 = arith.constant 80 : i32
      %mul3A_193 = arith.muli %add3A_191, %mul3A_192 : i32
      %add3A_194 = arith.addi %mul3A_4, %mul3A_193 : i32
      %dma_start3A_195 = arith.constant 2 : i32
      %dma_start3A_196 = arith.constant 0 : i32
      %dma_start3A_197 = tpu.memref_slice %arg7[%dma_start3A_195, %dma_start3A_196] : memref<4x80xi32, #tpu.memory_space<vmem>> -> memref<1x80xi32, #tpu.memory_space<vmem>>
      %dma_start3A_198 = tpu.memref_squeeze %dma_start3A_197 : memref<1x80xi32, #tpu.memory_space<vmem>> -> memref<80xi32, #tpu.memory_space<vmem>>
      %dma_start3A_199 = tpu.memref_slice %arg2[%add3A_194] : memref<320000xi32, #tpu.memory_space<hbm>> -> memref<80xi32, #tpu.memory_space<hbm>>
      %dma_start3A_200 = arith.constant 0 : i32
      %dma_start3A_201 = tpu.memref_slice %arg7[%dma_start3A_195, %dma_start3A_200] : memref<4x80xi32, #tpu.memory_space<vmem>> -> memref<1x80xi32, #tpu.memory_space<vmem>>
      %dma_start3A_202 = tpu.memref_squeeze %dma_start3A_201 : memref<1x80xi32, #tpu.memory_space<vmem>> -> memref<80xi32, #tpu.memory_space<vmem>>
      %dma_start3A_203 = tpu.memref_slice %arg2[%add3A_194] : memref<320000xi32, #tpu.memory_space<hbm>> -> memref<80xi32, #tpu.memory_space<hbm>>
      tpu.enqueue_dma source(%dma_start3A_203 : memref<80xi32, #tpu.memory_space<hbm>>) target(%dma_start3A_202 : memref<80xi32, #tpu.memory_space<vmem>>) target_semaphore(%arg11 : memref<!tpu.dma_semaphore, #tpu.memory_space<semaphore_mem>>)
      %dma_start3A_204 = arith.constant 2 : i32
      %dma_start3A_205 = arith.constant 0 : i32
      %dma_start3A_206 = tpu.memref_slice %arg8[%dma_start3A_204, %dma_start3A_205] : memref<4x80xi32, #tpu.memory_space<vmem>> -> memref<1x80xi32, #tpu.memory_space<vmem>>
      %dma_start3A_207 = tpu.memref_squeeze %dma_start3A_206 : memref<1x80xi32, #tpu.memory_space<vmem>> -> memref<80xi32, #tpu.memory_space<vmem>>
      %dma_start3A_208 = tpu.memref_slice %arg3[%add3A_194] : memref<320000xi32, #tpu.memory_space<hbm>> -> memref<80xi32, #tpu.memory_space<hbm>>
      %dma_start3A_209 = arith.constant 0 : i32
      %dma_start3A_210 = tpu.memref_slice %arg8[%dma_start3A_204, %dma_start3A_209] : memref<4x80xi32, #tpu.memory_space<vmem>> -> memref<1x80xi32, #tpu.memory_space<vmem>>
      %dma_start3A_211 = tpu.memref_squeeze %dma_start3A_210 : memref<1x80xi32, #tpu.memory_space<vmem>> -> memref<80xi32, #tpu.memory_space<vmem>>
      %dma_start3A_212 = tpu.memref_slice %arg3[%add3A_194] : memref<320000xi32, #tpu.memory_space<hbm>> -> memref<80xi32, #tpu.memory_space<hbm>>
      tpu.enqueue_dma source(%dma_start3A_212 : memref<80xi32, #tpu.memory_space<hbm>>) target(%dma_start3A_211 : memref<80xi32, #tpu.memory_space<vmem>>) target_semaphore(%arg11 : memref<!tpu.dma_semaphore, #tpu.memory_space<semaphore_mem>>)
      %mul3A_213 = arith.constant 4 : i32
      %mul3A_214 = arith.muli %scan3A_136, %mul3A_213 : i32
      %add3A_215 = arith.constant 3 : i32
      %add3A_216 = arith.addi %mul3A_214, %add3A_215 : i32
      %mul3A_217 = arith.constant 80 : i32
      %mul3A_218 = arith.muli %add3A_216, %mul3A_217 : i32
      %add3A_219 = arith.addi %mul3A_4, %mul3A_218 : i32
      %dma_start3A_220 = arith.constant 3 : i32
      %dma_start3A_221 = arith.constant 0 : i32
      %dma_start3A_222 = tpu.memref_slice %arg7[%dma_start3A_220, %dma_start3A_221] : memref<4x80xi32, #tpu.memory_space<vmem>> -> memref<1x80xi32, #tpu.memory_space<vmem>>
      %dma_start3A_223 = tpu.memref_squeeze %dma_start3A_222 : memref<1x80xi32, #tpu.memory_space<vmem>> -> memref<80xi32, #tpu.memory_space<vmem>>
      %dma_start3A_224 = tpu.memref_slice %arg2[%add3A_219] : memref<320000xi32, #tpu.memory_space<hbm>> -> memref<80xi32, #tpu.memory_space<hbm>>
      %dma_start3A_225 = arith.constant 0 : i32
      %dma_start3A_226 = tpu.memref_slice %arg7[%dma_start3A_220, %dma_start3A_225] : memref<4x80xi32, #tpu.memory_space<vmem>> -> memref<1x80xi32, #tpu.memory_space<vmem>>
      %dma_start3A_227 = tpu.memref_squeeze %dma_start3A_226 : memref<1x80xi32, #tpu.memory_space<vmem>> -> memref<80xi32, #tpu.memory_space<vmem>>
      %dma_start3A_228 = tpu.memref_slice %arg2[%add3A_219] : memref<320000xi32, #tpu.memory_space<hbm>> -> memref<80xi32, #tpu.memory_space<hbm>>
      tpu.enqueue_dma source(%dma_start3A_228 : memref<80xi32, #tpu.memory_space<hbm>>) target(%dma_start3A_227 : memref<80xi32, #tpu.memory_space<vmem>>) target_semaphore(%arg11 : memref<!tpu.dma_semaphore, #tpu.memory_space<semaphore_mem>>)
      %dma_start3A_229 = arith.constant 3 : i32
      %dma_start3A_230 = arith.constant 0 : i32
      %dma_start3A_231 = tpu.memref_slice %arg8[%dma_start3A_229, %dma_start3A_230] : memref<4x80xi32, #tpu.memory_space<vmem>> -> memref<1x80xi32, #tpu.memory_space<vmem>>
      %dma_start3A_232 = tpu.memref_squeeze %dma_start3A_231 : memref<1x80xi32, #tpu.memory_space<vmem>> -> memref<80xi32, #tpu.memory_space<vmem>>
      %dma_start3A_233 = tpu.memref_slice %arg3[%add3A_219] : memref<320000xi32, #tpu.memory_space<hbm>> -> memref<80xi32, #tpu.memory_space<hbm>>
      %dma_start3A_234 = arith.constant 0 : i32
      %dma_start3A_235 = tpu.memref_slice %arg8[%dma_start3A_229, %dma_start3A_234] : memref<4x80xi32, #tpu.memory_space<vmem>> -> memref<1x80xi32, #tpu.memory_space<vmem>>
      %dma_start3A_236 = tpu.memref_squeeze %dma_start3A_235 : memref<1x80xi32, #tpu.memory_space<vmem>> -> memref<80xi32, #tpu.memory_space<vmem>>
      %dma_start3A_237 = tpu.memref_slice %arg3[%add3A_219] : memref<320000xi32, #tpu.memory_space<hbm>> -> memref<80xi32, #tpu.memory_space<hbm>>
      tpu.enqueue_dma source(%dma_start3A_237 : memref<80xi32, #tpu.memory_space<hbm>>) target(%dma_start3A_236 : memref<80xi32, #tpu.memory_space<vmem>>) target_semaphore(%arg11 : memref<!tpu.dma_semaphore, #tpu.memory_space<semaphore_mem>>)
      %dma_wait3A_238 = arith.constant 0 : i32
      %dma_wait3A_239 = arith.constant 0 : i32
      %dma_wait3A_240 = tpu.memref_slice %arg7[%dma_wait3A_238, %dma_wait3A_239] : memref<4x80xi32, #tpu.memory_space<vmem>> -> memref<1x80xi32, #tpu.memory_space<vmem>>
      %dma_wait3A_241 = tpu.memref_squeeze %dma_wait3A_240 : memref<1x80xi32, #tpu.memory_space<vmem>> -> memref<80xi32, #tpu.memory_space<vmem>>
      %dma_wait3A_242 = arith.constant 0 : i32
      %dma_wait3A_243 = tpu.memref_slice %arg2[%dma_wait3A_242] : memref<320000xi32, #tpu.memory_space<hbm>> -> memref<80xi32, #tpu.memory_space<hbm>>
      %dma_wait3A_244 = arith.constant 0 : i32
      %dma_wait3A_245 = tpu.memref_slice %arg7[%dma_wait3A_238, %dma_wait3A_244] : memref<4x80xi32, #tpu.memory_space<vmem>> -> memref<1x80xi32, #tpu.memory_space<vmem>>
      %dma_wait3A_246 = tpu.memref_squeeze %dma_wait3A_245 : memref<1x80xi32, #tpu.memory_space<vmem>> -> memref<80xi32, #tpu.memory_space<vmem>>
      %dma_wait3A_247 = arith.constant 0 : i32
      %dma_wait3A_248 = tpu.memref_slice %arg2[%dma_wait3A_247] : memref<320000xi32, #tpu.memory_space<hbm>> -> memref<80xi32, #tpu.memory_space<hbm>>
      tpu.wait_dma2 semaphore(%arg11 : memref<!tpu.dma_semaphore, #tpu.memory_space<semaphore_mem>>) src(%dma_wait3A_248 : memref<80xi32, #tpu.memory_space<hbm>>) dst(%dma_wait3A_246 : memref<80xi32, #tpu.memory_space<vmem>>)
      %dma_wait3A_249 = arith.constant 0 : i32
      %dma_wait3A_250 = arith.constant 0 : i32
      %dma_wait3A_251 = tpu.memref_slice %arg8[%dma_wait3A_249, %dma_wait3A_250] : memref<4x80xi32, #tpu.memory_space<vmem>> -> memref<1x80xi32, #tpu.memory_space<vmem>>
      %dma_wait3A_252 = tpu.memref_squeeze %dma_wait3A_251 : memref<1x80xi32, #tpu.memory_space<vmem>> -> memref<80xi32, #tpu.memory_space<vmem>>
      %dma_wait3A_253 = arith.constant 0 : i32
      %dma_wait3A_254 = tpu.memref_slice %arg3[%dma_wait3A_253] : memref<320000xi32, #tpu.memory_space<hbm>> -> memref<80xi32, #tpu.memory_space<hbm>>
      %dma_wait3A_255 = arith.constant 0 : i32
      %dma_wait3A_256 = tpu.memref_slice %arg8[%dma_wait3A_249, %dma_wait3A_255] : memref<4x80xi32, #tpu.memory_space<vmem>> -> memref<1x80xi32, #tpu.memory_space<vmem>>
      %dma_wait3A_257 = tpu.memref_squeeze %dma_wait3A_256 : memref<1x80xi32, #tpu.memory_space<vmem>> -> memref<80xi32, #tpu.memory_space<vmem>>
      %dma_wait3A_258 = arith.constant 0 : i32
      %dma_wait3A_259 = tpu.memref_slice %arg3[%dma_wait3A_258] : memref<320000xi32, #tpu.memory_space<hbm>> -> memref<80xi32, #tpu.memory_space<hbm>>
      tpu.wait_dma2 semaphore(%arg11 : memref<!tpu.dma_semaphore, #tpu.memory_space<semaphore_mem>>) src(%dma_wait3A_259 : memref<80xi32, #tpu.memory_space<hbm>>) dst(%dma_wait3A_257 : memref<80xi32, #tpu.memory_space<vmem>>)
      %dma_wait3A_260 = arith.constant 1 : i32
      %dma_wait3A_261 = arith.constant 0 : i32
      %dma_wait3A_262 = tpu.memref_slice %arg7[%dma_wait3A_260, %dma_wait3A_261] : memref<4x80xi32, #tpu.memory_space<vmem>> -> memref<1x80xi32, #tpu.memory_space<vmem>>
      %dma_wait3A_263 = tpu.memref_squeeze %dma_wait3A_262 : memref<1x80xi32, #tpu.memory_space<vmem>> -> memref<80xi32, #tpu.memory_space<vmem>>
      %dma_wait3A_264 = arith.constant 0 : i32
      %dma_wait3A_265 = tpu.memref_slice %arg2[%dma_wait3A_264] : memref<320000xi32, #tpu.memory_space<hbm>> -> memref<80xi32, #tpu.memory_space<hbm>>
      %dma_wait3A_266 = arith.constant 0 : i32
      %dma_wait3A_267 = tpu.memref_slice %arg7[%dma_wait3A_260, %dma_wait3A_266] : memref<4x80xi32, #tpu.memory_space<vmem>> -> memref<1x80xi32, #tpu.memory_space<vmem>>
      %dma_wait3A_268 = tpu.memref_squeeze %dma_wait3A_267 : memref<1x80xi32, #tpu.memory_space<vmem>> -> memref<80xi32, #tpu.memory_space<vmem>>
      %dma_wait3A_269 = arith.constant 0 : i32
      %dma_wait3A_270 = tpu.memref_slice %arg2[%dma_wait3A_269] : memref<320000xi32, #tpu.memory_space<hbm>> -> memref<80xi32, #tpu.memory_space<hbm>>
      tpu.wait_dma2 semaphore(%arg11 : memref<!tpu.dma_semaphore, #tpu.memory_space<semaphore_mem>>) src(%dma_wait3A_270 : memref<80xi32, #tpu.memory_space<hbm>>) dst(%dma_wait3A_268 : memref<80xi32, #tpu.memory_space<vmem>>)
      %dma_wait3A_271 = arith.constant 1 : i32
      %dma_wait3A_272 = arith.constant 0 : i32
      %dma_wait3A_273 = tpu.memref_slice %arg8[%dma_wait3A_271, %dma_wait3A_272] : memref<4x80xi32, #tpu.memory_space<vmem>> -> memref<1x80xi32, #tpu.memory_space<vmem>>
      %dma_wait3A_274 = tpu.memref_squeeze %dma_wait3A_273 : memref<1x80xi32, #tpu.memory_space<vmem>> -> memref<80xi32, #tpu.memory_space<vmem>>
      %dma_wait3A_275 = arith.constant 0 : i32
      %dma_wait3A_276 = tpu.memref_slice %arg3[%dma_wait3A_275] : memref<320000xi32, #tpu.memory_space<hbm>> -> memref<80xi32, #tpu.memory_space<hbm>>
      %dma_wait3A_277 = arith.constant 0 : i32
      %dma_wait3A_278 = tpu.memref_slice %arg8[%dma_wait3A_271, %dma_wait3A_277] : memref<4x80xi32, #tpu.memory_space<vmem>> -> memref<1x80xi32, #tpu.memory_space<vmem>>
      %dma_wait3A_279 = tpu.memref_squeeze %dma_wait3A_278 : memref<1x80xi32, #tpu.memory_space<vmem>> -> memref<80xi32, #tpu.memory_space<vmem>>
      %dma_wait3A_280 = arith.constant 0 : i32
      %dma_wait3A_281 = tpu.memref_slice %arg3[%dma_wait3A_280] : memref<320000xi32, #tpu.memory_space<hbm>> -> memref<80xi32, #tpu.memory_space<hbm>>
      tpu.wait_dma2 semaphore(%arg11 : memref<!tpu.dma_semaphore, #tpu.memory_space<semaphore_mem>>) src(%dma_wait3A_281 : memref<80xi32, #tpu.memory_space<hbm>>) dst(%dma_wait3A_279 : memref<80xi32, #tpu.memory_space<vmem>>)
      %dma_wait3A_282 = arith.constant 2 : i32
      %dma_wait3A_283 = arith.constant 0 : i32
      %dma_wait3A_284 = tpu.memref_slice %arg7[%dma_wait3A_282, %dma_wait3A_283] : memref<4x80xi32, #tpu.memory_space<vmem>> -> memref<1x80xi32, #tpu.memory_space<vmem>>
      %dma_wait3A_285 = tpu.memref_squeeze %dma_wait3A_284 : memref<1x80xi32, #tpu.memory_space<vmem>> -> memref<80xi32, #tpu.memory_space<vmem>>
      %dma_wait3A_286 = arith.constant 0 : i32
      %dma_wait3A_287 = tpu.memref_slice %arg2[%dma_wait3A_286] : memref<320000xi32, #tpu.memory_space<hbm>> -> memref<80xi32, #tpu.memory_space<hbm>>
      %dma_wait3A_288 = arith.constant 0 : i32
      %dma_wait3A_289 = tpu.memref_slice %arg7[%dma_wait3A_282, %dma_wait3A_288] : memref<4x80xi32, #tpu.memory_space<vmem>> -> memref<1x80xi32, #tpu.memory_space<vmem>>
      %dma_wait3A_290 = tpu.memref_squeeze %dma_wait3A_289 : memref<1x80xi32, #tpu.memory_space<vmem>> -> memref<80xi32, #tpu.memory_space<vmem>>
      %dma_wait3A_291 = arith.constant 0 : i32
      %dma_wait3A_292 = tpu.memref_slice %arg2[%dma_wait3A_291] : memref<320000xi32, #tpu.memory_space<hbm>> -> memref<80xi32, #tpu.memory_space<hbm>>
      tpu.wait_dma2 semaphore(%arg11 : memref<!tpu.dma_semaphore, #tpu.memory_space<semaphore_mem>>) src(%dma_wait3A_292 : memref<80xi32, #tpu.memory_space<hbm>>) dst(%dma_wait3A_290 : memref<80xi32, #tpu.memory_space<vmem>>)
      %dma_wait3A_293 = arith.constant 2 : i32
      %dma_wait3A_294 = arith.constant 0 : i32
      %dma_wait3A_295 = tpu.memref_slice %arg8[%dma_wait3A_293, %dma_wait3A_294] : memref<4x80xi32, #tpu.memory_space<vmem>> -> memref<1x80xi32, #tpu.memory_space<vmem>>
      %dma_wait3A_296 = tpu.memref_squeeze %dma_wait3A_295 : memref<1x80xi32, #tpu.memory_space<vmem>> -> memref<80xi32, #tpu.memory_space<vmem>>
      %dma_wait3A_297 = arith.constant 0 : i32
      %dma_wait3A_298 = tpu.memref_slice %arg3[%dma_wait3A_297] : memref<320000xi32, #tpu.memory_space<hbm>> -> memref<80xi32, #tpu.memory_space<hbm>>
      %dma_wait3A_299 = arith.constant 0 : i32
      %dma_wait3A_300 = tpu.memref_slice %arg8[%dma_wait3A_293, %dma_wait3A_299] : memref<4x80xi32, #tpu.memory_space<vmem>> -> memref<1x80xi32, #tpu.memory_space<vmem>>
      %dma_wait3A_301 = tpu.memref_squeeze %dma_wait3A_300 : memref<1x80xi32, #tpu.memory_space<vmem>> -> memref<80xi32, #tpu.memory_space<vmem>>
      %dma_wait3A_302 = arith.constant 0 : i32
      %dma_wait3A_303 = tpu.memref_slice %arg3[%dma_wait3A_302] : memref<320000xi32, #tpu.memory_space<hbm>> -> memref<80xi32, #tpu.memory_space<hbm>>
      tpu.wait_dma2 semaphore(%arg11 : memref<!tpu.dma_semaphore, #tpu.memory_space<semaphore_mem>>) src(%dma_wait3A_303 : memref<80xi32, #tpu.memory_space<hbm>>) dst(%dma_wait3A_301 : memref<80xi32, #tpu.memory_space<vmem>>)
      %dma_wait3A_304 = arith.constant 3 : i32
      %dma_wait3A_305 = arith.constant 0 : i32
      %dma_wait3A_306 = tpu.memref_slice %arg7[%dma_wait3A_304, %dma_wait3A_305] : memref<4x80xi32, #tpu.memory_space<vmem>> -> memref<1x80xi32, #tpu.memory_space<vmem>>
      %dma_wait3A_307 = tpu.memref_squeeze %dma_wait3A_306 : memref<1x80xi32, #tpu.memory_space<vmem>> -> memref<80xi32, #tpu.memory_space<vmem>>
      %dma_wait3A_308 = arith.constant 0 : i32
      %dma_wait3A_309 = tpu.memref_slice %arg2[%dma_wait3A_308] : memref<320000xi32, #tpu.memory_space<hbm>> -> memref<80xi32, #tpu.memory_space<hbm>>
      %dma_wait3A_310 = arith.constant 0 : i32
      %dma_wait3A_311 = tpu.memref_slice %arg7[%dma_wait3A_304, %dma_wait3A_310] : memref<4x80xi32, #tpu.memory_space<vmem>> -> memref<1x80xi32, #tpu.memory_space<vmem>>
      %dma_wait3A_312 = tpu.memref_squeeze %dma_wait3A_311 : memref<1x80xi32, #tpu.memory_space<vmem>> -> memref<80xi32, #tpu.memory_space<vmem>>
      %dma_wait3A_313 = arith.constant 0 : i32
      %dma_wait3A_314 = tpu.memref_slice %arg2[%dma_wait3A_313] : memref<320000xi32, #tpu.memory_space<hbm>> -> memref<80xi32, #tpu.memory_space<hbm>>
      tpu.wait_dma2 semaphore(%arg11 : memref<!tpu.dma_semaphore, #tpu.memory_space<semaphore_mem>>) src(%dma_wait3A_314 : memref<80xi32, #tpu.memory_space<hbm>>) dst(%dma_wait3A_312 : memref<80xi32, #tpu.memory_space<vmem>>)
      %dma_wait3A_315 = arith.constant 3 : i32
      %dma_wait3A_316 = arith.constant 0 : i32
      %dma_wait3A_317 = tpu.memref_slice %arg8[%dma_wait3A_315, %dma_wait3A_316] : memref<4x80xi32, #tpu.memory_space<vmem>> -> memref<1x80xi32, #tpu.memory_space<vmem>>
      %dma_wait3A_318 = tpu.memref_squeeze %dma_wait3A_317 : memref<1x80xi32, #tpu.memory_space<vmem>> -> memref<80xi32, #tpu.memory_space<vmem>>
      %dma_wait3A_319 = arith.constant 0 : i32
      %dma_wait3A_320 = tpu.memref_slice %arg3[%dma_wait3A_319] : memref<320000xi32, #tpu.memory_space<hbm>> -> memref<80xi32, #tpu.memory_space<hbm>>
      %dma_wait3A_321 = arith.constant 0 : i32
      %dma_wait3A_322 = tpu.memref_slice %arg8[%dma_wait3A_315, %dma_wait3A_321] : memref<4x80xi32, #tpu.memory_space<vmem>> -> memref<1x80xi32, #tpu.memory_space<vmem>>
      %dma_wait3A_323 = tpu.memref_squeeze %dma_wait3A_322 : memref<1x80xi32, #tpu.memory_space<vmem>> -> memref<80xi32, #tpu.memory_space<vmem>>
      %dma_wait3A_324 = arith.constant 0 : i32
      %dma_wait3A_325 = tpu.memref_slice %arg3[%dma_wait3A_324] : memref<320000xi32, #tpu.memory_space<hbm>> -> memref<80xi32, #tpu.memory_space<hbm>>
      tpu.wait_dma2 semaphore(%arg11 : memref<!tpu.dma_semaphore, #tpu.memory_space<semaphore_mem>>) src(%dma_wait3A_325 : memref<80xi32, #tpu.memory_space<hbm>>) dst(%dma_wait3A_323 : memref<80xi32, #tpu.memory_space<vmem>>)
      %get3A_326 = arith.constant 0 : i32
      %get3A_327 = arith.index_cast %get3A_326 : i32 to index
      %get3A_328 = arith.constant 0 : index
      %get3A_329 = tpu.vector_load %arg7[%get3A_327, %get3A_328] {strides = array<i32>} : memref<4x80xi32, #tpu.memory_space<vmem>>, vector<1x16xi32>,
      %get3A_330 = vector.shape_cast %get3A_329 : vector<1x16xi32> to vector<16xi32>
      %get3A_331 = arith.constant 0 : i32
      %get3A_332 = arith.index_cast %get3A_331 : i32 to index
      %get3A_333 = arith.constant 0 : index
      %get3A_334 = tpu.vector_load %arg8[%get3A_332, %get3A_333] {strides = array<i32>} : memref<4x80xi32, #tpu.memory_space<vmem>>, vector<1x16xi32>,
      %get3A_335 = vector.shape_cast %get3A_334 : vector<1x16xi32> to vector<16xi32>
      %eq3A_336 = arith.cmpi eq, %get3A_330, %get3A_335 : vector<16xi32>
      %jit3A_337 = arith.constant 10000 : i32
      %broadcast_in_dim3A_338 = vector.broadcast %jit3A_337 : i32 to vector<16xi32>
      %select_n3A_339 = arith.select %eq3A_336, %broadcast_in_dim3A_338, %get3A_330 : vector<16xi1>, vector<16xi32>
      %swap3A_340 = arith.constant 0 : i32
      %swap3A_341 = arith.index_cast %swap3A_340 : i32 to index
      %swap3A_342 = arith.constant 0 : index
      %swap3A_343 = tpu.vector_load %arg9[%swap3A_341, %swap3A_342] {strides = array<i32>} : memref<4x80xi32, #tpu.memory_space<vmem>>, vector<1x16xi32>,
      %swap3A_344 = vector.shape_cast %swap3A_343 : vector<1x16xi32> to vector<16xi32>
      %swap3A_345 = vector.shape_cast %select_n3A_339 : vector<16xi32> to vector<1x16xi32>
      tpu.vector_store %arg9[%swap3A_341, %swap3A_342], %swap3A_345 {strides = array<i32>} : memref<4x80xi32, #tpu.memory_space<vmem>>, vector<1x16xi32>,
      %get3A_346 = arith.constant 0 : i32
      %get3A_347 = arith.index_cast %get3A_346 : i32 to index
      %get3A_348 = arith.constant 16 : index
      %get3A_349 = tpu.vector_load %arg7[%get3A_347, %get3A_348] {strides = array<i32>} : memref<4x80xi32, #tpu.memory_space<vmem>>, vector<1x16xi32>,
      %get3A_350 = vector.shape_cast %get3A_349 : vector<1x16xi32> to vector<16xi32>
      %get3A_351 = arith.constant 0 : i32
      %get3A_352 = arith.index_cast %get3A_351 : i32 to index
      %get3A_353 = arith.constant 16 : index
      %get3A_354 = tpu.vector_load %arg8[%get3A_352, %get3A_353] {strides = array<i32>} : memref<4x80xi32, #tpu.memory_space<vmem>>, vector<1x16xi32>,
      %get3A_355 = vector.shape_cast %get3A_354 : vector<1x16xi32> to vector<16xi32>
      %eq3A_356 = arith.cmpi eq, %get3A_350, %get3A_355 : vector<16xi32>
      %jit3A_357 = arith.constant 10000 : i32
      %broadcast_in_dim3A_358 = vector.broadcast %jit3A_357 : i32 to vector<16xi32>
      %select_n3A_359 = arith.select %eq3A_356, %broadcast_in_dim3A_358, %get3A_350 : vector<16xi1>, vector<16xi32>
      %swap3A_360 = arith.constant 0 : i32
      %swap3A_361 = arith.index_cast %swap3A_360 : i32 to index
      %swap3A_362 = arith.constant 16 : index
      %swap3A_363 = tpu.vector_load %arg9[%swap3A_361, %swap3A_362] {strides = array<i32>} : memref<4x80xi32, #tpu.memory_space<vmem>>, vector<1x16xi32>,
      %swap3A_364 = vector.shape_cast %swap3A_363 : vector<1x16xi32> to vector<16xi32>
      %swap3A_365 = vector.shape_cast %select_n3A_359 : vector<16xi32> to vector<1x16xi32>
      tpu.vector_store %arg9[%swap3A_361, %swap3A_362], %swap3A_365 {strides = array<i32>} : memref<4x80xi32, #tpu.memory_space<vmem>>, vector<1x16xi32>,
      %get3A_366 = arith.constant 0 : i32
      %get3A_367 = arith.index_cast %get3A_366 : i32 to index
      %get3A_368 = arith.constant 32 : index
      %get3A_369 = tpu.vector_load %arg7[%get3A_367, %get3A_368] {strides = array<i32>} : memref<4x80xi32, #tpu.memory_space<vmem>>, vector<1x16xi32>,
      %get3A_370 = vector.shape_cast %get3A_369 : vector<1x16xi32> to vector<16xi32>
      %get3A_371 = arith.constant 0 : i32
      %get3A_372 = arith.index_cast %get3A_371 : i32 to index
      %get3A_373 = arith.constant 32 : index
      %get3A_374 = tpu.vector_load %arg8[%get3A_372, %get3A_373] {strides = array<i32>} : memref<4x80xi32, #tpu.memory_space<vmem>>, vector<1x16xi32>,
      %get3A_375 = vector.shape_cast %get3A_374 : vector<1x16xi32> to vector<16xi32>
      %eq3A_376 = arith.cmpi eq, %get3A_370, %get3A_375 : vector<16xi32>
      %jit3A_377 = arith.constant 10000 : i32
      %broadcast_in_dim3A_378 = vector.broadcast %jit3A_377 : i32 to vector<16xi32>
      %select_n3A_379 = arith.select %eq3A_376, %broadcast_in_dim3A_378, %get3A_370 : vector<16xi1>, vector<16xi32>
      %swap3A_380 = arith.constant 0 : i32
      %swap3A_381 = arith.index_cast %swap3A_380 : i32 to index
      %swap3A_382 = arith.constant 32 : index
      %swap3A_383 = tpu.vector_load %arg9[%swap3A_381, %swap3A_382] {strides = array<i32>} : memref<4x80xi32, #tpu.memory_space<vmem>>, vector<1x16xi32>,
      %swap3A_384 = vector.shape_cast %swap3A_383 : vector<1x16xi32> to vector<16xi32>
      %swap3A_385 = vector.shape_cast %select_n3A_379 : vector<16xi32> to vector<1x16xi32>
      tpu.vector_store %arg9[%swap3A_381, %swap3A_382], %swap3A_385 {strides = array<i32>} : memref<4x80xi32, #tpu.memory_space<vmem>>, vector<1x16xi32>,
      %get3A_386 = arith.constant 0 : i32
      %get3A_387 = arith.index_cast %get3A_386 : i32 to index
      %get3A_388 = arith.constant 48 : index
      %get3A_389 = tpu.vector_load %arg7[%get3A_387, %get3A_388] {strides = array<i32>} : memref<4x80xi32, #tpu.memory_space<vmem>>, vector<1x16xi32>,
      %get3A_390 = vector.shape_cast %get3A_389 : vector<1x16xi32> to vector<16xi32>
      %get3A_391 = arith.constant 0 : i32
      %get3A_392 = arith.index_cast %get3A_391 : i32 to index
      %get3A_393 = arith.constant 48 : index
      %get3A_394 = tpu.vector_load %arg8[%get3A_392, %get3A_393] {strides = array<i32>} : memref<4x80xi32, #tpu.memory_space<vmem>>, vector<1x16xi32>,
      %get3A_395 = vector.shape_cast %get3A_394 : vector<1x16xi32> to vector<16xi32>
      %eq3A_396 = arith.cmpi eq, %get3A_390, %get3A_395 : vector<16xi32>
      %jit3A_397 = arith.constant 10000 : i32
      %broadcast_in_dim3A_398 = vector.broadcast %jit3A_397 : i32 to vector<16xi32>
      %select_n3A_399 = arith.select %eq3A_396, %broadcast_in_dim3A_398, %get3A_390 : vector<16xi1>, vector<16xi32>
      %swap3A_400 = arith.constant 0 : i32
      %swap3A_401 = arith.index_cast %swap3A_400 : i32 to index
      %swap3A_402 = arith.constant 48 : index
      %swap3A_403 = tpu.vector_load %arg9[%swap3A_401, %swap3A_402] {strides = array<i32>} : memref<4x80xi32, #tpu.memory_space<vmem>>, vector<1x16xi32>,
      %swap3A_404 = vector.shape_cast %swap3A_403 : vector<1x16xi32> to vector<16xi32>
      %swap3A_405 = vector.shape_cast %select_n3A_399 : vector<16xi32> to vector<1x16xi32>
      tpu.vector_store %arg9[%swap3A_401, %swap3A_402], %swap3A_405 {strides = array<i32>} : memref<4x80xi32, #tpu.memory_space<vmem>>, vector<1x16xi32>,
      %get3A_406 = arith.constant 0 : i32
      %get3A_407 = arith.index_cast %get3A_406 : i32 to index
      %get3A_408 = arith.constant 64 : index
      %get3A_409 = tpu.vector_load %arg7[%get3A_407, %get3A_408] {strides = array<i32>} : memref<4x80xi32, #tpu.memory_space<vmem>>, vector<1x16xi32>,
      %get3A_410 = vector.shape_cast %get3A_409 : vector<1x16xi32> to vector<16xi32>
      %get3A_411 = arith.constant 0 : i32
      %get3A_412 = arith.index_cast %get3A_411 : i32 to index
      %get3A_413 = arith.constant 64 : index
      %get3A_414 = tpu.vector_load %arg8[%get3A_412, %get3A_413] {strides = array<i32>} : memref<4x80xi32, #tpu.memory_space<vmem>>, vector<1x16xi32>,
      %get3A_415 = vector.shape_cast %get3A_414 : vector<1x16xi32> to vector<16xi32>
      %eq3A_416 = arith.cmpi eq, %get3A_410, %get3A_415 : vector<16xi32>
      %jit3A_417 = arith.constant 10000 : i32
      %broadcast_in_dim3A_418 = vector.broadcast %jit3A_417 : i32 to vector<16xi32>
      %select_n3A_419 = arith.select %eq3A_416, %broadcast_in_dim3A_418, %get3A_410 : vector<16xi1>, vector<16xi32>
      %swap3A_420 = arith.constant 0 : i32
      %swap3A_421 = arith.index_cast %swap3A_420 : i32 to index
      %swap3A_422 = arith.constant 64 : index
      %swap3A_423 = tpu.vector_load %arg9[%swap3A_421, %swap3A_422] {strides = array<i32>} : memref<4x80xi32, #tpu.memory_space<vmem>>, vector<1x16xi32>,
      %swap3A_424 = vector.shape_cast %swap3A_423 : vector<1x16xi32> to vector<16xi32>
      %swap3A_425 = vector.shape_cast %select_n3A_419 : vector<16xi32> to vector<1x16xi32>
      tpu.vector_store %arg9[%swap3A_421, %swap3A_422], %swap3A_425 {strides = array<i32>} : memref<4x80xi32, #tpu.memory_space<vmem>>, vector<1x16xi32>,
      %dma_start3A_426 = arith.constant 0 : i32
      %dma_start3A_427 = arith.constant 0 : i32
      %dma_start3A_428 = tpu.memref_slice %arg9[%dma_start3A_426, %dma_start3A_427] : memref<4x80xi32, #tpu.memory_space<vmem>> -> memref<1x80xi32, #tpu.memory_space<vmem>>
      %dma_start3A_429 = tpu.memref_squeeze %dma_start3A_428 : memref<1x80xi32, #tpu.memory_space<vmem>> -> memref<80xi32, #tpu.memory_space<vmem>>
      %dma_start3A_430 = arith.constant 0 : i32
      %dma_start3A_431 = arith.constant 0 : i32
      %dma_start3A_432 = tpu.memref_slice %arg13[%dma_start3A_430, %dma_start3A_431] : memref<10112x128xf32, #tpu.memory_space<vmem_shared>> -> memref<10112x128xf32, #tpu.memory_space<vmem_shared>>
      tpu.enqueue_indirect_dma source(%arg10 : memref<80x128xf32, #tpu.memory_space<vmem>>) target(%dma_start3A_432 : memref<10112x128xf32, #tpu.memory_space<vmem_shared>>) offsets(%dma_start3A_429 : memref<80xi32, #tpu.memory_space<vmem>>) semaphore(%arg12 : memref<!tpu.dma_semaphore, #tpu.memory_space<semaphore_mem>>) {add = true}
      %get3A_433 = arith.constant 1 : i32
      %get3A_434 = arith.index_cast %get3A_433 : i32 to index
      %get3A_435 = arith.constant 0 : index
      %get3A_436 = tpu.vector_load %arg7[%get3A_434, %get3A_435] {strides = array<i32>} : memref<4x80xi32, #tpu.memory_space<vmem>>, vector<1x16xi32>,
      %get3A_437 = vector.shape_cast %get3A_436 : vector<1x16xi32> to vector<16xi32>
      %get3A_438 = arith.constant 1 : i32
      %get3A_439 = arith.index_cast %get3A_438 : i32 to index
      %get3A_440 = arith.constant 0 : index
      %get3A_441 = tpu.vector_load %arg8[%get3A_439, %get3A_440] {strides = array<i32>} : memref<4x80xi32, #tpu.memory_space<vmem>>, vector<1x16xi32>,
      %get3A_442 = vector.shape_cast %get3A_441 : vector<1x16xi32> to vector<16xi32>
      %eq3A_443 = arith.cmpi eq, %get3A_437, %get3A_442 : vector<16xi32>
      %jit3A_444 = arith.constant 10000 : i32
      %broadcast_in_dim3A_445 = vector.broadcast %jit3A_444 : i32 to vector<16xi32>
      %select_n3A_446 = arith.select %eq3A_443, %broadcast_in_dim3A_445, %get3A_437 : vector<16xi1>, vector<16xi32>
      %swap3A_447 = arith.constant 1 : i32
      %swap3A_448 = arith.index_cast %swap3A_447 : i32 to index
      %swap3A_449 = arith.constant 0 : index
      %swap3A_450 = tpu.vector_load %arg9[%swap3A_448, %swap3A_449] {strides = array<i32>} : memref<4x80xi32, #tpu.memory_space<vmem>>, vector<1x16xi32>,
      %swap3A_451 = vector.shape_cast %swap3A_450 : vector<1x16xi32> to vector<16xi32>
      %swap3A_452 = vector.shape_cast %select_n3A_446 : vector<16xi32> to vector<1x16xi32>
      tpu.vector_store %arg9[%swap3A_448, %swap3A_449], %swap3A_452 {strides = array<i32>} : memref<4x80xi32, #tpu.memory_space<vmem>>, vector<1x16xi32>,
      %get3A_453 = arith.constant 1 : i32
      %get3A_454 = arith.index_cast %get3A_453 : i32 to index
      %get3A_455 = arith.constant 16 : index
      %get3A_456 = tpu.vector_load %arg7[%get3A_454, %get3A_455] {strides = array<i32>} : memref<4x80xi32, #tpu.memory_space<vmem>>, vector<1x16xi32>,
      %get3A_457 = vector.shape_cast %get3A_456 : vector<1x16xi32> to vector<16xi32>
      %get3A_458 = arith.constant 1 : i32
      %get3A_459 = arith.index_cast %get3A_458 : i32 to index
      %get3A_460 = arith.constant 16 : index
      %get3A_461 = tpu.vector_load %arg8[%get3A_459, %get3A_460] {strides = array<i32>} : memref<4x80xi32, #tpu.memory_space<vmem>>, vector<1x16xi32>,
      %get3A_462 = vector.shape_cast %get3A_461 : vector<1x16xi32> to vector<16xi32>
      %eq3A_463 = arith.cmpi eq, %get3A_457, %get3A_462 : vector<16xi32>
      %jit3A_464 = arith.constant 10000 : i32
      %broadcast_in_dim3A_465 = vector.broadcast %jit3A_464 : i32 to vector<16xi32>
      %select_n3A_466 = arith.select %eq3A_463, %broadcast_in_dim3A_465, %get3A_457 : vector<16xi1>, vector<16xi32>
      %swap3A_467 = arith.constant 1 : i32
      %swap3A_468 = arith.index_cast %swap3A_467 : i32 to index
      %swap3A_469 = arith.constant 16 : index
      %swap3A_470 = tpu.vector_load %arg9[%swap3A_468, %swap3A_469] {strides = array<i32>} : memref<4x80xi32, #tpu.memory_space<vmem>>, vector<1x16xi32>,
      %swap3A_471 = vector.shape_cast %swap3A_470 : vector<1x16xi32> to vector<16xi32>
      %swap3A_472 = vector.shape_cast %select_n3A_466 : vector<16xi32> to vector<1x16xi32>
      tpu.vector_store %arg9[%swap3A_468, %swap3A_469], %swap3A_472 {strides = array<i32>} : memref<4x80xi32, #tpu.memory_space<vmem>>, vector<1x16xi32>,
      %get3A_473 = arith.constant 1 : i32
      %get3A_474 = arith.index_cast %get3A_473 : i32 to index
      %get3A_475 = arith.constant 32 : index
      %get3A_476 = tpu.vector_load %arg7[%get3A_474, %get3A_475] {strides = array<i32>} : memref<4x80xi32, #tpu.memory_space<vmem>>, vector<1x16xi32>,
      %get3A_477 = vector.shape_cast %get3A_476 : vector<1x16xi32> to vector<16xi32>
      %get3A_478 = arith.constant 1 : i32
      %get3A_479 = arith.index_cast %get3A_478 : i32 to index
      %get3A_480 = arith.constant 32 : index
      %get3A_481 = tpu.vector_load %arg8[%get3A_479, %get3A_480] {strides = array<i32>} : memref<4x80xi32, #tpu.memory_space<vmem>>, vector<1x16xi32>,
      %get3A_482 = vector.shape_cast %get3A_481 : vector<1x16xi32> to vector<16xi32>
      %eq3A_483 = arith.cmpi eq, %get3A_477, %get3A_482 : vector<16xi32>
      %jit3A_484 = arith.constant 10000 : i32
      %broadcast_in_dim3A_485 = vector.broadcast %jit3A_484 : i32 to vector<16xi32>
      %select_n3A_486 = arith.select %eq3A_483, %broadcast_in_dim3A_485, %get3A_477 : vector<16xi1>, vector<16xi32>
      %swap3A_487 = arith.constant 1 : i32
      %swap3A_488 = arith.index_cast %swap3A_487 : i32 to index
      %swap3A_489 = arith.constant 32 : index
      %swap3A_490 = tpu.vector_load %arg9[%swap3A_488, %swap3A_489] {strides = array<i32>} : memref<4x80xi32, #tpu.memory_space<vmem>>, vector<1x16xi32>,
      %swap3A_491 = vector.shape_cast %swap3A_490 : vector<1x16xi32> to vector<16xi32>
      %swap3A_492 = vector.shape_cast %select_n3A_486 : vector<16xi32> to vector<1x16xi32>
      tpu.vector_store %arg9[%swap3A_488, %swap3A_489], %swap3A_492 {strides = array<i32>} : memref<4x80xi32, #tpu.memory_space<vmem>>, vector<1x16xi32>,
      %get3A_493 = arith.constant 1 : i32
      %get3A_494 = arith.index_cast %get3A_493 : i32 to index
      %get3A_495 = arith.constant 48 : index
      %get3A_496 = tpu.vector_load %arg7[%get3A_494, %get3A_495] {strides = array<i32>} : memref<4x80xi32, #tpu.memory_space<vmem>>, vector<1x16xi32>,
      %get3A_497 = vector.shape_cast %get3A_496 : vector<1x16xi32> to vector<16xi32>
      %get3A_498 = arith.constant 1 : i32
      %get3A_499 = arith.index_cast %get3A_498 : i32 to index
      %get3A_500 = arith.constant 48 : index
      %get3A_501 = tpu.vector_load %arg8[%get3A_499, %get3A_500] {strides = array<i32>} : memref<4x80xi32, #tpu.memory_space<vmem>>, vector<1x16xi32>,
      %get3A_502 = vector.shape_cast %get3A_501 : vector<1x16xi32> to vector<16xi32>
      %eq3A_503 = arith.cmpi eq, %get3A_497, %get3A_502 : vector<16xi32>
      %jit3A_504 = arith.constant 10000 : i32
      %broadcast_in_dim3A_505 = vector.broadcast %jit3A_504 : i32 to vector<16xi32>
      %select_n3A_506 = arith.select %eq3A_503, %broadcast_in_dim3A_505, %get3A_497 : vector<16xi1>, vector<16xi32>
      %swap3A_507 = arith.constant 1 : i32
      %swap3A_508 = arith.index_cast %swap3A_507 : i32 to index
      %swap3A_509 = arith.constant 48 : index
      %swap3A_510 = tpu.vector_load %arg9[%swap3A_508, %swap3A_509] {strides = array<i32>} : memref<4x80xi32, #tpu.memory_space<vmem>>, vector<1x16xi32>,
      %swap3A_511 = vector.shape_cast %swap3A_510 : vector<1x16xi32> to vector<16xi32>
      %swap3A_512 = vector.shape_cast %select_n3A_506 : vector<16xi32> to vector<1x16xi32>
      tpu.vector_store %arg9[%swap3A_508, %swap3A_509], %swap3A_512 {strides = array<i32>} : memref<4x80xi32, #tpu.memory_space<vmem>>, vector<1x16xi32>,
      %get3A_513 = arith.constant 1 : i32
      %get3A_514 = arith.index_cast %get3A_513 : i32 to index
      %get3A_515 = arith.constant 64 : index
      %get3A_516 = tpu.vector_load %arg7[%get3A_514, %get3A_515] {strides = array<i32>} : memref<4x80xi32, #tpu.memory_space<vmem>>, vector<1x16xi32>,
      %get3A_517 = vector.shape_cast %get3A_516 : vector<1x16xi32> to vector<16xi32>
      %get3A_518 = arith.constant 1 : i32
      %get3A_519 = arith.index_cast %get3A_518 : i32 to index
      %get3A_520 = arith.constant 64 : index
      %get3A_521 = tpu.vector_load %arg8[%get3A_519, %get3A_520] {strides = array<i32>} : memref<4x80xi32, #tpu.memory_space<vmem>>, vector<1x16xi32>,
      %get3A_522 = vector.shape_cast %get3A_521 : vector<1x16xi32> to vector<16xi32>
      %eq3A_523 = arith.cmpi eq, %get3A_517, %get3A_522 : vector<16xi32>
      %jit3A_524 = arith.constant 10000 : i32
      %broadcast_in_dim3A_525 = vector.broadcast %jit3A_524 : i32 to vector<16xi32>
      %select_n3A_526 = arith.select %eq3A_523, %broadcast_in_dim3A_525, %get3A_517 : vector<16xi1>, vector<16xi32>
      %swap3A_527 = arith.constant 1 : i32
      %swap3A_528 = arith.index_cast %swap3A_527 : i32 to index
      %swap3A_529 = arith.constant 64 : index
      %swap3A_530 = tpu.vector_load %arg9[%swap3A_528, %swap3A_529] {strides = array<i32>} : memref<4x80xi32, #tpu.memory_space<vmem>>, vector<1x16xi32>,
      %swap3A_531 = vector.shape_cast %swap3A_530 : vector<1x16xi32> to vector<16xi32>
      %swap3A_532 = vector.shape_cast %select_n3A_526 : vector<16xi32> to vector<1x16xi32>
      tpu.vector_store %arg9[%swap3A_528, %swap3A_529], %swap3A_532 {strides = array<i32>} : memref<4x80xi32, #tpu.memory_space<vmem>>, vector<1x16xi32>,
      %dma_start3A_533 = arith.constant 1 : i32
      %dma_start3A_534 = arith.constant 0 : i32
      %dma_start3A_535 = tpu.memref_slice %arg9[%dma_start3A_533, %dma_start3A_534] : memref<4x80xi32, #tpu.memory_space<vmem>> -> memref<1x80xi32, #tpu.memory_space<vmem>>
      %dma_start3A_536 = tpu.memref_squeeze %dma_start3A_535 : memref<1x80xi32, #tpu.memory_space<vmem>> -> memref<80xi32, #tpu.memory_space<vmem>>
      %dma_start3A_537 = arith.constant 0 : i32
      %dma_start3A_538 = arith.constant 0 : i32
      %dma_start3A_539 = tpu.memref_slice %arg13[%dma_start3A_537, %dma_start3A_538] : memref<10112x128xf32, #tpu.memory_space<vmem_shared>> -> memref<10112x128xf32, #tpu.memory_space<vmem_shared>>
      tpu.enqueue_indirect_dma source(%arg10 : memref<80x128xf32, #tpu.memory_space<vmem>>) target(%dma_start3A_539 : memref<10112x128xf32, #tpu.memory_space<vmem_shared>>) offsets(%dma_start3A_536 : memref<80xi32, #tpu.memory_space<vmem>>) semaphore(%arg12 : memref<!tpu.dma_semaphore, #tpu.memory_space<semaphore_mem>>) {add = true}
      %get3A_540 = arith.constant 2 : i32
      %get3A_541 = arith.index_cast %get3A_540 : i32 to index
      %get3A_542 = arith.constant 0 : index
      %get3A_543 = tpu.vector_load %arg7[%get3A_541, %get3A_542] {strides = array<i32>} : memref<4x80xi32, #tpu.memory_space<vmem>>, vector<1x16xi32>,
      %get3A_544 = vector.shape_cast %get3A_543 : vector<1x16xi32> to vector<16xi32>
      %get3A_545 = arith.constant 2 : i32
      %get3A_546 = arith.index_cast %get3A_545 : i32 to index
      %get3A_547 = arith.constant 0 : index
      %get3A_548 = tpu.vector_load %arg8[%get3A_546, %get3A_547] {strides = array<i32>} : memref<4x80xi32, #tpu.memory_space<vmem>>, vector<1x16xi32>,
      %get3A_549 = vector.shape_cast %get3A_548 : vector<1x16xi32> to vector<16xi32>
      %eq3A_550 = arith.cmpi eq, %get3A_544, %get3A_549 : vector<16xi32>
      %jit3A_551 = arith.constant 10000 : i32
      %broadcast_in_dim3A_552 = vector.broadcast %jit3A_551 : i32 to vector<16xi32>
      %select_n3A_553 = arith.select %eq3A_550, %broadcast_in_dim3A_552, %get3A_544 : vector<16xi1>, vector<16xi32>
      %swap3A_554 = arith.constant 2 : i32
      %swap3A_555 = arith.index_cast %swap3A_554 : i32 to index
      %swap3A_556 = arith.constant 0 : index
      %swap3A_557 = tpu.vector_load %arg9[%swap3A_555, %swap3A_556] {strides = array<i32>} : memref<4x80xi32, #tpu.memory_space<vmem>>, vector<1x16xi32>,
      %swap3A_558 = vector.shape_cast %swap3A_557 : vector<1x16xi32> to vector<16xi32>
      %swap3A_559 = vector.shape_cast %select_n3A_553 : vector<16xi32> to vector<1x16xi32>
      tpu.vector_store %arg9[%swap3A_555, %swap3A_556], %swap3A_559 {strides = array<i32>} : memref<4x80xi32, #tpu.memory_space<vmem>>, vector<1x16xi32>,
      %get3A_560 = arith.constant 2 : i32
      %get3A_561 = arith.index_cast %get3A_560 : i32 to index
      %get3A_562 = arith.constant 16 : index
      %get3A_563 = tpu.vector_load %arg7[%get3A_561, %get3A_562] {strides = array<i32>} : memref<4x80xi32, #tpu.memory_space<vmem>>, vector<1x16xi32>,
      %get3A_564 = vector.shape_cast %get3A_563 : vector<1x16xi32> to vector<16xi32>
      %get3A_565 = arith.constant 2 : i32
      %get3A_566 = arith.index_cast %get3A_565 : i32 to index
      %get3A_567 = arith.constant 16 : index
      %get3A_568 = tpu.vector_load %arg8[%get3A_566, %get3A_567] {strides = array<i32>} : memref<4x80xi32, #tpu.memory_space<vmem>>, vector<1x16xi32>,
      %get3A_569 = vector.shape_cast %get3A_568 : vector<1x16xi32> to vector<16xi32>
      %eq3A_570 = arith.cmpi eq, %get3A_564, %get3A_569 : vector<16xi32>
      %jit3A_571 = arith.constant 10000 : i32
      %broadcast_in_dim3A_572 = vector.broadcast %jit3A_571 : i32 to vector<16xi32>
      %select_n3A_573 = arith.select %eq3A_570, %broadcast_in_dim3A_572, %get3A_564 : vector<16xi1>, vector<16xi32>
      %swap3A_574 = arith.constant 2 : i32
      %swap3A_575 = arith.index_cast %swap3A_574 : i32 to index
      %swap3A_576 = arith.constant 16 : index
      %swap3A_577 = tpu.vector_load %arg9[%swap3A_575, %swap3A_576] {strides = array<i32>} : memref<4x80xi32, #tpu.memory_space<vmem>>, vector<1x16xi32>,
      %swap3A_578 = vector.shape_cast %swap3A_577 : vector<1x16xi32> to vector<16xi32>
      %swap3A_579 = vector.shape_cast %select_n3A_573 : vector<16xi32> to vector<1x16xi32>
      tpu.vector_store %arg9[%swap3A_575, %swap3A_576], %swap3A_579 {strides = array<i32>} : memref<4x80xi32, #tpu.memory_space<vmem>>, vector<1x16xi32>,
      %get3A_580 = arith.constant 2 : i32
      %get3A_581 = arith.index_cast %get3A_580 : i32 to index
      %get3A_582 = arith.constant 32 : index
      %get3A_583 = tpu.vector_load %arg7[%get3A_581, %get3A_582] {strides = array<i32>} : memref<4x80xi32, #tpu.memory_space<vmem>>, vector<1x16xi32>,
      %get3A_584 = vector.shape_cast %get3A_583 : vector<1x16xi32> to vector<16xi32>
      %get3A_585 = arith.constant 2 : i32
      %get3A_586 = arith.index_cast %get3A_585 : i32 to index
      %get3A_587 = arith.constant 32 : index
      %get3A_588 = tpu.vector_load %arg8[%get3A_586, %get3A_587] {strides = array<i32>} : memref<4x80xi32, #tpu.memory_space<vmem>>, vector<1x16xi32>,
      %get3A_589 = vector.shape_cast %get3A_588 : vector<1x16xi32> to vector<16xi32>
      %eq3A_590 = arith.cmpi eq, %get3A_584, %get3A_589 : vector<16xi32>
      %jit3A_591 = arith.constant 10000 : i32
      %broadcast_in_dim3A_592 = vector.broadcast %jit3A_591 : i32 to vector<16xi32>
      %select_n3A_593 = arith.select %eq3A_590, %broadcast_in_dim3A_592, %get3A_584 : vector<16xi1>, vector<16xi32>
      %swap3A_594 = arith.constant 2 : i32
      %swap3A_595 = arith.index_cast %swap3A_594 : i32 to index
      %swap3A_596 = arith.constant 32 : index
      %swap3A_597 = tpu.vector_load %arg9[%swap3A_595, %swap3A_596] {strides = array<i32>} : memref<4x80xi32, #tpu.memory_space<vmem>>, vector<1x16xi32>,
      %swap3A_598 = vector.shape_cast %swap3A_597 : vector<1x16xi32> to vector<16xi32>
      %swap3A_599 = vector.shape_cast %select_n3A_593 : vector<16xi32> to vector<1x16xi32>
      tpu.vector_store %arg9[%swap3A_595, %swap3A_596], %swap3A_599 {strides = array<i32>} : memref<4x80xi32, #tpu.memory_space<vmem>>, vector<1x16xi32>,
      %get3A_600 = arith.constant 2 : i32
      %get3A_601 = arith.index_cast %get3A_600 : i32 to index
      %get3A_602 = arith.constant 48 : index
      %get3A_603 = tpu.vector_load %arg7[%get3A_601, %get3A_602] {strides = array<i32>} : memref<4x80xi32, #tpu.memory_space<vmem>>, vector<1x16xi32>,
      %get3A_604 = vector.shape_cast %get3A_603 : vector<1x16xi32> to vector<16xi32>
      %get3A_605 = arith.constant 2 : i32
      %get3A_606 = arith.index_cast %get3A_605 : i32 to index
      %get3A_607 = arith.constant 48 : index
      %get3A_608 = tpu.vector_load %arg8[%get3A_606, %get3A_607] {strides = array<i32>} : memref<4x80xi32, #tpu.memory_space<vmem>>, vector<1x16xi32>,
      %get3A_609 = vector.shape_cast %get3A_608 : vector<1x16xi32> to vector<16xi32>
      %eq3A_610 = arith.cmpi eq, %get3A_604, %get3A_609 : vector<16xi32>
      %jit3A_611 = arith.constant 10000 : i32
      %broadcast_in_dim3A_612 = vector.broadcast %jit3A_611 : i32 to vector<16xi32>
      %select_n3A_613 = arith.select %eq3A_610, %broadcast_in_dim3A_612, %get3A_604 : vector<16xi1>, vector<16xi32>
      %swap3A_614 = arith.constant 2 : i32
      %swap3A_615 = arith.index_cast %swap3A_614 : i32 to index
      %swap3A_616 = arith.constant 48 : index
      %swap3A_617 = tpu.vector_load %arg9[%swap3A_615, %swap3A_616] {strides = array<i32>} : memref<4x80xi32, #tpu.memory_space<vmem>>, vector<1x16xi32>,
      %swap3A_618 = vector.shape_cast %swap3A_617 : vector<1x16xi32> to vector<16xi32>
      %swap3A_619 = vector.shape_cast %select_n3A_613 : vector<16xi32> to vector<1x16xi32>
      tpu.vector_store %arg9[%swap3A_615, %swap3A_616], %swap3A_619 {strides = array<i32>} : memref<4x80xi32, #tpu.memory_space<vmem>>, vector<1x16xi32>,
      %get3A_620 = arith.constant 2 : i32
      %get3A_621 = arith.index_cast %get3A_620 : i32 to index
      %get3A_622 = arith.constant 64 : index
      %get3A_623 = tpu.vector_load %arg7[%get3A_621, %get3A_622] {strides = array<i32>} : memref<4x80xi32, #tpu.memory_space<vmem>>, vector<1x16xi32>,
      %get3A_624 = vector.shape_cast %get3A_623 : vector<1x16xi32> to vector<16xi32>
      %get3A_625 = arith.constant 2 : i32
      %get3A_626 = arith.index_cast %get3A_625 : i32 to index
      %get3A_627 = arith.constant 64 : index
      %get3A_628 = tpu.vector_load %arg8[%get3A_626, %get3A_627] {strides = array<i32>} : memref<4x80xi32, #tpu.memory_space<vmem>>, vector<1x16xi32>,
      %get3A_629 = vector.shape_cast %get3A_628 : vector<1x16xi32> to vector<16xi32>
      %eq3A_630 = arith.cmpi eq, %get3A_624, %get3A_629 : vector<16xi32>
      %jit3A_631 = arith.constant 10000 : i32
      %broadcast_in_dim3A_632 = vector.broadcast %jit3A_631 : i32 to vector<16xi32>
      %select_n3A_633 = arith.select %eq3A_630, %broadcast_in_dim3A_632, %get3A_624 : vector<16xi1>, vector<16xi32>
      %swap3A_634 = arith.constant 2 : i32
      %swap3A_635 = arith.index_cast %swap3A_634 : i32 to index
      %swap3A_636 = arith.constant 64 : index
      %swap3A_637 = tpu.vector_load %arg9[%swap3A_635, %swap3A_636] {strides = array<i32>} : memref<4x80xi32, #tpu.memory_space<vmem>>, vector<1x16xi32>,
      %swap3A_638 = vector.shape_cast %swap3A_637 : vector<1x16xi32> to vector<16xi32>
      %swap3A_639 = vector.shape_cast %select_n3A_633 : vector<16xi32> to vector<1x16xi32>
      tpu.vector_store %arg9[%swap3A_635, %swap3A_636], %swap3A_639 {strides = array<i32>} : memref<4x80xi32, #tpu.memory_space<vmem>>, vector<1x16xi32>,
      %dma_start3A_640 = arith.constant 2 : i32
      %dma_start3A_641 = arith.constant 0 : i32
      %dma_start3A_642 = tpu.memref_slice %arg9[%dma_start3A_640, %dma_start3A_641] : memref<4x80xi32, #tpu.memory_space<vmem>> -> memref<1x80xi32, #tpu.memory_space<vmem>>
      %dma_start3A_643 = tpu.memref_squeeze %dma_start3A_642 : memref<1x80xi32, #tpu.memory_space<vmem>> -> memref<80xi32, #tpu.memory_space<vmem>>
      %dma_start3A_644 = arith.constant 0 : i32
      %dma_start3A_645 = arith.constant 0 : i32
      %dma_start3A_646 = tpu.memref_slice %arg13[%dma_start3A_644, %dma_start3A_645] : memref<10112x128xf32, #tpu.memory_space<vmem_shared>> -> memref<10112x128xf32, #tpu.memory_space<vmem_shared>>
      tpu.enqueue_indirect_dma source(%arg10 : memref<80x128xf32, #tpu.memory_space<vmem>>) target(%dma_start3A_646 : memref<10112x128xf32, #tpu.memory_space<vmem_shared>>) offsets(%dma_start3A_643 : memref<80xi32, #tpu.memory_space<vmem>>) semaphore(%arg12 : memref<!tpu.dma_semaphore, #tpu.memory_space<semaphore_mem>>) {add = true}
      %get3A_647 = arith.constant 3 : i32
      %get3A_648 = arith.index_cast %get3A_647 : i32 to index
      %get3A_649 = arith.constant 0 : index
      %get3A_650 = tpu.vector_load %arg7[%get3A_648, %get3A_649] {strides = array<i32>} : memref<4x80xi32, #tpu.memory_space<vmem>>, vector<1x16xi32>,
      %get3A_651 = vector.shape_cast %get3A_650 : vector<1x16xi32> to vector<16xi32>
      %get3A_652 = arith.constant 3 : i32
      %get3A_653 = arith.index_cast %get3A_652 : i32 to index
      %get3A_654 = arith.constant 0 : index
      %get3A_655 = tpu.vector_load %arg8[%get3A_653, %get3A_654] {strides = array<i32>} : memref<4x80xi32, #tpu.memory_space<vmem>>, vector<1x16xi32>,
      %get3A_656 = vector.shape_cast %get3A_655 : vector<1x16xi32> to vector<16xi32>
      %eq3A_657 = arith.cmpi eq, %get3A_651, %get3A_656 : vector<16xi32>
      %jit3A_658 = arith.constant 10000 : i32
      %broadcast_in_dim3A_659 = vector.broadcast %jit3A_658 : i32 to vector<16xi32>
      %select_n3A_660 = arith.select %eq3A_657, %broadcast_in_dim3A_659, %get3A_651 : vector<16xi1>, vector<16xi32>
      %swap3A_661 = arith.constant 3 : i32
      %swap3A_662 = arith.index_cast %swap3A_661 : i32 to index
      %swap3A_663 = arith.constant 0 : index
      %swap3A_664 = tpu.vector_load %arg9[%swap3A_662, %swap3A_663] {strides = array<i32>} : memref<4x80xi32, #tpu.memory_space<vmem>>, vector<1x16xi32>,
      %swap3A_665 = vector.shape_cast %swap3A_664 : vector<1x16xi32> to vector<16xi32>
      %swap3A_666 = vector.shape_cast %select_n3A_660 : vector<16xi32> to vector<1x16xi32>
      tpu.vector_store %arg9[%swap3A_662, %swap3A_663], %swap3A_666 {strides = array<i32>} : memref<4x80xi32, #tpu.memory_space<vmem>>, vector<1x16xi32>,
      %get3A_667 = arith.constant 3 : i32
      %get3A_668 = arith.index_cast %get3A_667 : i32 to index
      %get3A_669 = arith.constant 16 : index
      %get3A_670 = tpu.vector_load %arg7[%get3A_668, %get3A_669] {strides = array<i32>} : memref<4x80xi32, #tpu.memory_space<vmem>>, vector<1x16xi32>,
      %get3A_671 = vector.shape_cast %get3A_670 : vector<1x16xi32> to vector<16xi32>
      %get3A_672 = arith.constant 3 : i32
      %get3A_673 = arith.index_cast %get3A_672 : i32 to index
      %get3A_674 = arith.constant 16 : index
      %get3A_675 = tpu.vector_load %arg8[%get3A_673, %get3A_674] {strides = array<i32>} : memref<4x80xi32, #tpu.memory_space<vmem>>, vector<1x16xi32>,
      %get3A_676 = vector.shape_cast %get3A_675 : vector<1x16xi32> to vector<16xi32>
      %eq3A_677 = arith.cmpi eq, %get3A_671, %get3A_676 : vector<16xi32>
      %jit3A_678 = arith.constant 10000 : i32
      %broadcast_in_dim3A_679 = vector.broadcast %jit3A_678 : i32 to vector<16xi32>
      %select_n3A_680 = arith.select %eq3A_677, %broadcast_in_dim3A_679, %get3A_671 : vector<16xi1>, vector<16xi32>
      %swap3A_681 = arith.constant 3 : i32
      %swap3A_682 = arith.index_cast %swap3A_681 : i32 to index
      %swap3A_683 = arith.constant 16 : index
      %swap3A_684 = tpu.vector_load %arg9[%swap3A_682, %swap3A_683] {strides = array<i32>} : memref<4x80xi32, #tpu.memory_space<vmem>>, vector<1x16xi32>,
      %swap3A_685 = vector.shape_cast %swap3A_684 : vector<1x16xi32> to vector<16xi32>
      %swap3A_686 = vector.shape_cast %select_n3A_680 : vector<16xi32> to vector<1x16xi32>
      tpu.vector_store %arg9[%swap3A_682, %swap3A_683], %swap3A_686 {strides = array<i32>} : memref<4x80xi32, #tpu.memory_space<vmem>>, vector<1x16xi32>,
      %get3A_687 = arith.constant 3 : i32
      %get3A_688 = arith.index_cast %get3A_687 : i32 to index
      %get3A_689 = arith.constant 32 : index
      %get3A_690 = tpu.vector_load %arg7[%get3A_688, %get3A_689] {strides = array<i32>} : memref<4x80xi32, #tpu.memory_space<vmem>>, vector<1x16xi32>,
      %get3A_691 = vector.shape_cast %get3A_690 : vector<1x16xi32> to vector<16xi32>
      %get3A_692 = arith.constant 3 : i32
      %get3A_693 = arith.index_cast %get3A_692 : i32 to index
      %get3A_694 = arith.constant 32 : index
      %get3A_695 = tpu.vector_load %arg8[%get3A_693, %get3A_694] {strides = array<i32>} : memref<4x80xi32, #tpu.memory_space<vmem>>, vector<1x16xi32>,
      %get3A_696 = vector.shape_cast %get3A_695 : vector<1x16xi32> to vector<16xi32>
      %eq3A_697 = arith.cmpi eq, %get3A_691, %get3A_696 : vector<16xi32>
      %jit3A_698 = arith.constant 10000 : i32
      %broadcast_in_dim3A_699 = vector.broadcast %jit3A_698 : i32 to vector<16xi32>
      %select_n3A_700 = arith.select %eq3A_697, %broadcast_in_dim3A_699, %get3A_691 : vector<16xi1>, vector<16xi32>
      %swap3A_701 = arith.constant 3 : i32
      %swap3A_702 = arith.index_cast %swap3A_701 : i32 to index
      %swap3A_703 = arith.constant 32 : index
      %swap3A_704 = tpu.vector_load %arg9[%swap3A_702, %swap3A_703] {strides = array<i32>} : memref<4x80xi32, #tpu.memory_space<vmem>>, vector<1x16xi32>,
      %swap3A_705 = vector.shape_cast %swap3A_704 : vector<1x16xi32> to vector<16xi32>
      %swap3A_706 = vector.shape_cast %select_n3A_700 : vector<16xi32> to vector<1x16xi32>
      tpu.vector_store %arg9[%swap3A_702, %swap3A_703], %swap3A_706 {strides = array<i32>} : memref<4x80xi32, #tpu.memory_space<vmem>>, vector<1x16xi32>,
      %get3A_707 = arith.constant 3 : i32
      %get3A_708 = arith.index_cast %get3A_707 : i32 to index
      %get3A_709 = arith.constant 48 : index
      %get3A_710 = tpu.vector_load %arg7[%get3A_708, %get3A_709] {strides = array<i32>} : memref<4x80xi32, #tpu.memory_space<vmem>>, vector<1x16xi32>,
      %get3A_711 = vector.shape_cast %get3A_710 : vector<1x16xi32> to vector<16xi32>
      %get3A_712 = arith.constant 3 : i32
      %get3A_713 = arith.index_cast %get3A_712 : i32 to index
      %get3A_714 = arith.constant 48 : index
      %get3A_715 = tpu.vector_load %arg8[%get3A_713, %get3A_714] {strides = array<i32>} : memref<4x80xi32, #tpu.memory_space<vmem>>, vector<1x16xi32>,
      %get3A_716 = vector.shape_cast %get3A_715 : vector<1x16xi32> to vector<16xi32>
      %eq3A_717 = arith.cmpi eq, %get3A_711, %get3A_716 : vector<16xi32>
      %jit3A_718 = arith.constant 10000 : i32
      %broadcast_in_dim3A_719 = vector.broadcast %jit3A_718 : i32 to vector<16xi32>
      %select_n3A_720 = arith.select %eq3A_717, %broadcast_in_dim3A_719, %get3A_711 : vector<16xi1>, vector<16xi32>
      %swap3A_721 = arith.constant 3 : i32
      %swap3A_722 = arith.index_cast %swap3A_721 : i32 to index
      %swap3A_723 = arith.constant 48 : index
      %swap3A_724 = tpu.vector_load %arg9[%swap3A_722, %swap3A_723] {strides = array<i32>} : memref<4x80xi32, #tpu.memory_space<vmem>>, vector<1x16xi32>,
      %swap3A_725 = vector.shape_cast %swap3A_724 : vector<1x16xi32> to vector<16xi32>
      %swap3A_726 = vector.shape_cast %select_n3A_720 : vector<16xi32> to vector<1x16xi32>
      tpu.vector_store %arg9[%swap3A_722, %swap3A_723], %swap3A_726 {strides = array<i32>} : memref<4x80xi32, #tpu.memory_space<vmem>>, vector<1x16xi32>,
      %get3A_727 = arith.constant 3 : i32
      %get3A_728 = arith.index_cast %get3A_727 : i32 to index
      %get3A_729 = arith.constant 64 : index
      %get3A_730 = tpu.vector_load %arg7[%get3A_728, %get3A_729] {strides = array<i32>} : memref<4x80xi32, #tpu.memory_space<vmem>>, vector<1x16xi32>,
      %get3A_731 = vector.shape_cast %get3A_730 : vector<1x16xi32> to vector<16xi32>
      %get3A_732 = arith.constant 3 : i32
      %get3A_733 = arith.index_cast %get3A_732 : i32 to index
      %get3A_734 = arith.constant 64 : index
      %get3A_735 = tpu.vector_load %arg8[%get3A_733, %get3A_734] {strides = array<i32>} : memref<4x80xi32, #tpu.memory_space<vmem>>, vector<1x16xi32>,
      %get3A_736 = vector.shape_cast %get3A_735 : vector<1x16xi32> to vector<16xi32>
      %eq3A_737 = arith.cmpi eq, %get3A_731, %get3A_736 : vector<16xi32>
      %jit3A_738 = arith.constant 10000 : i32
      %broadcast_in_dim3A_739 = vector.broadcast %jit3A_738 : i32 to vector<16xi32>
      %select_n3A_740 = arith.select %eq3A_737, %broadcast_in_dim3A_739, %get3A_731 : vector<16xi1>, vector<16xi32>
      %swap3A_741 = arith.constant 3 : i32
      %swap3A_742 = arith.index_cast %swap3A_741 : i32 to index
      %swap3A_743 = arith.constant 64 : index
      %swap3A_744 = tpu.vector_load %arg9[%swap3A_742, %swap3A_743] {strides = array<i32>} : memref<4x80xi32, #tpu.memory_space<vmem>>, vector<1x16xi32>,
      %swap3A_745 = vector.shape_cast %swap3A_744 : vector<1x16xi32> to vector<16xi32>
      %swap3A_746 = vector.shape_cast %select_n3A_740 : vector<16xi32> to vector<1x16xi32>
      tpu.vector_store %arg9[%swap3A_742, %swap3A_743], %swap3A_746 {strides = array<i32>} : memref<4x80xi32, #tpu.memory_space<vmem>>, vector<1x16xi32>,
      %dma_start3A_747 = arith.constant 3 : i32
      %dma_start3A_748 = arith.constant 0 : i32
      %dma_start3A_749 = tpu.memref_slice %arg9[%dma_start3A_747, %dma_start3A_748] : memref<4x80xi32, #tpu.memory_space<vmem>> -> memref<1x80xi32, #tpu.memory_space<vmem>>
      %dma_start3A_750 = tpu.memref_squeeze %dma_start3A_749 : memref<1x80xi32, #tpu.memory_space<vmem>> -> memref<80xi32, #tpu.memory_space<vmem>>
      %dma_start3A_751 = arith.constant 0 : i32
      %dma_start3A_752 = arith.constant 0 : i32
      %dma_start3A_753 = tpu.memref_slice %arg13[%dma_start3A_751, %dma_start3A_752] : memref<10112x128xf32, #tpu.memory_space<vmem_shared>> -> memref<10112x128xf32, #tpu.memory_space<vmem_shared>>
      tpu.enqueue_indirect_dma source(%arg10 : memref<80x128xf32, #tpu.memory_space<vmem>>) target(%dma_start3A_753 : memref<10112x128xf32, #tpu.memory_space<vmem_shared>>) offsets(%dma_start3A_750 : memref<80xi32, #tpu.memory_space<vmem>>) semaphore(%arg12 : memref<!tpu.dma_semaphore, #tpu.memory_space<semaphore_mem>>) {add = true}
    }
    %scan3A_9 = arith.constant 31 : i32
    %dma_wait3A = arith.constant 0 : i32
    %dma_wait3A_10 = arith.constant 0 : i32
    %dma_wait3A_11 = tpu.memref_slice %arg9[%dma_wait3A, %dma_wait3A_10] : memref<4x80xi32, #tpu.memory_space<vmem>> -> memref<1x80xi32, #tpu.memory_space<vmem>>
    %dma_wait3A_12 = tpu.memref_squeeze %dma_wait3A_11 : memref<1x80xi32, #tpu.memory_space<vmem>> -> memref<80xi32, #tpu.memory_space<vmem>>
    %dma_wait3A_13 = arith.constant 0 : i32
    %dma_wait3A_14 = arith.constant 0 : i32
    %dma_wait3A_15 = tpu.memref_slice %arg13[%dma_wait3A_13, %dma_wait3A_14] : memref<10112x128xf32, #tpu.memory_space<vmem_shared>> -> memref<10112x128xf32, #tpu.memory_space<vmem_shared>>
    tpu.wait_indirect_dma semaphore(%arg12 : memref<!tpu.dma_semaphore, #tpu.memory_space<semaphore_mem>>) src(%arg10 : memref<80x128xf32, #tpu.memory_space<vmem>>) dst(%dma_wait3A_15 : memref<10112x128xf32, #tpu.memory_space<vmem_shared>>)
    %dma_wait3A_16 = arith.constant 1 : i32
    %dma_wait3A_17 = arith.constant 0 : i32
    %dma_wait3A_18 = tpu.memref_slice %arg9[%dma_wait3A_16, %dma_wait3A_17] : memref<4x80xi32, #tpu.memory_space<vmem>> -> memref<1x80xi32, #tpu.memory_space<vmem>>
    %dma_wait3A_19 = tpu.memref_squeeze %dma_wait3A_18 : memref<1x80xi32, #tpu.memory_space<vmem>> -> memref<80xi32, #tpu.memory_space<vmem>>
    %dma_wait3A_20 = arith.constant 0 : i32
    %dma_wait3A_21 = arith.constant 0 : i32
    %dma_wait3A_22 = tpu.memref_slice %arg13[%dma_wait3A_20, %dma_wait3A_21] : memref<10112x128xf32, #tpu.memory_space<vmem_shared>> -> memref<10112x128xf32, #tpu.memory_space<vmem_shared>>
    tpu.wait_indirect_dma semaphore(%arg12 : memref<!tpu.dma_semaphore, #tpu.memory_space<semaphore_mem>>) src(%arg10 : memref<80x128xf32, #tpu.memory_space<vmem>>) dst(%dma_wait3A_22 : memref<10112x128xf32, #tpu.memory_space<vmem_shared>>)
    %dma_wait3A_23 = arith.constant 2 : i32
    %dma_wait3A_24 = arith.constant 0 : i32
    %dma_wait3A_25 = tpu.memref_slice %arg9[%dma_wait3A_23, %dma_wait3A_24] : memref<4x80xi32, #tpu.memory_space<vmem>> -> memref<1x80xi32, #tpu.memory_space<vmem>>
    %dma_wait3A_26 = tpu.memref_squeeze %dma_wait3A_25 : memref<1x80xi32, #tpu.memory_space<vmem>> -> memref<80xi32, #tpu.memory_space<vmem>>
    %dma_wait3A_27 = arith.constant 0 : i32
    %dma_wait3A_28 = arith.constant 0 : i32
    %dma_wait3A_29 = tpu.memref_slice %arg13[%dma_wait3A_27, %dma_wait3A_28] : memref<10112x128xf32, #tpu.memory_space<vmem_shared>> -> memref<10112x128xf32, #tpu.memory_space<vmem_shared>>
    tpu.wait_indirect_dma semaphore(%arg12 : memref<!tpu.dma_semaphore, #tpu.memory_space<semaphore_mem>>) src(%arg10 : memref<80x128xf32, #tpu.memory_space<vmem>>) dst(%dma_wait3A_29 : memref<10112x128xf32, #tpu.memory_space<vmem_shared>>)
    %dma_wait3A_30 = arith.constant 3 : i32
    %dma_wait3A_31 = arith.constant 0 : i32
    %dma_wait3A_32 = tpu.memref_slice %arg9[%dma_wait3A_30, %dma_wait3A_31] : memref<4x80xi32, #tpu.memory_space<vmem>> -> memref<1x80xi32, #tpu.memory_space<vmem>>
    %dma_wait3A_33 = tpu.memref_squeeze %dma_wait3A_32 : memref<1x80xi32, #tpu.memory_space<vmem>> -> memref<80xi32, #tpu.memory_space<vmem>>
    %dma_wait3A_34 = arith.constant 0 : i32
    %dma_wait3A_35 = arith.constant 0 : i32
    %dma_wait3A_36 = tpu.memref_slice %arg13[%dma_wait3A_34, %dma_wait3A_35] : memref<10112x128xf32, #tpu.memory_space<vmem_shared>> -> memref<10112x128xf32, #tpu.memory_space<vmem_shared>>
    tpu.wait_indirect_dma semaphore(%arg12 : memref<!tpu.dma_semaphore, #tpu.memory_space<semaphore_mem>>) src(%arg10 : memref<80x128xf32, #tpu.memory_space<vmem>>) dst(%dma_wait3A_36 : memref<10112x128xf32, #tpu.memory_space<vmem_shared>>)
    %add3A_37 = arith.constant 9920 : i32
    %add3A_38 = arith.addi %mul3A_4, %add3A_37 : i32
    %run_scoped3A = arith.constant 0 : i32
    "tpu.region"() ({
      %run_scoped3A_136 = tpu.sem_alloc : memref<!tpu.dma_semaphore, #tpu.memory_space<semaphore_mem>>
      %dma_start3A = arith.constant 0 : i32
      %dma_start3A_137 = tpu.memref_slice %arg7[%run_scoped3A, %dma_start3A] : memref<4x80xi32, #tpu.memory_space<vmem>> -> memref<1x80xi32, #tpu.memory_space<vmem>>
      %dma_start3A_138 = tpu.memref_squeeze %dma_start3A_137 : memref<1x80xi32, #tpu.memory_space<vmem>> -> memref<80xi32, #tpu.memory_space<vmem>>
      %dma_start3A_139 = tpu.memref_slice %arg2[%add3A_38] : memref<320000xi32, #tpu.memory_space<hbm>> -> memref<80xi32, #tpu.memory_space<hbm>>
      %dma_start3A_140 = arith.constant 0 : i32
      %dma_start3A_141 = tpu.memref_slice %arg7[%run_scoped3A, %dma_start3A_140] : memref<4x80xi32, #tpu.memory_space<vmem>> -> memref<1x80xi32, #tpu.memory_space<vmem>>
      %dma_start3A_142 = tpu.memref_squeeze %dma_start3A_141 : memref<1x80xi32, #tpu.memory_space<vmem>> -> memref<80xi32, #tpu.memory_space<vmem>>
      %dma_start3A_143 = tpu.memref_slice %arg2[%add3A_38] : memref<320000xi32, #tpu.memory_space<hbm>> -> memref<80xi32, #tpu.memory_space<hbm>>
      tpu.enqueue_dma source(%dma_start3A_143 : memref<80xi32, #tpu.memory_space<hbm>>) target(%dma_start3A_142 : memref<80xi32, #tpu.memory_space<vmem>>) target_semaphore(%run_scoped3A_136 : memref<!tpu.dma_semaphore, #tpu.memory_space<semaphore_mem>>)
      %dma_wait3A_144 = arith.constant 0 : i32
      %dma_wait3A_145 = tpu.memref_slice %arg7[%run_scoped3A, %dma_wait3A_144] : memref<4x80xi32, #tpu.memory_space<vmem>> -> memref<1x80xi32, #tpu.memory_space<vmem>>
      %dma_wait3A_146 = tpu.memref_squeeze %dma_wait3A_145 : memref<1x80xi32, #tpu.memory_space<vmem>> -> memref<80xi32, #tpu.memory_space<vmem>>
      %dma_wait3A_147 = tpu.memref_slice %arg2[%add3A_38] : memref<320000xi32, #tpu.memory_space<hbm>> -> memref<80xi32, #tpu.memory_space<hbm>>
      %dma_wait3A_148 = arith.constant 0 : i32
      %dma_wait3A_149 = tpu.memref_slice %arg7[%run_scoped3A, %dma_wait3A_148] : memref<4x80xi32, #tpu.memory_space<vmem>> -> memref<1x80xi32, #tpu.memory_space<vmem>>
      %dma_wait3A_150 = tpu.memref_squeeze %dma_wait3A_149 : memref<1x80xi32, #tpu.memory_space<vmem>> -> memref<80xi32, #tpu.memory_space<vmem>>
      %dma_wait3A_151 = tpu.memref_slice %arg2[%add3A_38] : memref<320000xi32, #tpu.memory_space<hbm>> -> memref<80xi32, #tpu.memory_space<hbm>>
      tpu.wait_dma2 semaphore(%run_scoped3A_136 : memref<!tpu.dma_semaphore, #tpu.memory_space<semaphore_mem>>) src(%dma_wait3A_151 : memref<80xi32, #tpu.memory_space<hbm>>) dst(%dma_wait3A_150 : memref<80xi32, #tpu.memory_space<vmem>>)
      tpu.yield
    }) : () -> ()
    %run_scoped3A_39 = arith.constant 0 : i32
    "tpu.region"() ({
      %run_scoped3A_136 = tpu.sem_alloc : memref<!tpu.dma_semaphore, #tpu.memory_space<semaphore_mem>>
      %dma_start3A = arith.constant 0 : i32
      %dma_start3A_137 = tpu.memref_slice %arg8[%run_scoped3A_39, %dma_start3A] : memref<4x80xi32, #tpu.memory_space<vmem>> -> memref<1x80xi32, #tpu.memory_space<vmem>>
      %dma_start3A_138 = tpu.memref_squeeze %dma_start3A_137 : memref<1x80xi32, #tpu.memory_space<vmem>> -> memref<80xi32, #tpu.memory_space<vmem>>
      %dma_start3A_139 = tpu.memref_slice %arg3[%add3A_38] : memref<320000xi32, #tpu.memory_space<hbm>> -> memref<80xi32, #tpu.memory_space<hbm>>
      %dma_start3A_140 = arith.constant 0 : i32
      %dma_start3A_141 = tpu.memref_slice %arg8[%run_scoped3A_39, %dma_start3A_140] : memref<4x80xi32, #tpu.memory_space<vmem>> -> memref<1x80xi32, #tpu.memory_space<vmem>>
      %dma_start3A_142 = tpu.memref_squeeze %dma_start3A_141 : memref<1x80xi32, #tpu.memory_space<vmem>> -> memref<80xi32, #tpu.memory_space<vmem>>
      %dma_start3A_143 = tpu.memref_slice %arg3[%add3A_38] : memref<320000xi32, #tpu.memory_space<hbm>> -> memref<80xi32, #tpu.memory_space<hbm>>
      tpu.enqueue_dma source(%dma_start3A_143 : memref<80xi32, #tpu.memory_space<hbm>>) target(%dma_start3A_142 : memref<80xi32, #tpu.memory_space<vmem>>) target_semaphore(%run_scoped3A_136 : memref<!tpu.dma_semaphore, #tpu.memory_space<semaphore_mem>>)
      %dma_wait3A_144 = arith.constant 0 : i32
      %dma_wait3A_145 = tpu.memref_slice %arg8[%run_scoped3A_39, %dma_wait3A_144] : memref<4x80xi32, #tpu.memory_space<vmem>> -> memref<1x80xi32, #tpu.memory_space<vmem>>
      %dma_wait3A_146 = tpu.memref_squeeze %dma_wait3A_145 : memref<1x80xi32, #tpu.memory_space<vmem>> -> memref<80xi32, #tpu.memory_space<vmem>>
      %dma_wait3A_147 = tpu.memref_slice %arg3[%add3A_38] : memref<320000xi32, #tpu.memory_space<hbm>> -> memref<80xi32, #tpu.memory_space<hbm>>
      %dma_wait3A_148 = arith.constant 0 : i32
      %dma_wait3A_149 = tpu.memref_slice %arg8[%run_scoped3A_39, %dma_wait3A_148] : memref<4x80xi32, #tpu.memory_space<vmem>> -> memref<1x80xi32, #tpu.memory_space<vmem>>
      %dma_wait3A_150 = tpu.memref_squeeze %dma_wait3A_149 : memref<1x80xi32, #tpu.memory_space<vmem>> -> memref<80xi32, #tpu.memory_space<vmem>>
      %dma_wait3A_151 = tpu.memref_slice %arg3[%add3A_38] : memref<320000xi32, #tpu.memory_space<hbm>> -> memref<80xi32, #tpu.memory_space<hbm>>
      tpu.wait_dma2 semaphore(%run_scoped3A_136 : memref<!tpu.dma_semaphore, #tpu.memory_space<semaphore_mem>>) src(%dma_wait3A_151 : memref<80xi32, #tpu.memory_space<hbm>>) dst(%dma_wait3A_150 : memref<80xi32, #tpu.memory_space<vmem>>)
      tpu.yield
    }) : () -> ()
    %get3A = arith.constant 0 : i32
    %get3A_40 = arith.index_cast %get3A : i32 to index
    %get3A_41 = arith.constant 0 : index
    %get3A_42 = tpu.vector_load %arg7[%get3A_40, %get3A_41] {strides = array<i32>} : memref<4x80xi32, #tpu.memory_space<vmem>>, vector<1x16xi32>,
    %get3A_43 = vector.shape_cast %get3A_42 : vector<1x16xi32> to vector<16xi32>
    %get3A_44 = arith.constant 0 : i32
    %get3A_45 = arith.index_cast %get3A_44 : i32 to index
    %get3A_46 = arith.constant 0 : index
    %get3A_47 = tpu.vector_load %arg8[%get3A_45, %get3A_46] {strides = array<i32>} : memref<4x80xi32, #tpu.memory_space<vmem>>, vector<1x16xi32>,
    %get3A_48 = vector.shape_cast %get3A_47 : vector<1x16xi32> to vector<16xi32>
    %eq3A = arith.cmpi eq, %get3A_43, %get3A_48 : vector<16xi32>
    %jit3A = arith.constant 10000 : i32
    %broadcast_in_dim3A = vector.broadcast %jit3A : i32 to vector<16xi32>
    %select_n3A = arith.select %eq3A, %broadcast_in_dim3A, %get3A_43 : vector<16xi1>, vector<16xi32>
    %swap3A = arith.constant 0 : i32
    %swap3A_49 = arith.index_cast %swap3A : i32 to index
    %swap3A_50 = arith.constant 0 : index
    %swap3A_51 = tpu.vector_load %arg9[%swap3A_49, %swap3A_50] {strides = array<i32>} : memref<4x80xi32, #tpu.memory_space<vmem>>, vector<1x16xi32>,
    %swap3A_52 = vector.shape_cast %swap3A_51 : vector<1x16xi32> to vector<16xi32>
    %swap3A_53 = vector.shape_cast %select_n3A : vector<16xi32> to vector<1x16xi32>
    tpu.vector_store %arg9[%swap3A_49, %swap3A_50], %swap3A_53 {strides = array<i32>} : memref<4x80xi32, #tpu.memory_space<vmem>>, vector<1x16xi32>,
    %get3A_54 = arith.constant 0 : i32
    %get3A_55 = arith.index_cast %get3A_54 : i32 to index
    %get3A_56 = arith.constant 16 : index
    %get3A_57 = tpu.vector_load %arg7[%get3A_55, %get3A_56] {strides = array<i32>} : memref<4x80xi32, #tpu.memory_space<vmem>>, vector<1x16xi32>,
    %get3A_58 = vector.shape_cast %get3A_57 : vector<1x16xi32> to vector<16xi32>
    %get3A_59 = arith.constant 0 : i32
    %get3A_60 = arith.index_cast %get3A_59 : i32 to index
    %get3A_61 = arith.constant 16 : index
    %get3A_62 = tpu.vector_load %arg8[%get3A_60, %get3A_61] {strides = array<i32>} : memref<4x80xi32, #tpu.memory_space<vmem>>, vector<1x16xi32>,
    %get3A_63 = vector.shape_cast %get3A_62 : vector<1x16xi32> to vector<16xi32>
    %eq3A_64 = arith.cmpi eq, %get3A_58, %get3A_63 : vector<16xi32>
    %jit3A_65 = arith.constant 10000 : i32
    %broadcast_in_dim3A_66 = vector.broadcast %jit3A_65 : i32 to vector<16xi32>
    %select_n3A_67 = arith.select %eq3A_64, %broadcast_in_dim3A_66, %get3A_58 : vector<16xi1>, vector<16xi32>
    %swap3A_68 = arith.constant 0 : i32
    %swap3A_69 = arith.index_cast %swap3A_68 : i32 to index
    %swap3A_70 = arith.constant 16 : index
    %swap3A_71 = tpu.vector_load %arg9[%swap3A_69, %swap3A_70] {strides = array<i32>} : memref<4x80xi32, #tpu.memory_space<vmem>>, vector<1x16xi32>,
    %swap3A_72 = vector.shape_cast %swap3A_71 : vector<1x16xi32> to vector<16xi32>
    %swap3A_73 = vector.shape_cast %select_n3A_67 : vector<16xi32> to vector<1x16xi32>
    tpu.vector_store %arg9[%swap3A_69, %swap3A_70], %swap3A_73 {strides = array<i32>} : memref<4x80xi32, #tpu.memory_space<vmem>>, vector<1x16xi32>,
    %get3A_74 = arith.constant 0 : i32
    %get3A_75 = arith.index_cast %get3A_74 : i32 to index
    %get3A_76 = arith.constant 32 : index
    %get3A_77 = tpu.vector_load %arg7[%get3A_75, %get3A_76] {strides = array<i32>} : memref<4x80xi32, #tpu.memory_space<vmem>>, vector<1x16xi32>,
    %get3A_78 = vector.shape_cast %get3A_77 : vector<1x16xi32> to vector<16xi32>
    %get3A_79 = arith.constant 0 : i32
    %get3A_80 = arith.index_cast %get3A_79 : i32 to index
    %get3A_81 = arith.constant 32 : index
    %get3A_82 = tpu.vector_load %arg8[%get3A_80, %get3A_81] {strides = array<i32>} : memref<4x80xi32, #tpu.memory_space<vmem>>, vector<1x16xi32>,
    %get3A_83 = vector.shape_cast %get3A_82 : vector<1x16xi32> to vector<16xi32>
    %eq3A_84 = arith.cmpi eq, %get3A_78, %get3A_83 : vector<16xi32>
    %jit3A_85 = arith.constant 10000 : i32
    %broadcast_in_dim3A_86 = vector.broadcast %jit3A_85 : i32 to vector<16xi32>
    %select_n3A_87 = arith.select %eq3A_84, %broadcast_in_dim3A_86, %get3A_78 : vector<16xi1>, vector<16xi32>
    %swap3A_88 = arith.constant 0 : i32
    %swap3A_89 = arith.index_cast %swap3A_88 : i32 to index
    %swap3A_90 = arith.constant 32 : index
    %swap3A_91 = tpu.vector_load %arg9[%swap3A_89, %swap3A_90] {strides = array<i32>} : memref<4x80xi32, #tpu.memory_space<vmem>>, vector<1x16xi32>,
    %swap3A_92 = vector.shape_cast %swap3A_91 : vector<1x16xi32> to vector<16xi32>
    %swap3A_93 = vector.shape_cast %select_n3A_87 : vector<16xi32> to vector<1x16xi32>
    tpu.vector_store %arg9[%swap3A_89, %swap3A_90], %swap3A_93 {strides = array<i32>} : memref<4x80xi32, #tpu.memory_space<vmem>>, vector<1x16xi32>,
    %get3A_94 = arith.constant 0 : i32
    %get3A_95 = arith.index_cast %get3A_94 : i32 to index
    %get3A_96 = arith.constant 48 : index
    %get3A_97 = tpu.vector_load %arg7[%get3A_95, %get3A_96] {strides = array<i32>} : memref<4x80xi32, #tpu.memory_space<vmem>>, vector<1x16xi32>,
    %get3A_98 = vector.shape_cast %get3A_97 : vector<1x16xi32> to vector<16xi32>
    %get3A_99 = arith.constant 0 : i32
    %get3A_100 = arith.index_cast %get3A_99 : i32 to index
    %get3A_101 = arith.constant 48 : index
    %get3A_102 = tpu.vector_load %arg8[%get3A_100, %get3A_101] {strides = array<i32>} : memref<4x80xi32, #tpu.memory_space<vmem>>, vector<1x16xi32>,
    %get3A_103 = vector.shape_cast %get3A_102 : vector<1x16xi32> to vector<16xi32>
    %eq3A_104 = arith.cmpi eq, %get3A_98, %get3A_103 : vector<16xi32>
    %jit3A_105 = arith.constant 10000 : i32
    %broadcast_in_dim3A_106 = vector.broadcast %jit3A_105 : i32 to vector<16xi32>
    %select_n3A_107 = arith.select %eq3A_104, %broadcast_in_dim3A_106, %get3A_98 : vector<16xi1>, vector<16xi32>
    %swap3A_108 = arith.constant 0 : i32
    %swap3A_109 = arith.index_cast %swap3A_108 : i32 to index
    %swap3A_110 = arith.constant 48 : index
    %swap3A_111 = tpu.vector_load %arg9[%swap3A_109, %swap3A_110] {strides = array<i32>} : memref<4x80xi32, #tpu.memory_space<vmem>>, vector<1x16xi32>,
    %swap3A_112 = vector.shape_cast %swap3A_111 : vector<1x16xi32> to vector<16xi32>
    %swap3A_113 = vector.shape_cast %select_n3A_107 : vector<16xi32> to vector<1x16xi32>
    tpu.vector_store %arg9[%swap3A_109, %swap3A_110], %swap3A_113 {strides = array<i32>} : memref<4x80xi32, #tpu.memory_space<vmem>>, vector<1x16xi32>,
    %get3A_114 = arith.constant 0 : i32
    %get3A_115 = arith.index_cast %get3A_114 : i32 to index
    %get3A_116 = arith.constant 64 : index
    %get3A_117 = tpu.vector_load %arg7[%get3A_115, %get3A_116] {strides = array<i32>} : memref<4x80xi32, #tpu.memory_space<vmem>>, vector<1x16xi32>,
    %get3A_118 = vector.shape_cast %get3A_117 : vector<1x16xi32> to vector<16xi32>
    %get3A_119 = arith.constant 0 : i32
    %get3A_120 = arith.index_cast %get3A_119 : i32 to index
    %get3A_121 = arith.constant 64 : index
    %get3A_122 = tpu.vector_load %arg8[%get3A_120, %get3A_121] {strides = array<i32>} : memref<4x80xi32, #tpu.memory_space<vmem>>, vector<1x16xi32>,
    %get3A_123 = vector.shape_cast %get3A_122 : vector<1x16xi32> to vector<16xi32>
    %eq3A_124 = arith.cmpi eq, %get3A_118, %get3A_123 : vector<16xi32>
    %jit3A_125 = arith.constant 10000 : i32
    %broadcast_in_dim3A_126 = vector.broadcast %jit3A_125 : i32 to vector<16xi32>
    %select_n3A_127 = arith.select %eq3A_124, %broadcast_in_dim3A_126, %get3A_118 : vector<16xi1>, vector<16xi32>
    %swap3A_128 = arith.constant 0 : i32
    %swap3A_129 = arith.index_cast %swap3A_128 : i32 to index
    %swap3A_130 = arith.constant 64 : index
    %swap3A_131 = tpu.vector_load %arg9[%swap3A_129, %swap3A_130] {strides = array<i32>} : memref<4x80xi32, #tpu.memory_space<vmem>>, vector<1x16xi32>,
    %swap3A_132 = vector.shape_cast %swap3A_131 : vector<1x16xi32> to vector<16xi32>
    %swap3A_133 = vector.shape_cast %select_n3A_127 : vector<16xi32> to vector<1x16xi32>
    tpu.vector_store %arg9[%swap3A_129, %swap3A_130], %swap3A_133 {strides = array<i32>} : memref<4x80xi32, #tpu.memory_space<vmem>>, vector<1x16xi32>,
    %run_scoped3A_134 = arith.constant 0 : i32
    "tpu.region"() ({
      %run_scoped3A_136 = tpu.sem_alloc : memref<!tpu.dma_semaphore, #tpu.memory_space<semaphore_mem>>
      %dma_start3A = arith.constant 0 : i32
      %dma_start3A_137 = tpu.memref_slice %arg9[%run_scoped3A_134, %dma_start3A] : memref<4x80xi32, #tpu.memory_space<vmem>> -> memref<1x80xi32, #tpu.memory_space<vmem>>
      %dma_start3A_138 = tpu.memref_squeeze %dma_start3A_137 : memref<1x80xi32, #tpu.memory_space<vmem>> -> memref<80xi32, #tpu.memory_space<vmem>>
      %dma_start3A_139 = arith.constant 0 : i32
      %dma_start3A_140 = arith.constant 0 : i32
      %dma_start3A_141 = tpu.memref_slice %arg13[%dma_start3A_139, %dma_start3A_140] : memref<10112x128xf32, #tpu.memory_space<vmem_shared>> -> memref<10112x128xf32, #tpu.memory_space<vmem_shared>>
      tpu.enqueue_indirect_dma source(%arg10 : memref<80x128xf32, #tpu.memory_space<vmem>>) target(%dma_start3A_141 : memref<10112x128xf32, #tpu.memory_space<vmem_shared>>) offsets(%dma_start3A_138 : memref<80xi32, #tpu.memory_space<vmem>>) semaphore(%run_scoped3A_136 : memref<!tpu.dma_semaphore, #tpu.memory_space<semaphore_mem>>) {add = true}
      %dma_wait3A_142 = arith.constant 0 : i32
      %dma_wait3A_143 = tpu.memref_slice %arg9[%run_scoped3A_134, %dma_wait3A_142] : memref<4x80xi32, #tpu.memory_space<vmem>> -> memref<1x80xi32, #tpu.memory_space<vmem>>
      %dma_wait3A_144 = tpu.memref_squeeze %dma_wait3A_143 : memref<1x80xi32, #tpu.memory_space<vmem>> -> memref<80xi32, #tpu.memory_space<vmem>>
      %dma_wait3A_145 = arith.constant 0 : i32
      %dma_wait3A_146 = arith.constant 0 : i32
      %dma_wait3A_147 = tpu.memref_slice %arg13[%dma_wait3A_145, %dma_wait3A_146] : memref<10112x128xf32, #tpu.memory_space<vmem_shared>> -> memref<10112x128xf32, #tpu.memory_space<vmem_shared>>
      tpu.wait_indirect_dma semaphore(%run_scoped3A_136 : memref<!tpu.dma_semaphore, #tpu.memory_space<semaphore_mem>>) src(%arg10 : memref<80x128xf32, #tpu.memory_space<vmem>>) dst(%dma_wait3A_147 : memref<10112x128xf32, #tpu.memory_space<vmem_shared>>)
      tpu.yield
    }) : () -> ()
    %barrier3A_135 = arith.constant 0 : index
    tpu.barrier barrier_id(%barrier3A_135)
    "tpu.region"() ({
      %run_scoped3A_136 = tpu.sem_alloc : memref<!tpu.dma_semaphore, #tpu.memory_space<semaphore_mem>>
      %dma_start3A = arith.constant 0 : i32
      %dma_start3A_137 = tpu.memref_slice %arg6[%arg0, %mul3A_2, %dma_start3A] : memref<2x10112x128xf32, #tpu.memory_space<hbm>> -> memref<1x632x128xf32, #tpu.memory_space<hbm>>
      %dma_start3A_138 = tpu.memref_squeeze %dma_start3A_137 : memref<1x632x128xf32, #tpu.memory_space<hbm>> -> memref<632x128xf32, #tpu.memory_space<hbm>>
      %dma_start3A_139 = arith.constant 0 : i32
      %dma_start3A_140 = tpu.memref_slice %arg13[%mul3A_2, %dma_start3A_139] : memref<10112x128xf32, #tpu.memory_space<vmem_shared>> -> memref<632x128xf32, #tpu.memory_space<vmem_shared>>
      tpu.enqueue_dma source(%dma_start3A_140 : memref<632x128xf32, #tpu.memory_space<vmem_shared>>) target(%dma_start3A_138 : memref<632x128xf32, #tpu.memory_space<hbm>>) target_semaphore(%run_scoped3A_136 : memref<!tpu.dma_semaphore, #tpu.memory_space<semaphore_mem>>)
      %dma_wait3A_141 = arith.constant 0 : i32
      %dma_wait3A_142 = tpu.memref_slice %arg6[%arg0, %mul3A_2, %dma_wait3A_141] : memref<2x10112x128xf32, #tpu.memory_space<hbm>> -> memref<1x632x128xf32, #tpu.memory_space<hbm>>
      %dma_wait3A_143 = tpu.memref_squeeze %dma_wait3A_142 : memref<1x632x128xf32, #tpu.memory_space<hbm>> -> memref<632x128xf32, #tpu.memory_space<hbm>>
      %dma_wait3A_144 = arith.constant 0 : i32
      %dma_wait3A_145 = tpu.memref_slice %arg13[%mul3A_2, %dma_wait3A_144] : memref<10112x128xf32, #tpu.memory_space<vmem_shared>> -> memref<632x128xf32, #tpu.memory_space<vmem_shared>>
      tpu.wait_dma2 semaphore(%run_scoped3A_136 : memref<!tpu.dma_semaphore, #tpu.memory_space<semaphore_mem>>) src(%dma_wait3A_145 : memref<632x128xf32, #tpu.memory_space<vmem_shared>>) dst(%dma_wait3A_143 : memref<632x128xf32, #tpu.memory_space<hbm>>)
      tpu.yield
    }) : () -> ()
    return
  }
}

#map = affine_map<(d0, d1) -> (0, 0)>
#map1 = affine_map<(d0, d1) -> (0)>
#map2 = affine_map<(d0, d1) -> (0, 0, 0)>
module attributes {stable_mosaic.version = 14 : i64} {
  func.func @_spmm_body(%arg0: i32, %arg1: i32, %arg2: memref<10000x128xf32, #tpu.memory_space<hbm>>, %arg3: memref<320000xi32, #tpu.memory_space<hbm>>, %arg4: memref<320000xi32, #tpu.memory_space<hbm>>, %arg5: memref<10112x128xf32, #tpu.memory_space<hbm>>, %arg6: memref<2x10112x128xf32, #tpu.memory_space<hbm>>, %arg7: memref<2x4x80xi32, #tpu.memory_space<vmem>>, %arg8: memref<2x4x80xi32, #tpu.memory_space<vmem>>, %arg9: memref<4x80x128xf32, #tpu.memory_space<vmem>>, %arg10: memref<!tpu.dma_semaphore, #tpu.memory_space<semaphore_mem>>, %arg11: memref<!tpu.dma_semaphore, #tpu.memory_space<semaphore_mem>>, %arg12: memref<!tpu.dma_semaphore, #tpu.memory_space<semaphore_mem>>, %arg13: memref<!tpu.dma_semaphore, #tpu.memory_space<semaphore_mem>>, %arg14: memref<!tpu.dma_semaphore, #tpu.memory_space<semaphore_mem>>, %arg15: memref<!tpu.dma_semaphore, #tpu.memory_space<semaphore_mem>>, %arg16: memref<!tpu.dma_semaphore, #tpu.memory_space<semaphore_mem>>, %arg17: memref<!tpu.dma_semaphore, #tpu.memory_space<semaphore_mem>>, %arg18: memref<!tpu.dma_semaphore, #tpu.memory_space<semaphore_mem>>, %arg19: memref<10112x128xf32, #tpu.memory_space<vmem_shared>>) attributes {dimension_semantics = [#tpu.dimension_semantics<core_parallel>, #tpu.dimension_semantics<subcore_parallel>], iteration_bounds = array<i64: 2, 16>, scalar_prefetch = 0 : i64, scratch_operands = 13 : i64, tpu.core_type = #tpu.core_type<sc_vector_subcore>, window_params = [{transform_indices = #map}, {transform_indices = #map1}, {transform_indices = #map1}, {transform_indices = #map}, {transform_indices = #map2}]} {
    %mul3A = arith.constant 16 : i32
    %mul3A_0 = arith.muli %arg0, %mul3A : i32
    %add3A = arith.addi %mul3A_0, %arg1 : i32
    %mul3A_1 = arith.constant 632 : i32
    %mul3A_2 = arith.muli %arg1, %mul3A_1 : i32
    %mul3A_3 = arith.constant 10000 : i32
    %mul3A_4 = arith.muli %add3A, %mul3A_3 : i32
    %add3A_5 = arith.constant 0 : i32
    %add3A_6 = arith.addi %mul3A_4, %add3A_5 : i32
    %dma_start3A = arith.constant 0 : i32
    %dma_start3A_7 = arith.constant 0 : i32
    %dma_start3A_8 = arith.constant 0 : i32
    %dma_start3A_9 = tpu.memref_slice %arg7[%dma_start3A, %dma_start3A_7, %dma_start3A_8] : memref<2x4x80xi32, #tpu.memory_space<vmem>> -> memref<1x1x80xi32, #tpu.memory_space<vmem>>
    %dma_start3A_10 = tpu.memref_squeeze %dma_start3A_9 : memref<1x1x80xi32, #tpu.memory_space<vmem>> -> memref<80xi32, #tpu.memory_space<vmem>>
    %dma_start3A_11 = tpu.memref_slice %arg3[%add3A_6] : memref<320000xi32, #tpu.memory_space<hbm>> -> memref<80xi32, #tpu.memory_space<hbm>>
    %dma_start3A_12 = arith.constant 0 : i32
    %dma_start3A_13 = tpu.memref_slice %arg7[%dma_start3A, %dma_start3A_7, %dma_start3A_12] : memref<2x4x80xi32, #tpu.memory_space<vmem>> -> memref<1x1x80xi32, #tpu.memory_space<vmem>>
    %dma_start3A_14 = tpu.memref_squeeze %dma_start3A_13 : memref<1x1x80xi32, #tpu.memory_space<vmem>> -> memref<80xi32, #tpu.memory_space<vmem>>
    %dma_start3A_15 = tpu.memref_slice %arg3[%add3A_6] : memref<320000xi32, #tpu.memory_space<hbm>> -> memref<80xi32, #tpu.memory_space<hbm>>
    tpu.enqueue_dma source(%dma_start3A_15 : memref<80xi32, #tpu.memory_space<hbm>>) target(%dma_start3A_14 : memref<80xi32, #tpu.memory_space<vmem>>) target_semaphore(%arg10 : memref<!tpu.dma_semaphore, #tpu.memory_space<semaphore_mem>>)
    %dma_start3A_16 = arith.constant 0 : i32
    %dma_start3A_17 = arith.constant 0 : i32
    %dma_start3A_18 = arith.constant 0 : i32
    %dma_start3A_19 = tpu.memref_slice %arg8[%dma_start3A_16, %dma_start3A_17, %dma_start3A_18] : memref<2x4x80xi32, #tpu.memory_space<vmem>> -> memref<1x1x80xi32, #tpu.memory_space<vmem>>
    %dma_start3A_20 = tpu.memref_squeeze %dma_start3A_19 : memref<1x1x80xi32, #tpu.memory_space<vmem>> -> memref<80xi32, #tpu.memory_space<vmem>>
    %dma_start3A_21 = tpu.memref_slice %arg4[%add3A_6] : memref<320000xi32, #tpu.memory_space<hbm>> -> memref<80xi32, #tpu.memory_space<hbm>>
    %dma_start3A_22 = arith.constant 0 : i32
    %dma_start3A_23 = tpu.memref_slice %arg8[%dma_start3A_16, %dma_start3A_17, %dma_start3A_22] : memref<2x4x80xi32, #tpu.memory_space<vmem>> -> memref<1x1x80xi32, #tpu.memory_space<vmem>>
    %dma_start3A_24 = tpu.memref_squeeze %dma_start3A_23 : memref<1x1x80xi32, #tpu.memory_space<vmem>> -> memref<80xi32, #tpu.memory_space<vmem>>
    %dma_start3A_25 = tpu.memref_slice %arg4[%add3A_6] : memref<320000xi32, #tpu.memory_space<hbm>> -> memref<80xi32, #tpu.memory_space<hbm>>
    tpu.enqueue_dma source(%dma_start3A_25 : memref<80xi32, #tpu.memory_space<hbm>>) target(%dma_start3A_24 : memref<80xi32, #tpu.memory_space<vmem>>) target_semaphore(%arg10 : memref<!tpu.dma_semaphore, #tpu.memory_space<semaphore_mem>>)
    %add3A_26 = arith.constant 80 : i32
    %add3A_27 = arith.addi %mul3A_4, %add3A_26 : i32
    %dma_start3A_28 = arith.constant 0 : i32
    %dma_start3A_29 = arith.constant 1 : i32
    %dma_start3A_30 = arith.constant 0 : i32
    %dma_start3A_31 = tpu.memref_slice %arg7[%dma_start3A_28, %dma_start3A_29, %dma_start3A_30] : memref<2x4x80xi32, #tpu.memory_space<vmem>> -> memref<1x1x80xi32, #tpu.memory_space<vmem>>
    %dma_start3A_32 = tpu.memref_squeeze %dma_start3A_31 : memref<1x1x80xi32, #tpu.memory_space<vmem>> -> memref<80xi32, #tpu.memory_space<vmem>>
    %dma_start3A_33 = tpu.memref_slice %arg3[%add3A_27] : memref<320000xi32, #tpu.memory_space<hbm>> -> memref<80xi32, #tpu.memory_space<hbm>>
    %dma_start3A_34 = arith.constant 0 : i32
    %dma_start3A_35 = tpu.memref_slice %arg7[%dma_start3A_28, %dma_start3A_29, %dma_start3A_34] : memref<2x4x80xi32, #tpu.memory_space<vmem>> -> memref<1x1x80xi32, #tpu.memory_space<vmem>>
    %dma_start3A_36 = tpu.memref_squeeze %dma_start3A_35 : memref<1x1x80xi32, #tpu.memory_space<vmem>> -> memref<80xi32, #tpu.memory_space<vmem>>
    %dma_start3A_37 = tpu.memref_slice %arg3[%add3A_27] : memref<320000xi32, #tpu.memory_space<hbm>> -> memref<80xi32, #tpu.memory_space<hbm>>
    tpu.enqueue_dma source(%dma_start3A_37 : memref<80xi32, #tpu.memory_space<hbm>>) target(%dma_start3A_36 : memref<80xi32, #tpu.memory_space<vmem>>) target_semaphore(%arg10 : memref<!tpu.dma_semaphore, #tpu.memory_space<semaphore_mem>>)
    %dma_start3A_38 = arith.constant 0 : i32
    %dma_start3A_39 = arith.constant 1 : i32
    %dma_start3A_40 = arith.constant 0 : i32
    %dma_start3A_41 = tpu.memref_slice %arg8[%dma_start3A_38, %dma_start3A_39, %dma_start3A_40] : memref<2x4x80xi32, #tpu.memory_space<vmem>> -> memref<1x1x80xi32, #tpu.memory_space<vmem>>
    %dma_start3A_42 = tpu.memref_squeeze %dma_start3A_41 : memref<1x1x80xi32, #tpu.memory_space<vmem>> -> memref<80xi32, #tpu.memory_space<vmem>>
    %dma_start3A_43 = tpu.memref_slice %arg4[%add3A_27] : memref<320000xi32, #tpu.memory_space<hbm>> -> memref<80xi32, #tpu.memory_space<hbm>>
    %dma_start3A_44 = arith.constant 0 : i32
    %dma_start3A_45 = tpu.memref_slice %arg8[%dma_start3A_38, %dma_start3A_39, %dma_start3A_44] : memref<2x4x80xi32, #tpu.memory_space<vmem>> -> memref<1x1x80xi32, #tpu.memory_space<vmem>>
    %dma_start3A_46 = tpu.memref_squeeze %dma_start3A_45 : memref<1x1x80xi32, #tpu.memory_space<vmem>> -> memref<80xi32, #tpu.memory_space<vmem>>
    %dma_start3A_47 = tpu.memref_slice %arg4[%add3A_27] : memref<320000xi32, #tpu.memory_space<hbm>> -> memref<80xi32, #tpu.memory_space<hbm>>
    tpu.enqueue_dma source(%dma_start3A_47 : memref<80xi32, #tpu.memory_space<hbm>>) target(%dma_start3A_46 : memref<80xi32, #tpu.memory_space<vmem>>) target_semaphore(%arg10 : memref<!tpu.dma_semaphore, #tpu.memory_space<semaphore_mem>>)
    %add3A_48 = arith.constant 160 : i32
    %add3A_49 = arith.addi %mul3A_4, %add3A_48 : i32
    %dma_start3A_50 = arith.constant 0 : i32
    %dma_start3A_51 = arith.constant 2 : i32
    %dma_start3A_52 = arith.constant 0 : i32
    %dma_start3A_53 = tpu.memref_slice %arg7[%dma_start3A_50, %dma_start3A_51, %dma_start3A_52] : memref<2x4x80xi32, #tpu.memory_space<vmem>> -> memref<1x1x80xi32, #tpu.memory_space<vmem>>
    %dma_start3A_54 = tpu.memref_squeeze %dma_start3A_53 : memref<1x1x80xi32, #tpu.memory_space<vmem>> -> memref<80xi32, #tpu.memory_space<vmem>>
    %dma_start3A_55 = tpu.memref_slice %arg3[%add3A_49] : memref<320000xi32, #tpu.memory_space<hbm>> -> memref<80xi32, #tpu.memory_space<hbm>>
    %dma_start3A_56 = arith.constant 0 : i32
    %dma_start3A_57 = tpu.memref_slice %arg7[%dma_start3A_50, %dma_start3A_51, %dma_start3A_56] : memref<2x4x80xi32, #tpu.memory_space<vmem>> -> memref<1x1x80xi32, #tpu.memory_space<vmem>>
    %dma_start3A_58 = tpu.memref_squeeze %dma_start3A_57 : memref<1x1x80xi32, #tpu.memory_space<vmem>> -> memref<80xi32, #tpu.memory_space<vmem>>
    %dma_start3A_59 = tpu.memref_slice %arg3[%add3A_49] : memref<320000xi32, #tpu.memory_space<hbm>> -> memref<80xi32, #tpu.memory_space<hbm>>
    tpu.enqueue_dma source(%dma_start3A_59 : memref<80xi32, #tpu.memory_space<hbm>>) target(%dma_start3A_58 : memref<80xi32, #tpu.memory_space<vmem>>) target_semaphore(%arg10 : memref<!tpu.dma_semaphore, #tpu.memory_space<semaphore_mem>>)
    %dma_start3A_60 = arith.constant 0 : i32
    %dma_start3A_61 = arith.constant 2 : i32
    %dma_start3A_62 = arith.constant 0 : i32
    %dma_start3A_63 = tpu.memref_slice %arg8[%dma_start3A_60, %dma_start3A_61, %dma_start3A_62] : memref<2x4x80xi32, #tpu.memory_space<vmem>> -> memref<1x1x80xi32, #tpu.memory_space<vmem>>
    %dma_start3A_64 = tpu.memref_squeeze %dma_start3A_63 : memref<1x1x80xi32, #tpu.memory_space<vmem>> -> memref<80xi32, #tpu.memory_space<vmem>>
    %dma_start3A_65 = tpu.memref_slice %arg4[%add3A_49] : memref<320000xi32, #tpu.memory_space<hbm>> -> memref<80xi32, #tpu.memory_space<hbm>>
    %dma_start3A_66 = arith.constant 0 : i32
    %dma_start3A_67 = tpu.memref_slice %arg8[%dma_start3A_60, %dma_start3A_61, %dma_start3A_66] : memref<2x4x80xi32, #tpu.memory_space<vmem>> -> memref<1x1x80xi32, #tpu.memory_space<vmem>>
    %dma_start3A_68 = tpu.memref_squeeze %dma_start3A_67 : memref<1x1x80xi32, #tpu.memory_space<vmem>> -> memref<80xi32, #tpu.memory_space<vmem>>
    %dma_start3A_69 = tpu.memref_slice %arg4[%add3A_49] : memref<320000xi32, #tpu.memory_space<hbm>> -> memref<80xi32, #tpu.memory_space<hbm>>
    tpu.enqueue_dma source(%dma_start3A_69 : memref<80xi32, #tpu.memory_space<hbm>>) target(%dma_start3A_68 : memref<80xi32, #tpu.memory_space<vmem>>) target_semaphore(%arg10 : memref<!tpu.dma_semaphore, #tpu.memory_space<semaphore_mem>>)
    %add3A_70 = arith.constant 240 : i32
    %add3A_71 = arith.addi %mul3A_4, %add3A_70 : i32
    %dma_start3A_72 = arith.constant 0 : i32
    %dma_start3A_73 = arith.constant 3 : i32
    %dma_start3A_74 = arith.constant 0 : i32
    %dma_start3A_75 = tpu.memref_slice %arg7[%dma_start3A_72, %dma_start3A_73, %dma_start3A_74] : memref<2x4x80xi32, #tpu.memory_space<vmem>> -> memref<1x1x80xi32, #tpu.memory_space<vmem>>
    %dma_start3A_76 = tpu.memref_squeeze %dma_start3A_75 : memref<1x1x80xi32, #tpu.memory_space<vmem>> -> memref<80xi32, #tpu.memory_space<vmem>>
    %dma_start3A_77 = tpu.memref_slice %arg3[%add3A_71] : memref<320000xi32, #tpu.memory_space<hbm>> -> memref<80xi32, #tpu.memory_space<hbm>>
    %dma_start3A_78 = arith.constant 0 : i32
    %dma_start3A_79 = tpu.memref_slice %arg7[%dma_start3A_72, %dma_start3A_73, %dma_start3A_78] : memref<2x4x80xi32, #tpu.memory_space<vmem>> -> memref<1x1x80xi32, #tpu.memory_space<vmem>>
    %dma_start3A_80 = tpu.memref_squeeze %dma_start3A_79 : memref<1x1x80xi32, #tpu.memory_space<vmem>> -> memref<80xi32, #tpu.memory_space<vmem>>
    %dma_start3A_81 = tpu.memref_slice %arg3[%add3A_71] : memref<320000xi32, #tpu.memory_space<hbm>> -> memref<80xi32, #tpu.memory_space<hbm>>
    tpu.enqueue_dma source(%dma_start3A_81 : memref<80xi32, #tpu.memory_space<hbm>>) target(%dma_start3A_80 : memref<80xi32, #tpu.memory_space<vmem>>) target_semaphore(%arg10 : memref<!tpu.dma_semaphore, #tpu.memory_space<semaphore_mem>>)
    %dma_start3A_82 = arith.constant 0 : i32
    %dma_start3A_83 = arith.constant 3 : i32
    %dma_start3A_84 = arith.constant 0 : i32
    %dma_start3A_85 = tpu.memref_slice %arg8[%dma_start3A_82, %dma_start3A_83, %dma_start3A_84] : memref<2x4x80xi32, #tpu.memory_space<vmem>> -> memref<1x1x80xi32, #tpu.memory_space<vmem>>
    %dma_start3A_86 = tpu.memref_squeeze %dma_start3A_85 : memref<1x1x80xi32, #tpu.memory_space<vmem>> -> memref<80xi32, #tpu.memory_space<vmem>>
    %dma_start3A_87 = tpu.memref_slice %arg4[%add3A_71] : memref<320000xi32, #tpu.memory_space<hbm>> -> memref<80xi32, #tpu.memory_space<hbm>>
    %dma_start3A_88 = arith.constant 0 : i32
    %dma_start3A_89 = tpu.memref_slice %arg8[%dma_start3A_82, %dma_start3A_83, %dma_start3A_88] : memref<2x4x80xi32, #tpu.memory_space<vmem>> -> memref<1x1x80xi32, #tpu.memory_space<vmem>>
    %dma_start3A_90 = tpu.memref_squeeze %dma_start3A_89 : memref<1x1x80xi32, #tpu.memory_space<vmem>> -> memref<80xi32, #tpu.memory_space<vmem>>
    %dma_start3A_91 = tpu.memref_slice %arg4[%add3A_71] : memref<320000xi32, #tpu.memory_space<hbm>> -> memref<80xi32, #tpu.memory_space<hbm>>
    tpu.enqueue_dma source(%dma_start3A_91 : memref<80xi32, #tpu.memory_space<hbm>>) target(%dma_start3A_90 : memref<80xi32, #tpu.memory_space<vmem>>) target_semaphore(%arg10 : memref<!tpu.dma_semaphore, #tpu.memory_space<semaphore_mem>>)
    "tpu.region"() ({
      %run_scoped3A_307 = tpu.sem_alloc : memref<!tpu.dma_semaphore, #tpu.memory_space<semaphore_mem>>
      %dma_start3A_308 = arith.constant 0 : i32
      %dma_start3A_309 = tpu.memref_slice %arg19[%mul3A_2, %dma_start3A_308] : memref<10112x128xf32, #tpu.memory_space<vmem_shared>> -> memref<632x128xf32, #tpu.memory_space<vmem_shared>>
      %dma_start3A_310 = arith.constant 0 : i32
      %dma_start3A_311 = tpu.memref_slice %arg5[%mul3A_2, %dma_start3A_310] : memref<10112x128xf32, #tpu.memory_space<hbm>> -> memref<632x128xf32, #tpu.memory_space<hbm>>
      tpu.enqueue_dma source(%dma_start3A_311 : memref<632x128xf32, #tpu.memory_space<hbm>>) target(%dma_start3A_309 : memref<632x128xf32, #tpu.memory_space<vmem_shared>>) target_semaphore(%run_scoped3A_307 : memref<!tpu.dma_semaphore, #tpu.memory_space<semaphore_mem>>)
      %dma_wait3A_312 = arith.constant 0 : i32
      %dma_wait3A_313 = tpu.memref_slice %arg19[%mul3A_2, %dma_wait3A_312] : memref<10112x128xf32, #tpu.memory_space<vmem_shared>> -> memref<632x128xf32, #tpu.memory_space<vmem_shared>>
      %dma_wait3A_314 = arith.constant 0 : i32
      %dma_wait3A_315 = tpu.memref_slice %arg5[%mul3A_2, %dma_wait3A_314] : memref<10112x128xf32, #tpu.memory_space<hbm>> -> memref<632x128xf32, #tpu.memory_space<hbm>>
      tpu.wait_dma2 semaphore(%run_scoped3A_307 : memref<!tpu.dma_semaphore, #tpu.memory_space<semaphore_mem>>) src(%dma_wait3A_315 : memref<632x128xf32, #tpu.memory_space<hbm>>) dst(%dma_wait3A_313 : memref<632x128xf32, #tpu.memory_space<vmem_shared>>)
      tpu.yield
    }) : () -> ()
    %barrier3A = arith.constant 0 : index
    tpu.barrier barrier_id(%barrier3A)
    %scan3A = arith.constant 0 : i32
    %scan3A_92 = arith.constant 0 : i32
    %scan3A_93 = arith.constant 31 : i32
    %scan3A_94 = arith.addi %scan3A_92, %scan3A_93 : i32
    %scan3A_95 = arith.constant 1 : i32
    scf.for %scan3A_307 = %scan3A_92 to %scan3A_94 step %scan3A_95  : i32 {
      %jit3A_308 = arith.constant 2 : i32
      %eq3A_309 = arith.constant 0 : i32
      %eq3A_310 = arith.cmpi eq, %jit3A_308, %eq3A_309 : i32
      %jit3A_311 = arith.constant 1 : i32
      %select_n3A_312 = arith.select %eq3A_310, %jit3A_311, %jit3A_308 : i32
      %rem3A = arith.remsi %scan3A_307, %select_n3A_312 : i32
      %ne3A = arith.constant 0 : i32
      %ne3A_313 = arith.cmpi ne, %rem3A, %ne3A : i32
      %lt3A = arith.constant 0 : i32
      %lt3A_314 = arith.cmpi slt, %rem3A, %lt3A : i32
      %lt3A_315 = arith.constant 0 : i32
      %lt3A_316 = arith.cmpi slt, %select_n3A_312, %lt3A_315 : i32
      %ne3A_317 = arith.xori %lt3A_314, %lt3A_316 : i1
      %and3A = arith.andi %ne3A_317, %ne3A_313 : i1
      %add3A_318 = arith.addi %rem3A, %select_n3A_312 : i32
      %select_n3A_319 = arith.select %and3A, %add3A_318, %rem3A : i32
      %dma_wait3A_320 = arith.constant 0 : i32
      %dma_wait3A_321 = arith.constant 0 : i32
      %dma_wait3A_322 = tpu.memref_slice %arg7[%select_n3A_319, %dma_wait3A_320, %dma_wait3A_321] : memref<2x4x80xi32, #tpu.memory_space<vmem>> -> memref<1x1x80xi32, #tpu.memory_space<vmem>>
      %dma_wait3A_323 = tpu.memref_squeeze %dma_wait3A_322 : memref<1x1x80xi32, #tpu.memory_space<vmem>> -> memref<80xi32, #tpu.memory_space<vmem>>
      %dma_wait3A_324 = arith.constant 0 : i32
      %dma_wait3A_325 = tpu.memref_slice %arg3[%dma_wait3A_324] : memref<320000xi32, #tpu.memory_space<hbm>> -> memref<80xi32, #tpu.memory_space<hbm>>
      %dma_wait3A_326 = arith.constant 0 : i32
      %dma_wait3A_327 = tpu.memref_slice %arg7[%select_n3A_319, %dma_wait3A_320, %dma_wait3A_326] : memref<2x4x80xi32, #tpu.memory_space<vmem>> -> memref<1x1x80xi32, #tpu.memory_space<vmem>>
      %dma_wait3A_328 = tpu.memref_squeeze %dma_wait3A_327 : memref<1x1x80xi32, #tpu.memory_space<vmem>> -> memref<80xi32, #tpu.memory_space<vmem>>
      %dma_wait3A_329 = arith.constant 0 : i32
      %dma_wait3A_330 = tpu.memref_slice %arg3[%dma_wait3A_329] : memref<320000xi32, #tpu.memory_space<hbm>> -> memref<80xi32, #tpu.memory_space<hbm>>
      tpu.wait_dma2 semaphore(%arg10 : memref<!tpu.dma_semaphore, #tpu.memory_space<semaphore_mem>>) src(%dma_wait3A_330 : memref<80xi32, #tpu.memory_space<hbm>>) dst(%dma_wait3A_328 : memref<80xi32, #tpu.memory_space<vmem>>)
      %dma_wait3A_331 = arith.constant 0 : i32
      %dma_wait3A_332 = arith.constant 0 : i32
      %dma_wait3A_333 = tpu.memref_slice %arg8[%select_n3A_319, %dma_wait3A_331, %dma_wait3A_332] : memref<2x4x80xi32, #tpu.memory_space<vmem>> -> memref<1x1x80xi32, #tpu.memory_space<vmem>>
      %dma_wait3A_334 = tpu.memref_squeeze %dma_wait3A_333 : memref<1x1x80xi32, #tpu.memory_space<vmem>> -> memref<80xi32, #tpu.memory_space<vmem>>
      %dma_wait3A_335 = arith.constant 0 : i32
      %dma_wait3A_336 = tpu.memref_slice %arg4[%dma_wait3A_335] : memref<320000xi32, #tpu.memory_space<hbm>> -> memref<80xi32, #tpu.memory_space<hbm>>
      %dma_wait3A_337 = arith.constant 0 : i32
      %dma_wait3A_338 = tpu.memref_slice %arg8[%select_n3A_319, %dma_wait3A_331, %dma_wait3A_337] : memref<2x4x80xi32, #tpu.memory_space<vmem>> -> memref<1x1x80xi32, #tpu.memory_space<vmem>>
      %dma_wait3A_339 = tpu.memref_squeeze %dma_wait3A_338 : memref<1x1x80xi32, #tpu.memory_space<vmem>> -> memref<80xi32, #tpu.memory_space<vmem>>
      %dma_wait3A_340 = arith.constant 0 : i32
      %dma_wait3A_341 = tpu.memref_slice %arg4[%dma_wait3A_340] : memref<320000xi32, #tpu.memory_space<hbm>> -> memref<80xi32, #tpu.memory_space<hbm>>
      tpu.wait_dma2 semaphore(%arg10 : memref<!tpu.dma_semaphore, #tpu.memory_space<semaphore_mem>>) src(%dma_wait3A_341 : memref<80xi32, #tpu.memory_space<hbm>>) dst(%dma_wait3A_339 : memref<80xi32, #tpu.memory_space<vmem>>)
      %dma_wait3A_342 = arith.constant 1 : i32
      %dma_wait3A_343 = arith.constant 0 : i32
      %dma_wait3A_344 = tpu.memref_slice %arg7[%select_n3A_319, %dma_wait3A_342, %dma_wait3A_343] : memref<2x4x80xi32, #tpu.memory_space<vmem>> -> memref<1x1x80xi32, #tpu.memory_space<vmem>>
      %dma_wait3A_345 = tpu.memref_squeeze %dma_wait3A_344 : memref<1x1x80xi32, #tpu.memory_space<vmem>> -> memref<80xi32, #tpu.memory_space<vmem>>
      %dma_wait3A_346 = arith.constant 0 : i32
      %dma_wait3A_347 = tpu.memref_slice %arg3[%dma_wait3A_346] : memref<320000xi32, #tpu.memory_space<hbm>> -> memref<80xi32, #tpu.memory_space<hbm>>
      %dma_wait3A_348 = arith.constant 0 : i32
      %dma_wait3A_349 = tpu.memref_slice %arg7[%select_n3A_319, %dma_wait3A_342, %dma_wait3A_348] : memref<2x4x80xi32, #tpu.memory_space<vmem>> -> memref<1x1x80xi32, #tpu.memory_space<vmem>>
      %dma_wait3A_350 = tpu.memref_squeeze %dma_wait3A_349 : memref<1x1x80xi32, #tpu.memory_space<vmem>> -> memref<80xi32, #tpu.memory_space<vmem>>
      %dma_wait3A_351 = arith.constant 0 : i32
      %dma_wait3A_352 = tpu.memref_slice %arg3[%dma_wait3A_351] : memref<320000xi32, #tpu.memory_space<hbm>> -> memref<80xi32, #tpu.memory_space<hbm>>
      tpu.wait_dma2 semaphore(%arg10 : memref<!tpu.dma_semaphore, #tpu.memory_space<semaphore_mem>>) src(%dma_wait3A_352 : memref<80xi32, #tpu.memory_space<hbm>>) dst(%dma_wait3A_350 : memref<80xi32, #tpu.memory_space<vmem>>)
      %dma_wait3A_353 = arith.constant 1 : i32
      %dma_wait3A_354 = arith.constant 0 : i32
      %dma_wait3A_355 = tpu.memref_slice %arg8[%select_n3A_319, %dma_wait3A_353, %dma_wait3A_354] : memref<2x4x80xi32, #tpu.memory_space<vmem>> -> memref<1x1x80xi32, #tpu.memory_space<vmem>>
      %dma_wait3A_356 = tpu.memref_squeeze %dma_wait3A_355 : memref<1x1x80xi32, #tpu.memory_space<vmem>> -> memref<80xi32, #tpu.memory_space<vmem>>
      %dma_wait3A_357 = arith.constant 0 : i32
      %dma_wait3A_358 = tpu.memref_slice %arg4[%dma_wait3A_357] : memref<320000xi32, #tpu.memory_space<hbm>> -> memref<80xi32, #tpu.memory_space<hbm>>
      %dma_wait3A_359 = arith.constant 0 : i32
      %dma_wait3A_360 = tpu.memref_slice %arg8[%select_n3A_319, %dma_wait3A_353, %dma_wait3A_359] : memref<2x4x80xi32, #tpu.memory_space<vmem>> -> memref<1x1x80xi32, #tpu.memory_space<vmem>>
      %dma_wait3A_361 = tpu.memref_squeeze %dma_wait3A_360 : memref<1x1x80xi32, #tpu.memory_space<vmem>> -> memref<80xi32, #tpu.memory_space<vmem>>
      %dma_wait3A_362 = arith.constant 0 : i32
      %dma_wait3A_363 = tpu.memref_slice %arg4[%dma_wait3A_362] : memref<320000xi32, #tpu.memory_space<hbm>> -> memref<80xi32, #tpu.memory_space<hbm>>
      tpu.wait_dma2 semaphore(%arg10 : memref<!tpu.dma_semaphore, #tpu.memory_space<semaphore_mem>>) src(%dma_wait3A_363 : memref<80xi32, #tpu.memory_space<hbm>>) dst(%dma_wait3A_361 : memref<80xi32, #tpu.memory_space<vmem>>)
      %dma_wait3A_364 = arith.constant 2 : i32
      %dma_wait3A_365 = arith.constant 0 : i32
      %dma_wait3A_366 = tpu.memref_slice %arg7[%select_n3A_319, %dma_wait3A_364, %dma_wait3A_365] : memref<2x4x80xi32, #tpu.memory_space<vmem>> -> memref<1x1x80xi32, #tpu.memory_space<vmem>>
      %dma_wait3A_367 = tpu.memref_squeeze %dma_wait3A_366 : memref<1x1x80xi32, #tpu.memory_space<vmem>> -> memref<80xi32, #tpu.memory_space<vmem>>
      %dma_wait3A_368 = arith.constant 0 : i32
      %dma_wait3A_369 = tpu.memref_slice %arg3[%dma_wait3A_368] : memref<320000xi32, #tpu.memory_space<hbm>> -> memref<80xi32, #tpu.memory_space<hbm>>
      %dma_wait3A_370 = arith.constant 0 : i32
      %dma_wait3A_371 = tpu.memref_slice %arg7[%select_n3A_319, %dma_wait3A_364, %dma_wait3A_370] : memref<2x4x80xi32, #tpu.memory_space<vmem>> -> memref<1x1x80xi32, #tpu.memory_space<vmem>>
      %dma_wait3A_372 = tpu.memref_squeeze %dma_wait3A_371 : memref<1x1x80xi32, #tpu.memory_space<vmem>> -> memref<80xi32, #tpu.memory_space<vmem>>
      %dma_wait3A_373 = arith.constant 0 : i32
      %dma_wait3A_374 = tpu.memref_slice %arg3[%dma_wait3A_373] : memref<320000xi32, #tpu.memory_space<hbm>> -> memref<80xi32, #tpu.memory_space<hbm>>
      tpu.wait_dma2 semaphore(%arg10 : memref<!tpu.dma_semaphore, #tpu.memory_space<semaphore_mem>>) src(%dma_wait3A_374 : memref<80xi32, #tpu.memory_space<hbm>>) dst(%dma_wait3A_372 : memref<80xi32, #tpu.memory_space<vmem>>)
      %dma_wait3A_375 = arith.constant 2 : i32
      %dma_wait3A_376 = arith.constant 0 : i32
      %dma_wait3A_377 = tpu.memref_slice %arg8[%select_n3A_319, %dma_wait3A_375, %dma_wait3A_376] : memref<2x4x80xi32, #tpu.memory_space<vmem>> -> memref<1x1x80xi32, #tpu.memory_space<vmem>>
      %dma_wait3A_378 = tpu.memref_squeeze %dma_wait3A_377 : memref<1x1x80xi32, #tpu.memory_space<vmem>> -> memref<80xi32, #tpu.memory_space<vmem>>
      %dma_wait3A_379 = arith.constant 0 : i32
      %dma_wait3A_380 = tpu.memref_slice %arg4[%dma_wait3A_379] : memref<320000xi32, #tpu.memory_space<hbm>> -> memref<80xi32, #tpu.memory_space<hbm>>
      %dma_wait3A_381 = arith.constant 0 : i32
      %dma_wait3A_382 = tpu.memref_slice %arg8[%select_n3A_319, %dma_wait3A_375, %dma_wait3A_381] : memref<2x4x80xi32, #tpu.memory_space<vmem>> -> memref<1x1x80xi32, #tpu.memory_space<vmem>>
      %dma_wait3A_383 = tpu.memref_squeeze %dma_wait3A_382 : memref<1x1x80xi32, #tpu.memory_space<vmem>> -> memref<80xi32, #tpu.memory_space<vmem>>
      %dma_wait3A_384 = arith.constant 0 : i32
      %dma_wait3A_385 = tpu.memref_slice %arg4[%dma_wait3A_384] : memref<320000xi32, #tpu.memory_space<hbm>> -> memref<80xi32, #tpu.memory_space<hbm>>
      tpu.wait_dma2 semaphore(%arg10 : memref<!tpu.dma_semaphore, #tpu.memory_space<semaphore_mem>>) src(%dma_wait3A_385 : memref<80xi32, #tpu.memory_space<hbm>>) dst(%dma_wait3A_383 : memref<80xi32, #tpu.memory_space<vmem>>)
      %dma_wait3A_386 = arith.constant 3 : i32
      %dma_wait3A_387 = arith.constant 0 : i32
      %dma_wait3A_388 = tpu.memref_slice %arg7[%select_n3A_319, %dma_wait3A_386, %dma_wait3A_387] : memref<2x4x80xi32, #tpu.memory_space<vmem>> -> memref<1x1x80xi32, #tpu.memory_space<vmem>>
      %dma_wait3A_389 = tpu.memref_squeeze %dma_wait3A_388 : memref<1x1x80xi32, #tpu.memory_space<vmem>> -> memref<80xi32, #tpu.memory_space<vmem>>
      %dma_wait3A_390 = arith.constant 0 : i32
      %dma_wait3A_391 = tpu.memref_slice %arg3[%dma_wait3A_390] : memref<320000xi32, #tpu.memory_space<hbm>> -> memref<80xi32, #tpu.memory_space<hbm>>
      %dma_wait3A_392 = arith.constant 0 : i32
      %dma_wait3A_393 = tpu.memref_slice %arg7[%select_n3A_319, %dma_wait3A_386, %dma_wait3A_392] : memref<2x4x80xi32, #tpu.memory_space<vmem>> -> memref<1x1x80xi32, #tpu.memory_space<vmem>>
      %dma_wait3A_394 = tpu.memref_squeeze %dma_wait3A_393 : memref<1x1x80xi32, #tpu.memory_space<vmem>> -> memref<80xi32, #tpu.memory_space<vmem>>
      %dma_wait3A_395 = arith.constant 0 : i32
      %dma_wait3A_396 = tpu.memref_slice %arg3[%dma_wait3A_395] : memref<320000xi32, #tpu.memory_space<hbm>> -> memref<80xi32, #tpu.memory_space<hbm>>
      tpu.wait_dma2 semaphore(%arg10 : memref<!tpu.dma_semaphore, #tpu.memory_space<semaphore_mem>>) src(%dma_wait3A_396 : memref<80xi32, #tpu.memory_space<hbm>>) dst(%dma_wait3A_394 : memref<80xi32, #tpu.memory_space<vmem>>)
      %dma_wait3A_397 = arith.constant 3 : i32
      %dma_wait3A_398 = arith.constant 0 : i32
      %dma_wait3A_399 = tpu.memref_slice %arg8[%select_n3A_319, %dma_wait3A_397, %dma_wait3A_398] : memref<2x4x80xi32, #tpu.memory_space<vmem>> -> memref<1x1x80xi32, #tpu.memory_space<vmem>>
      %dma_wait3A_400 = tpu.memref_squeeze %dma_wait3A_399 : memref<1x1x80xi32, #tpu.memory_space<vmem>> -> memref<80xi32, #tpu.memory_space<vmem>>
      %dma_wait3A_401 = arith.constant 0 : i32
      %dma_wait3A_402 = tpu.memref_slice %arg4[%dma_wait3A_401] : memref<320000xi32, #tpu.memory_space<hbm>> -> memref<80xi32, #tpu.memory_space<hbm>>
      %dma_wait3A_403 = arith.constant 0 : i32
      %dma_wait3A_404 = tpu.memref_slice %arg8[%select_n3A_319, %dma_wait3A_397, %dma_wait3A_403] : memref<2x4x80xi32, #tpu.memory_space<vmem>> -> memref<1x1x80xi32, #tpu.memory_space<vmem>>
      %dma_wait3A_405 = tpu.memref_squeeze %dma_wait3A_404 : memref<1x1x80xi32, #tpu.memory_space<vmem>> -> memref<80xi32, #tpu.memory_space<vmem>>
      %dma_wait3A_406 = arith.constant 0 : i32
      %dma_wait3A_407 = tpu.memref_slice %arg4[%dma_wait3A_406] : memref<320000xi32, #tpu.memory_space<hbm>> -> memref<80xi32, #tpu.memory_space<hbm>>
      tpu.wait_dma2 semaphore(%arg10 : memref<!tpu.dma_semaphore, #tpu.memory_space<semaphore_mem>>) src(%dma_wait3A_407 : memref<80xi32, #tpu.memory_space<hbm>>) dst(%dma_wait3A_405 : memref<80xi32, #tpu.memory_space<vmem>>)
      %get3A_408 = arith.constant 0 : i32
      %get3A_409 = arith.index_cast %select_n3A_319 : i32 to index
      %get3A_410 = arith.index_cast %get3A_408 : i32 to index
      %get3A_411 = arith.constant 0 : index
      %get3A_412 = tpu.vector_load %arg7[%get3A_409, %get3A_410, %get3A_411] {strides = array<i32>} : memref<2x4x80xi32, #tpu.memory_space<vmem>>, vector<1x1x16xi32>,
      %get3A_413 = vector.shape_cast %get3A_412 : vector<1x1x16xi32> to vector<16xi32>
      %get3A_414 = arith.constant 0 : i32
      %get3A_415 = arith.index_cast %select_n3A_319 : i32 to index
      %get3A_416 = arith.index_cast %get3A_414 : i32 to index
      %get3A_417 = arith.constant 0 : index
      %get3A_418 = tpu.vector_load %arg8[%get3A_415, %get3A_416, %get3A_417] {strides = array<i32>} : memref<2x4x80xi32, #tpu.memory_space<vmem>>, vector<1x1x16xi32>,
      %get3A_419 = vector.shape_cast %get3A_418 : vector<1x1x16xi32> to vector<16xi32>
      %eq3A_420 = arith.cmpi eq, %get3A_413, %get3A_419 : vector<16xi32>
      %jit3A_421 = arith.constant 10000 : i32
      %broadcast_in_dim3A_422 = vector.broadcast %jit3A_421 : i32 to vector<16xi32>
      %select_n3A_423 = arith.select %eq3A_420, %broadcast_in_dim3A_422, %get3A_419 : vector<16xi1>, vector<16xi32>
      %swap3A_424 = arith.constant 0 : i32
      %swap3A_425 = arith.index_cast %select_n3A_319 : i32 to index
      %swap3A_426 = arith.index_cast %swap3A_424 : i32 to index
      %swap3A_427 = arith.constant 0 : index
      %swap3A_428 = tpu.vector_load %arg8[%swap3A_425, %swap3A_426, %swap3A_427] {strides = array<i32>} : memref<2x4x80xi32, #tpu.memory_space<vmem>>, vector<1x1x16xi32>,
      %swap3A_429 = vector.shape_cast %swap3A_428 : vector<1x1x16xi32> to vector<16xi32>
      %swap3A_430 = vector.shape_cast %select_n3A_423 : vector<16xi32> to vector<1x1x16xi32>
      tpu.vector_store %arg8[%swap3A_425, %swap3A_426, %swap3A_427], %swap3A_430 {strides = array<i32>} : memref<2x4x80xi32, #tpu.memory_space<vmem>>, vector<1x1x16xi32>,
      %get3A_431 = arith.constant 0 : i32
      %get3A_432 = arith.index_cast %select_n3A_319 : i32 to index
      %get3A_433 = arith.index_cast %get3A_431 : i32 to index
      %get3A_434 = arith.constant 16 : index
      %get3A_435 = tpu.vector_load %arg7[%get3A_432, %get3A_433, %get3A_434] {strides = array<i32>} : memref<2x4x80xi32, #tpu.memory_space<vmem>>, vector<1x1x16xi32>,
      %get3A_436 = vector.shape_cast %get3A_435 : vector<1x1x16xi32> to vector<16xi32>
      %get3A_437 = arith.constant 0 : i32
      %get3A_438 = arith.index_cast %select_n3A_319 : i32 to index
      %get3A_439 = arith.index_cast %get3A_437 : i32 to index
      %get3A_440 = arith.constant 16 : index
      %get3A_441 = tpu.vector_load %arg8[%get3A_438, %get3A_439, %get3A_440] {strides = array<i32>} : memref<2x4x80xi32, #tpu.memory_space<vmem>>, vector<1x1x16xi32>,
      %get3A_442 = vector.shape_cast %get3A_441 : vector<1x1x16xi32> to vector<16xi32>
      %eq3A_443 = arith.cmpi eq, %get3A_436, %get3A_442 : vector<16xi32>
      %jit3A_444 = arith.constant 10000 : i32
      %broadcast_in_dim3A_445 = vector.broadcast %jit3A_444 : i32 to vector<16xi32>
      %select_n3A_446 = arith.select %eq3A_443, %broadcast_in_dim3A_445, %get3A_442 : vector<16xi1>, vector<16xi32>
      %swap3A_447 = arith.constant 0 : i32
      %swap3A_448 = arith.index_cast %select_n3A_319 : i32 to index
      %swap3A_449 = arith.index_cast %swap3A_447 : i32 to index
      %swap3A_450 = arith.constant 16 : index
      %swap3A_451 = tpu.vector_load %arg8[%swap3A_448, %swap3A_449, %swap3A_450] {strides = array<i32>} : memref<2x4x80xi32, #tpu.memory_space<vmem>>, vector<1x1x16xi32>,
      %swap3A_452 = vector.shape_cast %swap3A_451 : vector<1x1x16xi32> to vector<16xi32>
      %swap3A_453 = vector.shape_cast %select_n3A_446 : vector<16xi32> to vector<1x1x16xi32>
      tpu.vector_store %arg8[%swap3A_448, %swap3A_449, %swap3A_450], %swap3A_453 {strides = array<i32>} : memref<2x4x80xi32, #tpu.memory_space<vmem>>, vector<1x1x16xi32>,
      %get3A_454 = arith.constant 0 : i32
      %get3A_455 = arith.index_cast %select_n3A_319 : i32 to index
      %get3A_456 = arith.index_cast %get3A_454 : i32 to index
      %get3A_457 = arith.constant 32 : index
      %get3A_458 = tpu.vector_load %arg7[%get3A_455, %get3A_456, %get3A_457] {strides = array<i32>} : memref<2x4x80xi32, #tpu.memory_space<vmem>>, vector<1x1x16xi32>,
      %get3A_459 = vector.shape_cast %get3A_458 : vector<1x1x16xi32> to vector<16xi32>
      %get3A_460 = arith.constant 0 : i32
      %get3A_461 = arith.index_cast %select_n3A_319 : i32 to index
      %get3A_462 = arith.index_cast %get3A_460 : i32 to index
      %get3A_463 = arith.constant 32 : index
      %get3A_464 = tpu.vector_load %arg8[%get3A_461, %get3A_462, %get3A_463] {strides = array<i32>} : memref<2x4x80xi32, #tpu.memory_space<vmem>>, vector<1x1x16xi32>,
      %get3A_465 = vector.shape_cast %get3A_464 : vector<1x1x16xi32> to vector<16xi32>
      %eq3A_466 = arith.cmpi eq, %get3A_459, %get3A_465 : vector<16xi32>
      %jit3A_467 = arith.constant 10000 : i32
      %broadcast_in_dim3A_468 = vector.broadcast %jit3A_467 : i32 to vector<16xi32>
      %select_n3A_469 = arith.select %eq3A_466, %broadcast_in_dim3A_468, %get3A_465 : vector<16xi1>, vector<16xi32>
      %swap3A_470 = arith.constant 0 : i32
      %swap3A_471 = arith.index_cast %select_n3A_319 : i32 to index
      %swap3A_472 = arith.index_cast %swap3A_470 : i32 to index
      %swap3A_473 = arith.constant 32 : index
      %swap3A_474 = tpu.vector_load %arg8[%swap3A_471, %swap3A_472, %swap3A_473] {strides = array<i32>} : memref<2x4x80xi32, #tpu.memory_space<vmem>>, vector<1x1x16xi32>,
      %swap3A_475 = vector.shape_cast %swap3A_474 : vector<1x1x16xi32> to vector<16xi32>
      %swap3A_476 = vector.shape_cast %select_n3A_469 : vector<16xi32> to vector<1x1x16xi32>
      tpu.vector_store %arg8[%swap3A_471, %swap3A_472, %swap3A_473], %swap3A_476 {strides = array<i32>} : memref<2x4x80xi32, #tpu.memory_space<vmem>>, vector<1x1x16xi32>,
      %get3A_477 = arith.constant 0 : i32
      %get3A_478 = arith.index_cast %select_n3A_319 : i32 to index
      %get3A_479 = arith.index_cast %get3A_477 : i32 to index
      %get3A_480 = arith.constant 48 : index
      %get3A_481 = tpu.vector_load %arg7[%get3A_478, %get3A_479, %get3A_480] {strides = array<i32>} : memref<2x4x80xi32, #tpu.memory_space<vmem>>, vector<1x1x16xi32>,
      %get3A_482 = vector.shape_cast %get3A_481 : vector<1x1x16xi32> to vector<16xi32>
      %get3A_483 = arith.constant 0 : i32
      %get3A_484 = arith.index_cast %select_n3A_319 : i32 to index
      %get3A_485 = arith.index_cast %get3A_483 : i32 to index
      %get3A_486 = arith.constant 48 : index
      %get3A_487 = tpu.vector_load %arg8[%get3A_484, %get3A_485, %get3A_486] {strides = array<i32>} : memref<2x4x80xi32, #tpu.memory_space<vmem>>, vector<1x1x16xi32>,
      %get3A_488 = vector.shape_cast %get3A_487 : vector<1x1x16xi32> to vector<16xi32>
      %eq3A_489 = arith.cmpi eq, %get3A_482, %get3A_488 : vector<16xi32>
      %jit3A_490 = arith.constant 10000 : i32
      %broadcast_in_dim3A_491 = vector.broadcast %jit3A_490 : i32 to vector<16xi32>
      %select_n3A_492 = arith.select %eq3A_489, %broadcast_in_dim3A_491, %get3A_488 : vector<16xi1>, vector<16xi32>
      %swap3A_493 = arith.constant 0 : i32
      %swap3A_494 = arith.index_cast %select_n3A_319 : i32 to index
      %swap3A_495 = arith.index_cast %swap3A_493 : i32 to index
      %swap3A_496 = arith.constant 48 : index
      %swap3A_497 = tpu.vector_load %arg8[%swap3A_494, %swap3A_495, %swap3A_496] {strides = array<i32>} : memref<2x4x80xi32, #tpu.memory_space<vmem>>, vector<1x1x16xi32>,
      %swap3A_498 = vector.shape_cast %swap3A_497 : vector<1x1x16xi32> to vector<16xi32>
      %swap3A_499 = vector.shape_cast %select_n3A_492 : vector<16xi32> to vector<1x1x16xi32>
      tpu.vector_store %arg8[%swap3A_494, %swap3A_495, %swap3A_496], %swap3A_499 {strides = array<i32>} : memref<2x4x80xi32, #tpu.memory_space<vmem>>, vector<1x1x16xi32>,
      %get3A_500 = arith.constant 0 : i32
      %get3A_501 = arith.index_cast %select_n3A_319 : i32 to index
      %get3A_502 = arith.index_cast %get3A_500 : i32 to index
      %get3A_503 = arith.constant 64 : index
      %get3A_504 = tpu.vector_load %arg7[%get3A_501, %get3A_502, %get3A_503] {strides = array<i32>} : memref<2x4x80xi32, #tpu.memory_space<vmem>>, vector<1x1x16xi32>,
      %get3A_505 = vector.shape_cast %get3A_504 : vector<1x1x16xi32> to vector<16xi32>
      %get3A_506 = arith.constant 0 : i32
      %get3A_507 = arith.index_cast %select_n3A_319 : i32 to index
      %get3A_508 = arith.index_cast %get3A_506 : i32 to index
      %get3A_509 = arith.constant 64 : index
      %get3A_510 = tpu.vector_load %arg8[%get3A_507, %get3A_508, %get3A_509] {strides = array<i32>} : memref<2x4x80xi32, #tpu.memory_space<vmem>>, vector<1x1x16xi32>,
      %get3A_511 = vector.shape_cast %get3A_510 : vector<1x1x16xi32> to vector<16xi32>
      %eq3A_512 = arith.cmpi eq, %get3A_505, %get3A_511 : vector<16xi32>
      %jit3A_513 = arith.constant 10000 : i32
      %broadcast_in_dim3A_514 = vector.broadcast %jit3A_513 : i32 to vector<16xi32>
      %select_n3A_515 = arith.select %eq3A_512, %broadcast_in_dim3A_514, %get3A_511 : vector<16xi1>, vector<16xi32>
      %swap3A_516 = arith.constant 0 : i32
      %swap3A_517 = arith.index_cast %select_n3A_319 : i32 to index
      %swap3A_518 = arith.index_cast %swap3A_516 : i32 to index
      %swap3A_519 = arith.constant 64 : index
      %swap3A_520 = tpu.vector_load %arg8[%swap3A_517, %swap3A_518, %swap3A_519] {strides = array<i32>} : memref<2x4x80xi32, #tpu.memory_space<vmem>>, vector<1x1x16xi32>,
      %swap3A_521 = vector.shape_cast %swap3A_520 : vector<1x1x16xi32> to vector<16xi32>
      %swap3A_522 = vector.shape_cast %select_n3A_515 : vector<16xi32> to vector<1x1x16xi32>
      tpu.vector_store %arg8[%swap3A_517, %swap3A_518, %swap3A_519], %swap3A_522 {strides = array<i32>} : memref<2x4x80xi32, #tpu.memory_space<vmem>>, vector<1x1x16xi32>,
      %get3A_523 = arith.constant 1 : i32
      %get3A_524 = arith.index_cast %select_n3A_319 : i32 to index
      %get3A_525 = arith.index_cast %get3A_523 : i32 to index
      %get3A_526 = arith.constant 0 : index
      %get3A_527 = tpu.vector_load %arg7[%get3A_524, %get3A_525, %get3A_526] {strides = array<i32>} : memref<2x4x80xi32, #tpu.memory_space<vmem>>, vector<1x1x16xi32>,
      %get3A_528 = vector.shape_cast %get3A_527 : vector<1x1x16xi32> to vector<16xi32>
      %get3A_529 = arith.constant 1 : i32
      %get3A_530 = arith.index_cast %select_n3A_319 : i32 to index
      %get3A_531 = arith.index_cast %get3A_529 : i32 to index
      %get3A_532 = arith.constant 0 : index
      %get3A_533 = tpu.vector_load %arg8[%get3A_530, %get3A_531, %get3A_532] {strides = array<i32>} : memref<2x4x80xi32, #tpu.memory_space<vmem>>, vector<1x1x16xi32>,
      %get3A_534 = vector.shape_cast %get3A_533 : vector<1x1x16xi32> to vector<16xi32>
      %eq3A_535 = arith.cmpi eq, %get3A_528, %get3A_534 : vector<16xi32>
      %jit3A_536 = arith.constant 10000 : i32
      %broadcast_in_dim3A_537 = vector.broadcast %jit3A_536 : i32 to vector<16xi32>
      %select_n3A_538 = arith.select %eq3A_535, %broadcast_in_dim3A_537, %get3A_534 : vector<16xi1>, vector<16xi32>
      %swap3A_539 = arith.constant 1 : i32
      %swap3A_540 = arith.index_cast %select_n3A_319 : i32 to index
      %swap3A_541 = arith.index_cast %swap3A_539 : i32 to index
      %swap3A_542 = arith.constant 0 : index
      %swap3A_543 = tpu.vector_load %arg8[%swap3A_540, %swap3A_541, %swap3A_542] {strides = array<i32>} : memref<2x4x80xi32, #tpu.memory_space<vmem>>, vector<1x1x16xi32>,
      %swap3A_544 = vector.shape_cast %swap3A_543 : vector<1x1x16xi32> to vector<16xi32>
      %swap3A_545 = vector.shape_cast %select_n3A_538 : vector<16xi32> to vector<1x1x16xi32>
      tpu.vector_store %arg8[%swap3A_540, %swap3A_541, %swap3A_542], %swap3A_545 {strides = array<i32>} : memref<2x4x80xi32, #tpu.memory_space<vmem>>, vector<1x1x16xi32>,
      %get3A_546 = arith.constant 1 : i32
      %get3A_547 = arith.index_cast %select_n3A_319 : i32 to index
      %get3A_548 = arith.index_cast %get3A_546 : i32 to index
      %get3A_549 = arith.constant 16 : index
      %get3A_550 = tpu.vector_load %arg7[%get3A_547, %get3A_548, %get3A_549] {strides = array<i32>} : memref<2x4x80xi32, #tpu.memory_space<vmem>>, vector<1x1x16xi32>,
      %get3A_551 = vector.shape_cast %get3A_550 : vector<1x1x16xi32> to vector<16xi32>
      %get3A_552 = arith.constant 1 : i32
      %get3A_553 = arith.index_cast %select_n3A_319 : i32 to index
      %get3A_554 = arith.index_cast %get3A_552 : i32 to index
      %get3A_555 = arith.constant 16 : index
      %get3A_556 = tpu.vector_load %arg8[%get3A_553, %get3A_554, %get3A_555] {strides = array<i32>} : memref<2x4x80xi32, #tpu.memory_space<vmem>>, vector<1x1x16xi32>,
      %get3A_557 = vector.shape_cast %get3A_556 : vector<1x1x16xi32> to vector<16xi32>
      %eq3A_558 = arith.cmpi eq, %get3A_551, %get3A_557 : vector<16xi32>
      %jit3A_559 = arith.constant 10000 : i32
      %broadcast_in_dim3A_560 = vector.broadcast %jit3A_559 : i32 to vector<16xi32>
      %select_n3A_561 = arith.select %eq3A_558, %broadcast_in_dim3A_560, %get3A_557 : vector<16xi1>, vector<16xi32>
      %swap3A_562 = arith.constant 1 : i32
      %swap3A_563 = arith.index_cast %select_n3A_319 : i32 to index
      %swap3A_564 = arith.index_cast %swap3A_562 : i32 to index
      %swap3A_565 = arith.constant 16 : index
      %swap3A_566 = tpu.vector_load %arg8[%swap3A_563, %swap3A_564, %swap3A_565] {strides = array<i32>} : memref<2x4x80xi32, #tpu.memory_space<vmem>>, vector<1x1x16xi32>,
      %swap3A_567 = vector.shape_cast %swap3A_566 : vector<1x1x16xi32> to vector<16xi32>
      %swap3A_568 = vector.shape_cast %select_n3A_561 : vector<16xi32> to vector<1x1x16xi32>
      tpu.vector_store %arg8[%swap3A_563, %swap3A_564, %swap3A_565], %swap3A_568 {strides = array<i32>} : memref<2x4x80xi32, #tpu.memory_space<vmem>>, vector<1x1x16xi32>,
      %get3A_569 = arith.constant 1 : i32
      %get3A_570 = arith.index_cast %select_n3A_319 : i32 to index
      %get3A_571 = arith.index_cast %get3A_569 : i32 to index
      %get3A_572 = arith.constant 32 : index
      %get3A_573 = tpu.vector_load %arg7[%get3A_570, %get3A_571, %get3A_572] {strides = array<i32>} : memref<2x4x80xi32, #tpu.memory_space<vmem>>, vector<1x1x16xi32>,
      %get3A_574 = vector.shape_cast %get3A_573 : vector<1x1x16xi32> to vector<16xi32>
      %get3A_575 = arith.constant 1 : i32
      %get3A_576 = arith.index_cast %select_n3A_319 : i32 to index
      %get3A_577 = arith.index_cast %get3A_575 : i32 to index
      %get3A_578 = arith.constant 32 : index
      %get3A_579 = tpu.vector_load %arg8[%get3A_576, %get3A_577, %get3A_578] {strides = array<i32>} : memref<2x4x80xi32, #tpu.memory_space<vmem>>, vector<1x1x16xi32>,
      %get3A_580 = vector.shape_cast %get3A_579 : vector<1x1x16xi32> to vector<16xi32>
      %eq3A_581 = arith.cmpi eq, %get3A_574, %get3A_580 : vector<16xi32>
      %jit3A_582 = arith.constant 10000 : i32
      %broadcast_in_dim3A_583 = vector.broadcast %jit3A_582 : i32 to vector<16xi32>
      %select_n3A_584 = arith.select %eq3A_581, %broadcast_in_dim3A_583, %get3A_580 : vector<16xi1>, vector<16xi32>
      %swap3A_585 = arith.constant 1 : i32
      %swap3A_586 = arith.index_cast %select_n3A_319 : i32 to index
      %swap3A_587 = arith.index_cast %swap3A_585 : i32 to index
      %swap3A_588 = arith.constant 32 : index
      %swap3A_589 = tpu.vector_load %arg8[%swap3A_586, %swap3A_587, %swap3A_588] {strides = array<i32>} : memref<2x4x80xi32, #tpu.memory_space<vmem>>, vector<1x1x16xi32>,
      %swap3A_590 = vector.shape_cast %swap3A_589 : vector<1x1x16xi32> to vector<16xi32>
      %swap3A_591 = vector.shape_cast %select_n3A_584 : vector<16xi32> to vector<1x1x16xi32>
      tpu.vector_store %arg8[%swap3A_586, %swap3A_587, %swap3A_588], %swap3A_591 {strides = array<i32>} : memref<2x4x80xi32, #tpu.memory_space<vmem>>, vector<1x1x16xi32>,
      %get3A_592 = arith.constant 1 : i32
      %get3A_593 = arith.index_cast %select_n3A_319 : i32 to index
      %get3A_594 = arith.index_cast %get3A_592 : i32 to index
      %get3A_595 = arith.constant 48 : index
      %get3A_596 = tpu.vector_load %arg7[%get3A_593, %get3A_594, %get3A_595] {strides = array<i32>} : memref<2x4x80xi32, #tpu.memory_space<vmem>>, vector<1x1x16xi32>,
      %get3A_597 = vector.shape_cast %get3A_596 : vector<1x1x16xi32> to vector<16xi32>
      %get3A_598 = arith.constant 1 : i32
      %get3A_599 = arith.index_cast %select_n3A_319 : i32 to index
      %get3A_600 = arith.index_cast %get3A_598 : i32 to index
      %get3A_601 = arith.constant 48 : index
      %get3A_602 = tpu.vector_load %arg8[%get3A_599, %get3A_600, %get3A_601] {strides = array<i32>} : memref<2x4x80xi32, #tpu.memory_space<vmem>>, vector<1x1x16xi32>,
      %get3A_603 = vector.shape_cast %get3A_602 : vector<1x1x16xi32> to vector<16xi32>
      %eq3A_604 = arith.cmpi eq, %get3A_597, %get3A_603 : vector<16xi32>
      %jit3A_605 = arith.constant 10000 : i32
      %broadcast_in_dim3A_606 = vector.broadcast %jit3A_605 : i32 to vector<16xi32>
      %select_n3A_607 = arith.select %eq3A_604, %broadcast_in_dim3A_606, %get3A_603 : vector<16xi1>, vector<16xi32>
      %swap3A_608 = arith.constant 1 : i32
      %swap3A_609 = arith.index_cast %select_n3A_319 : i32 to index
      %swap3A_610 = arith.index_cast %swap3A_608 : i32 to index
      %swap3A_611 = arith.constant 48 : index
      %swap3A_612 = tpu.vector_load %arg8[%swap3A_609, %swap3A_610, %swap3A_611] {strides = array<i32>} : memref<2x4x80xi32, #tpu.memory_space<vmem>>, vector<1x1x16xi32>,
      %swap3A_613 = vector.shape_cast %swap3A_612 : vector<1x1x16xi32> to vector<16xi32>
      %swap3A_614 = vector.shape_cast %select_n3A_607 : vector<16xi32> to vector<1x1x16xi32>
      tpu.vector_store %arg8[%swap3A_609, %swap3A_610, %swap3A_611], %swap3A_614 {strides = array<i32>} : memref<2x4x80xi32, #tpu.memory_space<vmem>>, vector<1x1x16xi32>,
      %get3A_615 = arith.constant 1 : i32
      %get3A_616 = arith.index_cast %select_n3A_319 : i32 to index
      %get3A_617 = arith.index_cast %get3A_615 : i32 to index
      %get3A_618 = arith.constant 64 : index
      %get3A_619 = tpu.vector_load %arg7[%get3A_616, %get3A_617, %get3A_618] {strides = array<i32>} : memref<2x4x80xi32, #tpu.memory_space<vmem>>, vector<1x1x16xi32>,
      %get3A_620 = vector.shape_cast %get3A_619 : vector<1x1x16xi32> to vector<16xi32>
      %get3A_621 = arith.constant 1 : i32
      %get3A_622 = arith.index_cast %select_n3A_319 : i32 to index
      %get3A_623 = arith.index_cast %get3A_621 : i32 to index
      %get3A_624 = arith.constant 64 : index
      %get3A_625 = tpu.vector_load %arg8[%get3A_622, %get3A_623, %get3A_624] {strides = array<i32>} : memref<2x4x80xi32, #tpu.memory_space<vmem>>, vector<1x1x16xi32>,
      %get3A_626 = vector.shape_cast %get3A_625 : vector<1x1x16xi32> to vector<16xi32>
      %eq3A_627 = arith.cmpi eq, %get3A_620, %get3A_626 : vector<16xi32>
      %jit3A_628 = arith.constant 10000 : i32
      %broadcast_in_dim3A_629 = vector.broadcast %jit3A_628 : i32 to vector<16xi32>
      %select_n3A_630 = arith.select %eq3A_627, %broadcast_in_dim3A_629, %get3A_626 : vector<16xi1>, vector<16xi32>
      %swap3A_631 = arith.constant 1 : i32
      %swap3A_632 = arith.index_cast %select_n3A_319 : i32 to index
      %swap3A_633 = arith.index_cast %swap3A_631 : i32 to index
      %swap3A_634 = arith.constant 64 : index
      %swap3A_635 = tpu.vector_load %arg8[%swap3A_632, %swap3A_633, %swap3A_634] {strides = array<i32>} : memref<2x4x80xi32, #tpu.memory_space<vmem>>, vector<1x1x16xi32>,
      %swap3A_636 = vector.shape_cast %swap3A_635 : vector<1x1x16xi32> to vector<16xi32>
      %swap3A_637 = vector.shape_cast %select_n3A_630 : vector<16xi32> to vector<1x1x16xi32>
      tpu.vector_store %arg8[%swap3A_632, %swap3A_633, %swap3A_634], %swap3A_637 {strides = array<i32>} : memref<2x4x80xi32, #tpu.memory_space<vmem>>, vector<1x1x16xi32>,
      %get3A_638 = arith.constant 2 : i32
      %get3A_639 = arith.index_cast %select_n3A_319 : i32 to index
      %get3A_640 = arith.index_cast %get3A_638 : i32 to index
      %get3A_641 = arith.constant 0 : index
      %get3A_642 = tpu.vector_load %arg7[%get3A_639, %get3A_640, %get3A_641] {strides = array<i32>} : memref<2x4x80xi32, #tpu.memory_space<vmem>>, vector<1x1x16xi32>,
      %get3A_643 = vector.shape_cast %get3A_642 : vector<1x1x16xi32> to vector<16xi32>
      %get3A_644 = arith.constant 2 : i32
      %get3A_645 = arith.index_cast %select_n3A_319 : i32 to index
      %get3A_646 = arith.index_cast %get3A_644 : i32 to index
      %get3A_647 = arith.constant 0 : index
      %get3A_648 = tpu.vector_load %arg8[%get3A_645, %get3A_646, %get3A_647] {strides = array<i32>} : memref<2x4x80xi32, #tpu.memory_space<vmem>>, vector<1x1x16xi32>,
      %get3A_649 = vector.shape_cast %get3A_648 : vector<1x1x16xi32> to vector<16xi32>
      %eq3A_650 = arith.cmpi eq, %get3A_643, %get3A_649 : vector<16xi32>
      %jit3A_651 = arith.constant 10000 : i32
      %broadcast_in_dim3A_652 = vector.broadcast %jit3A_651 : i32 to vector<16xi32>
      %select_n3A_653 = arith.select %eq3A_650, %broadcast_in_dim3A_652, %get3A_649 : vector<16xi1>, vector<16xi32>
      %swap3A_654 = arith.constant 2 : i32
      %swap3A_655 = arith.index_cast %select_n3A_319 : i32 to index
      %swap3A_656 = arith.index_cast %swap3A_654 : i32 to index
      %swap3A_657 = arith.constant 0 : index
      %swap3A_658 = tpu.vector_load %arg8[%swap3A_655, %swap3A_656, %swap3A_657] {strides = array<i32>} : memref<2x4x80xi32, #tpu.memory_space<vmem>>, vector<1x1x16xi32>,
      %swap3A_659 = vector.shape_cast %swap3A_658 : vector<1x1x16xi32> to vector<16xi32>
      %swap3A_660 = vector.shape_cast %select_n3A_653 : vector<16xi32> to vector<1x1x16xi32>
      tpu.vector_store %arg8[%swap3A_655, %swap3A_656, %swap3A_657], %swap3A_660 {strides = array<i32>} : memref<2x4x80xi32, #tpu.memory_space<vmem>>, vector<1x1x16xi32>,
      %get3A_661 = arith.constant 2 : i32
      %get3A_662 = arith.index_cast %select_n3A_319 : i32 to index
      %get3A_663 = arith.index_cast %get3A_661 : i32 to index
      %get3A_664 = arith.constant 16 : index
      %get3A_665 = tpu.vector_load %arg7[%get3A_662, %get3A_663, %get3A_664] {strides = array<i32>} : memref<2x4x80xi32, #tpu.memory_space<vmem>>, vector<1x1x16xi32>,
      %get3A_666 = vector.shape_cast %get3A_665 : vector<1x1x16xi32> to vector<16xi32>
      %get3A_667 = arith.constant 2 : i32
      %get3A_668 = arith.index_cast %select_n3A_319 : i32 to index
      %get3A_669 = arith.index_cast %get3A_667 : i32 to index
      %get3A_670 = arith.constant 16 : index
      %get3A_671 = tpu.vector_load %arg8[%get3A_668, %get3A_669, %get3A_670] {strides = array<i32>} : memref<2x4x80xi32, #tpu.memory_space<vmem>>, vector<1x1x16xi32>,
      %get3A_672 = vector.shape_cast %get3A_671 : vector<1x1x16xi32> to vector<16xi32>
      %eq3A_673 = arith.cmpi eq, %get3A_666, %get3A_672 : vector<16xi32>
      %jit3A_674 = arith.constant 10000 : i32
      %broadcast_in_dim3A_675 = vector.broadcast %jit3A_674 : i32 to vector<16xi32>
      %select_n3A_676 = arith.select %eq3A_673, %broadcast_in_dim3A_675, %get3A_672 : vector<16xi1>, vector<16xi32>
      %swap3A_677 = arith.constant 2 : i32
      %swap3A_678 = arith.index_cast %select_n3A_319 : i32 to index
      %swap3A_679 = arith.index_cast %swap3A_677 : i32 to index
      %swap3A_680 = arith.constant 16 : index
      %swap3A_681 = tpu.vector_load %arg8[%swap3A_678, %swap3A_679, %swap3A_680] {strides = array<i32>} : memref<2x4x80xi32, #tpu.memory_space<vmem>>, vector<1x1x16xi32>,
      %swap3A_682 = vector.shape_cast %swap3A_681 : vector<1x1x16xi32> to vector<16xi32>
      %swap3A_683 = vector.shape_cast %select_n3A_676 : vector<16xi32> to vector<1x1x16xi32>
      tpu.vector_store %arg8[%swap3A_678, %swap3A_679, %swap3A_680], %swap3A_683 {strides = array<i32>} : memref<2x4x80xi32, #tpu.memory_space<vmem>>, vector<1x1x16xi32>,
      %get3A_684 = arith.constant 2 : i32
      %get3A_685 = arith.index_cast %select_n3A_319 : i32 to index
      %get3A_686 = arith.index_cast %get3A_684 : i32 to index
      %get3A_687 = arith.constant 32 : index
      %get3A_688 = tpu.vector_load %arg7[%get3A_685, %get3A_686, %get3A_687] {strides = array<i32>} : memref<2x4x80xi32, #tpu.memory_space<vmem>>, vector<1x1x16xi32>,
      %get3A_689 = vector.shape_cast %get3A_688 : vector<1x1x16xi32> to vector<16xi32>
      %get3A_690 = arith.constant 2 : i32
      %get3A_691 = arith.index_cast %select_n3A_319 : i32 to index
      %get3A_692 = arith.index_cast %get3A_690 : i32 to index
      %get3A_693 = arith.constant 32 : index
      %get3A_694 = tpu.vector_load %arg8[%get3A_691, %get3A_692, %get3A_693] {strides = array<i32>} : memref<2x4x80xi32, #tpu.memory_space<vmem>>, vector<1x1x16xi32>,
      %get3A_695 = vector.shape_cast %get3A_694 : vector<1x1x16xi32> to vector<16xi32>
      %eq3A_696 = arith.cmpi eq, %get3A_689, %get3A_695 : vector<16xi32>
      %jit3A_697 = arith.constant 10000 : i32
      %broadcast_in_dim3A_698 = vector.broadcast %jit3A_697 : i32 to vector<16xi32>
      %select_n3A_699 = arith.select %eq3A_696, %broadcast_in_dim3A_698, %get3A_695 : vector<16xi1>, vector<16xi32>
      %swap3A_700 = arith.constant 2 : i32
      %swap3A_701 = arith.index_cast %select_n3A_319 : i32 to index
      %swap3A_702 = arith.index_cast %swap3A_700 : i32 to index
      %swap3A_703 = arith.constant 32 : index
      %swap3A_704 = tpu.vector_load %arg8[%swap3A_701, %swap3A_702, %swap3A_703] {strides = array<i32>} : memref<2x4x80xi32, #tpu.memory_space<vmem>>, vector<1x1x16xi32>,
      %swap3A_705 = vector.shape_cast %swap3A_704 : vector<1x1x16xi32> to vector<16xi32>
      %swap3A_706 = vector.shape_cast %select_n3A_699 : vector<16xi32> to vector<1x1x16xi32>
      tpu.vector_store %arg8[%swap3A_701, %swap3A_702, %swap3A_703], %swap3A_706 {strides = array<i32>} : memref<2x4x80xi32, #tpu.memory_space<vmem>>, vector<1x1x16xi32>,
      %get3A_707 = arith.constant 2 : i32
      %get3A_708 = arith.index_cast %select_n3A_319 : i32 to index
      %get3A_709 = arith.index_cast %get3A_707 : i32 to index
      %get3A_710 = arith.constant 48 : index
      %get3A_711 = tpu.vector_load %arg7[%get3A_708, %get3A_709, %get3A_710] {strides = array<i32>} : memref<2x4x80xi32, #tpu.memory_space<vmem>>, vector<1x1x16xi32>,
      %get3A_712 = vector.shape_cast %get3A_711 : vector<1x1x16xi32> to vector<16xi32>
      %get3A_713 = arith.constant 2 : i32
      %get3A_714 = arith.index_cast %select_n3A_319 : i32 to index
      %get3A_715 = arith.index_cast %get3A_713 : i32 to index
      %get3A_716 = arith.constant 48 : index
      %get3A_717 = tpu.vector_load %arg8[%get3A_714, %get3A_715, %get3A_716] {strides = array<i32>} : memref<2x4x80xi32, #tpu.memory_space<vmem>>, vector<1x1x16xi32>,
      %get3A_718 = vector.shape_cast %get3A_717 : vector<1x1x16xi32> to vector<16xi32>
      %eq3A_719 = arith.cmpi eq, %get3A_712, %get3A_718 : vector<16xi32>
      %jit3A_720 = arith.constant 10000 : i32
      %broadcast_in_dim3A_721 = vector.broadcast %jit3A_720 : i32 to vector<16xi32>
      %select_n3A_722 = arith.select %eq3A_719, %broadcast_in_dim3A_721, %get3A_718 : vector<16xi1>, vector<16xi32>
      %swap3A_723 = arith.constant 2 : i32
      %swap3A_724 = arith.index_cast %select_n3A_319 : i32 to index
      %swap3A_725 = arith.index_cast %swap3A_723 : i32 to index
      %swap3A_726 = arith.constant 48 : index
      %swap3A_727 = tpu.vector_load %arg8[%swap3A_724, %swap3A_725, %swap3A_726] {strides = array<i32>} : memref<2x4x80xi32, #tpu.memory_space<vmem>>, vector<1x1x16xi32>,
      %swap3A_728 = vector.shape_cast %swap3A_727 : vector<1x1x16xi32> to vector<16xi32>
      %swap3A_729 = vector.shape_cast %select_n3A_722 : vector<16xi32> to vector<1x1x16xi32>
      tpu.vector_store %arg8[%swap3A_724, %swap3A_725, %swap3A_726], %swap3A_729 {strides = array<i32>} : memref<2x4x80xi32, #tpu.memory_space<vmem>>, vector<1x1x16xi32>,
      %get3A_730 = arith.constant 2 : i32
      %get3A_731 = arith.index_cast %select_n3A_319 : i32 to index
      %get3A_732 = arith.index_cast %get3A_730 : i32 to index
      %get3A_733 = arith.constant 64 : index
      %get3A_734 = tpu.vector_load %arg7[%get3A_731, %get3A_732, %get3A_733] {strides = array<i32>} : memref<2x4x80xi32, #tpu.memory_space<vmem>>, vector<1x1x16xi32>,
      %get3A_735 = vector.shape_cast %get3A_734 : vector<1x1x16xi32> to vector<16xi32>
      %get3A_736 = arith.constant 2 : i32
      %get3A_737 = arith.index_cast %select_n3A_319 : i32 to index
      %get3A_738 = arith.index_cast %get3A_736 : i32 to index
      %get3A_739 = arith.constant 64 : index
      %get3A_740 = tpu.vector_load %arg8[%get3A_737, %get3A_738, %get3A_739] {strides = array<i32>} : memref<2x4x80xi32, #tpu.memory_space<vmem>>, vector<1x1x16xi32>,
      %get3A_741 = vector.shape_cast %get3A_740 : vector<1x1x16xi32> to vector<16xi32>
      %eq3A_742 = arith.cmpi eq, %get3A_735, %get3A_741 : vector<16xi32>
      %jit3A_743 = arith.constant 10000 : i32
      %broadcast_in_dim3A_744 = vector.broadcast %jit3A_743 : i32 to vector<16xi32>
      %select_n3A_745 = arith.select %eq3A_742, %broadcast_in_dim3A_744, %get3A_741 : vector<16xi1>, vector<16xi32>
      %swap3A_746 = arith.constant 2 : i32
      %swap3A_747 = arith.index_cast %select_n3A_319 : i32 to index
      %swap3A_748 = arith.index_cast %swap3A_746 : i32 to index
      %swap3A_749 = arith.constant 64 : index
      %swap3A_750 = tpu.vector_load %arg8[%swap3A_747, %swap3A_748, %swap3A_749] {strides = array<i32>} : memref<2x4x80xi32, #tpu.memory_space<vmem>>, vector<1x1x16xi32>,
      %swap3A_751 = vector.shape_cast %swap3A_750 : vector<1x1x16xi32> to vector<16xi32>
      %swap3A_752 = vector.shape_cast %select_n3A_745 : vector<16xi32> to vector<1x1x16xi32>
      tpu.vector_store %arg8[%swap3A_747, %swap3A_748, %swap3A_749], %swap3A_752 {strides = array<i32>} : memref<2x4x80xi32, #tpu.memory_space<vmem>>, vector<1x1x16xi32>,
      %get3A_753 = arith.constant 3 : i32
      %get3A_754 = arith.index_cast %select_n3A_319 : i32 to index
      %get3A_755 = arith.index_cast %get3A_753 : i32 to index
      %get3A_756 = arith.constant 0 : index
      %get3A_757 = tpu.vector_load %arg7[%get3A_754, %get3A_755, %get3A_756] {strides = array<i32>} : memref<2x4x80xi32, #tpu.memory_space<vmem>>, vector<1x1x16xi32>,
      %get3A_758 = vector.shape_cast %get3A_757 : vector<1x1x16xi32> to vector<16xi32>
      %get3A_759 = arith.constant 3 : i32
      %get3A_760 = arith.index_cast %select_n3A_319 : i32 to index
      %get3A_761 = arith.index_cast %get3A_759 : i32 to index
      %get3A_762 = arith.constant 0 : index
      %get3A_763 = tpu.vector_load %arg8[%get3A_760, %get3A_761, %get3A_762] {strides = array<i32>} : memref<2x4x80xi32, #tpu.memory_space<vmem>>, vector<1x1x16xi32>,
      %get3A_764 = vector.shape_cast %get3A_763 : vector<1x1x16xi32> to vector<16xi32>
      %eq3A_765 = arith.cmpi eq, %get3A_758, %get3A_764 : vector<16xi32>
      %jit3A_766 = arith.constant 10000 : i32
      %broadcast_in_dim3A_767 = vector.broadcast %jit3A_766 : i32 to vector<16xi32>
      %select_n3A_768 = arith.select %eq3A_765, %broadcast_in_dim3A_767, %get3A_764 : vector<16xi1>, vector<16xi32>
      %swap3A_769 = arith.constant 3 : i32
      %swap3A_770 = arith.index_cast %select_n3A_319 : i32 to index
      %swap3A_771 = arith.index_cast %swap3A_769 : i32 to index
      %swap3A_772 = arith.constant 0 : index
      %swap3A_773 = tpu.vector_load %arg8[%swap3A_770, %swap3A_771, %swap3A_772] {strides = array<i32>} : memref<2x4x80xi32, #tpu.memory_space<vmem>>, vector<1x1x16xi32>,
      %swap3A_774 = vector.shape_cast %swap3A_773 : vector<1x1x16xi32> to vector<16xi32>
      %swap3A_775 = vector.shape_cast %select_n3A_768 : vector<16xi32> to vector<1x1x16xi32>
      tpu.vector_store %arg8[%swap3A_770, %swap3A_771, %swap3A_772], %swap3A_775 {strides = array<i32>} : memref<2x4x80xi32, #tpu.memory_space<vmem>>, vector<1x1x16xi32>,
      %get3A_776 = arith.constant 3 : i32
      %get3A_777 = arith.index_cast %select_n3A_319 : i32 to index
      %get3A_778 = arith.index_cast %get3A_776 : i32 to index
      %get3A_779 = arith.constant 16 : index
      %get3A_780 = tpu.vector_load %arg7[%get3A_777, %get3A_778, %get3A_779] {strides = array<i32>} : memref<2x4x80xi32, #tpu.memory_space<vmem>>, vector<1x1x16xi32>,
      %get3A_781 = vector.shape_cast %get3A_780 : vector<1x1x16xi32> to vector<16xi32>
      %get3A_782 = arith.constant 3 : i32
      %get3A_783 = arith.index_cast %select_n3A_319 : i32 to index
      %get3A_784 = arith.index_cast %get3A_782 : i32 to index
      %get3A_785 = arith.constant 16 : index
      %get3A_786 = tpu.vector_load %arg8[%get3A_783, %get3A_784, %get3A_785] {strides = array<i32>} : memref<2x4x80xi32, #tpu.memory_space<vmem>>, vector<1x1x16xi32>,
      %get3A_787 = vector.shape_cast %get3A_786 : vector<1x1x16xi32> to vector<16xi32>
      %eq3A_788 = arith.cmpi eq, %get3A_781, %get3A_787 : vector<16xi32>
      %jit3A_789 = arith.constant 10000 : i32
      %broadcast_in_dim3A_790 = vector.broadcast %jit3A_789 : i32 to vector<16xi32>
      %select_n3A_791 = arith.select %eq3A_788, %broadcast_in_dim3A_790, %get3A_787 : vector<16xi1>, vector<16xi32>
      %swap3A_792 = arith.constant 3 : i32
      %swap3A_793 = arith.index_cast %select_n3A_319 : i32 to index
      %swap3A_794 = arith.index_cast %swap3A_792 : i32 to index
      %swap3A_795 = arith.constant 16 : index
      %swap3A_796 = tpu.vector_load %arg8[%swap3A_793, %swap3A_794, %swap3A_795] {strides = array<i32>} : memref<2x4x80xi32, #tpu.memory_space<vmem>>, vector<1x1x16xi32>,
      %swap3A_797 = vector.shape_cast %swap3A_796 : vector<1x1x16xi32> to vector<16xi32>
      %swap3A_798 = vector.shape_cast %select_n3A_791 : vector<16xi32> to vector<1x1x16xi32>
      tpu.vector_store %arg8[%swap3A_793, %swap3A_794, %swap3A_795], %swap3A_798 {strides = array<i32>} : memref<2x4x80xi32, #tpu.memory_space<vmem>>, vector<1x1x16xi32>,
      %get3A_799 = arith.constant 3 : i32
      %get3A_800 = arith.index_cast %select_n3A_319 : i32 to index
      %get3A_801 = arith.index_cast %get3A_799 : i32 to index
      %get3A_802 = arith.constant 32 : index
      %get3A_803 = tpu.vector_load %arg7[%get3A_800, %get3A_801, %get3A_802] {strides = array<i32>} : memref<2x4x80xi32, #tpu.memory_space<vmem>>, vector<1x1x16xi32>,
      %get3A_804 = vector.shape_cast %get3A_803 : vector<1x1x16xi32> to vector<16xi32>
      %get3A_805 = arith.constant 3 : i32
      %get3A_806 = arith.index_cast %select_n3A_319 : i32 to index
      %get3A_807 = arith.index_cast %get3A_805 : i32 to index
      %get3A_808 = arith.constant 32 : index
      %get3A_809 = tpu.vector_load %arg8[%get3A_806, %get3A_807, %get3A_808] {strides = array<i32>} : memref<2x4x80xi32, #tpu.memory_space<vmem>>, vector<1x1x16xi32>,
      %get3A_810 = vector.shape_cast %get3A_809 : vector<1x1x16xi32> to vector<16xi32>
      %eq3A_811 = arith.cmpi eq, %get3A_804, %get3A_810 : vector<16xi32>
      %jit3A_812 = arith.constant 10000 : i32
      %broadcast_in_dim3A_813 = vector.broadcast %jit3A_812 : i32 to vector<16xi32>
      %select_n3A_814 = arith.select %eq3A_811, %broadcast_in_dim3A_813, %get3A_810 : vector<16xi1>, vector<16xi32>
      %swap3A_815 = arith.constant 3 : i32
      %swap3A_816 = arith.index_cast %select_n3A_319 : i32 to index
      %swap3A_817 = arith.index_cast %swap3A_815 : i32 to index
      %swap3A_818 = arith.constant 32 : index
      %swap3A_819 = tpu.vector_load %arg8[%swap3A_816, %swap3A_817, %swap3A_818] {strides = array<i32>} : memref<2x4x80xi32, #tpu.memory_space<vmem>>, vector<1x1x16xi32>,
      %swap3A_820 = vector.shape_cast %swap3A_819 : vector<1x1x16xi32> to vector<16xi32>
      %swap3A_821 = vector.shape_cast %select_n3A_814 : vector<16xi32> to vector<1x1x16xi32>
      tpu.vector_store %arg8[%swap3A_816, %swap3A_817, %swap3A_818], %swap3A_821 {strides = array<i32>} : memref<2x4x80xi32, #tpu.memory_space<vmem>>, vector<1x1x16xi32>,
      %get3A_822 = arith.constant 3 : i32
      %get3A_823 = arith.index_cast %select_n3A_319 : i32 to index
      %get3A_824 = arith.index_cast %get3A_822 : i32 to index
      %get3A_825 = arith.constant 48 : index
      %get3A_826 = tpu.vector_load %arg7[%get3A_823, %get3A_824, %get3A_825] {strides = array<i32>} : memref<2x4x80xi32, #tpu.memory_space<vmem>>, vector<1x1x16xi32>,
      %get3A_827 = vector.shape_cast %get3A_826 : vector<1x1x16xi32> to vector<16xi32>
      %get3A_828 = arith.constant 3 : i32
      %get3A_829 = arith.index_cast %select_n3A_319 : i32 to index
      %get3A_830 = arith.index_cast %get3A_828 : i32 to index
      %get3A_831 = arith.constant 48 : index
      %get3A_832 = tpu.vector_load %arg8[%get3A_829, %get3A_830, %get3A_831] {strides = array<i32>} : memref<2x4x80xi32, #tpu.memory_space<vmem>>, vector<1x1x16xi32>,
      %get3A_833 = vector.shape_cast %get3A_832 : vector<1x1x16xi32> to vector<16xi32>
      %eq3A_834 = arith.cmpi eq, %get3A_827, %get3A_833 : vector<16xi32>
      %jit3A_835 = arith.constant 10000 : i32
      %broadcast_in_dim3A_836 = vector.broadcast %jit3A_835 : i32 to vector<16xi32>
      %select_n3A_837 = arith.select %eq3A_834, %broadcast_in_dim3A_836, %get3A_833 : vector<16xi1>, vector<16xi32>
      %swap3A_838 = arith.constant 3 : i32
      %swap3A_839 = arith.index_cast %select_n3A_319 : i32 to index
      %swap3A_840 = arith.index_cast %swap3A_838 : i32 to index
      %swap3A_841 = arith.constant 48 : index
      %swap3A_842 = tpu.vector_load %arg8[%swap3A_839, %swap3A_840, %swap3A_841] {strides = array<i32>} : memref<2x4x80xi32, #tpu.memory_space<vmem>>, vector<1x1x16xi32>,
      %swap3A_843 = vector.shape_cast %swap3A_842 : vector<1x1x16xi32> to vector<16xi32>
      %swap3A_844 = vector.shape_cast %select_n3A_837 : vector<16xi32> to vector<1x1x16xi32>
      tpu.vector_store %arg8[%swap3A_839, %swap3A_840, %swap3A_841], %swap3A_844 {strides = array<i32>} : memref<2x4x80xi32, #tpu.memory_space<vmem>>, vector<1x1x16xi32>,
      %get3A_845 = arith.constant 3 : i32
      %get3A_846 = arith.index_cast %select_n3A_319 : i32 to index
      %get3A_847 = arith.index_cast %get3A_845 : i32 to index
      %get3A_848 = arith.constant 64 : index
      %get3A_849 = tpu.vector_load %arg7[%get3A_846, %get3A_847, %get3A_848] {strides = array<i32>} : memref<2x4x80xi32, #tpu.memory_space<vmem>>, vector<1x1x16xi32>,
      %get3A_850 = vector.shape_cast %get3A_849 : vector<1x1x16xi32> to vector<16xi32>
      %get3A_851 = arith.constant 3 : i32
      %get3A_852 = arith.index_cast %select_n3A_319 : i32 to index
      %get3A_853 = arith.index_cast %get3A_851 : i32 to index
      %get3A_854 = arith.constant 64 : index
      %get3A_855 = tpu.vector_load %arg8[%get3A_852, %get3A_853, %get3A_854] {strides = array<i32>} : memref<2x4x80xi32, #tpu.memory_space<vmem>>, vector<1x1x16xi32>,
      %get3A_856 = vector.shape_cast %get3A_855 : vector<1x1x16xi32> to vector<16xi32>
      %eq3A_857 = arith.cmpi eq, %get3A_850, %get3A_856 : vector<16xi32>
      %jit3A_858 = arith.constant 10000 : i32
      %broadcast_in_dim3A_859 = vector.broadcast %jit3A_858 : i32 to vector<16xi32>
      %select_n3A_860 = arith.select %eq3A_857, %broadcast_in_dim3A_859, %get3A_856 : vector<16xi1>, vector<16xi32>
      %swap3A_861 = arith.constant 3 : i32
      %swap3A_862 = arith.index_cast %select_n3A_319 : i32 to index
      %swap3A_863 = arith.index_cast %swap3A_861 : i32 to index
      %swap3A_864 = arith.constant 64 : index
      %swap3A_865 = tpu.vector_load %arg8[%swap3A_862, %swap3A_863, %swap3A_864] {strides = array<i32>} : memref<2x4x80xi32, #tpu.memory_space<vmem>>, vector<1x1x16xi32>,
      %swap3A_866 = vector.shape_cast %swap3A_865 : vector<1x1x16xi32> to vector<16xi32>
      %swap3A_867 = vector.shape_cast %select_n3A_860 : vector<16xi32> to vector<1x1x16xi32>
      tpu.vector_store %arg8[%swap3A_862, %swap3A_863, %swap3A_864], %swap3A_867 {strides = array<i32>} : memref<2x4x80xi32, #tpu.memory_space<vmem>>, vector<1x1x16xi32>,
      %ge3A = arith.constant 1 : i32
      %ge3A_868 = arith.cmpi sge, %scan3A_307, %ge3A : i32
      %convert_element_type3A = arith.extui %ge3A_868 : i1 to i32
      %cond3A = arith.constant 0 : i32
      %cond3A_869 = arith.cmpi ne, %convert_element_type3A, %cond3A : i32
      scf.if %cond3A_869 {
        %sub3A = arith.constant 1 : i32
        %sub3A_1057 = arith.subi %sub3A, %select_n3A_319 : i32
        %dma_wait3A_1058 = arith.constant 0 : i32
        %dma_wait3A_1059 = arith.constant 0 : i32
        %dma_wait3A_1060 = arith.constant 0 : i32
        %dma_wait3A_1061 = arith.constant 0 : i32
        %dma_wait3A_1062 = tpu.memref_slice %arg9[%dma_wait3A_1058, %dma_wait3A_1060, %dma_wait3A_1061] : memref<4x80x128xf32, #tpu.memory_space<vmem>> -> memref<1x80x128xf32, #tpu.memory_space<vmem>>
        %dma_wait3A_1063 = tpu.memref_squeeze %dma_wait3A_1062 : memref<1x80x128xf32, #tpu.memory_space<vmem>> -> memref<80x128xf32, #tpu.memory_space<vmem>>
        %dma_wait3A_1064 = arith.constant 0 : i32
        %dma_wait3A_1065 = tpu.memref_slice %arg8[%sub3A_1057, %dma_wait3A_1059, %dma_wait3A_1064] : memref<2x4x80xi32, #tpu.memory_space<vmem>> -> memref<1x1x80xi32, #tpu.memory_space<vmem>>
        %dma_wait3A_1066 = tpu.memref_squeeze %dma_wait3A_1065 : memref<1x1x80xi32, #tpu.memory_space<vmem>> -> memref<80xi32, #tpu.memory_space<vmem>>
        %dma_wait3A_1067 = arith.constant 0 : i32
        %dma_wait3A_1068 = arith.constant 0 : i32
        %dma_wait3A_1069 = tpu.memref_slice %arg19[%dma_wait3A_1067, %dma_wait3A_1068] : memref<10112x128xf32, #tpu.memory_space<vmem_shared>> -> memref<10112x128xf32, #tpu.memory_space<vmem_shared>>
        tpu.wait_indirect_dma semaphore(%arg15 : memref<!tpu.dma_semaphore, #tpu.memory_space<semaphore_mem>>) src(%dma_wait3A_1063 : memref<80x128xf32, #tpu.memory_space<vmem>>) dst(%dma_wait3A_1069 : memref<10112x128xf32, #tpu.memory_space<vmem_shared>>)
      } else {
      }
      %add3A_870 = arith.constant 1 : i32
      %add3A_871 = arith.addi %scan3A_307, %add3A_870 : i32
      %lt3A_872 = arith.constant 31 : i32
      %lt3A_873 = arith.cmpi slt, %add3A_871, %lt3A_872 : i32
      %convert_element_type3A_874 = arith.extui %lt3A_873 : i1 to i32
      %cond3A_875 = arith.constant 0 : i32
      %cond3A_876 = arith.cmpi ne, %convert_element_type3A_874, %cond3A_875 : i32
      scf.if %cond3A_876 {
        %add3A_1057 = arith.constant 1 : i32
        %add3A_1058 = arith.addi %scan3A_307, %add3A_1057 : i32
        %mul3A_1059 = arith.constant 4 : i32
        %mul3A_1060 = arith.muli %add3A_1058, %mul3A_1059 : i32
        %add3A_1061 = arith.constant 0 : i32
        %add3A_1062 = arith.addi %mul3A_1060, %add3A_1061 : i32
        %mul3A_1063 = arith.constant 80 : i32
        %mul3A_1064 = arith.muli %add3A_1062, %mul3A_1063 : i32
        %add3A_1065 = arith.addi %mul3A_4, %mul3A_1064 : i32
        %sub3A = arith.constant 1 : i32
        %sub3A_1066 = arith.subi %sub3A, %select_n3A_319 : i32
        %dma_start3A_1067 = arith.constant 0 : i32
        %dma_start3A_1068 = arith.constant 0 : i32
        %dma_start3A_1069 = tpu.memref_slice %arg7[%sub3A_1066, %dma_start3A_1067, %dma_start3A_1068] : memref<2x4x80xi32, #tpu.memory_space<vmem>> -> memref<1x1x80xi32, #tpu.memory_space<vmem>>
        %dma_start3A_1070 = tpu.memref_squeeze %dma_start3A_1069 : memref<1x1x80xi32, #tpu.memory_space<vmem>> -> memref<80xi32, #tpu.memory_space<vmem>>
        %dma_start3A_1071 = tpu.memref_slice %arg3[%add3A_1065] : memref<320000xi32, #tpu.memory_space<hbm>> -> memref<80xi32, #tpu.memory_space<hbm>>
        %dma_start3A_1072 = arith.constant 0 : i32
        %dma_start3A_1073 = tpu.memref_slice %arg7[%sub3A_1066, %dma_start3A_1067, %dma_start3A_1072] : memref<2x4x80xi32, #tpu.memory_space<vmem>> -> memref<1x1x80xi32, #tpu.memory_space<vmem>>
        %dma_start3A_1074 = tpu.memref_squeeze %dma_start3A_1073 : memref<1x1x80xi32, #tpu.memory_space<vmem>> -> memref<80xi32, #tpu.memory_space<vmem>>
        %dma_start3A_1075 = tpu.memref_slice %arg3[%add3A_1065] : memref<320000xi32, #tpu.memory_space<hbm>> -> memref<80xi32, #tpu.memory_space<hbm>>
        tpu.enqueue_dma source(%dma_start3A_1075 : memref<80xi32, #tpu.memory_space<hbm>>) target(%dma_start3A_1074 : memref<80xi32, #tpu.memory_space<vmem>>) target_semaphore(%arg10 : memref<!tpu.dma_semaphore, #tpu.memory_space<semaphore_mem>>)
        %sub3A_1076 = arith.constant 1 : i32
        %sub3A_1077 = arith.subi %sub3A_1076, %select_n3A_319 : i32
        %dma_start3A_1078 = arith.constant 0 : i32
        %dma_start3A_1079 = arith.constant 0 : i32
        %dma_start3A_1080 = tpu.memref_slice %arg8[%sub3A_1077, %dma_start3A_1078, %dma_start3A_1079] : memref<2x4x80xi32, #tpu.memory_space<vmem>> -> memref<1x1x80xi32, #tpu.memory_space<vmem>>
        %dma_start3A_1081 = tpu.memref_squeeze %dma_start3A_1080 : memref<1x1x80xi32, #tpu.memory_space<vmem>> -> memref<80xi32, #tpu.memory_space<vmem>>
        %dma_start3A_1082 = tpu.memref_slice %arg4[%add3A_1065] : memref<320000xi32, #tpu.memory_space<hbm>> -> memref<80xi32, #tpu.memory_space<hbm>>
        %dma_start3A_1083 = arith.constant 0 : i32
        %dma_start3A_1084 = tpu.memref_slice %arg8[%sub3A_1077, %dma_start3A_1078, %dma_start3A_1083] : memref<2x4x80xi32, #tpu.memory_space<vmem>> -> memref<1x1x80xi32, #tpu.memory_space<vmem>>
        %dma_start3A_1085 = tpu.memref_squeeze %dma_start3A_1084 : memref<1x1x80xi32, #tpu.memory_space<vmem>> -> memref<80xi32, #tpu.memory_space<vmem>>
        %dma_start3A_1086 = tpu.memref_slice %arg4[%add3A_1065] : memref<320000xi32, #tpu.memory_space<hbm>> -> memref<80xi32, #tpu.memory_space<hbm>>
        tpu.enqueue_dma source(%dma_start3A_1086 : memref<80xi32, #tpu.memory_space<hbm>>) target(%dma_start3A_1085 : memref<80xi32, #tpu.memory_space<vmem>>) target_semaphore(%arg10 : memref<!tpu.dma_semaphore, #tpu.memory_space<semaphore_mem>>)
      } else {
      }
      %dma_start3A_877 = arith.constant 0 : i32
      %dma_start3A_878 = arith.constant 0 : i32
      %dma_start3A_879 = arith.constant 0 : i32
      %dma_start3A_880 = arith.constant 0 : i32
      %dma_start3A_881 = tpu.memref_slice %arg9[%dma_start3A_878, %dma_start3A_879, %dma_start3A_880] : memref<4x80x128xf32, #tpu.memory_space<vmem>> -> memref<1x80x128xf32, #tpu.memory_space<vmem>>
      %dma_start3A_882 = tpu.memref_squeeze %dma_start3A_881 : memref<1x80x128xf32, #tpu.memory_space<vmem>> -> memref<80x128xf32, #tpu.memory_space<vmem>>
      %dma_start3A_883 = arith.constant 0 : i32
      %dma_start3A_884 = tpu.memref_slice %arg7[%select_n3A_319, %dma_start3A_877, %dma_start3A_883] : memref<2x4x80xi32, #tpu.memory_space<vmem>> -> memref<1x1x80xi32, #tpu.memory_space<vmem>>
      %dma_start3A_885 = tpu.memref_squeeze %dma_start3A_884 : memref<1x1x80xi32, #tpu.memory_space<vmem>> -> memref<80xi32, #tpu.memory_space<vmem>>
      %dma_start3A_886 = arith.constant 0 : i32
      %dma_start3A_887 = arith.constant 0 : i32
      %dma_start3A_888 = tpu.memref_slice %arg2[%dma_start3A_886, %dma_start3A_887] : memref<10000x128xf32, #tpu.memory_space<hbm>> -> memref<10000x128xf32, #tpu.memory_space<hbm>>
      tpu.enqueue_indirect_dma source(%dma_start3A_888 : memref<10000x128xf32, #tpu.memory_space<hbm>>) target(%dma_start3A_882 : memref<80x128xf32, #tpu.memory_space<vmem>>) offsets(%dma_start3A_885 : memref<80xi32, #tpu.memory_space<vmem>>) semaphore(%arg11 : memref<!tpu.dma_semaphore, #tpu.memory_space<semaphore_mem>>)
      %ge3A_889 = arith.constant 1 : i32
      %ge3A_890 = arith.cmpi sge, %scan3A_307, %ge3A_889 : i32
      %convert_element_type3A_891 = arith.extui %ge3A_890 : i1 to i32
      %cond3A_892 = arith.constant 0 : i32
      %cond3A_893 = arith.cmpi ne, %convert_element_type3A_891, %cond3A_892 : i32
      scf.if %cond3A_893 {
        %sub3A = arith.constant 1 : i32
        %sub3A_1057 = arith.subi %sub3A, %select_n3A_319 : i32
        %dma_wait3A_1058 = arith.constant 1 : i32
        %dma_wait3A_1059 = arith.constant 1 : i32
        %dma_wait3A_1060 = arith.constant 0 : i32
        %dma_wait3A_1061 = arith.constant 0 : i32
        %dma_wait3A_1062 = tpu.memref_slice %arg9[%dma_wait3A_1058, %dma_wait3A_1060, %dma_wait3A_1061] : memref<4x80x128xf32, #tpu.memory_space<vmem>> -> memref<1x80x128xf32, #tpu.memory_space<vmem>>
        %dma_wait3A_1063 = tpu.memref_squeeze %dma_wait3A_1062 : memref<1x80x128xf32, #tpu.memory_space<vmem>> -> memref<80x128xf32, #tpu.memory_space<vmem>>
        %dma_wait3A_1064 = arith.constant 0 : i32
        %dma_wait3A_1065 = tpu.memref_slice %arg8[%sub3A_1057, %dma_wait3A_1059, %dma_wait3A_1064] : memref<2x4x80xi32, #tpu.memory_space<vmem>> -> memref<1x1x80xi32, #tpu.memory_space<vmem>>
        %dma_wait3A_1066 = tpu.memref_squeeze %dma_wait3A_1065 : memref<1x1x80xi32, #tpu.memory_space<vmem>> -> memref<80xi32, #tpu.memory_space<vmem>>
        %dma_wait3A_1067 = arith.constant 0 : i32
        %dma_wait3A_1068 = arith.constant 0 : i32
        %dma_wait3A_1069 = tpu.memref_slice %arg19[%dma_wait3A_1067, %dma_wait3A_1068] : memref<10112x128xf32, #tpu.memory_space<vmem_shared>> -> memref<10112x128xf32, #tpu.memory_space<vmem_shared>>
        tpu.wait_indirect_dma semaphore(%arg16 : memref<!tpu.dma_semaphore, #tpu.memory_space<semaphore_mem>>) src(%dma_wait3A_1063 : memref<80x128xf32, #tpu.memory_space<vmem>>) dst(%dma_wait3A_1069 : memref<10112x128xf32, #tpu.memory_space<vmem_shared>>)
      } else {
      }
      %add3A_894 = arith.constant 1 : i32
      %add3A_895 = arith.addi %scan3A_307, %add3A_894 : i32
      %lt3A_896 = arith.constant 31 : i32
      %lt3A_897 = arith.cmpi slt, %add3A_895, %lt3A_896 : i32
      %convert_element_type3A_898 = arith.extui %lt3A_897 : i1 to i32
      %cond3A_899 = arith.constant 0 : i32
      %cond3A_900 = arith.cmpi ne, %convert_element_type3A_898, %cond3A_899 : i32
      scf.if %cond3A_900 {
        %add3A_1057 = arith.constant 1 : i32
        %add3A_1058 = arith.addi %scan3A_307, %add3A_1057 : i32
        %mul3A_1059 = arith.constant 4 : i32
        %mul3A_1060 = arith.muli %add3A_1058, %mul3A_1059 : i32
        %add3A_1061 = arith.constant 1 : i32
        %add3A_1062 = arith.addi %mul3A_1060, %add3A_1061 : i32
        %mul3A_1063 = arith.constant 80 : i32
        %mul3A_1064 = arith.muli %add3A_1062, %mul3A_1063 : i32
        %add3A_1065 = arith.addi %mul3A_4, %mul3A_1064 : i32
        %sub3A = arith.constant 1 : i32
        %sub3A_1066 = arith.subi %sub3A, %select_n3A_319 : i32
        %dma_start3A_1067 = arith.constant 1 : i32
        %dma_start3A_1068 = arith.constant 0 : i32
        %dma_start3A_1069 = tpu.memref_slice %arg7[%sub3A_1066, %dma_start3A_1067, %dma_start3A_1068] : memref<2x4x80xi32, #tpu.memory_space<vmem>> -> memref<1x1x80xi32, #tpu.memory_space<vmem>>
        %dma_start3A_1070 = tpu.memref_squeeze %dma_start3A_1069 : memref<1x1x80xi32, #tpu.memory_space<vmem>> -> memref<80xi32, #tpu.memory_space<vmem>>
        %dma_start3A_1071 = tpu.memref_slice %arg3[%add3A_1065] : memref<320000xi32, #tpu.memory_space<hbm>> -> memref<80xi32, #tpu.memory_space<hbm>>
        %dma_start3A_1072 = arith.constant 0 : i32
        %dma_start3A_1073 = tpu.memref_slice %arg7[%sub3A_1066, %dma_start3A_1067, %dma_start3A_1072] : memref<2x4x80xi32, #tpu.memory_space<vmem>> -> memref<1x1x80xi32, #tpu.memory_space<vmem>>
        %dma_start3A_1074 = tpu.memref_squeeze %dma_start3A_1073 : memref<1x1x80xi32, #tpu.memory_space<vmem>> -> memref<80xi32, #tpu.memory_space<vmem>>
        %dma_start3A_1075 = tpu.memref_slice %arg3[%add3A_1065] : memref<320000xi32, #tpu.memory_space<hbm>> -> memref<80xi32, #tpu.memory_space<hbm>>
        tpu.enqueue_dma source(%dma_start3A_1075 : memref<80xi32, #tpu.memory_space<hbm>>) target(%dma_start3A_1074 : memref<80xi32, #tpu.memory_space<vmem>>) target_semaphore(%arg10 : memref<!tpu.dma_semaphore, #tpu.memory_space<semaphore_mem>>)
        %sub3A_1076 = arith.constant 1 : i32
        %sub3A_1077 = arith.subi %sub3A_1076, %select_n3A_319 : i32
        %dma_start3A_1078 = arith.constant 1 : i32
        %dma_start3A_1079 = arith.constant 0 : i32
        %dma_start3A_1080 = tpu.memref_slice %arg8[%sub3A_1077, %dma_start3A_1078, %dma_start3A_1079] : memref<2x4x80xi32, #tpu.memory_space<vmem>> -> memref<1x1x80xi32, #tpu.memory_space<vmem>>
        %dma_start3A_1081 = tpu.memref_squeeze %dma_start3A_1080 : memref<1x1x80xi32, #tpu.memory_space<vmem>> -> memref<80xi32, #tpu.memory_space<vmem>>
        %dma_start3A_1082 = tpu.memref_slice %arg4[%add3A_1065] : memref<320000xi32, #tpu.memory_space<hbm>> -> memref<80xi32, #tpu.memory_space<hbm>>
        %dma_start3A_1083 = arith.constant 0 : i32
        %dma_start3A_1084 = tpu.memref_slice %arg8[%sub3A_1077, %dma_start3A_1078, %dma_start3A_1083] : memref<2x4x80xi32, #tpu.memory_space<vmem>> -> memref<1x1x80xi32, #tpu.memory_space<vmem>>
        %dma_start3A_1085 = tpu.memref_squeeze %dma_start3A_1084 : memref<1x1x80xi32, #tpu.memory_space<vmem>> -> memref<80xi32, #tpu.memory_space<vmem>>
        %dma_start3A_1086 = tpu.memref_slice %arg4[%add3A_1065] : memref<320000xi32, #tpu.memory_space<hbm>> -> memref<80xi32, #tpu.memory_space<hbm>>
        tpu.enqueue_dma source(%dma_start3A_1086 : memref<80xi32, #tpu.memory_space<hbm>>) target(%dma_start3A_1085 : memref<80xi32, #tpu.memory_space<vmem>>) target_semaphore(%arg10 : memref<!tpu.dma_semaphore, #tpu.memory_space<semaphore_mem>>)
      } else {
      }
      %dma_start3A_901 = arith.constant 1 : i32
      %dma_start3A_902 = arith.constant 1 : i32
      %dma_start3A_903 = arith.constant 0 : i32
      %dma_start3A_904 = arith.constant 0 : i32
      %dma_start3A_905 = tpu.memref_slice %arg9[%dma_start3A_902, %dma_start3A_903, %dma_start3A_904] : memref<4x80x128xf32, #tpu.memory_space<vmem>> -> memref<1x80x128xf32, #tpu.memory_space<vmem>>
      %dma_start3A_906 = tpu.memref_squeeze %dma_start3A_905 : memref<1x80x128xf32, #tpu.memory_space<vmem>> -> memref<80x128xf32, #tpu.memory_space<vmem>>
      %dma_start3A_907 = arith.constant 0 : i32
      %dma_start3A_908 = tpu.memref_slice %arg7[%select_n3A_319, %dma_start3A_901, %dma_start3A_907] : memref<2x4x80xi32, #tpu.memory_space<vmem>> -> memref<1x1x80xi32, #tpu.memory_space<vmem>>
      %dma_start3A_909 = tpu.memref_squeeze %dma_start3A_908 : memref<1x1x80xi32, #tpu.memory_space<vmem>> -> memref<80xi32, #tpu.memory_space<vmem>>
      %dma_start3A_910 = arith.constant 0 : i32
      %dma_start3A_911 = arith.constant 0 : i32
      %dma_start3A_912 = tpu.memref_slice %arg2[%dma_start3A_910, %dma_start3A_911] : memref<10000x128xf32, #tpu.memory_space<hbm>> -> memref<10000x128xf32, #tpu.memory_space<hbm>>
      tpu.enqueue_indirect_dma source(%dma_start3A_912 : memref<10000x128xf32, #tpu.memory_space<hbm>>) target(%dma_start3A_906 : memref<80x128xf32, #tpu.memory_space<vmem>>) offsets(%dma_start3A_909 : memref<80xi32, #tpu.memory_space<vmem>>) semaphore(%arg12 : memref<!tpu.dma_semaphore, #tpu.memory_space<semaphore_mem>>)
      %ge3A_913 = arith.constant 1 : i32
      %ge3A_914 = arith.cmpi sge, %scan3A_307, %ge3A_913 : i32
      %convert_element_type3A_915 = arith.extui %ge3A_914 : i1 to i32
      %cond3A_916 = arith.constant 0 : i32
      %cond3A_917 = arith.cmpi ne, %convert_element_type3A_915, %cond3A_916 : i32
      scf.if %cond3A_917 {
        %sub3A = arith.constant 1 : i32
        %sub3A_1057 = arith.subi %sub3A, %select_n3A_319 : i32
        %dma_wait3A_1058 = arith.constant 2 : i32
        %dma_wait3A_1059 = arith.constant 2 : i32
        %dma_wait3A_1060 = arith.constant 0 : i32
        %dma_wait3A_1061 = arith.constant 0 : i32
        %dma_wait3A_1062 = tpu.memref_slice %arg9[%dma_wait3A_1058, %dma_wait3A_1060, %dma_wait3A_1061] : memref<4x80x128xf32, #tpu.memory_space<vmem>> -> memref<1x80x128xf32, #tpu.memory_space<vmem>>
        %dma_wait3A_1063 = tpu.memref_squeeze %dma_wait3A_1062 : memref<1x80x128xf32, #tpu.memory_space<vmem>> -> memref<80x128xf32, #tpu.memory_space<vmem>>
        %dma_wait3A_1064 = arith.constant 0 : i32
        %dma_wait3A_1065 = tpu.memref_slice %arg8[%sub3A_1057, %dma_wait3A_1059, %dma_wait3A_1064] : memref<2x4x80xi32, #tpu.memory_space<vmem>> -> memref<1x1x80xi32, #tpu.memory_space<vmem>>
        %dma_wait3A_1066 = tpu.memref_squeeze %dma_wait3A_1065 : memref<1x1x80xi32, #tpu.memory_space<vmem>> -> memref<80xi32, #tpu.memory_space<vmem>>
        %dma_wait3A_1067 = arith.constant 0 : i32
        %dma_wait3A_1068 = arith.constant 0 : i32
        %dma_wait3A_1069 = tpu.memref_slice %arg19[%dma_wait3A_1067, %dma_wait3A_1068] : memref<10112x128xf32, #tpu.memory_space<vmem_shared>> -> memref<10112x128xf32, #tpu.memory_space<vmem_shared>>
        tpu.wait_indirect_dma semaphore(%arg17 : memref<!tpu.dma_semaphore, #tpu.memory_space<semaphore_mem>>) src(%dma_wait3A_1063 : memref<80x128xf32, #tpu.memory_space<vmem>>) dst(%dma_wait3A_1069 : memref<10112x128xf32, #tpu.memory_space<vmem_shared>>)
      } else {
      }
      %add3A_918 = arith.constant 1 : i32
      %add3A_919 = arith.addi %scan3A_307, %add3A_918 : i32
      %lt3A_920 = arith.constant 31 : i32
      %lt3A_921 = arith.cmpi slt, %add3A_919, %lt3A_920 : i32
      %convert_element_type3A_922 = arith.extui %lt3A_921 : i1 to i32
      %cond3A_923 = arith.constant 0 : i32
      %cond3A_924 = arith.cmpi ne, %convert_element_type3A_922, %cond3A_923 : i32
      scf.if %cond3A_924 {
        %add3A_1057 = arith.constant 1 : i32
        %add3A_1058 = arith.addi %scan3A_307, %add3A_1057 : i32
        %mul3A_1059 = arith.constant 4 : i32
        %mul3A_1060 = arith.muli %add3A_1058, %mul3A_1059 : i32
        %add3A_1061 = arith.constant 2 : i32
        %add3A_1062 = arith.addi %mul3A_1060, %add3A_1061 : i32
        %mul3A_1063 = arith.constant 80 : i32
        %mul3A_1064 = arith.muli %add3A_1062, %mul3A_1063 : i32
        %add3A_1065 = arith.addi %mul3A_4, %mul3A_1064 : i32
        %sub3A = arith.constant 1 : i32
        %sub3A_1066 = arith.subi %sub3A, %select_n3A_319 : i32
        %dma_start3A_1067 = arith.constant 2 : i32
        %dma_start3A_1068 = arith.constant 0 : i32
        %dma_start3A_1069 = tpu.memref_slice %arg7[%sub3A_1066, %dma_start3A_1067, %dma_start3A_1068] : memref<2x4x80xi32, #tpu.memory_space<vmem>> -> memref<1x1x80xi32, #tpu.memory_space<vmem>>
        %dma_start3A_1070 = tpu.memref_squeeze %dma_start3A_1069 : memref<1x1x80xi32, #tpu.memory_space<vmem>> -> memref<80xi32, #tpu.memory_space<vmem>>
        %dma_start3A_1071 = tpu.memref_slice %arg3[%add3A_1065] : memref<320000xi32, #tpu.memory_space<hbm>> -> memref<80xi32, #tpu.memory_space<hbm>>
        %dma_start3A_1072 = arith.constant 0 : i32
        %dma_start3A_1073 = tpu.memref_slice %arg7[%sub3A_1066, %dma_start3A_1067, %dma_start3A_1072] : memref<2x4x80xi32, #tpu.memory_space<vmem>> -> memref<1x1x80xi32, #tpu.memory_space<vmem>>
        %dma_start3A_1074 = tpu.memref_squeeze %dma_start3A_1073 : memref<1x1x80xi32, #tpu.memory_space<vmem>> -> memref<80xi32, #tpu.memory_space<vmem>>
        %dma_start3A_1075 = tpu.memref_slice %arg3[%add3A_1065] : memref<320000xi32, #tpu.memory_space<hbm>> -> memref<80xi32, #tpu.memory_space<hbm>>
        tpu.enqueue_dma source(%dma_start3A_1075 : memref<80xi32, #tpu.memory_space<hbm>>) target(%dma_start3A_1074 : memref<80xi32, #tpu.memory_space<vmem>>) target_semaphore(%arg10 : memref<!tpu.dma_semaphore, #tpu.memory_space<semaphore_mem>>)
        %sub3A_1076 = arith.constant 1 : i32
        %sub3A_1077 = arith.subi %sub3A_1076, %select_n3A_319 : i32
        %dma_start3A_1078 = arith.constant 2 : i32
        %dma_start3A_1079 = arith.constant 0 : i32
        %dma_start3A_1080 = tpu.memref_slice %arg8[%sub3A_1077, %dma_start3A_1078, %dma_start3A_1079] : memref<2x4x80xi32, #tpu.memory_space<vmem>> -> memref<1x1x80xi32, #tpu.memory_space<vmem>>
        %dma_start3A_1081 = tpu.memref_squeeze %dma_start3A_1080 : memref<1x1x80xi32, #tpu.memory_space<vmem>> -> memref<80xi32, #tpu.memory_space<vmem>>
        %dma_start3A_1082 = tpu.memref_slice %arg4[%add3A_1065] : memref<320000xi32, #tpu.memory_space<hbm>> -> memref<80xi32, #tpu.memory_space<hbm>>
        %dma_start3A_1083 = arith.constant 0 : i32
        %dma_start3A_1084 = tpu.memref_slice %arg8[%sub3A_1077, %dma_start3A_1078, %dma_start3A_1083] : memref<2x4x80xi32, #tpu.memory_space<vmem>> -> memref<1x1x80xi32, #tpu.memory_space<vmem>>
        %dma_start3A_1085 = tpu.memref_squeeze %dma_start3A_1084 : memref<1x1x80xi32, #tpu.memory_space<vmem>> -> memref<80xi32, #tpu.memory_space<vmem>>
        %dma_start3A_1086 = tpu.memref_slice %arg4[%add3A_1065] : memref<320000xi32, #tpu.memory_space<hbm>> -> memref<80xi32, #tpu.memory_space<hbm>>
        tpu.enqueue_dma source(%dma_start3A_1086 : memref<80xi32, #tpu.memory_space<hbm>>) target(%dma_start3A_1085 : memref<80xi32, #tpu.memory_space<vmem>>) target_semaphore(%arg10 : memref<!tpu.dma_semaphore, #tpu.memory_space<semaphore_mem>>)
      } else {
      }
      %dma_start3A_925 = arith.constant 2 : i32
      %dma_start3A_926 = arith.constant 2 : i32
      %dma_start3A_927 = arith.constant 0 : i32
      %dma_start3A_928 = arith.constant 0 : i32
      %dma_start3A_929 = tpu.memref_slice %arg9[%dma_start3A_926, %dma_start3A_927, %dma_start3A_928] : memref<4x80x128xf32, #tpu.memory_space<vmem>> -> memref<1x80x128xf32, #tpu.memory_space<vmem>>
      %dma_start3A_930 = tpu.memref_squeeze %dma_start3A_929 : memref<1x80x128xf32, #tpu.memory_space<vmem>> -> memref<80x128xf32, #tpu.memory_space<vmem>>
      %dma_start3A_931 = arith.constant 0 : i32
      %dma_start3A_932 = tpu.memref_slice %arg7[%select_n3A_319, %dma_start3A_925, %dma_start3A_931] : memref<2x4x80xi32, #tpu.memory_space<vmem>> -> memref<1x1x80xi32, #tpu.memory_space<vmem>>
      %dma_start3A_933 = tpu.memref_squeeze %dma_start3A_932 : memref<1x1x80xi32, #tpu.memory_space<vmem>> -> memref<80xi32, #tpu.memory_space<vmem>>
      %dma_start3A_934 = arith.constant 0 : i32
      %dma_start3A_935 = arith.constant 0 : i32
      %dma_start3A_936 = tpu.memref_slice %arg2[%dma_start3A_934, %dma_start3A_935] : memref<10000x128xf32, #tpu.memory_space<hbm>> -> memref<10000x128xf32, #tpu.memory_space<hbm>>
      tpu.enqueue_indirect_dma source(%dma_start3A_936 : memref<10000x128xf32, #tpu.memory_space<hbm>>) target(%dma_start3A_930 : memref<80x128xf32, #tpu.memory_space<vmem>>) offsets(%dma_start3A_933 : memref<80xi32, #tpu.memory_space<vmem>>) semaphore(%arg13 : memref<!tpu.dma_semaphore, #tpu.memory_space<semaphore_mem>>)
      %ge3A_937 = arith.constant 1 : i32
      %ge3A_938 = arith.cmpi sge, %scan3A_307, %ge3A_937 : i32
      %convert_element_type3A_939 = arith.extui %ge3A_938 : i1 to i32
      %cond3A_940 = arith.constant 0 : i32
      %cond3A_941 = arith.cmpi ne, %convert_element_type3A_939, %cond3A_940 : i32
      scf.if %cond3A_941 {
        %sub3A = arith.constant 1 : i32
        %sub3A_1057 = arith.subi %sub3A, %select_n3A_319 : i32
        %dma_wait3A_1058 = arith.constant 3 : i32
        %dma_wait3A_1059 = arith.constant 3 : i32
        %dma_wait3A_1060 = arith.constant 0 : i32
        %dma_wait3A_1061 = arith.constant 0 : i32
        %dma_wait3A_1062 = tpu.memref_slice %arg9[%dma_wait3A_1058, %dma_wait3A_1060, %dma_wait3A_1061] : memref<4x80x128xf32, #tpu.memory_space<vmem>> -> memref<1x80x128xf32, #tpu.memory_space<vmem>>
        %dma_wait3A_1063 = tpu.memref_squeeze %dma_wait3A_1062 : memref<1x80x128xf32, #tpu.memory_space<vmem>> -> memref<80x128xf32, #tpu.memory_space<vmem>>
        %dma_wait3A_1064 = arith.constant 0 : i32
        %dma_wait3A_1065 = tpu.memref_slice %arg8[%sub3A_1057, %dma_wait3A_1059, %dma_wait3A_1064] : memref<2x4x80xi32, #tpu.memory_space<vmem>> -> memref<1x1x80xi32, #tpu.memory_space<vmem>>
        %dma_wait3A_1066 = tpu.memref_squeeze %dma_wait3A_1065 : memref<1x1x80xi32, #tpu.memory_space<vmem>> -> memref<80xi32, #tpu.memory_space<vmem>>
        %dma_wait3A_1067 = arith.constant 0 : i32
        %dma_wait3A_1068 = arith.constant 0 : i32
        %dma_wait3A_1069 = tpu.memref_slice %arg19[%dma_wait3A_1067, %dma_wait3A_1068] : memref<10112x128xf32, #tpu.memory_space<vmem_shared>> -> memref<10112x128xf32, #tpu.memory_space<vmem_shared>>
        tpu.wait_indirect_dma semaphore(%arg18 : memref<!tpu.dma_semaphore, #tpu.memory_space<semaphore_mem>>) src(%dma_wait3A_1063 : memref<80x128xf32, #tpu.memory_space<vmem>>) dst(%dma_wait3A_1069 : memref<10112x128xf32, #tpu.memory_space<vmem_shared>>)
      } else {
      }
      %add3A_942 = arith.constant 1 : i32
      %add3A_943 = arith.addi %scan3A_307, %add3A_942 : i32
      %lt3A_944 = arith.constant 31 : i32
      %lt3A_945 = arith.cmpi slt, %add3A_943, %lt3A_944 : i32
      %convert_element_type3A_946 = arith.extui %lt3A_945 : i1 to i32
      %cond3A_947 = arith.constant 0 : i32
      %cond3A_948 = arith.cmpi ne, %convert_element_type3A_946, %cond3A_947 : i32
      scf.if %cond3A_948 {
        %add3A_1057 = arith.constant 1 : i32
        %add3A_1058 = arith.addi %scan3A_307, %add3A_1057 : i32
        %mul3A_1059 = arith.constant 4 : i32
        %mul3A_1060 = arith.muli %add3A_1058, %mul3A_1059 : i32
        %add3A_1061 = arith.constant 3 : i32
        %add3A_1062 = arith.addi %mul3A_1060, %add3A_1061 : i32
        %mul3A_1063 = arith.constant 80 : i32
        %mul3A_1064 = arith.muli %add3A_1062, %mul3A_1063 : i32
        %add3A_1065 = arith.addi %mul3A_4, %mul3A_1064 : i32
        %sub3A = arith.constant 1 : i32
        %sub3A_1066 = arith.subi %sub3A, %select_n3A_319 : i32
        %dma_start3A_1067 = arith.constant 3 : i32
        %dma_start3A_1068 = arith.constant 0 : i32
        %dma_start3A_1069 = tpu.memref_slice %arg7[%sub3A_1066, %dma_start3A_1067, %dma_start3A_1068] : memref<2x4x80xi32, #tpu.memory_space<vmem>> -> memref<1x1x80xi32, #tpu.memory_space<vmem>>
        %dma_start3A_1070 = tpu.memref_squeeze %dma_start3A_1069 : memref<1x1x80xi32, #tpu.memory_space<vmem>> -> memref<80xi32, #tpu.memory_space<vmem>>
        %dma_start3A_1071 = tpu.memref_slice %arg3[%add3A_1065] : memref<320000xi32, #tpu.memory_space<hbm>> -> memref<80xi32, #tpu.memory_space<hbm>>
        %dma_start3A_1072 = arith.constant 0 : i32
        %dma_start3A_1073 = tpu.memref_slice %arg7[%sub3A_1066, %dma_start3A_1067, %dma_start3A_1072] : memref<2x4x80xi32, #tpu.memory_space<vmem>> -> memref<1x1x80xi32, #tpu.memory_space<vmem>>
        %dma_start3A_1074 = tpu.memref_squeeze %dma_start3A_1073 : memref<1x1x80xi32, #tpu.memory_space<vmem>> -> memref<80xi32, #tpu.memory_space<vmem>>
        %dma_start3A_1075 = tpu.memref_slice %arg3[%add3A_1065] : memref<320000xi32, #tpu.memory_space<hbm>> -> memref<80xi32, #tpu.memory_space<hbm>>
        tpu.enqueue_dma source(%dma_start3A_1075 : memref<80xi32, #tpu.memory_space<hbm>>) target(%dma_start3A_1074 : memref<80xi32, #tpu.memory_space<vmem>>) target_semaphore(%arg10 : memref<!tpu.dma_semaphore, #tpu.memory_space<semaphore_mem>>)
        %sub3A_1076 = arith.constant 1 : i32
        %sub3A_1077 = arith.subi %sub3A_1076, %select_n3A_319 : i32
        %dma_start3A_1078 = arith.constant 3 : i32
        %dma_start3A_1079 = arith.constant 0 : i32
        %dma_start3A_1080 = tpu.memref_slice %arg8[%sub3A_1077, %dma_start3A_1078, %dma_start3A_1079] : memref<2x4x80xi32, #tpu.memory_space<vmem>> -> memref<1x1x80xi32, #tpu.memory_space<vmem>>
        %dma_start3A_1081 = tpu.memref_squeeze %dma_start3A_1080 : memref<1x1x80xi32, #tpu.memory_space<vmem>> -> memref<80xi32, #tpu.memory_space<vmem>>
        %dma_start3A_1082 = tpu.memref_slice %arg4[%add3A_1065] : memref<320000xi32, #tpu.memory_space<hbm>> -> memref<80xi32, #tpu.memory_space<hbm>>
        %dma_start3A_1083 = arith.constant 0 : i32
        %dma_start3A_1084 = tpu.memref_slice %arg8[%sub3A_1077, %dma_start3A_1078, %dma_start3A_1083] : memref<2x4x80xi32, #tpu.memory_space<vmem>> -> memref<1x1x80xi32, #tpu.memory_space<vmem>>
        %dma_start3A_1085 = tpu.memref_squeeze %dma_start3A_1084 : memref<1x1x80xi32, #tpu.memory_space<vmem>> -> memref<80xi32, #tpu.memory_space<vmem>>
        %dma_start3A_1086 = tpu.memref_slice %arg4[%add3A_1065] : memref<320000xi32, #tpu.memory_space<hbm>> -> memref<80xi32, #tpu.memory_space<hbm>>
        tpu.enqueue_dma source(%dma_start3A_1086 : memref<80xi32, #tpu.memory_space<hbm>>) target(%dma_start3A_1085 : memref<80xi32, #tpu.memory_space<vmem>>) target_semaphore(%arg10 : memref<!tpu.dma_semaphore, #tpu.memory_space<semaphore_mem>>)
      } else {
      }
      %dma_start3A_949 = arith.constant 3 : i32
      %dma_start3A_950 = arith.constant 3 : i32
      %dma_start3A_951 = arith.constant 0 : i32
      %dma_start3A_952 = arith.constant 0 : i32
      %dma_start3A_953 = tpu.memref_slice %arg9[%dma_start3A_950, %dma_start3A_951, %dma_start3A_952] : memref<4x80x128xf32, #tpu.memory_space<vmem>> -> memref<1x80x128xf32, #tpu.memory_space<vmem>>
      %dma_start3A_954 = tpu.memref_squeeze %dma_start3A_953 : memref<1x80x128xf32, #tpu.memory_space<vmem>> -> memref<80x128xf32, #tpu.memory_space<vmem>>
      %dma_start3A_955 = arith.constant 0 : i32
      %dma_start3A_956 = tpu.memref_slice %arg7[%select_n3A_319, %dma_start3A_949, %dma_start3A_955] : memref<2x4x80xi32, #tpu.memory_space<vmem>> -> memref<1x1x80xi32, #tpu.memory_space<vmem>>
      %dma_start3A_957 = tpu.memref_squeeze %dma_start3A_956 : memref<1x1x80xi32, #tpu.memory_space<vmem>> -> memref<80xi32, #tpu.memory_space<vmem>>
      %dma_start3A_958 = arith.constant 0 : i32
      %dma_start3A_959 = arith.constant 0 : i32
      %dma_start3A_960 = tpu.memref_slice %arg2[%dma_start3A_958, %dma_start3A_959] : memref<10000x128xf32, #tpu.memory_space<hbm>> -> memref<10000x128xf32, #tpu.memory_space<hbm>>
      tpu.enqueue_indirect_dma source(%dma_start3A_960 : memref<10000x128xf32, #tpu.memory_space<hbm>>) target(%dma_start3A_954 : memref<80x128xf32, #tpu.memory_space<vmem>>) offsets(%dma_start3A_957 : memref<80xi32, #tpu.memory_space<vmem>>) semaphore(%arg14 : memref<!tpu.dma_semaphore, #tpu.memory_space<semaphore_mem>>)
      %dma_wait3A_961 = arith.constant 0 : i32
      %dma_wait3A_962 = arith.constant 0 : i32
      %dma_wait3A_963 = arith.constant 0 : i32
      %dma_wait3A_964 = arith.constant 0 : i32
      %dma_wait3A_965 = tpu.memref_slice %arg9[%dma_wait3A_962, %dma_wait3A_963, %dma_wait3A_964] : memref<4x80x128xf32, #tpu.memory_space<vmem>> -> memref<1x80x128xf32, #tpu.memory_space<vmem>>
      %dma_wait3A_966 = tpu.memref_squeeze %dma_wait3A_965 : memref<1x80x128xf32, #tpu.memory_space<vmem>> -> memref<80x128xf32, #tpu.memory_space<vmem>>
      %dma_wait3A_967 = arith.constant 0 : i32
      %dma_wait3A_968 = tpu.memref_slice %arg7[%select_n3A_319, %dma_wait3A_961, %dma_wait3A_967] : memref<2x4x80xi32, #tpu.memory_space<vmem>> -> memref<1x1x80xi32, #tpu.memory_space<vmem>>
      %dma_wait3A_969 = tpu.memref_squeeze %dma_wait3A_968 : memref<1x1x80xi32, #tpu.memory_space<vmem>> -> memref<80xi32, #tpu.memory_space<vmem>>
      %dma_wait3A_970 = arith.constant 0 : i32
      %dma_wait3A_971 = arith.constant 0 : i32
      %dma_wait3A_972 = tpu.memref_slice %arg2[%dma_wait3A_970, %dma_wait3A_971] : memref<10000x128xf32, #tpu.memory_space<hbm>> -> memref<10000x128xf32, #tpu.memory_space<hbm>>
      tpu.wait_indirect_dma semaphore(%arg11 : memref<!tpu.dma_semaphore, #tpu.memory_space<semaphore_mem>>) src(%dma_wait3A_972 : memref<10000x128xf32, #tpu.memory_space<hbm>>) dst(%dma_wait3A_966 : memref<80x128xf32, #tpu.memory_space<vmem>>)
      %dma_start3A_973 = arith.constant 0 : i32
      %dma_start3A_974 = arith.constant 0 : i32
      %dma_start3A_975 = arith.constant 0 : i32
      %dma_start3A_976 = arith.constant 0 : i32
      %dma_start3A_977 = tpu.memref_slice %arg9[%dma_start3A_973, %dma_start3A_975, %dma_start3A_976] : memref<4x80x128xf32, #tpu.memory_space<vmem>> -> memref<1x80x128xf32, #tpu.memory_space<vmem>>
      %dma_start3A_978 = tpu.memref_squeeze %dma_start3A_977 : memref<1x80x128xf32, #tpu.memory_space<vmem>> -> memref<80x128xf32, #tpu.memory_space<vmem>>
      %dma_start3A_979 = arith.constant 0 : i32
      %dma_start3A_980 = tpu.memref_slice %arg8[%select_n3A_319, %dma_start3A_974, %dma_start3A_979] : memref<2x4x80xi32, #tpu.memory_space<vmem>> -> memref<1x1x80xi32, #tpu.memory_space<vmem>>
      %dma_start3A_981 = tpu.memref_squeeze %dma_start3A_980 : memref<1x1x80xi32, #tpu.memory_space<vmem>> -> memref<80xi32, #tpu.memory_space<vmem>>
      %dma_start3A_982 = arith.constant 0 : i32
      %dma_start3A_983 = arith.constant 0 : i32
      %dma_start3A_984 = tpu.memref_slice %arg19[%dma_start3A_982, %dma_start3A_983] : memref<10112x128xf32, #tpu.memory_space<vmem_shared>> -> memref<10112x128xf32, #tpu.memory_space<vmem_shared>>
      tpu.enqueue_indirect_dma source(%dma_start3A_978 : memref<80x128xf32, #tpu.memory_space<vmem>>) target(%dma_start3A_984 : memref<10112x128xf32, #tpu.memory_space<vmem_shared>>) offsets(%dma_start3A_981 : memref<80xi32, #tpu.memory_space<vmem>>) semaphore(%arg15 : memref<!tpu.dma_semaphore, #tpu.memory_space<semaphore_mem>>) {add = true}
      %dma_wait3A_985 = arith.constant 1 : i32
      %dma_wait3A_986 = arith.constant 1 : i32
      %dma_wait3A_987 = arith.constant 0 : i32
      %dma_wait3A_988 = arith.constant 0 : i32
      %dma_wait3A_989 = tpu.memref_slice %arg9[%dma_wait3A_986, %dma_wait3A_987, %dma_wait3A_988] : memref<4x80x128xf32, #tpu.memory_space<vmem>> -> memref<1x80x128xf32, #tpu.memory_space<vmem>>
      %dma_wait3A_990 = tpu.memref_squeeze %dma_wait3A_989 : memref<1x80x128xf32, #tpu.memory_space<vmem>> -> memref<80x128xf32, #tpu.memory_space<vmem>>
      %dma_wait3A_991 = arith.constant 0 : i32
      %dma_wait3A_992 = tpu.memref_slice %arg7[%select_n3A_319, %dma_wait3A_985, %dma_wait3A_991] : memref<2x4x80xi32, #tpu.memory_space<vmem>> -> memref<1x1x80xi32, #tpu.memory_space<vmem>>
      %dma_wait3A_993 = tpu.memref_squeeze %dma_wait3A_992 : memref<1x1x80xi32, #tpu.memory_space<vmem>> -> memref<80xi32, #tpu.memory_space<vmem>>
      %dma_wait3A_994 = arith.constant 0 : i32
      %dma_wait3A_995 = arith.constant 0 : i32
      %dma_wait3A_996 = tpu.memref_slice %arg2[%dma_wait3A_994, %dma_wait3A_995] : memref<10000x128xf32, #tpu.memory_space<hbm>> -> memref<10000x128xf32, #tpu.memory_space<hbm>>
      tpu.wait_indirect_dma semaphore(%arg12 : memref<!tpu.dma_semaphore, #tpu.memory_space<semaphore_mem>>) src(%dma_wait3A_996 : memref<10000x128xf32, #tpu.memory_space<hbm>>) dst(%dma_wait3A_990 : memref<80x128xf32, #tpu.memory_space<vmem>>)
      %dma_start3A_997 = arith.constant 1 : i32
      %dma_start3A_998 = arith.constant 1 : i32
      %dma_start3A_999 = arith.constant 0 : i32
      %dma_start3A_1000 = arith.constant 0 : i32
      %dma_start3A_1001 = tpu.memref_slice %arg9[%dma_start3A_997, %dma_start3A_999, %dma_start3A_1000] : memref<4x80x128xf32, #tpu.memory_space<vmem>> -> memref<1x80x128xf32, #tpu.memory_space<vmem>>
      %dma_start3A_1002 = tpu.memref_squeeze %dma_start3A_1001 : memref<1x80x128xf32, #tpu.memory_space<vmem>> -> memref<80x128xf32, #tpu.memory_space<vmem>>
      %dma_start3A_1003 = arith.constant 0 : i32
      %dma_start3A_1004 = tpu.memref_slice %arg8[%select_n3A_319, %dma_start3A_998, %dma_start3A_1003] : memref<2x4x80xi32, #tpu.memory_space<vmem>> -> memref<1x1x80xi32, #tpu.memory_space<vmem>>
      %dma_start3A_1005 = tpu.memref_squeeze %dma_start3A_1004 : memref<1x1x80xi32, #tpu.memory_space<vmem>> -> memref<80xi32, #tpu.memory_space<vmem>>
      %dma_start3A_1006 = arith.constant 0 : i32
      %dma_start3A_1007 = arith.constant 0 : i32
      %dma_start3A_1008 = tpu.memref_slice %arg19[%dma_start3A_1006, %dma_start3A_1007] : memref<10112x128xf32, #tpu.memory_space<vmem_shared>> -> memref<10112x128xf32, #tpu.memory_space<vmem_shared>>
      tpu.enqueue_indirect_dma source(%dma_start3A_1002 : memref<80x128xf32, #tpu.memory_space<vmem>>) target(%dma_start3A_1008 : memref<10112x128xf32, #tpu.memory_space<vmem_shared>>) offsets(%dma_start3A_1005 : memref<80xi32, #tpu.memory_space<vmem>>) semaphore(%arg16 : memref<!tpu.dma_semaphore, #tpu.memory_space<semaphore_mem>>) {add = true}
      %dma_wait3A_1009 = arith.constant 2 : i32
      %dma_wait3A_1010 = arith.constant 2 : i32
      %dma_wait3A_1011 = arith.constant 0 : i32
      %dma_wait3A_1012 = arith.constant 0 : i32
      %dma_wait3A_1013 = tpu.memref_slice %arg9[%dma_wait3A_1010, %dma_wait3A_1011, %dma_wait3A_1012] : memref<4x80x128xf32, #tpu.memory_space<vmem>> -> memref<1x80x128xf32, #tpu.memory_space<vmem>>
      %dma_wait3A_1014 = tpu.memref_squeeze %dma_wait3A_1013 : memref<1x80x128xf32, #tpu.memory_space<vmem>> -> memref<80x128xf32, #tpu.memory_space<vmem>>
      %dma_wait3A_1015 = arith.constant 0 : i32
      %dma_wait3A_1016 = tpu.memref_slice %arg7[%select_n3A_319, %dma_wait3A_1009, %dma_wait3A_1015] : memref<2x4x80xi32, #tpu.memory_space<vmem>> -> memref<1x1x80xi32, #tpu.memory_space<vmem>>
      %dma_wait3A_1017 = tpu.memref_squeeze %dma_wait3A_1016 : memref<1x1x80xi32, #tpu.memory_space<vmem>> -> memref<80xi32, #tpu.memory_space<vmem>>
      %dma_wait3A_1018 = arith.constant 0 : i32
      %dma_wait3A_1019 = arith.constant 0 : i32
      %dma_wait3A_1020 = tpu.memref_slice %arg2[%dma_wait3A_1018, %dma_wait3A_1019] : memref<10000x128xf32, #tpu.memory_space<hbm>> -> memref<10000x128xf32, #tpu.memory_space<hbm>>
      tpu.wait_indirect_dma semaphore(%arg13 : memref<!tpu.dma_semaphore, #tpu.memory_space<semaphore_mem>>) src(%dma_wait3A_1020 : memref<10000x128xf32, #tpu.memory_space<hbm>>) dst(%dma_wait3A_1014 : memref<80x128xf32, #tpu.memory_space<vmem>>)
      %dma_start3A_1021 = arith.constant 2 : i32
      %dma_start3A_1022 = arith.constant 2 : i32
      %dma_start3A_1023 = arith.constant 0 : i32
      %dma_start3A_1024 = arith.constant 0 : i32
      %dma_start3A_1025 = tpu.memref_slice %arg9[%dma_start3A_1021, %dma_start3A_1023, %dma_start3A_1024] : memref<4x80x128xf32, #tpu.memory_space<vmem>> -> memref<1x80x128xf32, #tpu.memory_space<vmem>>
      %dma_start3A_1026 = tpu.memref_squeeze %dma_start3A_1025 : memref<1x80x128xf32, #tpu.memory_space<vmem>> -> memref<80x128xf32, #tpu.memory_space<vmem>>
      %dma_start3A_1027 = arith.constant 0 : i32
      %dma_start3A_1028 = tpu.memref_slice %arg8[%select_n3A_319, %dma_start3A_1022, %dma_start3A_1027] : memref<2x4x80xi32, #tpu.memory_space<vmem>> -> memref<1x1x80xi32, #tpu.memory_space<vmem>>
      %dma_start3A_1029 = tpu.memref_squeeze %dma_start3A_1028 : memref<1x1x80xi32, #tpu.memory_space<vmem>> -> memref<80xi32, #tpu.memory_space<vmem>>
      %dma_start3A_1030 = arith.constant 0 : i32
      %dma_start3A_1031 = arith.constant 0 : i32
      %dma_start3A_1032 = tpu.memref_slice %arg19[%dma_start3A_1030, %dma_start3A_1031] : memref<10112x128xf32, #tpu.memory_space<vmem_shared>> -> memref<10112x128xf32, #tpu.memory_space<vmem_shared>>
      tpu.enqueue_indirect_dma source(%dma_start3A_1026 : memref<80x128xf32, #tpu.memory_space<vmem>>) target(%dma_start3A_1032 : memref<10112x128xf32, #tpu.memory_space<vmem_shared>>) offsets(%dma_start3A_1029 : memref<80xi32, #tpu.memory_space<vmem>>) semaphore(%arg17 : memref<!tpu.dma_semaphore, #tpu.memory_space<semaphore_mem>>) {add = true}
      %dma_wait3A_1033 = arith.constant 3 : i32
      %dma_wait3A_1034 = arith.constant 3 : i32
      %dma_wait3A_1035 = arith.constant 0 : i32
      %dma_wait3A_1036 = arith.constant 0 : i32
      %dma_wait3A_1037 = tpu.memref_slice %arg9[%dma_wait3A_1034, %dma_wait3A_1035, %dma_wait3A_1036] : memref<4x80x128xf32, #tpu.memory_space<vmem>> -> memref<1x80x128xf32, #tpu.memory_space<vmem>>
      %dma_wait3A_1038 = tpu.memref_squeeze %dma_wait3A_1037 : memref<1x80x128xf32, #tpu.memory_space<vmem>> -> memref<80x128xf32, #tpu.memory_space<vmem>>
      %dma_wait3A_1039 = arith.constant 0 : i32
      %dma_wait3A_1040 = tpu.memref_slice %arg7[%select_n3A_319, %dma_wait3A_1033, %dma_wait3A_1039] : memref<2x4x80xi32, #tpu.memory_space<vmem>> -> memref<1x1x80xi32, #tpu.memory_space<vmem>>
      %dma_wait3A_1041 = tpu.memref_squeeze %dma_wait3A_1040 : memref<1x1x80xi32, #tpu.memory_space<vmem>> -> memref<80xi32, #tpu.memory_space<vmem>>
      %dma_wait3A_1042 = arith.constant 0 : i32
      %dma_wait3A_1043 = arith.constant 0 : i32
      %dma_wait3A_1044 = tpu.memref_slice %arg2[%dma_wait3A_1042, %dma_wait3A_1043] : memref<10000x128xf32, #tpu.memory_space<hbm>> -> memref<10000x128xf32, #tpu.memory_space<hbm>>
      tpu.wait_indirect_dma semaphore(%arg14 : memref<!tpu.dma_semaphore, #tpu.memory_space<semaphore_mem>>) src(%dma_wait3A_1044 : memref<10000x128xf32, #tpu.memory_space<hbm>>) dst(%dma_wait3A_1038 : memref<80x128xf32, #tpu.memory_space<vmem>>)
      %dma_start3A_1045 = arith.constant 3 : i32
      %dma_start3A_1046 = arith.constant 3 : i32
      %dma_start3A_1047 = arith.constant 0 : i32
      %dma_start3A_1048 = arith.constant 0 : i32
      %dma_start3A_1049 = tpu.memref_slice %arg9[%dma_start3A_1045, %dma_start3A_1047, %dma_start3A_1048] : memref<4x80x128xf32, #tpu.memory_space<vmem>> -> memref<1x80x128xf32, #tpu.memory_space<vmem>>
      %dma_start3A_1050 = tpu.memref_squeeze %dma_start3A_1049 : memref<1x80x128xf32, #tpu.memory_space<vmem>> -> memref<80x128xf32, #tpu.memory_space<vmem>>
      %dma_start3A_1051 = arith.constant 0 : i32
      %dma_start3A_1052 = tpu.memref_slice %arg8[%select_n3A_319, %dma_start3A_1046, %dma_start3A_1051] : memref<2x4x80xi32, #tpu.memory_space<vmem>> -> memref<1x1x80xi32, #tpu.memory_space<vmem>>
      %dma_start3A_1053 = tpu.memref_squeeze %dma_start3A_1052 : memref<1x1x80xi32, #tpu.memory_space<vmem>> -> memref<80xi32, #tpu.memory_space<vmem>>
      %dma_start3A_1054 = arith.constant 0 : i32
      %dma_start3A_1055 = arith.constant 0 : i32
      %dma_start3A_1056 = tpu.memref_slice %arg19[%dma_start3A_1054, %dma_start3A_1055] : memref<10112x128xf32, #tpu.memory_space<vmem_shared>> -> memref<10112x128xf32, #tpu.memory_space<vmem_shared>>
      tpu.enqueue_indirect_dma source(%dma_start3A_1050 : memref<80x128xf32, #tpu.memory_space<vmem>>) target(%dma_start3A_1056 : memref<10112x128xf32, #tpu.memory_space<vmem_shared>>) offsets(%dma_start3A_1053 : memref<80xi32, #tpu.memory_space<vmem>>) semaphore(%arg18 : memref<!tpu.dma_semaphore, #tpu.memory_space<semaphore_mem>>) {add = true}
    }
    %scan3A_96 = arith.constant 31 : i32
    %dma_wait3A = arith.constant 0 : i32
    %dma_wait3A_97 = arith.constant 0 : i32
    %dma_wait3A_98 = arith.constant 0 : i32
    %dma_wait3A_99 = arith.constant 0 : i32
    %dma_wait3A_100 = arith.constant 0 : i32
    %dma_wait3A_101 = tpu.memref_slice %arg9[%dma_wait3A, %dma_wait3A_99, %dma_wait3A_100] : memref<4x80x128xf32, #tpu.memory_space<vmem>> -> memref<1x80x128xf32, #tpu.memory_space<vmem>>
    %dma_wait3A_102 = tpu.memref_squeeze %dma_wait3A_101 : memref<1x80x128xf32, #tpu.memory_space<vmem>> -> memref<80x128xf32, #tpu.memory_space<vmem>>
    %dma_wait3A_103 = arith.constant 0 : i32
    %dma_wait3A_104 = tpu.memref_slice %arg8[%dma_wait3A_97, %dma_wait3A_98, %dma_wait3A_103] : memref<2x4x80xi32, #tpu.memory_space<vmem>> -> memref<1x1x80xi32, #tpu.memory_space<vmem>>
    %dma_wait3A_105 = tpu.memref_squeeze %dma_wait3A_104 : memref<1x1x80xi32, #tpu.memory_space<vmem>> -> memref<80xi32, #tpu.memory_space<vmem>>
    %dma_wait3A_106 = arith.constant 0 : i32
    %dma_wait3A_107 = arith.constant 0 : i32
    %dma_wait3A_108 = tpu.memref_slice %arg19[%dma_wait3A_106, %dma_wait3A_107] : memref<10112x128xf32, #tpu.memory_space<vmem_shared>> -> memref<10112x128xf32, #tpu.memory_space<vmem_shared>>
    tpu.wait_indirect_dma semaphore(%arg15 : memref<!tpu.dma_semaphore, #tpu.memory_space<semaphore_mem>>) src(%dma_wait3A_102 : memref<80x128xf32, #tpu.memory_space<vmem>>) dst(%dma_wait3A_108 : memref<10112x128xf32, #tpu.memory_space<vmem_shared>>)
    %dma_wait3A_109 = arith.constant 1 : i32
    %dma_wait3A_110 = arith.constant 0 : i32
    %dma_wait3A_111 = arith.constant 1 : i32
    %dma_wait3A_112 = arith.constant 0 : i32
    %dma_wait3A_113 = arith.constant 0 : i32
    %dma_wait3A_114 = tpu.memref_slice %arg9[%dma_wait3A_109, %dma_wait3A_112, %dma_wait3A_113] : memref<4x80x128xf32, #tpu.memory_space<vmem>> -> memref<1x80x128xf32, #tpu.memory_space<vmem>>
    %dma_wait3A_115 = tpu.memref_squeeze %dma_wait3A_114 : memref<1x80x128xf32, #tpu.memory_space<vmem>> -> memref<80x128xf32, #tpu.memory_space<vmem>>
    %dma_wait3A_116 = arith.constant 0 : i32
    %dma_wait3A_117 = tpu.memref_slice %arg8[%dma_wait3A_110, %dma_wait3A_111, %dma_wait3A_116] : memref<2x4x80xi32, #tpu.memory_space<vmem>> -> memref<1x1x80xi32, #tpu.memory_space<vmem>>
    %dma_wait3A_118 = tpu.memref_squeeze %dma_wait3A_117 : memref<1x1x80xi32, #tpu.memory_space<vmem>> -> memref<80xi32, #tpu.memory_space<vmem>>
    %dma_wait3A_119 = arith.constant 0 : i32
    %dma_wait3A_120 = arith.constant 0 : i32
    %dma_wait3A_121 = tpu.memref_slice %arg19[%dma_wait3A_119, %dma_wait3A_120] : memref<10112x128xf32, #tpu.memory_space<vmem_shared>> -> memref<10112x128xf32, #tpu.memory_space<vmem_shared>>
    tpu.wait_indirect_dma semaphore(%arg16 : memref<!tpu.dma_semaphore, #tpu.memory_space<semaphore_mem>>) src(%dma_wait3A_115 : memref<80x128xf32, #tpu.memory_space<vmem>>) dst(%dma_wait3A_121 : memref<10112x128xf32, #tpu.memory_space<vmem_shared>>)
    %dma_wait3A_122 = arith.constant 2 : i32
    %dma_wait3A_123 = arith.constant 0 : i32
    %dma_wait3A_124 = arith.constant 2 : i32
    %dma_wait3A_125 = arith.constant 0 : i32
    %dma_wait3A_126 = arith.constant 0 : i32
    %dma_wait3A_127 = tpu.memref_slice %arg9[%dma_wait3A_122, %dma_wait3A_125, %dma_wait3A_126] : memref<4x80x128xf32, #tpu.memory_space<vmem>> -> memref<1x80x128xf32, #tpu.memory_space<vmem>>
    %dma_wait3A_128 = tpu.memref_squeeze %dma_wait3A_127 : memref<1x80x128xf32, #tpu.memory_space<vmem>> -> memref<80x128xf32, #tpu.memory_space<vmem>>
    %dma_wait3A_129 = arith.constant 0 : i32
    %dma_wait3A_130 = tpu.memref_slice %arg8[%dma_wait3A_123, %dma_wait3A_124, %dma_wait3A_129] : memref<2x4x80xi32, #tpu.memory_space<vmem>> -> memref<1x1x80xi32, #tpu.memory_space<vmem>>
    %dma_wait3A_131 = tpu.memref_squeeze %dma_wait3A_130 : memref<1x1x80xi32, #tpu.memory_space<vmem>> -> memref<80xi32, #tpu.memory_space<vmem>>
    %dma_wait3A_132 = arith.constant 0 : i32
    %dma_wait3A_133 = arith.constant 0 : i32
    %dma_wait3A_134 = tpu.memref_slice %arg19[%dma_wait3A_132, %dma_wait3A_133] : memref<10112x128xf32, #tpu.memory_space<vmem_shared>> -> memref<10112x128xf32, #tpu.memory_space<vmem_shared>>
    tpu.wait_indirect_dma semaphore(%arg17 : memref<!tpu.dma_semaphore, #tpu.memory_space<semaphore_mem>>) src(%dma_wait3A_128 : memref<80x128xf32, #tpu.memory_space<vmem>>) dst(%dma_wait3A_134 : memref<10112x128xf32, #tpu.memory_space<vmem_shared>>)
    %dma_wait3A_135 = arith.constant 3 : i32
    %dma_wait3A_136 = arith.constant 0 : i32
    %dma_wait3A_137 = arith.constant 3 : i32
    %dma_wait3A_138 = arith.constant 0 : i32
    %dma_wait3A_139 = arith.constant 0 : i32
    %dma_wait3A_140 = tpu.memref_slice %arg9[%dma_wait3A_135, %dma_wait3A_138, %dma_wait3A_139] : memref<4x80x128xf32, #tpu.memory_space<vmem>> -> memref<1x80x128xf32, #tpu.memory_space<vmem>>
    %dma_wait3A_141 = tpu.memref_squeeze %dma_wait3A_140 : memref<1x80x128xf32, #tpu.memory_space<vmem>> -> memref<80x128xf32, #tpu.memory_space<vmem>>
    %dma_wait3A_142 = arith.constant 0 : i32
    %dma_wait3A_143 = tpu.memref_slice %arg8[%dma_wait3A_136, %dma_wait3A_137, %dma_wait3A_142] : memref<2x4x80xi32, #tpu.memory_space<vmem>> -> memref<1x1x80xi32, #tpu.memory_space<vmem>>
    %dma_wait3A_144 = tpu.memref_squeeze %dma_wait3A_143 : memref<1x1x80xi32, #tpu.memory_space<vmem>> -> memref<80xi32, #tpu.memory_space<vmem>>
    %dma_wait3A_145 = arith.constant 0 : i32
    %dma_wait3A_146 = arith.constant 0 : i32
    %dma_wait3A_147 = tpu.memref_slice %arg19[%dma_wait3A_145, %dma_wait3A_146] : memref<10112x128xf32, #tpu.memory_space<vmem_shared>> -> memref<10112x128xf32, #tpu.memory_space<vmem_shared>>
    tpu.wait_indirect_dma semaphore(%arg18 : memref<!tpu.dma_semaphore, #tpu.memory_space<semaphore_mem>>) src(%dma_wait3A_141 : memref<80x128xf32, #tpu.memory_space<vmem>>) dst(%dma_wait3A_147 : memref<10112x128xf32, #tpu.memory_space<vmem_shared>>)
    %add3A_148 = arith.constant 9920 : i32
    %add3A_149 = arith.addi %mul3A_4, %add3A_148 : i32
    %run_scoped3A = arith.constant 0 : i32
    %run_scoped3A_150 = arith.constant 0 : i32
    "tpu.region"() ({
      %run_scoped3A_307 = tpu.sem_alloc : memref<!tpu.dma_semaphore, #tpu.memory_space<semaphore_mem>>
      %dma_start3A_308 = arith.constant 0 : i32
      %dma_start3A_309 = tpu.memref_slice %arg7[%run_scoped3A, %run_scoped3A_150, %dma_start3A_308] : memref<2x4x80xi32, #tpu.memory_space<vmem>> -> memref<1x1x80xi32, #tpu.memory_space<vmem>>
      %dma_start3A_310 = tpu.memref_squeeze %dma_start3A_309 : memref<1x1x80xi32, #tpu.memory_space<vmem>> -> memref<80xi32, #tpu.memory_space<vmem>>
      %dma_start3A_311 = tpu.memref_slice %arg3[%add3A_149] : memref<320000xi32, #tpu.memory_space<hbm>> -> memref<80xi32, #tpu.memory_space<hbm>>
      %dma_start3A_312 = arith.constant 0 : i32
      %dma_start3A_313 = tpu.memref_slice %arg7[%run_scoped3A, %run_scoped3A_150, %dma_start3A_312] : memref<2x4x80xi32, #tpu.memory_space<vmem>> -> memref<1x1x80xi32, #tpu.memory_space<vmem>>
      %dma_start3A_314 = tpu.memref_squeeze %dma_start3A_313 : memref<1x1x80xi32, #tpu.memory_space<vmem>> -> memref<80xi32, #tpu.memory_space<vmem>>
      %dma_start3A_315 = tpu.memref_slice %arg3[%add3A_149] : memref<320000xi32, #tpu.memory_space<hbm>> -> memref<80xi32, #tpu.memory_space<hbm>>
      tpu.enqueue_dma source(%dma_start3A_315 : memref<80xi32, #tpu.memory_space<hbm>>) target(%dma_start3A_314 : memref<80xi32, #tpu.memory_space<vmem>>) target_semaphore(%run_scoped3A_307 : memref<!tpu.dma_semaphore, #tpu.memory_space<semaphore_mem>>)
      %dma_wait3A_316 = arith.constant 0 : i32
      %dma_wait3A_317 = tpu.memref_slice %arg7[%run_scoped3A, %run_scoped3A_150, %dma_wait3A_316] : memref<2x4x80xi32, #tpu.memory_space<vmem>> -> memref<1x1x80xi32, #tpu.memory_space<vmem>>
      %dma_wait3A_318 = tpu.memref_squeeze %dma_wait3A_317 : memref<1x1x80xi32, #tpu.memory_space<vmem>> -> memref<80xi32, #tpu.memory_space<vmem>>
      %dma_wait3A_319 = tpu.memref_slice %arg3[%add3A_149] : memref<320000xi32, #tpu.memory_space<hbm>> -> memref<80xi32, #tpu.memory_space<hbm>>
      %dma_wait3A_320 = arith.constant 0 : i32
      %dma_wait3A_321 = tpu.memref_slice %arg7[%run_scoped3A, %run_scoped3A_150, %dma_wait3A_320] : memref<2x4x80xi32, #tpu.memory_space<vmem>> -> memref<1x1x80xi32, #tpu.memory_space<vmem>>
      %dma_wait3A_322 = tpu.memref_squeeze %dma_wait3A_321 : memref<1x1x80xi32, #tpu.memory_space<vmem>> -> memref<80xi32, #tpu.memory_space<vmem>>
      %dma_wait3A_323 = tpu.memref_slice %arg3[%add3A_149] : memref<320000xi32, #tpu.memory_space<hbm>> -> memref<80xi32, #tpu.memory_space<hbm>>
      tpu.wait_dma2 semaphore(%run_scoped3A_307 : memref<!tpu.dma_semaphore, #tpu.memory_space<semaphore_mem>>) src(%dma_wait3A_323 : memref<80xi32, #tpu.memory_space<hbm>>) dst(%dma_wait3A_322 : memref<80xi32, #tpu.memory_space<vmem>>)
      tpu.yield
    }) : () -> ()
    %run_scoped3A_151 = arith.constant 0 : i32
    %run_scoped3A_152 = arith.constant 0 : i32
    "tpu.region"() ({
      %run_scoped3A_307 = tpu.sem_alloc : memref<!tpu.dma_semaphore, #tpu.memory_space<semaphore_mem>>
      %dma_start3A_308 = arith.constant 0 : i32
      %dma_start3A_309 = tpu.memref_slice %arg8[%run_scoped3A_151, %run_scoped3A_152, %dma_start3A_308] : memref<2x4x80xi32, #tpu.memory_space<vmem>> -> memref<1x1x80xi32, #tpu.memory_space<vmem>>
      %dma_start3A_310 = tpu.memref_squeeze %dma_start3A_309 : memref<1x1x80xi32, #tpu.memory_space<vmem>> -> memref<80xi32, #tpu.memory_space<vmem>>
      %dma_start3A_311 = tpu.memref_slice %arg4[%add3A_149] : memref<320000xi32, #tpu.memory_space<hbm>> -> memref<80xi32, #tpu.memory_space<hbm>>
      %dma_start3A_312 = arith.constant 0 : i32
      %dma_start3A_313 = tpu.memref_slice %arg8[%run_scoped3A_151, %run_scoped3A_152, %dma_start3A_312] : memref<2x4x80xi32, #tpu.memory_space<vmem>> -> memref<1x1x80xi32, #tpu.memory_space<vmem>>
      %dma_start3A_314 = tpu.memref_squeeze %dma_start3A_313 : memref<1x1x80xi32, #tpu.memory_space<vmem>> -> memref<80xi32, #tpu.memory_space<vmem>>
      %dma_start3A_315 = tpu.memref_slice %arg4[%add3A_149] : memref<320000xi32, #tpu.memory_space<hbm>> -> memref<80xi32, #tpu.memory_space<hbm>>
      tpu.enqueue_dma source(%dma_start3A_315 : memref<80xi32, #tpu.memory_space<hbm>>) target(%dma_start3A_314 : memref<80xi32, #tpu.memory_space<vmem>>) target_semaphore(%run_scoped3A_307 : memref<!tpu.dma_semaphore, #tpu.memory_space<semaphore_mem>>)
      %dma_wait3A_316 = arith.constant 0 : i32
      %dma_wait3A_317 = tpu.memref_slice %arg8[%run_scoped3A_151, %run_scoped3A_152, %dma_wait3A_316] : memref<2x4x80xi32, #tpu.memory_space<vmem>> -> memref<1x1x80xi32, #tpu.memory_space<vmem>>
      %dma_wait3A_318 = tpu.memref_squeeze %dma_wait3A_317 : memref<1x1x80xi32, #tpu.memory_space<vmem>> -> memref<80xi32, #tpu.memory_space<vmem>>
      %dma_wait3A_319 = tpu.memref_slice %arg4[%add3A_149] : memref<320000xi32, #tpu.memory_space<hbm>> -> memref<80xi32, #tpu.memory_space<hbm>>
      %dma_wait3A_320 = arith.constant 0 : i32
      %dma_wait3A_321 = tpu.memref_slice %arg8[%run_scoped3A_151, %run_scoped3A_152, %dma_wait3A_320] : memref<2x4x80xi32, #tpu.memory_space<vmem>> -> memref<1x1x80xi32, #tpu.memory_space<vmem>>
      %dma_wait3A_322 = tpu.memref_squeeze %dma_wait3A_321 : memref<1x1x80xi32, #tpu.memory_space<vmem>> -> memref<80xi32, #tpu.memory_space<vmem>>
      %dma_wait3A_323 = tpu.memref_slice %arg4[%add3A_149] : memref<320000xi32, #tpu.memory_space<hbm>> -> memref<80xi32, #tpu.memory_space<hbm>>
      tpu.wait_dma2 semaphore(%run_scoped3A_307 : memref<!tpu.dma_semaphore, #tpu.memory_space<semaphore_mem>>) src(%dma_wait3A_323 : memref<80xi32, #tpu.memory_space<hbm>>) dst(%dma_wait3A_322 : memref<80xi32, #tpu.memory_space<vmem>>)
      tpu.yield
    }) : () -> ()
    %get3A = arith.constant 0 : i32
    %get3A_153 = arith.constant 0 : i32
    %get3A_154 = arith.index_cast %get3A : i32 to index
    %get3A_155 = arith.index_cast %get3A_153 : i32 to index
    %get3A_156 = arith.constant 0 : index
    %get3A_157 = tpu.vector_load %arg7[%get3A_154, %get3A_155, %get3A_156] {strides = array<i32>} : memref<2x4x80xi32, #tpu.memory_space<vmem>>, vector<1x1x16xi32>,
    %get3A_158 = vector.shape_cast %get3A_157 : vector<1x1x16xi32> to vector<16xi32>
    %get3A_159 = arith.constant 0 : i32
    %get3A_160 = arith.constant 0 : i32
    %get3A_161 = arith.index_cast %get3A_159 : i32 to index
    %get3A_162 = arith.index_cast %get3A_160 : i32 to index
    %get3A_163 = arith.constant 0 : index
    %get3A_164 = tpu.vector_load %arg8[%get3A_161, %get3A_162, %get3A_163] {strides = array<i32>} : memref<2x4x80xi32, #tpu.memory_space<vmem>>, vector<1x1x16xi32>,
    %get3A_165 = vector.shape_cast %get3A_164 : vector<1x1x16xi32> to vector<16xi32>
    %eq3A = arith.cmpi eq, %get3A_158, %get3A_165 : vector<16xi32>
    %jit3A = arith.constant 10000 : i32
    %broadcast_in_dim3A = vector.broadcast %jit3A : i32 to vector<16xi32>
    %select_n3A = arith.select %eq3A, %broadcast_in_dim3A, %get3A_165 : vector<16xi1>, vector<16xi32>
    %swap3A = arith.constant 0 : i32
    %swap3A_166 = arith.constant 0 : i32
    %swap3A_167 = arith.index_cast %swap3A : i32 to index
    %swap3A_168 = arith.index_cast %swap3A_166 : i32 to index
    %swap3A_169 = arith.constant 0 : index
    %swap3A_170 = tpu.vector_load %arg8[%swap3A_167, %swap3A_168, %swap3A_169] {strides = array<i32>} : memref<2x4x80xi32, #tpu.memory_space<vmem>>, vector<1x1x16xi32>,
    %swap3A_171 = vector.shape_cast %swap3A_170 : vector<1x1x16xi32> to vector<16xi32>
    %swap3A_172 = vector.shape_cast %select_n3A : vector<16xi32> to vector<1x1x16xi32>
    tpu.vector_store %arg8[%swap3A_167, %swap3A_168, %swap3A_169], %swap3A_172 {strides = array<i32>} : memref<2x4x80xi32, #tpu.memory_space<vmem>>, vector<1x1x16xi32>,
    %get3A_173 = arith.constant 0 : i32
    %get3A_174 = arith.constant 0 : i32
    %get3A_175 = arith.index_cast %get3A_173 : i32 to index
    %get3A_176 = arith.index_cast %get3A_174 : i32 to index
    %get3A_177 = arith.constant 16 : index
    %get3A_178 = tpu.vector_load %arg7[%get3A_175, %get3A_176, %get3A_177] {strides = array<i32>} : memref<2x4x80xi32, #tpu.memory_space<vmem>>, vector<1x1x16xi32>,
    %get3A_179 = vector.shape_cast %get3A_178 : vector<1x1x16xi32> to vector<16xi32>
    %get3A_180 = arith.constant 0 : i32
    %get3A_181 = arith.constant 0 : i32
    %get3A_182 = arith.index_cast %get3A_180 : i32 to index
    %get3A_183 = arith.index_cast %get3A_181 : i32 to index
    %get3A_184 = arith.constant 16 : index
    %get3A_185 = tpu.vector_load %arg8[%get3A_182, %get3A_183, %get3A_184] {strides = array<i32>} : memref<2x4x80xi32, #tpu.memory_space<vmem>>, vector<1x1x16xi32>,
    %get3A_186 = vector.shape_cast %get3A_185 : vector<1x1x16xi32> to vector<16xi32>
    %eq3A_187 = arith.cmpi eq, %get3A_179, %get3A_186 : vector<16xi32>
    %jit3A_188 = arith.constant 10000 : i32
    %broadcast_in_dim3A_189 = vector.broadcast %jit3A_188 : i32 to vector<16xi32>
    %select_n3A_190 = arith.select %eq3A_187, %broadcast_in_dim3A_189, %get3A_186 : vector<16xi1>, vector<16xi32>
    %swap3A_191 = arith.constant 0 : i32
    %swap3A_192 = arith.constant 0 : i32
    %swap3A_193 = arith.index_cast %swap3A_191 : i32 to index
    %swap3A_194 = arith.index_cast %swap3A_192 : i32 to index
    %swap3A_195 = arith.constant 16 : index
    %swap3A_196 = tpu.vector_load %arg8[%swap3A_193, %swap3A_194, %swap3A_195] {strides = array<i32>} : memref<2x4x80xi32, #tpu.memory_space<vmem>>, vector<1x1x16xi32>,
    %swap3A_197 = vector.shape_cast %swap3A_196 : vector<1x1x16xi32> to vector<16xi32>
    %swap3A_198 = vector.shape_cast %select_n3A_190 : vector<16xi32> to vector<1x1x16xi32>
    tpu.vector_store %arg8[%swap3A_193, %swap3A_194, %swap3A_195], %swap3A_198 {strides = array<i32>} : memref<2x4x80xi32, #tpu.memory_space<vmem>>, vector<1x1x16xi32>,
    %get3A_199 = arith.constant 0 : i32
    %get3A_200 = arith.constant 0 : i32
    %get3A_201 = arith.index_cast %get3A_199 : i32 to index
    %get3A_202 = arith.index_cast %get3A_200 : i32 to index
    %get3A_203 = arith.constant 32 : index
    %get3A_204 = tpu.vector_load %arg7[%get3A_201, %get3A_202, %get3A_203] {strides = array<i32>} : memref<2x4x80xi32, #tpu.memory_space<vmem>>, vector<1x1x16xi32>,
    %get3A_205 = vector.shape_cast %get3A_204 : vector<1x1x16xi32> to vector<16xi32>
    %get3A_206 = arith.constant 0 : i32
    %get3A_207 = arith.constant 0 : i32
    %get3A_208 = arith.index_cast %get3A_206 : i32 to index
    %get3A_209 = arith.index_cast %get3A_207 : i32 to index
    %get3A_210 = arith.constant 32 : index
    %get3A_211 = tpu.vector_load %arg8[%get3A_208, %get3A_209, %get3A_210] {strides = array<i32>} : memref<2x4x80xi32, #tpu.memory_space<vmem>>, vector<1x1x16xi32>,
    %get3A_212 = vector.shape_cast %get3A_211 : vector<1x1x16xi32> to vector<16xi32>
    %eq3A_213 = arith.cmpi eq, %get3A_205, %get3A_212 : vector<16xi32>
    %jit3A_214 = arith.constant 10000 : i32
    %broadcast_in_dim3A_215 = vector.broadcast %jit3A_214 : i32 to vector<16xi32>
    %select_n3A_216 = arith.select %eq3A_213, %broadcast_in_dim3A_215, %get3A_212 : vector<16xi1>, vector<16xi32>
    %swap3A_217 = arith.constant 0 : i32
    %swap3A_218 = arith.constant 0 : i32
    %swap3A_219 = arith.index_cast %swap3A_217 : i32 to index
    %swap3A_220 = arith.index_cast %swap3A_218 : i32 to index
    %swap3A_221 = arith.constant 32 : index
    %swap3A_222 = tpu.vector_load %arg8[%swap3A_219, %swap3A_220, %swap3A_221] {strides = array<i32>} : memref<2x4x80xi32, #tpu.memory_space<vmem>>, vector<1x1x16xi32>,
    %swap3A_223 = vector.shape_cast %swap3A_222 : vector<1x1x16xi32> to vector<16xi32>
    %swap3A_224 = vector.shape_cast %select_n3A_216 : vector<16xi32> to vector<1x1x16xi32>
    tpu.vector_store %arg8[%swap3A_219, %swap3A_220, %swap3A_221], %swap3A_224 {strides = array<i32>} : memref<2x4x80xi32, #tpu.memory_space<vmem>>, vector<1x1x16xi32>,
    %get3A_225 = arith.constant 0 : i32
    %get3A_226 = arith.constant 0 : i32
    %get3A_227 = arith.index_cast %get3A_225 : i32 to index
    %get3A_228 = arith.index_cast %get3A_226 : i32 to index
    %get3A_229 = arith.constant 48 : index
    %get3A_230 = tpu.vector_load %arg7[%get3A_227, %get3A_228, %get3A_229] {strides = array<i32>} : memref<2x4x80xi32, #tpu.memory_space<vmem>>, vector<1x1x16xi32>,
    %get3A_231 = vector.shape_cast %get3A_230 : vector<1x1x16xi32> to vector<16xi32>
    %get3A_232 = arith.constant 0 : i32
    %get3A_233 = arith.constant 0 : i32
    %get3A_234 = arith.index_cast %get3A_232 : i32 to index
    %get3A_235 = arith.index_cast %get3A_233 : i32 to index
    %get3A_236 = arith.constant 48 : index
    %get3A_237 = tpu.vector_load %arg8[%get3A_234, %get3A_235, %get3A_236] {strides = array<i32>} : memref<2x4x80xi32, #tpu.memory_space<vmem>>, vector<1x1x16xi32>,
    %get3A_238 = vector.shape_cast %get3A_237 : vector<1x1x16xi32> to vector<16xi32>
    %eq3A_239 = arith.cmpi eq, %get3A_231, %get3A_238 : vector<16xi32>
    %jit3A_240 = arith.constant 10000 : i32
    %broadcast_in_dim3A_241 = vector.broadcast %jit3A_240 : i32 to vector<16xi32>
    %select_n3A_242 = arith.select %eq3A_239, %broadcast_in_dim3A_241, %get3A_238 : vector<16xi1>, vector<16xi32>
    %swap3A_243 = arith.constant 0 : i32
    %swap3A_244 = arith.constant 0 : i32
    %swap3A_245 = arith.index_cast %swap3A_243 : i32 to index
    %swap3A_246 = arith.index_cast %swap3A_244 : i32 to index
    %swap3A_247 = arith.constant 48 : index
    %swap3A_248 = tpu.vector_load %arg8[%swap3A_245, %swap3A_246, %swap3A_247] {strides = array<i32>} : memref<2x4x80xi32, #tpu.memory_space<vmem>>, vector<1x1x16xi32>,
    %swap3A_249 = vector.shape_cast %swap3A_248 : vector<1x1x16xi32> to vector<16xi32>
    %swap3A_250 = vector.shape_cast %select_n3A_242 : vector<16xi32> to vector<1x1x16xi32>
    tpu.vector_store %arg8[%swap3A_245, %swap3A_246, %swap3A_247], %swap3A_250 {strides = array<i32>} : memref<2x4x80xi32, #tpu.memory_space<vmem>>, vector<1x1x16xi32>,
    %get3A_251 = arith.constant 0 : i32
    %get3A_252 = arith.constant 0 : i32
    %get3A_253 = arith.index_cast %get3A_251 : i32 to index
    %get3A_254 = arith.index_cast %get3A_252 : i32 to index
    %get3A_255 = arith.constant 64 : index
    %get3A_256 = tpu.vector_load %arg7[%get3A_253, %get3A_254, %get3A_255] {strides = array<i32>} : memref<2x4x80xi32, #tpu.memory_space<vmem>>, vector<1x1x16xi32>,
    %get3A_257 = vector.shape_cast %get3A_256 : vector<1x1x16xi32> to vector<16xi32>
    %get3A_258 = arith.constant 0 : i32
    %get3A_259 = arith.constant 0 : i32
    %get3A_260 = arith.index_cast %get3A_258 : i32 to index
    %get3A_261 = arith.index_cast %get3A_259 : i32 to index
    %get3A_262 = arith.constant 64 : index
    %get3A_263 = tpu.vector_load %arg8[%get3A_260, %get3A_261, %get3A_262] {strides = array<i32>} : memref<2x4x80xi32, #tpu.memory_space<vmem>>, vector<1x1x16xi32>,
    %get3A_264 = vector.shape_cast %get3A_263 : vector<1x1x16xi32> to vector<16xi32>
    %eq3A_265 = arith.cmpi eq, %get3A_257, %get3A_264 : vector<16xi32>
    %jit3A_266 = arith.constant 10000 : i32
    %broadcast_in_dim3A_267 = vector.broadcast %jit3A_266 : i32 to vector<16xi32>
    %select_n3A_268 = arith.select %eq3A_265, %broadcast_in_dim3A_267, %get3A_264 : vector<16xi1>, vector<16xi32>
    %swap3A_269 = arith.constant 0 : i32
    %swap3A_270 = arith.constant 0 : i32
    %swap3A_271 = arith.index_cast %swap3A_269 : i32 to index
    %swap3A_272 = arith.index_cast %swap3A_270 : i32 to index
    %swap3A_273 = arith.constant 64 : index
    %swap3A_274 = tpu.vector_load %arg8[%swap3A_271, %swap3A_272, %swap3A_273] {strides = array<i32>} : memref<2x4x80xi32, #tpu.memory_space<vmem>>, vector<1x1x16xi32>,
    %swap3A_275 = vector.shape_cast %swap3A_274 : vector<1x1x16xi32> to vector<16xi32>
    %swap3A_276 = vector.shape_cast %select_n3A_268 : vector<16xi32> to vector<1x1x16xi32>
    tpu.vector_store %arg8[%swap3A_271, %swap3A_272, %swap3A_273], %swap3A_276 {strides = array<i32>} : memref<2x4x80xi32, #tpu.memory_space<vmem>>, vector<1x1x16xi32>,
    %dma_start3A_277 = arith.constant 0 : i32
    %dma_start3A_278 = arith.constant 0 : i32
    %dma_start3A_279 = arith.constant 0 : i32
    %dma_start3A_280 = arith.constant 0 : i32
    %dma_start3A_281 = arith.constant 0 : i32
    %dma_start3A_282 = tpu.memref_slice %arg9[%dma_start3A_279, %dma_start3A_280, %dma_start3A_281] : memref<4x80x128xf32, #tpu.memory_space<vmem>> -> memref<1x80x128xf32, #tpu.memory_space<vmem>>
    %dma_start3A_283 = tpu.memref_squeeze %dma_start3A_282 : memref<1x80x128xf32, #tpu.memory_space<vmem>> -> memref<80x128xf32, #tpu.memory_space<vmem>>
    %dma_start3A_284 = arith.constant 0 : i32
    %dma_start3A_285 = tpu.memref_slice %arg7[%dma_start3A_277, %dma_start3A_278, %dma_start3A_284] : memref<2x4x80xi32, #tpu.memory_space<vmem>> -> memref<1x1x80xi32, #tpu.memory_space<vmem>>
    %dma_start3A_286 = tpu.memref_squeeze %dma_start3A_285 : memref<1x1x80xi32, #tpu.memory_space<vmem>> -> memref<80xi32, #tpu.memory_space<vmem>>
    %dma_start3A_287 = arith.constant 0 : i32
    %dma_start3A_288 = arith.constant 0 : i32
    %dma_start3A_289 = tpu.memref_slice %arg2[%dma_start3A_287, %dma_start3A_288] : memref<10000x128xf32, #tpu.memory_space<hbm>> -> memref<10000x128xf32, #tpu.memory_space<hbm>>
    tpu.enqueue_indirect_dma source(%dma_start3A_289 : memref<10000x128xf32, #tpu.memory_space<hbm>>) target(%dma_start3A_283 : memref<80x128xf32, #tpu.memory_space<vmem>>) offsets(%dma_start3A_286 : memref<80xi32, #tpu.memory_space<vmem>>) semaphore(%arg11 : memref<!tpu.dma_semaphore, #tpu.memory_space<semaphore_mem>>)
    %dma_wait3A_290 = arith.constant 0 : i32
    %dma_wait3A_291 = arith.constant 0 : i32
    %dma_wait3A_292 = arith.constant 0 : i32
    %dma_wait3A_293 = arith.constant 0 : i32
    %dma_wait3A_294 = arith.constant 0 : i32
    %dma_wait3A_295 = tpu.memref_slice %arg9[%dma_wait3A_292, %dma_wait3A_293, %dma_wait3A_294] : memref<4x80x128xf32, #tpu.memory_space<vmem>> -> memref<1x80x128xf32, #tpu.memory_space<vmem>>
    %dma_wait3A_296 = tpu.memref_squeeze %dma_wait3A_295 : memref<1x80x128xf32, #tpu.memory_space<vmem>> -> memref<80x128xf32, #tpu.memory_space<vmem>>
    %dma_wait3A_297 = arith.constant 0 : i32
    %dma_wait3A_298 = tpu.memref_slice %arg7[%dma_wait3A_290, %dma_wait3A_291, %dma_wait3A_297] : memref<2x4x80xi32, #tpu.memory_space<vmem>> -> memref<1x1x80xi32, #tpu.memory_space<vmem>>
    %dma_wait3A_299 = tpu.memref_squeeze %dma_wait3A_298 : memref<1x1x80xi32, #tpu.memory_space<vmem>> -> memref<80xi32, #tpu.memory_space<vmem>>
    %dma_wait3A_300 = arith.constant 0 : i32
    %dma_wait3A_301 = arith.constant 0 : i32
    %dma_wait3A_302 = tpu.memref_slice %arg2[%dma_wait3A_300, %dma_wait3A_301] : memref<10000x128xf32, #tpu.memory_space<hbm>> -> memref<10000x128xf32, #tpu.memory_space<hbm>>
    tpu.wait_indirect_dma semaphore(%arg11 : memref<!tpu.dma_semaphore, #tpu.memory_space<semaphore_mem>>) src(%dma_wait3A_302 : memref<10000x128xf32, #tpu.memory_space<hbm>>) dst(%dma_wait3A_296 : memref<80x128xf32, #tpu.memory_space<vmem>>)
    %run_scoped3A_303 = arith.constant 0 : i32
    %run_scoped3A_304 = arith.constant 0 : i32
    %run_scoped3A_305 = arith.constant 0 : i32
    "tpu.region"() ({
      %run_scoped3A_307 = tpu.sem_alloc : memref<!tpu.dma_semaphore, #tpu.memory_space<semaphore_mem>>
      %dma_start3A_308 = arith.constant 0 : i32
      %dma_start3A_309 = arith.constant 0 : i32
      %dma_start3A_310 = tpu.memref_slice %arg9[%run_scoped3A_303, %dma_start3A_308, %dma_start3A_309] : memref<4x80x128xf32, #tpu.memory_space<vmem>> -> memref<1x80x128xf32, #tpu.memory_space<vmem>>
      %dma_start3A_311 = tpu.memref_squeeze %dma_start3A_310 : memref<1x80x128xf32, #tpu.memory_space<vmem>> -> memref<80x128xf32, #tpu.memory_space<vmem>>
      %dma_start3A_312 = arith.constant 0 : i32
      %dma_start3A_313 = tpu.memref_slice %arg8[%run_scoped3A_304, %run_scoped3A_305, %dma_start3A_312] : memref<2x4x80xi32, #tpu.memory_space<vmem>> -> memref<1x1x80xi32, #tpu.memory_space<vmem>>
      %dma_start3A_314 = tpu.memref_squeeze %dma_start3A_313 : memref<1x1x80xi32, #tpu.memory_space<vmem>> -> memref<80xi32, #tpu.memory_space<vmem>>
      %dma_start3A_315 = arith.constant 0 : i32
      %dma_start3A_316 = arith.constant 0 : i32
      %dma_start3A_317 = tpu.memref_slice %arg19[%dma_start3A_315, %dma_start3A_316] : memref<10112x128xf32, #tpu.memory_space<vmem_shared>> -> memref<10112x128xf32, #tpu.memory_space<vmem_shared>>
      tpu.enqueue_indirect_dma source(%dma_start3A_311 : memref<80x128xf32, #tpu.memory_space<vmem>>) target(%dma_start3A_317 : memref<10112x128xf32, #tpu.memory_space<vmem_shared>>) offsets(%dma_start3A_314 : memref<80xi32, #tpu.memory_space<vmem>>) semaphore(%run_scoped3A_307 : memref<!tpu.dma_semaphore, #tpu.memory_space<semaphore_mem>>) {add = true}
      %dma_wait3A_318 = arith.constant 0 : i32
      %dma_wait3A_319 = arith.constant 0 : i32
      %dma_wait3A_320 = tpu.memref_slice %arg9[%run_scoped3A_303, %dma_wait3A_318, %dma_wait3A_319] : memref<4x80x128xf32, #tpu.memory_space<vmem>> -> memref<1x80x128xf32, #tpu.memory_space<vmem>>
      %dma_wait3A_321 = tpu.memref_squeeze %dma_wait3A_320 : memref<1x80x128xf32, #tpu.memory_space<vmem>> -> memref<80x128xf32, #tpu.memory_space<vmem>>
      %dma_wait3A_322 = arith.constant 0 : i32
      %dma_wait3A_323 = tpu.memref_slice %arg8[%run_scoped3A_304, %run_scoped3A_305, %dma_wait3A_322] : memref<2x4x80xi32, #tpu.memory_space<vmem>> -> memref<1x1x80xi32, #tpu.memory_space<vmem>>
      %dma_wait3A_324 = tpu.memref_squeeze %dma_wait3A_323 : memref<1x1x80xi32, #tpu.memory_space<vmem>> -> memref<80xi32, #tpu.memory_space<vmem>>
      %dma_wait3A_325 = arith.constant 0 : i32
      %dma_wait3A_326 = arith.constant 0 : i32
      %dma_wait3A_327 = tpu.memref_slice %arg19[%dma_wait3A_325, %dma_wait3A_326] : memref<10112x128xf32, #tpu.memory_space<vmem_shared>> -> memref<10112x128xf32, #tpu.memory_space<vmem_shared>>
      tpu.wait_indirect_dma semaphore(%run_scoped3A_307 : memref<!tpu.dma_semaphore, #tpu.memory_space<semaphore_mem>>) src(%dma_wait3A_321 : memref<80x128xf32, #tpu.memory_space<vmem>>) dst(%dma_wait3A_327 : memref<10112x128xf32, #tpu.memory_space<vmem_shared>>)
      tpu.yield
    }) : () -> ()
    %barrier3A_306 = arith.constant 0 : index
    tpu.barrier barrier_id(%barrier3A_306)
    "tpu.region"() ({
      %run_scoped3A_307 = tpu.sem_alloc : memref<!tpu.dma_semaphore, #tpu.memory_space<semaphore_mem>>
      %dma_start3A_308 = arith.constant 0 : i32
      %dma_start3A_309 = tpu.memref_slice %arg6[%arg0, %mul3A_2, %dma_start3A_308] : memref<2x10112x128xf32, #tpu.memory_space<hbm>> -> memref<1x632x128xf32, #tpu.memory_space<hbm>>
      %dma_start3A_310 = tpu.memref_squeeze %dma_start3A_309 : memref<1x632x128xf32, #tpu.memory_space<hbm>> -> memref<632x128xf32, #tpu.memory_space<hbm>>
      %dma_start3A_311 = arith.constant 0 : i32
      %dma_start3A_312 = tpu.memref_slice %arg19[%mul3A_2, %dma_start3A_311] : memref<10112x128xf32, #tpu.memory_space<vmem_shared>> -> memref<632x128xf32, #tpu.memory_space<vmem_shared>>
      tpu.enqueue_dma source(%dma_start3A_312 : memref<632x128xf32, #tpu.memory_space<vmem_shared>>) target(%dma_start3A_310 : memref<632x128xf32, #tpu.memory_space<hbm>>) target_semaphore(%run_scoped3A_307 : memref<!tpu.dma_semaphore, #tpu.memory_space<semaphore_mem>>)
      %dma_wait3A_313 = arith.constant 0 : i32
      %dma_wait3A_314 = tpu.memref_slice %arg6[%arg0, %mul3A_2, %dma_wait3A_313] : memref<2x10112x128xf32, #tpu.memory_space<hbm>> -> memref<1x632x128xf32, #tpu.memory_space<hbm>>
      %dma_wait3A_315 = tpu.memref_squeeze %dma_wait3A_314 : memref<1x632x128xf32, #tpu.memory_space<hbm>> -> memref<632x128xf32, #tpu.memory_space<hbm>>
      %dma_wait3A_316 = arith.constant 0 : i32
      %dma_wait3A_317 = tpu.memref_slice %arg19[%mul3A_2, %dma_wait3A_316] : memref<10112x128xf32, #tpu.memory_space<vmem_shared>> -> memref<632x128xf32, #tpu.memory_space<vmem_shared>>
      tpu.wait_dma2 semaphore(%run_scoped3A_307 : memref<!tpu.dma_semaphore, #tpu.memory_space<semaphore_mem>>) src(%dma_wait3A_317 : memref<632x128xf32, #tpu.memory_space<vmem_shared>>) dst(%dma_wait3A_315 : memref<632x128xf32, #tpu.memory_space<hbm>>)
      tpu.yield
    }) : () -> ()
    return
  }
}

module attributes {stable_mosaic.version = 14 : i64} {
  func.func @_tc1a_body(%arg0: i32, %arg1: memref<2000x128xf32, #tpu.memory_space<vmem>>, %arg2: memref<2000x1xf32, #tpu.memory_space<vmem>>, %arg3: memref<128x128xf32, #tpu.memory_space<vmem>>, %arg4: memref<2000x128xf32, #tpu.memory_space<vmem>>) attributes {dimension_semantics = [#tpu.dimension_semantics<arbitrary>], iteration_bounds = array<i64: 5>, scalar_prefetch = 0 : i64, scratch_operands = 0 : i64, tpu.core_type = #tpu.core_type<tc>, window_params = [{transform_indices = @transform_0, window_bounds = array<i64: 2000, 128>}, {transform_indices = @transform_1, window_bounds = array<i64: 2000, 1>}, {pipeline_mode = #tpu.pipeline_mode<synchronous>, transform_indices = @transform_2, window_bounds = array<i64: 128, 128>}, {transform_indices = @transform_3, window_bounds = array<i64: 2000, 128>}]} {
    %get3A = arith.constant 0 : index
    %get3A_0 = arith.constant 0 : index
    %get3A_1 = vector.load %arg2[%get3A, %get3A_0] : memref<2000x1xf32, #tpu.memory_space<vmem>>, vector<2000x1xf32>
    %mul3A = arith.constant 1.16395342 : f32
    %mul3A_2 = vector.broadcast %mul3A : f32 to vector<2000x1xf32>
    %mul3A_3 = arith.mulf %get3A_1, %mul3A_2 : vector<2000x1xf32>
    %add3A = arith.constant 1.000000e+00 : f32
    %add3A_4 = vector.broadcast %add3A : f32 to vector<2000x1xf32>
    %add3A_5 = arith.addf %add3A_4, %mul3A_3 : vector<2000x1xf32>
    %mul3A_6 = arith.constant -0.581976712 : f32
    %mul3A_7 = vector.broadcast %mul3A_6 : f32 to vector<2000x1xf32>
    %mul3A_8 = arith.mulf %get3A_1, %mul3A_7 : vector<2000x1xf32>
    %get3A_9 = arith.constant 0 : index
    %get3A_10 = arith.constant 0 : index
    %get3A_11 = vector.load %arg1[%get3A_9, %get3A_10] : memref<2000x128xf32, #tpu.memory_space<vmem>>, vector<2000x128xf32>
    %mul3A_12 = vector.broadcast %add3A_5 : vector<2000x1xf32> to vector<2000x128xf32>
    %mul3A_13 = arith.mulf %mul3A_12, %get3A_11 : vector<2000x128xf32>
    %add3A_14 = vector.broadcast %mul3A_8 : vector<2000x1xf32> to vector<2000x128xf32>
    %add3A_15 = arith.addf %mul3A_13, %add3A_14 : vector<2000x128xf32>
    %get3A_16 = arith.constant 0 : index
    %get3A_17 = arith.constant 0 : index
    %get3A_18 = vector.load %arg3[%get3A_16, %get3A_17] : memref<128x128xf32, #tpu.memory_space<vmem>>, vector<128x128xf32>
    %dot_general3A = arith.constant dense<0.000000e+00> : vector<2000x128xf32>
    %dot_general3A_19 = tpu.matmul %add3A_15, %get3A_18, %dot_general3A {dimension_numbers = #tpu.dot_dimension_numbers<[1], [0], [0], [1], [0, 0, 1, 1], [], []>, transpose_lhs_hint = false} : vector<2000x128xf32>, vector<128x128xf32>, vector<2000x128xf32> -> vector<2000x128xf32>
    %swap3A = arith.constant 0 : index
    %swap3A_20 = arith.constant 0 : index
    %swap3A_21 = vector.load %arg4[%swap3A, %swap3A_20] : memref<2000x128xf32, #tpu.memory_space<vmem>>, vector<2000x128xf32>
    tpu.vector_store %arg4[%swap3A, %swap3A_20], %dot_general3A_19 {strides = array<i32>} : memref<2000x128xf32, #tpu.memory_space<vmem>>, vector<2000x128xf32>,
    return
  }
  func.func @transform_0(%arg0: i32) -> (i32, i32) {
    %c0_i32 = arith.constant 0 : i32
    %c0_i32_0 = arith.constant 0 : i32
    return %arg0, %c0_i32 : i32, i32
  }
  func.func @transform_1(%arg0: i32) -> (i32, i32) {
    %c0_i32 = arith.constant 0 : i32
    %c0_i32_0 = arith.constant 0 : i32
    return %arg0, %c0_i32 : i32, i32
  }
  func.func @transform_2(%arg0: i32) -> (i32, i32) {
    %c0_i32 = arith.constant 0 : i32
    %c0_i32_0 = arith.constant 0 : i32
    %c0_i32_1 = arith.constant 0 : i32
    return %c0_i32, %c0_i32_0 : i32, i32
  }
  func.func @transform_3(%arg0: i32) -> (i32, i32) {
    %c0_i32 = arith.constant 0 : i32
    %c0_i32_0 = arith.constant 0 : i32
    return %arg0, %c0_i32 : i32, i32
  }
}

module attributes {stable_mosaic.version = 14 : i64} {
  func.func @_tc1b_body(%arg0: i32, %arg1: memref<2x2000x128xf32, #tpu.memory_space<vmem>>, %arg2: memref<2000x128xf32, #tpu.memory_space<vmem>>, %arg3: memref<2000x128xf32, #tpu.memory_space<vmem>>, %arg4: memref<2000x1xf32, #tpu.memory_space<vmem>>) attributes {dimension_semantics = [#tpu.dimension_semantics<arbitrary>], iteration_bounds = array<i64: 5>, scalar_prefetch = 0 : i64, scratch_operands = 0 : i64, tpu.core_type = #tpu.core_type<tc>, window_params = [{transform_indices = @transform_0, window_bounds = array<i64: 2, 2000, 128>}, {transform_indices = @transform_1, window_bounds = array<i64: 2000, 128>}, {transform_indices = @transform_2, window_bounds = array<i64: 2000, 128>}, {transform_indices = @transform_3, window_bounds = array<i64: 2000, 1>}]} {
    %get3A = arith.constant 0 : index
    %get3A_0 = arith.constant 0 : index
    %get3A_1 = arith.constant 0 : index
    %get3A_2 = vector.load %arg1[%get3A, %get3A_0, %get3A_1] : memref<2x2000x128xf32, #tpu.memory_space<vmem>>, vector<1x2000x1xf32>
    %get3A_3 = vector.shape_cast %get3A_2 : vector<1x2000x1xf32> to vector<2000x1xf32>
    %get3A_4 = arith.constant 1 : index
    %get3A_5 = arith.constant 0 : index
    %get3A_6 = arith.constant 0 : index
    %get3A_7 = vector.load %arg1[%get3A_4, %get3A_5, %get3A_6] : memref<2x2000x128xf32, #tpu.memory_space<vmem>>, vector<1x2000x1xf32>
    %get3A_8 = vector.shape_cast %get3A_7 : vector<1x2000x1xf32> to vector<2000x1xf32>
    %add3A = arith.addf %get3A_3, %get3A_8 : vector<2000x1xf32>
    %add3A_9 = arith.constant 1.000000e+00 : f32
    %add3A_10 = vector.broadcast %add3A_9 : f32 to vector<2000x1xf32>
    %add3A_11 = arith.addf %add3A, %add3A_10 : vector<2000x1xf32>
    %rsqrt3A = math.rsqrt %add3A_11 : vector<2000x1xf32>
    %get3A_12 = arith.constant 0 : index
    %get3A_13 = arith.constant 0 : index
    %get3A_14 = vector.load %arg2[%get3A_12, %get3A_13] : memref<2000x128xf32, #tpu.memory_space<vmem>>, vector<2000x128xf32>
    %mul3A = vector.broadcast %rsqrt3A : vector<2000x1xf32> to vector<2000x128xf32>
    %mul3A_15 = arith.mulf %mul3A, %get3A_14 : vector<2000x128xf32>
    %swap3A = arith.constant 0 : index
    %swap3A_16 = arith.constant 0 : index
    %swap3A_17 = vector.load %arg3[%swap3A, %swap3A_16] : memref<2000x128xf32, #tpu.memory_space<vmem>>, vector<2000x128xf32>
    tpu.vector_store %arg3[%swap3A, %swap3A_16], %mul3A_15 {strides = array<i32>} : memref<2000x128xf32, #tpu.memory_space<vmem>>, vector<2000x128xf32>,
    %swap3A_18 = arith.constant 0 : index
    %swap3A_19 = arith.constant 0 : index
    %swap3A_20 = vector.load %arg4[%swap3A_18, %swap3A_19] : memref<2000x1xf32, #tpu.memory_space<vmem>>, vector<2000x1xf32>
    tpu.vector_store %arg4[%swap3A_18, %swap3A_19], %rsqrt3A {strides = array<i32>} : memref<2000x1xf32, #tpu.memory_space<vmem>>, vector<2000x1xf32>,
    return
  }
  func.func @transform_0(%arg0: i32) -> (i32, i32, i32) {
    %c0_i32 = arith.constant 0 : i32
    %c0_i32_0 = arith.constant 0 : i32
    %c0_i32_1 = arith.constant 0 : i32
    return %c0_i32, %arg0, %c0_i32_0 : i32, i32, i32
  }
  func.func @transform_1(%arg0: i32) -> (i32, i32) {
    %c0_i32 = arith.constant 0 : i32
    %c0_i32_0 = arith.constant 0 : i32
    return %arg0, %c0_i32 : i32, i32
  }
  func.func @transform_2(%arg0: i32) -> (i32, i32) {
    %c0_i32 = arith.constant 0 : i32
    %c0_i32_0 = arith.constant 0 : i32
    return %arg0, %c0_i32 : i32, i32
  }
  func.func @transform_3(%arg0: i32) -> (i32, i32) {
    %c0_i32 = arith.constant 0 : i32
    %c0_i32_0 = arith.constant 0 : i32
    return %arg0, %c0_i32 : i32, i32
  }
}

module attributes {stable_mosaic.version = 14 : i64} {
  func.func @_tc2_body(%arg0: i32, %arg1: memref<2x2000x128xf32, #tpu.memory_space<vmem>>, %arg2: memref<2000x128xf32, #tpu.memory_space<vmem>>, %arg3: memref<2000x1xf32, #tpu.memory_space<vmem>>, %arg4: memref<1x128xf32, #tpu.memory_space<vmem>>, %arg5: memref<128x128xf32, #tpu.memory_space<vmem>>, %arg6: memref<2000x128xf32, #tpu.memory_space<vmem>>) attributes {dimension_semantics = [#tpu.dimension_semantics<arbitrary>], iteration_bounds = array<i64: 5>, scalar_prefetch = 0 : i64, scratch_operands = 0 : i64, tpu.core_type = #tpu.core_type<tc>, window_params = [{transform_indices = @transform_0, window_bounds = array<i64: 2, 2000, 128>}, {transform_indices = @transform_1, window_bounds = array<i64: 2000, 128>}, {transform_indices = @transform_2, window_bounds = array<i64: 2000, 1>}, {pipeline_mode = #tpu.pipeline_mode<synchronous>, transform_indices = @transform_3, window_bounds = array<i64: 1, 128>}, {pipeline_mode = #tpu.pipeline_mode<synchronous>, transform_indices = @transform_4, window_bounds = array<i64: 128, 128>}, {transform_indices = @transform_5, window_bounds = array<i64: 2000, 128>}]} {
    %get3A = arith.constant 0 : index
    %get3A_0 = arith.constant 0 : index
    %get3A_1 = arith.constant 0 : index
    %get3A_2 = vector.load %arg1[%get3A, %get3A_0, %get3A_1] : memref<2x2000x128xf32, #tpu.memory_space<vmem>>, vector<1x2000x128xf32>
    %get3A_3 = vector.shape_cast %get3A_2 : vector<1x2000x128xf32> to vector<2000x128xf32>
    %get3A_4 = arith.constant 1 : index
    %get3A_5 = arith.constant 0 : index
    %get3A_6 = arith.constant 0 : index
    %get3A_7 = vector.load %arg1[%get3A_4, %get3A_5, %get3A_6] : memref<2x2000x128xf32, #tpu.memory_space<vmem>>, vector<1x2000x128xf32>
    %get3A_8 = vector.shape_cast %get3A_7 : vector<1x2000x128xf32> to vector<2000x128xf32>
    %add3A = arith.addf %get3A_3, %get3A_8 : vector<2000x128xf32>
    %get3A_9 = arith.constant 0 : index
    %get3A_10 = arith.constant 0 : index
    %get3A_11 = vector.load %arg2[%get3A_9, %get3A_10] : memref<2000x128xf32, #tpu.memory_space<vmem>>, vector<2000x128xf32>
    %add3A_12 = arith.addf %add3A, %get3A_11 : vector<2000x128xf32>
    %get3A_13 = arith.constant 0 : index
    %get3A_14 = arith.constant 0 : index
    %get3A_15 = vector.load %arg3[%get3A_13, %get3A_14] : memref<2000x1xf32, #tpu.memory_space<vmem>>, vector<2000x1xf32>
    %mul3A = vector.broadcast %get3A_15 : vector<2000x1xf32> to vector<2000x128xf32>
    %mul3A_16 = arith.mulf %mul3A, %add3A_12 : vector<2000x128xf32>
    %get3A_17 = arith.constant 0 : index
    %get3A_18 = arith.constant 0 : index
    %get3A_19 = vector.load %arg4[%get3A_17, %get3A_18] : memref<1x128xf32, #tpu.memory_space<vmem>>, vector<1x128xf32>
    %add3A_20 = vector.broadcast %get3A_19 : vector<1x128xf32> to vector<2000x128xf32>
    %add3A_21 = arith.addf %mul3A_16, %add3A_20 : vector<2000x128xf32>
    %max3A = arith.constant 0.000000e+00 : f32
    %max3A_22 = vector.broadcast %max3A : f32 to vector<2000x128xf32>
    %max3A_23 = arith.maximumf %add3A_21, %max3A_22 : vector<2000x128xf32>
    %mul3A_24 = vector.broadcast %get3A_15 : vector<2000x1xf32> to vector<2000x128xf32>
    %mul3A_25 = arith.mulf %mul3A_24, %max3A_23 : vector<2000x128xf32>
    %get3A_26 = arith.constant 0 : index
    %get3A_27 = arith.constant 0 : index
    %get3A_28 = vector.load %arg5[%get3A_26, %get3A_27] : memref<128x128xf32, #tpu.memory_space<vmem>>, vector<128x128xf32>
    %dot_general3A = arith.constant dense<0.000000e+00> : vector<2000x128xf32>
    %dot_general3A_29 = tpu.matmul %mul3A_25, %get3A_28, %dot_general3A {dimension_numbers = #tpu.dot_dimension_numbers<[1], [0], [0], [1], [0, 0, 1, 1], [], []>, transpose_lhs_hint = false} : vector<2000x128xf32>, vector<128x128xf32>, vector<2000x128xf32> -> vector<2000x128xf32>
    %swap3A = arith.constant 0 : index
    %swap3A_30 = arith.constant 0 : index
    %swap3A_31 = vector.load %arg6[%swap3A, %swap3A_30] : memref<2000x128xf32, #tpu.memory_space<vmem>>, vector<2000x128xf32>
    tpu.vector_store %arg6[%swap3A, %swap3A_30], %dot_general3A_29 {strides = array<i32>} : memref<2000x128xf32, #tpu.memory_space<vmem>>, vector<2000x128xf32>,
    return
  }
  func.func @transform_0(%arg0: i32) -> (i32, i32, i32) {
    %c0_i32 = arith.constant 0 : i32
    %c0_i32_0 = arith.constant 0 : i32
    %c0_i32_1 = arith.constant 0 : i32
    return %c0_i32, %arg0, %c0_i32_0 : i32, i32, i32
  }
  func.func @transform_1(%arg0: i32) -> (i32, i32) {
    %c0_i32 = arith.constant 0 : i32
    %c0_i32_0 = arith.constant 0 : i32
    return %arg0, %c0_i32 : i32, i32
  }
  func.func @transform_2(%arg0: i32) -> (i32, i32) {
    %c0_i32 = arith.constant 0 : i32
    %c0_i32_0 = arith.constant 0 : i32
    return %arg0, %c0_i32 : i32, i32
  }
  func.func @transform_3(%arg0: i32) -> (i32, i32) {
    %c0_i32 = arith.constant 0 : i32
    %c0_i32_0 = arith.constant 0 : i32
    %c0_i32_1 = arith.constant 0 : i32
    return %c0_i32, %c0_i32_0 : i32, i32
  }
  func.func @transform_4(%arg0: i32) -> (i32, i32) {
    %c0_i32 = arith.constant 0 : i32
    %c0_i32_0 = arith.constant 0 : i32
    %c0_i32_1 = arith.constant 0 : i32
    return %c0_i32, %c0_i32_0 : i32, i32
  }
  func.func @transform_5(%arg0: i32) -> (i32, i32) {
    %c0_i32 = arith.constant 0 : i32
    %c0_i32_0 = arith.constant 0 : i32
    return %arg0, %c0_i32 : i32, i32
  }
}

module attributes {stable_mosaic.version = 14 : i64} {
  func.func @_tc3_body(%arg0: i32, %arg1: memref<2x2000x128xf32, #tpu.memory_space<vmem>>, %arg2: memref<2000x128xf32, #tpu.memory_space<vmem>>, %arg3: memref<2000x1xf32, #tpu.memory_space<vmem>>, %arg4: memref<1x128xf32, #tpu.memory_space<vmem>>, %arg5: memref<2000x128xf32, #tpu.memory_space<vmem>>) attributes {dimension_semantics = [#tpu.dimension_semantics<arbitrary>], iteration_bounds = array<i64: 5>, scalar_prefetch = 0 : i64, scratch_operands = 0 : i64, tpu.core_type = #tpu.core_type<tc>, window_params = [{transform_indices = @transform_0, window_bounds = array<i64: 2, 2000, 128>}, {transform_indices = @transform_1, window_bounds = array<i64: 2000, 128>}, {transform_indices = @transform_2, window_bounds = array<i64: 2000, 1>}, {pipeline_mode = #tpu.pipeline_mode<synchronous>, transform_indices = @transform_3, window_bounds = array<i64: 1, 128>}, {transform_indices = @transform_4, window_bounds = array<i64: 2000, 128>}]} {
    %get3A = arith.constant 0 : index
    %get3A_0 = arith.constant 0 : index
    %get3A_1 = vector.load %arg3[%get3A, %get3A_0] : memref<2000x1xf32, #tpu.memory_space<vmem>>, vector<2000x1xf32>
    %get3A_2 = arith.constant 0 : index
    %get3A_3 = arith.constant 0 : index
    %get3A_4 = arith.constant 0 : index
    %get3A_5 = vector.load %arg1[%get3A_2, %get3A_3, %get3A_4] : memref<2x2000x128xf32, #tpu.memory_space<vmem>>, vector<1x2000x128xf32>
    %get3A_6 = vector.shape_cast %get3A_5 : vector<1x2000x128xf32> to vector<2000x128xf32>
    %get3A_7 = arith.constant 1 : index
    %get3A_8 = arith.constant 0 : index
    %get3A_9 = arith.constant 0 : index
    %get3A_10 = vector.load %arg1[%get3A_7, %get3A_8, %get3A_9] : memref<2x2000x128xf32, #tpu.memory_space<vmem>>, vector<1x2000x128xf32>
    %get3A_11 = vector.shape_cast %get3A_10 : vector<1x2000x128xf32> to vector<2000x128xf32>
    %add3A = arith.addf %get3A_6, %get3A_11 : vector<2000x128xf32>
    %get3A_12 = arith.constant 0 : index
    %get3A_13 = arith.constant 0 : index
    %get3A_14 = vector.load %arg2[%get3A_12, %get3A_13] : memref<2000x128xf32, #tpu.memory_space<vmem>>, vector<2000x128xf32>
    %add3A_15 = arith.addf %add3A, %get3A_14 : vector<2000x128xf32>
    %mul3A = vector.broadcast %get3A_1 : vector<2000x1xf32> to vector<2000x128xf32>
    %mul3A_16 = arith.mulf %mul3A, %add3A_15 : vector<2000x128xf32>
    %get3A_17 = arith.constant 0 : index
    %get3A_18 = arith.constant 0 : index
    %get3A_19 = vector.load %arg4[%get3A_17, %get3A_18] : memref<1x128xf32, #tpu.memory_space<vmem>>, vector<1x128xf32>
    %add3A_20 = vector.broadcast %get3A_19 : vector<1x128xf32> to vector<2000x128xf32>
    %add3A_21 = arith.addf %mul3A_16, %add3A_20 : vector<2000x128xf32>
    %swap3A = arith.constant 0 : index
    %swap3A_22 = arith.constant 0 : index
    %swap3A_23 = vector.load %arg5[%swap3A, %swap3A_22] : memref<2000x128xf32, #tpu.memory_space<vmem>>, vector<2000x128xf32>
    tpu.vector_store %arg5[%swap3A, %swap3A_22], %add3A_21 {strides = array<i32>} : memref<2000x128xf32, #tpu.memory_space<vmem>>, vector<2000x128xf32>,
    return
  }
  func.func @transform_0(%arg0: i32) -> (i32, i32, i32) {
    %c0_i32 = arith.constant 0 : i32
    %c0_i32_0 = arith.constant 0 : i32
    %c0_i32_1 = arith.constant 0 : i32
    return %c0_i32, %arg0, %c0_i32_0 : i32, i32, i32
  }
  func.func @transform_1(%arg0: i32) -> (i32, i32) {
    %c0_i32 = arith.constant 0 : i32
    %c0_i32_0 = arith.constant 0 : i32
    return %arg0, %c0_i32 : i32, i32
  }
  func.func @transform_2(%arg0: i32) -> (i32, i32) {
    %c0_i32 = arith.constant 0 : i32
    %c0_i32_0 = arith.constant 0 : i32
    return %arg0, %c0_i32 : i32, i32
  }
  func.func @transform_3(%arg0: i32) -> (i32, i32) {
    %c0_i32 = arith.constant 0 : i32
    %c0_i32_0 = arith.constant 0 : i32
    %c0_i32_1 = arith.constant 0 : i32
    return %c0_i32, %c0_i32_0 : i32, i32
  }
  func.func @transform_4(%arg0: i32) -> (i32, i32) {
    %c0_i32 = arith.constant 0 : i32
    %c0_i32_0 = arith.constant 0 : i32
    return %arg0, %c0_i32 : i32, i32
  }
}

</mosaic_0001>

<sc_bundles>
// kernel: kernel.12.cloned.1.call-start
scs
__scs_entry_jumppad:
0x0: {  	(pc) =	sbr.rel $0x88, $3  }
0x1: {  	(tag) =	ssettag $0x0;
	lr =	simm.s32 $0x1  }
0x2: {  	[smem:$0x3F9A] =	sst lr;
	_ =	strace $0xD0000000  }
0x3: {  	_ = 	snop  }
0x4: {  	_ = 	snop  }
0x5: {  	_ = 	snop  }
0x6: {  	_ = 	snop  }
0x7: {  	_ = 	snop  }
__scs_overlays_trampoline_lowered:
0x8: {  	[smem:$0x3FA9] =	sst s0  }
0x9: {  	[smem:$0x3FAA] =	sst s1  }
0xa: {  	[smem:$0x3FAB] =	sst s2  }
0xb: {  	[smem:$0x3FAC] =	sst s3  }
0xc: {  	[smem:$0x3FAD] =	sst s4  }
0xd: {  	[smem:$0x3FAE] =	sst s5  }
0xe: {  	[smem:$0x3FAF] =	sst s6  }
0xf: {  	[smem:$0x3FB0] =	sst s7  }
0x10: {  	[smem:$0x3FB1] =	sst s8  }
0x11: {  	[smem:$0x3FB2] =	sst s9;
	s0 =	simm.s32 @!p0 $0x0  }
0x12: {  	s1 =	sld [smem:$0x3F98];
	s0 =	simm.s32 @p0 $0x1  }
0x13: {  	[smem:$0x3FB3] =	sst s0;
	s0 =	simm.s32 @!p1 $0x0  }
0x14: {  	s2 =	sld [smem:$0x3F97];
	s0 =	simm.s32 @p1 $0x1  }
0x15: {  	[smem:$0x3FB4] =	sst s0;
	s0 =	simm.s32 @!p2 $0x0  }
0x16: {  	s3 =	sld [smem:$0x3FDB];
	s0 =	simm.s32 @p2 $0x1  }
0x17: {  	s4 =	simm.s32 $0x1BF5;
	[smem:$0x3FB6] =	sst s0  }
0x18: {  	s0 =	sld [smem:$0x3F99];
	_ =	swait.ge [sflag:s4], $0x0  }
0x19: {  	s7 =	sld [smem:$0x3F9A]  }
0x1a: {  	s8 =	sadd.s32 $0xFFFFE003, lr  }
0x1b: {  	s9 =	sadd.s32 $0xFFFFFEF7, lr;
	s5 =	simm.s32 $0xFFFFFFFF;
	p2 =	slt.u32 s8, $0xFFFFF086  }
0x1c: {  	p1 =	slt.u32 s9, $0xF7A;
	s5 =	simm.s32 @!p2 $0x0  }
0x1d: {  	s5 =	simm.s32 @p1 $0x1;
	p0 =	seq.s32 s7, s2  }
0x1e: {  	s7 =	smul.u32 @!p0 $0xF7A, s2;
	p2 =	seq.s32 @!p0 s5, $0x0  }
0x1f: {  	s9 =	smul.u32 $0xF7A, s1;
	s8 =	simm.s32 @!p0 $0x1BF5;
	p2 =	por !p2, p0  }
0x20: {  	[sflag:s8] =	ssyncset.s32 @!p0 $0xFFFFF086;
	s6 =	sadd.s32 @!p0 s3, s7;
	s7 =	simm.s32 @!p0 $0x108  }
0x21: {  	s3 =	sadd.s32 s3, s9;
	s6 =	sadd.s32 @!p0 $0x88, s6;
	s7 =	simm.s32 @p2 $0x1082  }
0x22: {  	[simem:s7], [sflag:s8] =	dma.local @!p0 [hbm:s6], $0xF7A  }
0x23: {  	s9 =	sor.u32 $0xD0000000, s2;
	s6 =	simm.s32 $0x108;
	_ =	swait.ge @!p0 [sflag:s8], $0x0  }
0x24: {  	s3 =	sadd.s32 $0x88, s3;
	s6 =	simm.s32 @!p1 $0x1082;
	[sflag:s4] =	ssyncset.s32 $0xFFFFF086  }
0x25: {  	[simem:s6], [sflag:s4] =	dma.local [hbm:s3], $0xF7A  }
0x26: {  	[smem:$0x3F9A] =	sst s1;
	(tag) =	ssettag s2;
	_ =	strace s9  }
0x27: {  	s1 =	sld [smem:$0x3FAA]  }
0x28: {  	s2 =	sld [smem:$0x3FAB]  }
0x29: {  	s4 =	sld [smem:$0x3FAD]  }
0x2a: {  	p0 =	seq.s32 s5, $0x0;
	s5 =	sld [smem:$0x3FAE]  }
0x2b: {  	s6 =	sld [smem:$0x3FAF]  }
0x2c: {  	s7 =	sld [smem:$0x3FB0]  }
0x2d: {  	s3 =	simm.s32 $0x108;
	s8 =	sld [smem:$0x3FB1]  }
0x2e: {  	s3 =	simm.s32 @!p0 $0x1082;
	s9 =	sld [smem:$0x3FB2]  }
0x2f: {  	lr =	sadd.s32 s0, s3;
	s0 =	sld [smem:$0x3FA9]  }
0x30: {  	s3 =	sld [smem:$0x3FAC]  }
0x31: {  	[smem:$0x3FB5] =	sst s10  }
0x32: {  	s10 =	sld [smem:$0x3FB3];
	_ =	sdelay $0x3  }
0x33: {  	p0 =	seq.s32 s10, $0x1;
	s10 =	sld [smem:$0x3FB5];
	_ =	sdelay $0x3  }
0x34: {  	[smem:$0x3FB5] =	sst s10  }
0x35: {  	s10 =	sld [smem:$0x3FB4];
	_ =	sdelay $0x3  }
0x36: {  	p1 =	seq.s32 s10, $0x1;
	s10 =	sld [smem:$0x3FB5];
	_ =	sdelay $0x3  }
0x37: {  	[smem:$0x3FB5] =	sst s10  }
0x38: {  	s10 =	sld [smem:$0x3FB6]  }
0x39: {  	_ = 	snop;
	(pc) =	sbr.ind lr, $3  }
0x3a: {  	_ = 	snop  }
0x3b: {  	_ = 	snop  }
0x3c: {  	p2 =	seq.s32 s10, $0x1;
	s10 =	sld [smem:$0x3FB5]  }
0x3d: {  	_ =	shalt  }
0x3e: {  	_ =	shalt  }
0x3f: {  	_ =	shalt  }
0x40: {  	_ =	shalt  }
0x41: {  	_ =	shalt  }
0x42: {  	_ =	shalt  }
0x43: {  	_ =	shalt  }
0x44: {  	_ =	shalt  }
0x45: {  	_ =	shalt  }
0x46: {  	_ =	shalt  }
0x47: {  	_ =	shalt  }
0x48: {  	_ =	shalt  }
0x49: {  	_ =	shalt  }
0x4a: {  	_ =	shalt  }
0x4b: {  	_ =	shalt  }
0x4c: {  	_ =	shalt  }
0x4d: {  	_ =	shalt  }
0x4e: {  	_ =	shalt  }
0x4f: {  	_ =	shalt  }
0x50: {  	_ =	shalt  }
0x51: {  	_ =	shalt  }
0x52: {  	_ =	shalt  }
0x53: {  	_ =	shalt  }
0x54: {  	_ =	shalt  }
0x55: {  	_ =	shalt  }
0x56: {  	_ =	shalt  }
0x57: {  	_ =	shalt  }
0x58: {  	_ =	shalt  }
0x59: {  	_ =	shalt  }
0x5a: {  	_ =	shalt  }
0x5b: {  	_ =	shalt  }
0x5c: {  	_ =	shalt  }
0x5d: {  	_ =	shalt  }
0x5e: {  	_ =	shalt  }
0x5f: {  	_ =	shalt  }
0x60: {  	_ =	shalt  }
0x61: {  	_ =	shalt  }
0x62: {  	_ =	shalt  }
0x63: {  	_ =	shalt  }
0x64: {  	_ =	shalt  }
0x65: {  	_ =	shalt  }
0x66: {  	_ =	shalt  }
0x67: {  	_ =	shalt  }
0x68: {  	_ =	shalt  }
0x69: {  	_ =	shalt  }
0x6a: {  	_ =	shalt  }
0x6b: {  	_ =	shalt  }
0x6c: {  	_ =	shalt  }
0x6d: {  	_ =	shalt  }
0x6e: {  	_ =	shalt  }
0x6f: {  	_ =	shalt  }
0x70: {  	_ =	shalt  }
0x71: {  	_ =	shalt  }
0x72: {  	_ =	shalt  }
0x73: {  	_ =	shalt  }
0x74: {  	_ =	shalt  }
0x75: {  	_ =	shalt  }
0x76: {  	_ =	shalt  }
0x77: {  	_ =	shalt  }
0x78: {  	_ =	shalt  }
0x79: {  	_ =	shalt  }
0x7a: {  	_ =	shalt  }
0x7b: {  	_ =	shalt  }
0x7c: {  	_ =	shalt  }
0x7d: {  	_ =	shalt  }
0x7e: {  	_ =	shalt  }
0x7f: {  	_ =	shalt  }
0x80: {  	_ =	shalt  }
0x81: {  	_ =	shalt  }
0x82: {  	_ =	shalt  }
0x83: {  	_ =	shalt  }
0x84: {  	_ =	shalt  }
0x85: {  	_ =	shalt  }
0x86: {  	_ =	shalt  }
0x87: {  	_ =	shalt  }
.Lfunc_end0:
.L_simem_size_0:
called_computation.1_lowered:
.L_overlay_start_0:
0x88: {  	s2 =	sld [smem:$0x3FD9]  }
0x89: {  	s3 =	sld [smem:$0x3FFE];
	_ =	sdelay $0x1  }
0x8a: {  	s1 =	srdreg.scid  }
0x8b: {  	s0 =	sand.u32 $0x1, s1  }
0x8c: {  	s17 =	sshll.u32 s0, $0xA;
	s2 =	sadd.s32 s3, s2  }
0x8d: {  	s2 =	sadd.s32 s2, s17  }
0x8e: {  	[smem:$0x3FC1] =	sst s2  }
0x8f: {  	_ = 	snop  }
0x90: {  	s2 =	sld [smem:$0x3FD0];
	(tm) =	ssettm $0x1  }
0x91: {  	s18 =	sld [smem:$0x3FFB];
	_ =	sdelay $0x3  }
0x92: {  	_ =	strace s18  }
0x93: {  	s3 =	sld [smem:$0x3FFC];
	_ =	sdelay $0x3  }
0x94: {  	_ =	strace s3  }
0x95: {  	s3 =	sld [smem:$0x3FFD];
	_ =	sdelay $0x3  }
0x96: {  	_ =	strace s3  }
0x97: {  	_ =	strace $0x8FFFFFFF  }
0x98: {  	s19 =	sld [smem:$0x3FDB];
	_ =	sdelay $0x1  }
0x99: {  	s4 =	simm.s32 $_scs_section_size  }
0x9a: {  	s5 =	simm.s32 $_size__tile_overlayer_lowered;
	s6 =	simm.s32 $_tile_overlayer_lowered  }
0x9b: {  	s22 =	simm.s32 $0x1BFF;
	s21 =	sshll.u32 s6, $0x1;
	s3 =	sadd.s32 s4, s19  }
0x9c: {  	s7 =	simm.s32 $0x0;
	s20 =	sshll.u32 s5, $0x1;
	s5 =	sadd.s32 s21, s3  }
0x9d: {  	[timem:s7], [sflag:s22] =	dma.local [hbm:s5], s20  }
0x9e: {  	_ =	swait.ge [sflag:s22], s20  }
0x9f: {  	s4 =	ssub.s32 $0x0, s20;
	[sflag:s22] =	ssyncset.done $0x0  }
0xa0: {  	[sflag:s22] =	ssyncadd.s32 s4;
	_ =	sdelay $0x1  }
0xa1: {  	s23 =	simm.s32 $0x1B8B  }
0xa2: {  	_ =	swait.ge [sflag:s23], $0x1  }
0xa3: {  	[sflag:s23] =	ssyncset.done $0x0  }
0xa4: {  	s25 =	simm.s32 $0x1B8E;
	s24 =	sld [smem:$0x3FFE];
	[sflag:s23] =	ssyncadd.s32 $0xFFFFFFFF  }
0xa5: {  	s26 =	simm.s32 $execute0_lowered;
	[smem:$0x3FD2] =	sst s25  }
0xa6: {  	s5 =	sshll.u32 s26, $0x1;
	_ =	strace $0x80000049;
	[dreg:$0x1] =	wrdreg $0xFFFFFFFF  }
0xa7: {  	s28 =	simm.s32 $_size_execute0_lowered;
	s3 =	sadd.s32 s3, s5;
	[dreg:$0x0] =	wrdreg $0x0  }
0xa8: {  	s5 =	sshll.u32 s28, $0x1;
	[dreg:$0x2] =	wrdreg s3  }
0xa9: {  	[dreg:$0x3] =	wrdreg s5  }
0xaa: {  	[dreg:$0x4] =	wrdreg $0xC0  }
0xab: {  	_ =	task [dreg:s7], $0x5FFFF  }
0xac: {  	[dreg:$0x1] =	wrdreg $0xFFFFFFFF  }
0xad: {  	[dreg:$0x0] =	wrdreg $0x60  }
0xae: {  	[dreg:$0x2] =	wrdreg s2  }
0xaf: {  	[dreg:$0x3] =	wrdreg s24  }
0xb0: {  	[dreg:$0x4] =	wrdreg $0xA8000  }
0xb1: {  	[dreg:$0x5] =	wrdreg $0x9  }
0xb2: {  	_ =	task.clear_ibuf [dreg:s7], $0x6FFFF;
	_ =	strace $0x90000049  }
0xb3: {  	s29 =	simm.s32 $0x9;
	_ =	strace $0x8000004B  }
0xb4: {  	_ =	swait.ge [sflag:s29], $0x1  }
0xb5: {  	[sflag:s29] =	ssyncadd.s32 $0xFFFFFFFF  }
0xb6: {  	_ =	strace $0x9000004B  }
0xb7: {  	_ =	sfence  }
0xb8: {  	s30 =	sld [smem:$0x0];
	_ =	sdelay $0x2  }
0xb9: {  	s31 =	sshll.u32 s1, $0xD;
	s1 =	sshrl.u32 s1, $0x2  }
0xba: {  	s3 =	sand.u32 $0x4000, s31;
	s1 =	sadd.s32 s1, s30  }
0xbb: {  	s0 =	sor.u32 s3, s0;
	s1 =	sshll.u32 s1, $0x11  }
0xbc: {  	s0 =	sor.u32 s1, s0  }
0xbd: {  	s0 =	sadd.s32 $0x8F2B, s0  }
0xbe: {  	[sflag:s0] =	ssyncadd.remote.s32 $0x1  }
0xbf: {  	_ =	sfence.sel $0xFFFF  }
0xc0: {  	[dreg:$0x0] =	wrdreg $0xFFFFFFFF;
	(pc) =	sbr.abs _section_cstart, $3  }
0xc1: {  	[dreg:$0x1] =	wrdreg $0xFFFFFFFF  }
0xc2: {  	_ =	task.clear_ibuf [dreg:s7], $0x2FFFF;
	_ =	strace $0x9FFFFFFF  }
0xc3: {  	(tm) =	ssettm $0x7FFFFFFF  }
tec
execute0_lowered:
.L_overlay_start_1:
0x0: {  	(tag) =	ssettag $0x1  }
0x1: {  	s2 =	rddreg [dreg:$0x0]  }
0x2: {  	s0 =	rddreg [dreg:$0x1]  }
0x3: {  	s3 =	rddreg [dreg:$0x2];
	s16 =	stileid.u32  }
0x4: {  	s1 =	srdreg.scid;
	s4 =	simm.s32 $0x0;
	s28 =	simm.s32 $0xA  }
0x5: {  	s29 =	simm.s32 $0x1;
	s30 =	simm.s32 $0x50;
	s31 =	simm.s32 $0x800  }
0x6: {  	s7 =	smul.u32 $0x13C00, s16;
	s1 =	sand.u32 $0x1, s1;
	[smem:$0x7FF] =	sst s4  }
0x7: {  	s5 =	sadd.s32 $0xC000, s0;
	s6 =	sadd.s32 $0x2200, s0;
	s15 =	smul.u32 $0x4F000, s16  }
0x8: {  	s23 =	sshll.u32 s16, $0x6;
	s8 =	smul.u32 $0x13C000, s1;
	s9 =	sshll.u32 s1, $0x4  }
0x9: {  	_ =	strace $0x8000004A;
	s1 =	ssub.s32 $0x2, s1;
	s9 =	sor.u32 s16, s9  }
0xa: {  	s10 =	sshrl.u32 s7, $0x3;
	s24 =	sshrl.u32 s1, $0x1;
	s21 =	sshrl.u32 s15, $0x2  }
0xb: {  	s15 =	simm.s32 $0x2;
	s16 =	simm.s32 $0x3;
	s8 =	sadd.s32 s7, s8  }
0xc: {  	s7 =	smul.u32 $0x2710, s9;
	s9 =	sadd.s32 s10, s0;
	s1 =	ssub.s32 s1, s24  }
0xd: {  	s22 =	sadd.s32 s21, s3;
	s21 =	simm.s32 $0x400;
	s8 =	sshrl.u32 s8, $0x3  }
0xe: {  	[dreg:$0xc] =	wrdreg s22;
	s9 =	sadd.s32 $0x15E00, s9;
	s22 =	simm.s32 $0x0  }
0xf: {  	s0 =	sadd.s32 s8, s0;
	s11 =	sshrl.u32 s7, $0x3;
	s8 =	sadd.s32 $0x50, s7  }
0x10: {  	s13 =	sadd.s32 $0xF0, s7;
	[dreg:$0xd] =	wrdreg s9;
	s25 =	sadd.s32 s5, s11  }
0x11: {  	s26 =	sshrl.u32 s8, $0x3;
	s12 =	sadd.s32 s6, s11;
	[dreg:$0x4] =	wrdreg s25  }
0x12: {  	s19 =	sshrl.u32 s13, $0x3;
	s0 =	sadd.s32 $0x3D600, s0;
	[dreg:$0x5] =	wrdreg s12  }
0x13: {  	s24 =	sadd.s32 $0x4D8, s11;
	s17 =	sadd.s32 s5, s26;
	[dreg:$0x11] =	wrdreg s0  }
0x14: {  	s11 =	simm.s32 $0x9;
	s10 =	sadd.s32 s6, s26;
	[dreg:$0x6] =	wrdreg s17  }
0x15: {  	s12 =	sadd.s32 $0xA0, s7;
	s20 =	sadd.s32 s5, s19;
	[dreg:$0x7] =	wrdreg s10  }
0x16: {  	s25 =	sadd.s32 s5, s24;
	s9 =	sadd.s32 s6, s24;
	[dreg:$0xa] =	wrdreg s20  }
0x17: {  	s26 =	smax.u32 s1, $0x1;
	s0 =	simm.s32 $0x7;
	[dreg:$0xf] =	wrdreg s25  }
0x18: {  	s1 =	simm.s32 $0x3000;
	s14 =	sshrl.u32 s12, $0x3;
	[dreg:$0x10] =	wrdreg s9  }
.Ltmp0:
0x19: {  	s10 =	sadd.s32 s6, s19;
	[dreg:$0x12] =	wrdreg s26;
	(pc) =	sbr.rel .LBB2_1-.Ltmp0, $4  }
0x1a: {  	s20 =	sor.u32 $0x1C0A, s23;
	s9 =	simm.s32 $0x8;
	[dreg:$0xb] =	wrdreg s10  }
0x1b: {  	s17 =	simm.s32 $0x4;
	s18 =	sadd.s32 s5, s14;
	[dreg:$0xe] =	wrdreg s20  }
0x1c: {  	s14 =	sadd.s32 s6, s14;
	s10 =	simm.s32 $0x5800;
	[dreg:$0x8] =	wrdreg s18  }
0x1d: {  	[dreg:$0x9] =	wrdreg s14;
	s14 =	simm.s32 $0x8000;
	s18 =	simm.s32 $0x5  }
.LBB2_6:
0x1e: {  	s19 =	simm.s32 $0x6  }
0x1f: {  	_ =	swait.ge [sflag:s19], $0x2800  }
0x20: {  	[sflag:s19] =	ssyncset.done $0x0  }
0x21: {  	[sflag:s19] =	ssyncadd.s32 $0xFFFFD800  }
0x22: {  	_ =	swait.ge [sflag:s0], $0x2800  }
0x23: {  	[sflag:s0] =	ssyncset.done $0x0  }
0x24: {  	[sflag:s0] =	ssyncadd.s32 $0xFFFFD800  }
0x25: {  	_ =	swait.ge [sflag:s9], $0x2800  }
0x26: {  	[sflag:s9] =	ssyncset.done $0x0  }
0x27: {  	[sflag:s9] =	ssyncadd.s32 $0xFFFFD800  }
0x28: {  	_ =	swait.ge [sflag:s11], $0x2800  }
0x29: {  	[sflag:s11] =	ssyncset.done $0x0  }
0x2a: {  	s22 =	rddreg [dreg:$0xf];
	[sflag:s11] =	ssyncadd.s32 $0xFFFFD800  }
0x2b: {  	[tilespmem:s4], [sflag:$0xA] =	stream.linear.gather [hbm4b:s22+s4], $0x50, $0x38;
	[tilespmem:$0x1E400] =	vst v63  }
0x2c: {  	_ =	swait.ge [sflag:s28], $0x50  }
0x2d: {  	[sflag:s28] =	ssyncset.done $0x0  }
0x2e: {  	s21 =	simm.s32 $0x400;
	s23 =	rddreg [dreg:$0x10];
	[sflag:s28] =	ssyncadd.s32 $0xFFFFFFB0  }
0x2f: {  	[tilespmem:s21], [sflag:$0xA] =	stream.linear.gather [hbm4b:s23+s4], $0x50, $0x38;
	[tilespmem:$0x1E400] =	vst v63  }
0x30: {  	_ =	swait.ge [sflag:s28], $0x50  }
0x31: {  	[sflag:s28] =	ssyncset.done $0x0  }
0x32: {  	[sflag:s28] =	ssyncadd.s32 $0xFFFFFFB0  }
0x33: {  	v0 =	vld [tilespmem:$0x0]  }
0x34: {  	v1 =	vld [tilespmem:$0x400]  }
0x35: {  	v2 =	vld [tilespmem:$0x10]  }
0x36: {  	v3 =	vld [tilespmem:$0x410]  }
0x37: {  	v4 =	vld [tilespmem:$0x20]  }
0x38: {  	v5 =	vld [tilespmem:$0x420]  }
0x39: {  	v6 =	vld [tilespmem:$0x30]  }
0x3a: {  	v7 =	vld [tilespmem:$0x430]  }
0x3b: {  	v8 =	vld [tilespmem:$0x40]  }
0x3c: {  	v9 =	vld [tilespmem:$0x440]  }
0x3d: {  	vm0 =	veq.s32 v0, v1  }
0x3e: {  	vm12 =	veq.s32 v2, v3;
	v0 =	vsel vm0, $0x2710, v1  }
0x3f: {  	vm13 =	veq.s32 v4, v5;
	v60 =	vsel vm12, $0x2710, v3;
	[tilespmem:$0x400] =	vst v0  }
0x40: {  	vm14 =	veq.s32 v6, v7;
	v61 =	vsel vm13, $0x2710, v5;
	[tilespmem:$0x410] =	vst v60  }
0x41: {  	vm15 =	veq.s32 v8, v9;
	v62 =	vsel vm14, $0x2710, v7;
	[tilespmem:$0x420] =	vst v61  }
0x42: {  	v63 =	vsel vm15, $0x2710, v9;
	[tilespmem:$0x430] =	vst v62  }
0x43: {  	[tilespmem:$0x440] =	vst v63  }
0x44: {  	[tilespmem:s31], [sflag:$0x2] =	stream.indirect.gather [hbm4b:s2+s30], $0x80, s4, s30, $0xb8;
	[tilespmem:$0x1E400] =	vst v63  }
0x45: {  	_ =	swait.ge [sflag:s15], $0x2800  }
0x46: {  	[sflag:s15] =	ssyncset.done $0x0  }
0x47: {  	[sflag:s15] =	ssyncadd.s32 $0xFFFFD800  }
0x48: {  	[spmem:s3] =	stream.indirect.scatter.add.f32 [tilespmem:s31], [sflag:$0xA], $0x80, s21, s30, $0xb8;
	[tilespmem:$0x1E400] =	vst v63  }
0x49: {  	_ =	swait.ge [sflag:s28], $0x2800  }
0x4a: {  	[sflag:s28] =	ssyncset.done $0x0  }
0x4b: {  	[sflag:s28] =	ssyncadd.s32 $0xFFFFD800  }
0x4c: {  	[bflag:$0x0] =	sbarrier.arrive $0xFFFF  }
0x4d: {  	s20 =	rddreg [dreg:$0xe]  }
0x4e: {  	s24 =	rddreg [dreg:$0x11]  }
0x4f: {  	s22 =	rddreg [dreg:$0x14]  }
0x50: {  	[hbm:s24], [sflag:s20] =	dma.local [spmem:s22], $0x2780  }
0x51: {  	_ =	swait.ge [sflag:s28], $0x2780  }
0x52: {  	s25 =	rddreg [dreg:$0x13]  }
0x53: {  	s26 =	rddreg [dreg:$0x12];
	s22 =	sadd.s32 $0x1, s25  }
0x54: {  	p0 =	sne.s32 s22, s26  }
.Ltmp1:
0x55: {  	_ = 	snop;
	(pc) =	sbr.rel @!p0 .LBB2_7-.Ltmp1, $3  }
0x56: {  	_ =	sdelay $0x1  }
0x57: {  	[sflag:s28] =	ssyncset.done $0x0  }
0x58: {  	[sflag:s28] =	ssyncadd.s32 $0xFFFFD880  }
.LBB2_1:
0x59: {  	[dreg:$0x13] =	wrdreg s22  }
0x5a: {  	s19 =	rddreg [dreg:$0x4]  }
0x5b: {  	s22 =	rddreg [dreg:$0x5]  }
0x5c: {  	s23 =	rddreg [dreg:$0x6]  }
0x5d: {  	[tilespmem:s4], [sflag:$0x1] =	stream.linear.gather [hbm4b:s19+s4], $0x50, $0x38;
	[tilespmem:$0x1E400] =	vst v63  }
0x5e: {  	s25 =	rddreg [dreg:$0x7]  }
0x5f: {  	[tilespmem:s21], [sflag:$0x1] =	stream.linear.gather [hbm4b:s22+s4], $0x50, $0x38;
	[tilespmem:$0x1E400] =	vst v63  }
0x60: {  	s24 =	simm.s32 $0x80;
	s21 =	rddreg [dreg:$0x8]  }
0x61: {  	[tilespmem:s24], [sflag:$0x1] =	stream.linear.gather [hbm4b:s23+s4], $0x50, $0x38;
	[tilespmem:$0x1E400] =	vst v63  }
0x62: {  	s26 =	simm.s32 $0x480;
	s23 =	rddreg [dreg:$0x9]  }
0x63: {  	[tilespmem:s26], [sflag:$0x1] =	stream.linear.gather [hbm4b:s25+s4], $0x50, $0x38;
	[tilespmem:$0x1E400] =	vst v63  }
0x64: {  	s22 =	simm.s32 $0x100;
	s25 =	rddreg [dreg:$0xa]  }
0x65: {  	[tilespmem:s22], [sflag:$0x1] =	stream.linear.gather [hbm4b:s21+s4], $0x50, $0x38;
	[tilespmem:$0x1E400] =	vst v63  }
0x66: {  	s24 =	simm.s32 $0x500;
	s22 =	rddreg [dreg:$0xb]  }
0x67: {  	[tilespmem:s24], [sflag:$0x1] =	stream.linear.gather [hbm4b:s23+s4], $0x50, $0x38;
	[tilespmem:$0x1E400] =	vst v63  }
0x68: {  	s26 =	simm.s32 $0x180;
	s24 =	rddreg [dreg:$0xc]  }
0x69: {  	[tilespmem:s26], [sflag:$0x1] =	stream.linear.gather [hbm4b:s25+s4], $0x50, $0x38;
	[tilespmem:$0x1E400] =	vst v63  }
0x6a: {  	s25 =	sshrl.u32 s24, $0x3;
	s26 =	rddreg [dreg:$0xd]  }
0x6b: {  	s23 =	simm.s32 $0x580;
	[dreg:$0x14] =	wrdreg s25  }
0x6c: {  	[tilespmem:s23], [sflag:$0x1] =	stream.linear.gather [hbm4b:s22+s4], $0x50, $0x38;
	[tilespmem:$0x1E400] =	vst v63  }
0x6d: {  	[spmem:s25], [sflag:s20] =	dma.local [hbm:s26], $0x2780  }
.Ltmp2:
0x6e: {  	_ =	swait.ge [sflag:s28], $0x2780;
	(pc) =	sbr.rel .LBB2_2-.Ltmp2, $4  }
0x6f: {  	[sflag:s28] =	ssyncset.done $0x0  }
0x70: {  	[sflag:s28] =	ssyncadd.s32 $0xFFFFD880  }
0x71: {  	[bflag:$0x0] =	sbarrier.arrive $0xFFFF  }
0x72: {  	s23 =	simm.s32 $0x0  }
.LBB2_4:
0x73: {  	s23 =	sadd.s32 @!p0 $0x1, s23  }
0x74: {  	s23 =	simm.s32 @p0 $0x1  }
0x75: {  	s19 =	smul.u32 $0x140, s23;
	_ =	sdelay $0x1  }
0x76: {  	s21 =	sadd.s32 s7, s19  }
0x77: {  	s21 =	sshrl.u32 s21, $0x3  }
0x78: {  	s22 =	sxor.u32 $0x200, s24;
	s20 =	sadd.s32 s5, s21  }
0x79: {  	[tilespmem:s22], [sflag:$0x1] =	stream.linear.gather [hbm4b:s20+s4], $0x50, $0x38;
	[tilespmem:$0x1E400] =	vst v63  }
0x7a: {  	s21 =	sadd.s32 s6, s21;
	s22 =	sor.u32 $0x400, s22  }
0x7b: {  	[tilespmem:s22], [sflag:$0x1] =	stream.linear.gather [hbm4b:s21+s4], $0x50, $0x38;
	[tilespmem:$0x1E400] =	vst v63  }
0x7c: {  	s20 =	simm.s32 @!p0 $0x7  }
0x7d: {  	[tilespmem:s31], [sflag:$0x2] =	stream.indirect.gather [hbm4b:s2+s30], $0x80, s24, s30, $0xb8;
	[tilespmem:$0x1E400] =	vst v63  }
0x7e: {  	s22 =	sadd.s32 s19, s8;
	_ =	swait.ge @!p0 [sflag:s20], $0x2800  }
0x7f: {  	s21 =	sshrl.u32 s22, $0x3;
	[sflag:s20] =	ssyncset.done @!p0 $0x0  }
0x80: {  	s22 =	sadd.s32 s5, s21;
	[sflag:s20] =	ssyncadd.s32 @!p0 $0xFFFFD800;
	s20 =	ssub.s32 $0x280, s24  }
0x81: {  	[tilespmem:s20], [sflag:$0x1] =	stream.linear.gather [hbm4b:s22+s4], $0x50, $0x38;
	[tilespmem:$0x1E400] =	vst v63  }
0x82: {  	s21 =	sadd.s32 s6, s21;
	s22 =	ssub.s32 $0x680, s24  }
0x83: {  	[tilespmem:s22], [sflag:$0x1] =	stream.linear.gather [hbm4b:s21+s4], $0x50, $0x38;
	[tilespmem:$0x1E400] =	vst v63  }
0x84: {  	s20 =	simm.s32 @!p0 $0x8  }
0x85: {  	[tilespmem:s1], [sflag:$0x3] =	stream.indirect.gather [hbm4b:s2+s30], $0x80, s26, s30, $0xb8;
	[tilespmem:$0x1E400] =	vst v63  }
0x86: {  	s26 =	sadd.s32 s19, s12;
	_ =	swait.ge @!p0 [sflag:s20], $0x2800  }
0x87: {  	s21 =	sshrl.u32 s26, $0x3;
	[sflag:s20] =	ssyncset.done @!p0 $0x0  }
0x88: {  	s22 =	ssub.s32 $0x300, s24;
	s26 =	sadd.s32 s5, s21;
	[sflag:s20] =	ssyncadd.s32 @!p0 $0xFFFFD800  }
0x89: {  	[tilespmem:s22], [sflag:$0x1] =	stream.linear.gather [hbm4b:s26+s4], $0x50, $0x38;
	[tilespmem:$0x1E400] =	vst v63  }
0x8a: {  	s21 =	sadd.s32 s6, s21;
	s26 =	ssub.s32 $0x700, s24  }
0x8b: {  	[tilespmem:s26], [sflag:$0x1] =	stream.linear.gather [hbm4b:s21+s4], $0x50, $0x38;
	[tilespmem:$0x1E400] =	vst v63  }
0x8c: {  	s20 =	simm.s32 @!p0 $0x9  }
0x8d: {  	[tilespmem:s10], [sflag:$0x4] =	stream.indirect.gather [hbm4b:s2+s30], $0x80, s25, s30, $0xb8;
	[tilespmem:$0x1E400] =	vst v63  }
0x8e: {  	s19 =	sadd.s32 s19, s13;
	_ =	swait.ge @!p0 [sflag:s20], $0x2800  }
0x8f: {  	s19 =	sshrl.u32 s19, $0x3;
	[sflag:s20] =	ssyncset.done @!p0 $0x0  }
0x90: {  	s22 =	ssub.s32 $0x380, s24;
	s25 =	sadd.s32 s5, s19;
	[sflag:s20] =	ssyncadd.s32 @!p0 $0xFFFFD800  }
0x91: {  	[tilespmem:s22], [sflag:$0x1] =	stream.linear.gather [hbm4b:s25+s4], $0x50, $0x38;
	[tilespmem:$0x1E400] =	vst v63  }
0x92: {  	s26 =	ssub.s32 $0x780, s24;
	s19 =	sadd.s32 s6, s19  }
0x93: {  	[tilespmem:s26], [sflag:$0x1] =	stream.linear.gather [hbm4b:s19+s4], $0x50, $0x38;
	[tilespmem:$0x1E400] =	vst v63  }
.LBB2_5:
0x94: {  	s19 =	sor.u32 $0x180, s24  }
0x95: {  	[tilespmem:s14], [sflag:$0x5] =	stream.indirect.gather [hbm4b:s2+s30], $0x80, s19, s30, $0xb8;
	[tilespmem:$0x1E400] =	vst v63  }
0x96: {  	_ =	swait.ge [sflag:s15], $0x2800  }
0x97: {  	[sflag:s15] =	ssyncset.done $0x0  }
0x98: {  	s21 =	sor.u32 $0x400, s24;
	[sflag:s15] =	ssyncadd.s32 $0xFFFFD800  }
0x99: {  	[spmem:s3] =	stream.indirect.scatter.add.f32 [tilespmem:s31], [sflag:$0x6], $0x80, s21, s30, $0xb8;
	[tilespmem:$0x1E400] =	vst v63  }
0x9a: {  	_ =	swait.ge [sflag:s16], $0x2800  }
0x9b: {  	[sflag:s16] =	ssyncset.done $0x0  }
0x9c: {  	s22 =	sor.u32 $0x480, s24;
	[sflag:s16] =	ssyncadd.s32 $0xFFFFD800  }
0x9d: {  	[spmem:s3] =	stream.indirect.scatter.add.f32 [tilespmem:s1], [sflag:$0x7], $0x80, s22, s30, $0xb8;
	[tilespmem:$0x1E400] =	vst v63  }
0x9e: {  	_ =	swait.ge [sflag:s17], $0x2800  }
0x9f: {  	[sflag:s17] =	ssyncset.done $0x0  }
0xa0: {  	s25 =	sor.u32 $0x500, s24;
	p0 =	slt.u32 s23, $0x1F;
	[sflag:s17] =	ssyncadd.s32 $0xFFFFD800  }
0xa1: {  	[spmem:s3] =	stream.indirect.scatter.add.f32 [tilespmem:s10], [sflag:$0x8], $0x80, s25, s30, $0xb8;
	[tilespmem:$0x1E400] =	vst v63  }
.Ltmp3:
0xa2: {  	_ = 	snop;
	(pc) =	sbr.rel @!p0 .LBB2_6-.Ltmp3, $4  }
0xa3: {  	_ =	swait.ge [sflag:s18], $0x2800  }
0xa4: {  	[sflag:s18] =	ssyncset.done $0x0  }
0xa5: {  	s26 =	sor.u32 $0x580, s24;
	[sflag:s18] =	ssyncadd.s32 $0xFFFFD800  }
0xa6: {  	[spmem:s3] =	stream.indirect.scatter.add.f32 [tilespmem:s14], [sflag:$0x9], $0x80, s26, s30, $0xb8;
	[tilespmem:$0x1E400] =	vst v63  }
.LBB2_2:
0xa7: {  	_ =	swait.ge [sflag:s29], $0x50  }
0xa8: {  	[sflag:s29] =	ssyncset.done $0x0  }
0xa9: {  	[sflag:s29] =	ssyncadd.s32 $0xFFFFFFB0  }
0xaa: {  	_ =	swait.ge [sflag:s29], $0x50  }
0xab: {  	[sflag:s29] =	ssyncset.done $0x0  }
0xac: {  	[sflag:s29] =	ssyncadd.s32 $0xFFFFFFB0  }
0xad: {  	_ =	swait.ge [sflag:s29], $0x50  }
0xae: {  	[sflag:s29] =	ssyncset.done $0x0  }
0xaf: {  	[sflag:s29] =	ssyncadd.s32 $0xFFFFFFB0  }
0xb0: {  	_ =	swait.ge [sflag:s29], $0x50  }
0xb1: {  	[sflag:s29] =	ssyncset.done $0x0  }
0xb2: {  	[sflag:s29] =	ssyncadd.s32 $0xFFFFFFB0  }
0xb3: {  	_ =	swait.ge [sflag:s29], $0x50  }
0xb4: {  	[sflag:s29] =	ssyncset.done $0x0  }
0xb5: {  	[sflag:s29] =	ssyncadd.s32 $0xFFFFFFB0  }
0xb6: {  	_ =	swait.ge [sflag:s29], $0x50  }
0xb7: {  	[sflag:s29] =	ssyncset.done $0x0  }
0xb8: {  	[sflag:s29] =	ssyncadd.s32 $0xFFFFFFB0  }
0xb9: {  	_ =	swait.ge [sflag:s29], $0x50  }
0xba: {  	[sflag:s29] =	ssyncset.done $0x0  }
0xbb: {  	[sflag:s29] =	ssyncadd.s32 $0xFFFFFFB0  }
0xbc: {  	_ =	swait.ge [sflag:s29], $0x50  }
0xbd: {  	s24 =	sshll.u32 s23, $0x9;
	[sflag:s29] =	ssyncset.done $0x0  }
0xbe: {  	s24 =	sand.u32 $0x200, s24;
	[sflag:s29] =	ssyncadd.s32 $0xFFFFFFB0  }
0xbf: {  	v0 =	vld [tilespmem:s24+$0x0]  }
0xc0: {  	v1 =	vld [tilespmem:s24+$0x400]  }
0xc1: {  	v2 =	vld [tilespmem:s24+$0x10]  }
0xc2: {  	v3 =	vld [tilespmem:s24+$0x410]  }
0xc3: {  	v4 =	vld [tilespmem:s24+$0x20]  }
0xc4: {  	v5 =	vld [tilespmem:s24+$0x420]  }
0xc5: {  	v6 =	vld [tilespmem:s24+$0x30]  }
0xc6: {  	v7 =	vld [tilespmem:s24+$0x430]  }
0xc7: {  	v8 =	vld [tilespmem:s24+$0x40]  }
0xc8: {  	v9 =	vld [tilespmem:s24+$0x440]  }
0xc9: {  	v10 =	vld [tilespmem:s24+$0x80]  }
0xca: {  	v11 =	vld [tilespmem:s24+$0x480]  }
0xcb: {  	v12 =	vld [tilespmem:s24+$0x90]  }
0xcc: {  	v13 =	vld [tilespmem:s24+$0x490]  }
0xcd: {  	v14 =	vld [tilespmem:s24+$0xA0]  }
0xce: {  	v15 =	vld [tilespmem:s24+$0x4A0]  }
0xcf: {  	v16 =	vld [tilespmem:s24+$0xB0]  }
0xd0: {  	v17 =	vld [tilespmem:s24+$0x4B0]  }
0xd1: {  	v18 =	vld [tilespmem:s24+$0xC0]  }
0xd2: {  	v19 =	vld [tilespmem:s24+$0x4C0]  }
0xd3: {  	v20 =	vld [tilespmem:s24+$0x100]  }
0xd4: {  	v21 =	vld [tilespmem:s24+$0x500]  }
0xd5: {  	v22 =	vld [tilespmem:s24+$0x110]  }
0xd6: {  	v23 =	vld [tilespmem:s24+$0x510]  }
0xd7: {  	v24 =	vld [tilespmem:s24+$0x120]  }
0xd8: {  	v31 =	vld [tilespmem:s24+$0x520];
	vm0 =	veq.s32 v0, v1  }
0xd9: {  	v32 =	vld [tilespmem:s24+$0x130];
	vm9 =	veq.s32 v2, v3;
	v1 =	vsel vm0, $0x2710, v1  }
0xda: {  	v34 =	vld [tilespmem:s24+$0x530];
	vm10 =	veq.s32 v4, v5;
	v33 =	vsel vm9, $0x2710, v3;
	[tilespmem:s24+$0x400] =	vst v1  }
0xdb: {  	v36 =	vld [tilespmem:s24+$0x140];
	vm11 =	veq.s32 v6, v7;
	v35 =	vsel vm10, $0x2710, v5;
	[tilespmem:s24+$0x410] =	vst v33  }
0xdc: {  	v38 =	vld [tilespmem:s24+$0x540];
	vm12 =	veq.s32 v8, v9;
	v37 =	vsel vm11, $0x2710, v7;
	[tilespmem:s24+$0x420] =	vst v35  }
0xdd: {  	v40 =	vld [tilespmem:s24+$0x180];
	vm13 =	veq.s32 v10, v11;
	v39 =	vsel vm12, $0x2710, v9;
	[tilespmem:s24+$0x430] =	vst v37  }
0xde: {  	v42 =	vld [tilespmem:s24+$0x580];
	vm14 =	veq.s32 v12, v13;
	v41 =	vsel vm13, $0x2710, v11;
	[tilespmem:s24+$0x440] =	vst v39  }
0xdf: {  	v44 =	vld [tilespmem:s24+$0x190];
	vm15 =	veq.s32 v14, v15;
	v43 =	vsel vm14, $0x2710, v13;
	[tilespmem:s24+$0x480] =	vst v41  }
0xe0: {  	v46 =	vld [tilespmem:s24+$0x590];
	vm4 =	veq.s32 v16, v17;
	v45 =	vsel vm15, $0x2710, v15;
	[tilespmem:s24+$0x490] =	vst v43  }
0xe1: {  	v48 =	vld [tilespmem:s24+$0x1A0];
	vm5 =	veq.s32 v18, v19;
	v47 =	vsel vm4, $0x2710, v17;
	[tilespmem:s24+$0x4A0] =	vst v45  }
0xe2: {  	v50 =	vld [tilespmem:s24+$0x5A0];
	vm6 =	veq.s32 v20, v21;
	v49 =	vsel vm5, $0x2710, v19;
	[tilespmem:s24+$0x4B0] =	vst v47  }
0xe3: {  	v52 =	vld [tilespmem:s24+$0x1B0];
	vm7 =	veq.s32 v22, v23;
	v51 =	vsel vm6, $0x2710, v21;
	[tilespmem:s24+$0x4C0] =	vst v49  }
0xe4: {  	v54 =	vld [tilespmem:s24+$0x5B0];
	vm8 =	veq.s32 v24, v31;
	v53 =	vsel vm7, $0x2710, v23;
	[tilespmem:s24+$0x500] =	vst v51  }
0xe5: {  	v55 =	vld [tilespmem:s24+$0x1C0];
	v0 =	vsel vm8, $0x2710, v31;
	vm9 =	veq.s32 v32, v34;
	[tilespmem:s24+$0x510] =	vst v53  }
0xe6: {  	v57 =	vld [tilespmem:s24+$0x5C0];
	vm10 =	veq.s32 v36, v38;
	[tilespmem:s24+$0x520] =	vst v0;
	v56 =	vsel vm9, $0x2710, v34  }
0xe7: {  	vm11 =	veq.s32 v40, v42;
	v58 =	vsel vm10, $0x2710, v38;
	[tilespmem:s24+$0x530] =	vst v56  }
0xe8: {  	vm12 =	veq.s32 v44, v46;
	v59 =	vsel vm11, $0x2710, v42;
	[tilespmem:s24+$0x540] =	vst v58  }
0xe9: {  	p0 =	seq.s32 s23, $0x0;
	vm13 =	veq.s32 v48, v50;
	v60 =	vsel vm12, $0x2710, v46;
	[tilespmem:s24+$0x580] =	vst v59  }
0xea: {  	p1 =	sne.s32 @!p0 s23, $0x1E;
	vm14 =	veq.s32 v52, v54;
	v61 =	vsel vm13, $0x2710, v50;
	[tilespmem:s24+$0x590] =	vst v60  }
0xeb: {  	p1 =	por p0, p1;
	vm15 =	veq.s32 v55, v57;
	v62 =	vsel vm14, $0x2710, v54;
	[tilespmem:s24+$0x5A0] =	vst v61  }
.Ltmp4:
0xec: {  	v63 =	vsel vm15, $0x2710, v57;
	[tilespmem:s24+$0x5B0] =	vst v62;
	(pc) =	sbr.rel @p1 .LBB2_4-.Ltmp4, $4  }
0xed: {  	s19 =	simm.s32 @!p0 $0x6;
	[tilespmem:s24+$0x5C0] =	vst v63  }
0xee: {  	_ =	swait.ge @!p0 [sflag:s19], $0x2800  }
0xef: {  	[sflag:s19] =	ssyncset.done @!p0 $0x0  }
0xf0: {  	s26 =	sor.u32 $0x80, s24;
	s25 =	sor.u32 $0x100, s24;
	[sflag:s19] =	ssyncadd.s32 @!p0 $0xFFFFD800  }
0xf1: {  	[tilespmem:s31], [sflag:$0x2] =	stream.indirect.gather [hbm4b:s2+s30], $0x80, s24, s30, $0xb8;
	[tilespmem:$0x1E400] =	vst v63  }
0xf2: {  	_ =	swait.ge [sflag:s0], $0x2800  }
0xf3: {  	[sflag:s0] =	ssyncset.done $0x0  }
0xf4: {  	[sflag:s0] =	ssyncadd.s32 $0xFFFFD800  }
0xf5: {  	[tilespmem:s1], [sflag:$0x3] =	stream.indirect.gather [hbm4b:s2+s30], $0x80, s26, s30, $0xb8;
	[tilespmem:$0x1E400] =	vst v63  }
0xf6: {  	_ =	swait.ge [sflag:s9], $0x2800  }
0xf7: {  	[sflag:s9] =	ssyncset.done $0x0  }
.Ltmp5:
0xf8: {  	[sflag:s9] =	ssyncadd.s32 $0xFFFFD800;
	(pc) =	sbr.rel .LBB2_5-.Ltmp5, $4  }
0xf9: {  	[tilespmem:s10], [sflag:$0x4] =	stream.indirect.gather [hbm4b:s2+s30], $0x80, s25, s30, $0xb8;
	[tilespmem:$0x1E400] =	vst v63  }
0xfa: {  	_ =	swait.ge [sflag:s11], $0x2800  }
0xfb: {  	[sflag:s11] =	ssyncset.done $0x0  }
0xfc: {  	s23 =	simm.s32 $0x1F;
	[sflag:s11] =	ssyncadd.s32 $0xFFFFD800  }
.LBB2_7:
0xfd: {  	_ =	sfence.sel $0x180000  }
0xfe: {  	[bflag:$0x0] =	sbarrier.arrive $0xFFFF  }
0xff: {  	_ =	strace $0x9000004A  }
0x100: {  	s0 =	stileid.u32;
	[bflag:$0x2] =	sbarrier.arrive $0xFFFF  }
0x101: {  	p0 =	sne.s32 s0, $0x0;
	s0 =	rddreg [dreg:$0x3]  }
0x102: {  	s0 =	sadd.s32 @!p0 $0x100000, s0  }
0x103: {  	[sflag:s0] =	ssyncadd.tile.s32 @!p0 $0x1;
	_ =	shalt  }
.Lfunc_end2:
_tile_overlayer_lowered:
.L_overlay_start_2:
0x104: {  	(tag) =	ssettag $0x2  }
0x105: {  	s0 =	rddreg [dreg:$0x0];
	s2 =	stileid.u32  }
0x106: {  	s1 =	rddreg [dreg:$0x1];
	p0 =	sne.s32 s2, $0x0  }
0x107: {  	s3 =	rddreg [dreg:$0x2];
	[bflag:$0x3] =	sbarrier.arrive $0xFFFF;
	s2 =	simm.s32 @!p0 $0x1C0A  }
0x108: {  	[timem:s3], [sflag:s2] =	dma.local @!p0 [hbm:s0], s1  }
0x109: {  	s0 =	simm.s32 @!p0 $0xA  }
0x10a: {  	_ =	swait.ge @!p0 [sflag:s0], s1  }
0x10b: {  	s1 =	ssub.s32 @!p0 $0x0, s1;
	[sflag:s0] =	ssyncset.done @!p0 $0x0  }
0x10c: {  	[sflag:s0] =	ssyncadd.s32 @!p0 s1  }
0x10d: {  	[bflag:$0x3] =	sbarrier.arrive $0xFFFF  }
0x10e: {  	_ =	shalt  }

// kernel: kernel.15.cloned.1.call-start
scs
__scs_entry_jumppad:
0x0: {  	(pc) =	sbr.rel $0x88, $3  }
0x1: {  	(tag) =	ssettag $0x0;
	lr =	simm.s32 $0x1  }
0x2: {  	[smem:$0x3F9A] =	sst lr;
	_ =	strace $0xD0000000  }
0x3: {  	_ = 	snop  }
0x4: {  	_ = 	snop  }
0x5: {  	_ = 	snop  }
0x6: {  	_ = 	snop  }
0x7: {  	_ = 	snop  }
__scs_overlays_trampoline_lowered:
0x8: {  	[smem:$0x3FA9] =	sst s0  }
0x9: {  	[smem:$0x3FAA] =	sst s1  }
0xa: {  	[smem:$0x3FAB] =	sst s2  }
0xb: {  	[smem:$0x3FAC] =	sst s3  }
0xc: {  	[smem:$0x3FAD] =	sst s4  }
0xd: {  	[smem:$0x3FAE] =	sst s5  }
0xe: {  	[smem:$0x3FAF] =	sst s6  }
0xf: {  	[smem:$0x3FB0] =	sst s7  }
0x10: {  	[smem:$0x3FB1] =	sst s8  }
0x11: {  	[smem:$0x3FB2] =	sst s9;
	s0 =	simm.s32 @!p0 $0x0  }
0x12: {  	s1 =	sld [smem:$0x3F98];
	s0 =	simm.s32 @p0 $0x1  }
0x13: {  	[smem:$0x3FB3] =	sst s0;
	s0 =	simm.s32 @!p1 $0x0  }
0x14: {  	s2 =	sld [smem:$0x3F97];
	s0 =	simm.s32 @p1 $0x1  }
0x15: {  	[smem:$0x3FB4] =	sst s0;
	s0 =	simm.s32 @!p2 $0x0  }
0x16: {  	s3 =	sld [smem:$0x3FDB];
	s0 =	simm.s32 @p2 $0x1  }
0x17: {  	s4 =	simm.s32 $0x1BF5;
	[smem:$0x3FB6] =	sst s0  }
0x18: {  	s0 =	sld [smem:$0x3F99];
	_ =	swait.ge [sflag:s4], $0x0  }
0x19: {  	s7 =	sld [smem:$0x3F9A]  }
0x1a: {  	s8 =	sadd.s32 $0xFFFFE003, lr  }
0x1b: {  	s9 =	sadd.s32 $0xFFFFFEF7, lr;
	s5 =	simm.s32 $0xFFFFFFFF;
	p2 =	slt.u32 s8, $0xFFFFF086  }
0x1c: {  	p1 =	slt.u32 s9, $0xF7A;
	s5 =	simm.s32 @!p2 $0x0  }
0x1d: {  	s5 =	simm.s32 @p1 $0x1;
	p0 =	seq.s32 s7, s2  }
0x1e: {  	s7 =	smul.u32 @!p0 $0xF7A, s2;
	p2 =	seq.s32 @!p0 s5, $0x0  }
0x1f: {  	s9 =	smul.u32 $0xF7A, s1;
	s8 =	simm.s32 @!p0 $0x1BF5;
	p2 =	por !p2, p0  }
0x20: {  	[sflag:s8] =	ssyncset.s32 @!p0 $0xFFFFF086;
	s6 =	sadd.s32 @!p0 s3, s7;
	s7 =	simm.s32 @!p0 $0x108  }
0x21: {  	s3 =	sadd.s32 s3, s9;
	s6 =	sadd.s32 @!p0 $0x88, s6;
	s7 =	simm.s32 @p2 $0x1082  }
0x22: {  	[simem:s7], [sflag:s8] =	dma.local @!p0 [hbm:s6], $0xF7A  }
0x23: {  	s9 =	sor.u32 $0xD0000000, s2;
	s6 =	simm.s32 $0x108;
	_ =	swait.ge @!p0 [sflag:s8], $0x0  }
0x24: {  	s3 =	sadd.s32 $0x88, s3;
	s6 =	simm.s32 @!p1 $0x1082;
	[sflag:s4] =	ssyncset.s32 $0xFFFFF086  }
0x25: {  	[simem:s6], [sflag:s4] =	dma.local [hbm:s3], $0xF7A  }
0x26: {  	[smem:$0x3F9A] =	sst s1;
	(tag) =	ssettag s2;
	_ =	strace s9  }
0x27: {  	s1 =	sld [smem:$0x3FAA]  }
0x28: {  	s2 =	sld [smem:$0x3FAB]  }
0x29: {  	s4 =	sld [smem:$0x3FAD]  }
0x2a: {  	p0 =	seq.s32 s5, $0x0;
	s5 =	sld [smem:$0x3FAE]  }
0x2b: {  	s6 =	sld [smem:$0x3FAF]  }
0x2c: {  	s7 =	sld [smem:$0x3FB0]  }
0x2d: {  	s3 =	simm.s32 $0x108;
	s8 =	sld [smem:$0x3FB1]  }
0x2e: {  	s3 =	simm.s32 @!p0 $0x1082;
	s9 =	sld [smem:$0x3FB2]  }
0x2f: {  	lr =	sadd.s32 s0, s3;
	s0 =	sld [smem:$0x3FA9]  }
0x30: {  	s3 =	sld [smem:$0x3FAC]  }
0x31: {  	[smem:$0x3FB5] =	sst s10  }
0x32: {  	s10 =	sld [smem:$0x3FB3];
	_ =	sdelay $0x3  }
0x33: {  	p0 =	seq.s32 s10, $0x1;
	s10 =	sld [smem:$0x3FB5];
	_ =	sdelay $0x3  }
0x34: {  	[smem:$0x3FB5] =	sst s10  }
0x35: {  	s10 =	sld [smem:$0x3FB4];
	_ =	sdelay $0x3  }
0x36: {  	p1 =	seq.s32 s10, $0x1;
	s10 =	sld [smem:$0x3FB5];
	_ =	sdelay $0x3  }
0x37: {  	[smem:$0x3FB5] =	sst s10  }
0x38: {  	s10 =	sld [smem:$0x3FB6]  }
0x39: {  	_ = 	snop;
	(pc) =	sbr.ind lr, $3  }
0x3a: {  	_ = 	snop  }
0x3b: {  	_ = 	snop  }
0x3c: {  	p2 =	seq.s32 s10, $0x1;
	s10 =	sld [smem:$0x3FB5]  }
0x3d: {  	_ =	shalt  }
0x3e: {  	_ =	shalt  }
0x3f: {  	_ =	shalt  }
0x40: {  	_ =	shalt  }
0x41: {  	_ =	shalt  }
0x42: {  	_ =	shalt  }
0x43: {  	_ =	shalt  }
0x44: {  	_ =	shalt  }
0x45: {  	_ =	shalt  }
0x46: {  	_ =	shalt  }
0x47: {  	_ =	shalt  }
0x48: {  	_ =	shalt  }
0x49: {  	_ =	shalt  }
0x4a: {  	_ =	shalt  }
0x4b: {  	_ =	shalt  }
0x4c: {  	_ =	shalt  }
0x4d: {  	_ =	shalt  }
0x4e: {  	_ =	shalt  }
0x4f: {  	_ =	shalt  }
0x50: {  	_ =	shalt  }
0x51: {  	_ =	shalt  }
0x52: {  	_ =	shalt  }
0x53: {  	_ =	shalt  }
0x54: {  	_ =	shalt  }
0x55: {  	_ =	shalt  }
0x56: {  	_ =	shalt  }
0x57: {  	_ =	shalt  }
0x58: {  	_ =	shalt  }
0x59: {  	_ =	shalt  }
0x5a: {  	_ =	shalt  }
0x5b: {  	_ =	shalt  }
0x5c: {  	_ =	shalt  }
0x5d: {  	_ =	shalt  }
0x5e: {  	_ =	shalt  }
0x5f: {  	_ =	shalt  }
0x60: {  	_ =	shalt  }
0x61: {  	_ =	shalt  }
0x62: {  	_ =	shalt  }
0x63: {  	_ =	shalt  }
0x64: {  	_ =	shalt  }
0x65: {  	_ =	shalt  }
0x66: {  	_ =	shalt  }
0x67: {  	_ =	shalt  }
0x68: {  	_ =	shalt  }
0x69: {  	_ =	shalt  }
0x6a: {  	_ =	shalt  }
0x6b: {  	_ =	shalt  }
0x6c: {  	_ =	shalt  }
0x6d: {  	_ =	shalt  }
0x6e: {  	_ =	shalt  }
0x6f: {  	_ =	shalt  }
0x70: {  	_ =	shalt  }
0x71: {  	_ =	shalt  }
0x72: {  	_ =	shalt  }
0x73: {  	_ =	shalt  }
0x74: {  	_ =	shalt  }
0x75: {  	_ =	shalt  }
0x76: {  	_ =	shalt  }
0x77: {  	_ =	shalt  }
0x78: {  	_ =	shalt  }
0x79: {  	_ =	shalt  }
0x7a: {  	_ =	shalt  }
0x7b: {  	_ =	shalt  }
0x7c: {  	_ =	shalt  }
0x7d: {  	_ =	shalt  }
0x7e: {  	_ =	shalt  }
0x7f: {  	_ =	shalt  }
0x80: {  	_ =	shalt  }
0x81: {  	_ =	shalt  }
0x82: {  	_ =	shalt  }
0x83: {  	_ =	shalt  }
0x84: {  	_ =	shalt  }
0x85: {  	_ =	shalt  }
0x86: {  	_ =	shalt  }
0x87: {  	_ =	shalt  }
.Lfunc_end0:
.L_simem_size_0:
called_computation.2_lowered:
.L_overlay_start_0:
0x88: {  	s2 =	sld [smem:$0x3FD9]  }
0x89: {  	s3 =	sld [smem:$0x3FFE];
	_ =	sdelay $0x1  }
0x8a: {  	s1 =	srdreg.scid  }
0x8b: {  	s0 =	sand.u32 $0x1, s1  }
0x8c: {  	s17 =	sshll.u32 s0, $0xA;
	s2 =	sadd.s32 s3, s2  }
0x8d: {  	s2 =	sadd.s32 s2, s17  }
0x8e: {  	[smem:$0x3FC1] =	sst s2  }
0x8f: {  	_ = 	snop  }
0x90: {  	s2 =	sld [smem:$0x3FD0];
	(tm) =	ssettm $0x1  }
0x91: {  	s18 =	sld [smem:$0x3FFB];
	_ =	sdelay $0x3  }
0x92: {  	_ =	strace s18  }
0x93: {  	s3 =	sld [smem:$0x3FFC];
	_ =	sdelay $0x3  }
0x94: {  	_ =	strace s3  }
0x95: {  	s3 =	sld [smem:$0x3FFD];
	_ =	sdelay $0x3  }
0x96: {  	_ =	strace s3  }
0x97: {  	_ =	strace $0x8FFFFFFF  }
0x98: {  	s19 =	sld [smem:$0x3FDB];
	_ =	sdelay $0x1  }
0x99: {  	s4 =	simm.s32 $_scs_section_size  }
0x9a: {  	s5 =	simm.s32 $_size__tile_overlayer_lowered;
	s6 =	simm.s32 $_tile_overlayer_lowered  }
0x9b: {  	s22 =	simm.s32 $0x1BFF;
	s21 =	sshll.u32 s6, $0x1;
	s3 =	sadd.s32 s4, s19  }
0x9c: {  	s7 =	simm.s32 $0x0;
	s20 =	sshll.u32 s5, $0x1;
	s5 =	sadd.s32 s21, s3  }
0x9d: {  	[timem:s7], [sflag:s22] =	dma.local [hbm:s5], s20  }
0x9e: {  	_ =	swait.ge [sflag:s22], s20  }
0x9f: {  	s4 =	ssub.s32 $0x0, s20;
	[sflag:s22] =	ssyncset.done $0x0  }
0xa0: {  	[sflag:s22] =	ssyncadd.s32 s4;
	_ =	sdelay $0x1  }
0xa1: {  	s23 =	simm.s32 $0x1B8B  }
0xa2: {  	_ =	swait.ge [sflag:s23], $0x1  }
0xa3: {  	[sflag:s23] =	ssyncset.done $0x0  }
0xa4: {  	s25 =	simm.s32 $0x1B8E;
	s24 =	sld [smem:$0x3FFE];
	[sflag:s23] =	ssyncadd.s32 $0xFFFFFFFF  }
0xa5: {  	s26 =	simm.s32 $execute0_lowered;
	[smem:$0x3FD2] =	sst s25  }
0xa6: {  	s5 =	sshll.u32 s26, $0x1;
	_ =	strace $0x8000004C;
	[dreg:$0x1] =	wrdreg $0xFFFFFFFF  }
0xa7: {  	s28 =	simm.s32 $_size_execute0_lowered;
	s3 =	sadd.s32 s3, s5;
	[dreg:$0x0] =	wrdreg $0x0  }
0xa8: {  	s5 =	sshll.u32 s28, $0x1;
	[dreg:$0x2] =	wrdreg s3  }
0xa9: {  	[dreg:$0x3] =	wrdreg s5  }
0xaa: {  	[dreg:$0x4] =	wrdreg $0xC0  }
0xab: {  	_ =	task [dreg:s7], $0x5FFFF  }
0xac: {  	[dreg:$0x1] =	wrdreg $0xFFFFFFFF  }
0xad: {  	[dreg:$0x0] =	wrdreg $0x60  }
0xae: {  	[dreg:$0x2] =	wrdreg s2  }
0xaf: {  	[dreg:$0x3] =	wrdreg s24  }
0xb0: {  	[dreg:$0x4] =	wrdreg $0xA8000  }
0xb1: {  	[dreg:$0x5] =	wrdreg $0x9  }
0xb2: {  	_ =	task.clear_ibuf [dreg:s7], $0x6FFFF;
	_ =	strace $0x9000004C  }
0xb3: {  	s29 =	simm.s32 $0x9;
	_ =	strace $0x8000004E  }
0xb4: {  	_ =	swait.ge [sflag:s29], $0x1  }
0xb5: {  	[sflag:s29] =	ssyncadd.s32 $0xFFFFFFFF  }
0xb6: {  	_ =	strace $0x9000004E  }
0xb7: {  	_ =	sfence  }
0xb8: {  	s30 =	sld [smem:$0x0];
	_ =	sdelay $0x2  }
0xb9: {  	s31 =	sshll.u32 s1, $0xD;
	s1 =	sshrl.u32 s1, $0x2  }
0xba: {  	s3 =	sand.u32 $0x4000, s31;
	s1 =	sadd.s32 s1, s30  }
0xbb: {  	s0 =	sor.u32 s3, s0;
	s1 =	sshll.u32 s1, $0x11  }
0xbc: {  	s0 =	sor.u32 s1, s0  }
0xbd: {  	s0 =	sadd.s32 $0x8F2B, s0  }
0xbe: {  	[sflag:s0] =	ssyncadd.remote.s32 $0x1  }
0xbf: {  	_ =	sfence.sel $0xFFFF  }
0xc0: {  	[dreg:$0x0] =	wrdreg $0xFFFFFFFF;
	(pc) =	sbr.abs _section_cstart, $3  }
0xc1: {  	[dreg:$0x1] =	wrdreg $0xFFFFFFFF  }
0xc2: {  	_ =	task.clear_ibuf [dreg:s7], $0x2FFFF;
	_ =	strace $0x9FFFFFFF  }
0xc3: {  	(tm) =	ssettm $0x7FFFFFFF  }
tec
execute0_lowered:
.L_overlay_start_1:
0x0: {  	(tag) =	ssettag $0x1  }
0x1: {  	s2 =	rddreg [dreg:$0x0]  }
0x2: {  	s0 =	rddreg [dreg:$0x1]  }
0x3: {  	s3 =	rddreg [dreg:$0x2];
	s16 =	stileid.u32  }
0x4: {  	s1 =	srdreg.scid;
	s4 =	simm.s32 $0x0;
	s28 =	simm.s32 $0xA  }
0x5: {  	s29 =	simm.s32 $0x1;
	s30 =	simm.s32 $0x50;
	s31 =	simm.s32 $0x800  }
0x6: {  	s7 =	smul.u32 $0x13C00, s16;
	s1 =	sand.u32 $0x1, s1;
	[smem:$0x7FF] =	sst s4  }
0x7: {  	s5 =	sadd.s32 $0xC000, s0;
	s6 =	sadd.s32 $0x2200, s0;
	s15 =	smul.u32 $0x4F000, s16  }
0x8: {  	s23 =	sshll.u32 s16, $0x6;
	s8 =	smul.u32 $0x13C000, s1;
	s9 =	sshll.u32 s1, $0x4  }
0x9: {  	_ =	strace $0x8000004D;
	s1 =	ssub.s32 $0x2, s1;
	s9 =	sor.u32 s16, s9  }
0xa: {  	s10 =	sshrl.u32 s7, $0x3;
	s24 =	sshrl.u32 s1, $0x1;
	s21 =	sshrl.u32 s15, $0x2  }
0xb: {  	s15 =	simm.s32 $0x2;
	s16 =	simm.s32 $0x3;
	s8 =	sadd.s32 s7, s8  }
0xc: {  	s7 =	smul.u32 $0x2710, s9;
	s9 =	sadd.s32 s10, s0;
	s1 =	ssub.s32 s1, s24  }
0xd: {  	s22 =	sadd.s32 s21, s3;
	s21 =	simm.s32 $0x400;
	s8 =	sshrl.u32 s8, $0x3  }
0xe: {  	[dreg:$0xc] =	wrdreg s22;
	s9 =	sadd.s32 $0x15E00, s9;
	s22 =	simm.s32 $0x0  }
0xf: {  	s0 =	sadd.s32 s8, s0;
	s11 =	sshrl.u32 s7, $0x3;
	s8 =	sadd.s32 $0x50, s7  }
0x10: {  	s13 =	sadd.s32 $0xF0, s7;
	[dreg:$0xd] =	wrdreg s9;
	s25 =	sadd.s32 s5, s11  }
0x11: {  	s26 =	sshrl.u32 s8, $0x3;
	s12 =	sadd.s32 s6, s11;
	[dreg:$0x4] =	wrdreg s25  }
0x12: {  	s19 =	sshrl.u32 s13, $0x3;
	s0 =	sadd.s32 $0x3D600, s0;
	[dreg:$0x5] =	wrdreg s12  }
0x13: {  	s24 =	sadd.s32 $0x4D8, s11;
	s17 =	sadd.s32 s5, s26;
	[dreg:$0x11] =	wrdreg s0  }
0x14: {  	s11 =	simm.s32 $0x9;
	s10 =	sadd.s32 s6, s26;
	[dreg:$0x6] =	wrdreg s17  }
0x15: {  	s12 =	sadd.s32 $0xA0, s7;
	s20 =	sadd.s32 s5, s19;
	[dreg:$0x7] =	wrdreg s10  }
0x16: {  	s25 =	sadd.s32 s5, s24;
	s9 =	sadd.s32 s6, s24;
	[dreg:$0xa] =	wrdreg s20  }
0x17: {  	s26 =	smax.u32 s1, $0x1;
	s0 =	simm.s32 $0x7;
	[dreg:$0xf] =	wrdreg s25  }
0x18: {  	s1 =	simm.s32 $0x3000;
	s14 =	sshrl.u32 s12, $0x3;
	[dreg:$0x10] =	wrdreg s9  }
.Ltmp0:
0x19: {  	s10 =	sadd.s32 s6, s19;
	[dreg:$0x12] =	wrdreg s26;
	(pc) =	sbr.rel .LBB2_1-.Ltmp0, $4  }
0x1a: {  	s20 =	sor.u32 $0x1C0A, s23;
	s9 =	simm.s32 $0x8;
	[dreg:$0xb] =	wrdreg s10  }
0x1b: {  	s17 =	simm.s32 $0x4;
	s18 =	sadd.s32 s5, s14;
	[dreg:$0xe] =	wrdreg s20  }
0x1c: {  	s14 =	sadd.s32 s6, s14;
	s10 =	simm.s32 $0x5800;
	[dreg:$0x8] =	wrdreg s18  }
0x1d: {  	[dreg:$0x9] =	wrdreg s14;
	s14 =	simm.s32 $0x8000;
	s18 =	simm.s32 $0x5  }
.LBB2_6:
0x1e: {  	s19 =	simm.s32 $0x6  }
0x1f: {  	_ =	swait.ge [sflag:s19], $0x2800  }
0x20: {  	[sflag:s19] =	ssyncset.done $0x0  }
0x21: {  	[sflag:s19] =	ssyncadd.s32 $0xFFFFD800  }
0x22: {  	_ =	swait.ge [sflag:s0], $0x2800  }
0x23: {  	[sflag:s0] =	ssyncset.done $0x0  }
0x24: {  	[sflag:s0] =	ssyncadd.s32 $0xFFFFD800  }
0x25: {  	_ =	swait.ge [sflag:s9], $0x2800  }
0x26: {  	[sflag:s9] =	ssyncset.done $0x0  }
0x27: {  	[sflag:s9] =	ssyncadd.s32 $0xFFFFD800  }
0x28: {  	_ =	swait.ge [sflag:s11], $0x2800  }
0x29: {  	[sflag:s11] =	ssyncset.done $0x0  }
0x2a: {  	s22 =	rddreg [dreg:$0xf];
	[sflag:s11] =	ssyncadd.s32 $0xFFFFD800  }
0x2b: {  	[tilespmem:s4], [sflag:$0xA] =	stream.linear.gather [hbm4b:s22+s4], $0x50, $0x38;
	[tilespmem:$0x1E400] =	vst v63  }
0x2c: {  	_ =	swait.ge [sflag:s28], $0x50  }
0x2d: {  	[sflag:s28] =	ssyncset.done $0x0  }
0x2e: {  	s21 =	simm.s32 $0x400;
	s23 =	rddreg [dreg:$0x10];
	[sflag:s28] =	ssyncadd.s32 $0xFFFFFFB0  }
0x2f: {  	[tilespmem:s21], [sflag:$0xA] =	stream.linear.gather [hbm4b:s23+s4], $0x50, $0x38;
	[tilespmem:$0x1E400] =	vst v63  }
0x30: {  	_ =	swait.ge [sflag:s28], $0x50  }
0x31: {  	[sflag:s28] =	ssyncset.done $0x0  }
0x32: {  	[sflag:s28] =	ssyncadd.s32 $0xFFFFFFB0  }
0x33: {  	v0 =	vld [tilespmem:$0x0]  }
0x34: {  	v1 =	vld [tilespmem:$0x400]  }
0x35: {  	v2 =	vld [tilespmem:$0x10]  }
0x36: {  	v3 =	vld [tilespmem:$0x410]  }
0x37: {  	v4 =	vld [tilespmem:$0x20]  }
0x38: {  	v5 =	vld [tilespmem:$0x420]  }
0x39: {  	v6 =	vld [tilespmem:$0x30]  }
0x3a: {  	v7 =	vld [tilespmem:$0x430]  }
0x3b: {  	v8 =	vld [tilespmem:$0x40]  }
0x3c: {  	v9 =	vld [tilespmem:$0x440]  }
0x3d: {  	vm0 =	veq.s32 v0, v1  }
0x3e: {  	vm12 =	veq.s32 v2, v3;
	v0 =	vsel vm0, $0x2710, v1  }
0x3f: {  	vm13 =	veq.s32 v4, v5;
	v60 =	vsel vm12, $0x2710, v3;
	[tilespmem:$0x400] =	vst v0  }
0x40: {  	vm14 =	veq.s32 v6, v7;
	v61 =	vsel vm13, $0x2710, v5;
	[tilespmem:$0x410] =	vst v60  }
0x41: {  	vm15 =	veq.s32 v8, v9;
	v62 =	vsel vm14, $0x2710, v7;
	[tilespmem:$0x420] =	vst v61  }
0x42: {  	v63 =	vsel vm15, $0x2710, v9;
	[tilespmem:$0x430] =	vst v62  }
0x43: {  	[tilespmem:$0x440] =	vst v63  }
0x44: {  	[tilespmem:s31], [sflag:$0x2] =	stream.indirect.gather [hbm4b:s2+s30], $0x80, s4, s30, $0xb8;
	[tilespmem:$0x1E400] =	vst v63  }
0x45: {  	_ =	swait.ge [sflag:s15], $0x2800  }
0x46: {  	[sflag:s15] =	ssyncset.done $0x0  }
0x47: {  	[sflag:s15] =	ssyncadd.s32 $0xFFFFD800  }
0x48: {  	[spmem:s3] =	stream.indirect.scatter.add.f32 [tilespmem:s31], [sflag:$0xA], $0x80, s21, s30, $0xb8;
	[tilespmem:$0x1E400] =	vst v63  }
0x49: {  	_ =	swait.ge [sflag:s28], $0x2800  }
0x4a: {  	[sflag:s28] =	ssyncset.done $0x0  }
0x4b: {  	[sflag:s28] =	ssyncadd.s32 $0xFFFFD800  }
0x4c: {  	[bflag:$0x0] =	sbarrier.arrive $0xFFFF  }
0x4d: {  	s20 =	rddreg [dreg:$0xe]  }
0x4e: {  	s24 =	rddreg [dreg:$0x11]  }
0x4f: {  	s22 =	rddreg [dreg:$0x14]  }
0x50: {  	[hbm:s24], [sflag:s20] =	dma.local [spmem:s22], $0x2780  }
0x51: {  	_ =	swait.ge [sflag:s28], $0x2780  }
0x52: {  	s25 =	rddreg [dreg:$0x13]  }
0x53: {  	s26 =	rddreg [dreg:$0x12];
	s22 =	sadd.s32 $0x1, s25  }
0x54: {  	p0 =	sne.s32 s22, s26  }
.Ltmp1:
0x55: {  	_ = 	snop;
	(pc) =	sbr.rel @!p0 .LBB2_7-.Ltmp1, $3  }
0x56: {  	_ =	sdelay $0x1  }
0x57: {  	[sflag:s28] =	ssyncset.done $0x0  }
0x58: {  	[sflag:s28] =	ssyncadd.s32 $0xFFFFD880  }
.LBB2_1:
0x59: {  	[dreg:$0x13] =	wrdreg s22  }
0x5a: {  	s19 =	rddreg [dreg:$0x4]  }
0x5b: {  	s22 =	rddreg [dreg:$0x5]  }
0x5c: {  	s23 =	rddreg [dreg:$0x6]  }
0x5d: {  	[tilespmem:s4], [sflag:$0x1] =	stream.linear.gather [hbm4b:s19+s4], $0x50, $0x38;
	[tilespmem:$0x1E400] =	vst v63  }
0x5e: {  	s25 =	rddreg [dreg:$0x7]  }
0x5f: {  	[tilespmem:s21], [sflag:$0x1] =	stream.linear.gather [hbm4b:s22+s4], $0x50, $0x38;
	[tilespmem:$0x1E400] =	vst v63  }
0x60: {  	s24 =	simm.s32 $0x80;
	s21 =	rddreg [dreg:$0x8]  }
0x61: {  	[tilespmem:s24], [sflag:$0x1] =	stream.linear.gather [hbm4b:s23+s4], $0x50, $0x38;
	[tilespmem:$0x1E400] =	vst v63  }
0x62: {  	s26 =	simm.s32 $0x480;
	s23 =	rddreg [dreg:$0x9]  }
0x63: {  	[tilespmem:s26], [sflag:$0x1] =	stream.linear.gather [hbm4b:s25+s4], $0x50, $0x38;
	[tilespmem:$0x1E400] =	vst v63  }
0x64: {  	s22 =	simm.s32 $0x100;
	s25 =	rddreg [dreg:$0xa]  }
0x65: {  	[tilespmem:s22], [sflag:$0x1] =	stream.linear.gather [hbm4b:s21+s4], $0x50, $0x38;
	[tilespmem:$0x1E400] =	vst v63  }
0x66: {  	s24 =	simm.s32 $0x500;
	s22 =	rddreg [dreg:$0xb]  }
0x67: {  	[tilespmem:s24], [sflag:$0x1] =	stream.linear.gather [hbm4b:s23+s4], $0x50, $0x38;
	[tilespmem:$0x1E400] =	vst v63  }
0x68: {  	s26 =	simm.s32 $0x180;
	s24 =	rddreg [dreg:$0xc]  }
0x69: {  	[tilespmem:s26], [sflag:$0x1] =	stream.linear.gather [hbm4b:s25+s4], $0x50, $0x38;
	[tilespmem:$0x1E400] =	vst v63  }
0x6a: {  	s25 =	sshrl.u32 s24, $0x3;
	s26 =	rddreg [dreg:$0xd]  }
0x6b: {  	s23 =	simm.s32 $0x580;
	[dreg:$0x14] =	wrdreg s25  }
0x6c: {  	[tilespmem:s23], [sflag:$0x1] =	stream.linear.gather [hbm4b:s22+s4], $0x50, $0x38;
	[tilespmem:$0x1E400] =	vst v63  }
0x6d: {  	[spmem:s25], [sflag:s20] =	dma.local [hbm:s26], $0x2780  }
.Ltmp2:
0x6e: {  	_ =	swait.ge [sflag:s28], $0x2780;
	(pc) =	sbr.rel .LBB2_2-.Ltmp2, $4  }
0x6f: {  	[sflag:s28] =	ssyncset.done $0x0  }
0x70: {  	[sflag:s28] =	ssyncadd.s32 $0xFFFFD880  }
0x71: {  	[bflag:$0x0] =	sbarrier.arrive $0xFFFF  }
0x72: {  	s23 =	simm.s32 $0x0  }
.LBB2_4:
0x73: {  	s23 =	sadd.s32 @!p0 $0x1, s23  }
0x74: {  	s23 =	simm.s32 @p0 $0x1  }
0x75: {  	s19 =	smul.u32 $0x140, s23;
	_ =	sdelay $0x1  }
0x76: {  	s21 =	sadd.s32 s7, s19  }
0x77: {  	s21 =	sshrl.u32 s21, $0x3  }
0x78: {  	s22 =	sxor.u32 $0x200, s24;
	s20 =	sadd.s32 s5, s21  }
0x79: {  	[tilespmem:s22], [sflag:$0x1] =	stream.linear.gather [hbm4b:s20+s4], $0x50, $0x38;
	[tilespmem:$0x1E400] =	vst v63  }
0x7a: {  	s21 =	sadd.s32 s6, s21;
	s22 =	sor.u32 $0x400, s22  }
0x7b: {  	[tilespmem:s22], [sflag:$0x1] =	stream.linear.gather [hbm4b:s21+s4], $0x50, $0x38;
	[tilespmem:$0x1E400] =	vst v63  }
0x7c: {  	s20 =	simm.s32 @!p0 $0x7  }
0x7d: {  	[tilespmem:s31], [sflag:$0x2] =	stream.indirect.gather [hbm4b:s2+s30], $0x80, s24, s30, $0xb8;
	[tilespmem:$0x1E400] =	vst v63  }
0x7e: {  	s22 =	sadd.s32 s19, s8;
	_ =	swait.ge @!p0 [sflag:s20], $0x2800  }
0x7f: {  	s21 =	sshrl.u32 s22, $0x3;
	[sflag:s20] =	ssyncset.done @!p0 $0x0  }
0x80: {  	s22 =	sadd.s32 s5, s21;
	[sflag:s20] =	ssyncadd.s32 @!p0 $0xFFFFD800;
	s20 =	ssub.s32 $0x280, s24  }
0x81: {  	[tilespmem:s20], [sflag:$0x1] =	stream.linear.gather [hbm4b:s22+s4], $0x50, $0x38;
	[tilespmem:$0x1E400] =	vst v63  }
0x82: {  	s21 =	sadd.s32 s6, s21;
	s22 =	ssub.s32 $0x680, s24  }
0x83: {  	[tilespmem:s22], [sflag:$0x1] =	stream.linear.gather [hbm4b:s21+s4], $0x50, $0x38;
	[tilespmem:$0x1E400] =	vst v63  }
0x84: {  	s20 =	simm.s32 @!p0 $0x8  }
0x85: {  	[tilespmem:s1], [sflag:$0x3] =	stream.indirect.gather [hbm4b:s2+s30], $0x80, s26, s30, $0xb8;
	[tilespmem:$0x1E400] =	vst v63  }
0x86: {  	s26 =	sadd.s32 s19, s12;
	_ =	swait.ge @!p0 [sflag:s20], $0x2800  }
0x87: {  	s21 =	sshrl.u32 s26, $0x3;
	[sflag:s20] =	ssyncset.done @!p0 $0x0  }
0x88: {  	s22 =	ssub.s32 $0x300, s24;
	s26 =	sadd.s32 s5, s21;
	[sflag:s20] =	ssyncadd.s32 @!p0 $0xFFFFD800  }
0x89: {  	[tilespmem:s22], [sflag:$0x1] =	stream.linear.gather [hbm4b:s26+s4], $0x50, $0x38;
	[tilespmem:$0x1E400] =	vst v63  }
0x8a: {  	s21 =	sadd.s32 s6, s21;
	s26 =	ssub.s32 $0x700, s24  }
0x8b: {  	[tilespmem:s26], [sflag:$0x1] =	stream.linear.gather [hbm4b:s21+s4], $0x50, $0x38;
	[tilespmem:$0x1E400] =	vst v63  }
0x8c: {  	s20 =	simm.s32 @!p0 $0x9  }
0x8d: {  	[tilespmem:s10], [sflag:$0x4] =	stream.indirect.gather [hbm4b:s2+s30], $0x80, s25, s30, $0xb8;
	[tilespmem:$0x1E400] =	vst v63  }
0x8e: {  	s19 =	sadd.s32 s19, s13;
	_ =	swait.ge @!p0 [sflag:s20], $0x2800  }
0x8f: {  	s19 =	sshrl.u32 s19, $0x3;
	[sflag:s20] =	ssyncset.done @!p0 $0x0  }
0x90: {  	s22 =	ssub.s32 $0x380, s24;
	s25 =	sadd.s32 s5, s19;
	[sflag:s20] =	ssyncadd.s32 @!p0 $0xFFFFD800  }
0x91: {  	[tilespmem:s22], [sflag:$0x1] =	stream.linear.gather [hbm4b:s25+s4], $0x50, $0x38;
	[tilespmem:$0x1E400] =	vst v63  }
0x92: {  	s26 =	ssub.s32 $0x780, s24;
	s19 =	sadd.s32 s6, s19  }
0x93: {  	[tilespmem:s26], [sflag:$0x1] =	stream.linear.gather [hbm4b:s19+s4], $0x50, $0x38;
	[tilespmem:$0x1E400] =	vst v63  }
.LBB2_5:
0x94: {  	s19 =	sor.u32 $0x180, s24  }
0x95: {  	[tilespmem:s14], [sflag:$0x5] =	stream.indirect.gather [hbm4b:s2+s30], $0x80, s19, s30, $0xb8;
	[tilespmem:$0x1E400] =	vst v63  }
0x96: {  	_ =	swait.ge [sflag:s15], $0x2800  }
0x97: {  	[sflag:s15] =	ssyncset.done $0x0  }
0x98: {  	s21 =	sor.u32 $0x400, s24;
	[sflag:s15] =	ssyncadd.s32 $0xFFFFD800  }
0x99: {  	[spmem:s3] =	stream.indirect.scatter.add.f32 [tilespmem:s31], [sflag:$0x6], $0x80, s21, s30, $0xb8;
	[tilespmem:$0x1E400] =	vst v63  }
0x9a: {  	_ =	swait.ge [sflag:s16], $0x2800  }
0x9b: {  	[sflag:s16] =	ssyncset.done $0x0  }
0x9c: {  	s22 =	sor.u32 $0x480, s24;
	[sflag:s16] =	ssyncadd.s32 $0xFFFFD800  }
0x9d: {  	[spmem:s3] =	stream.indirect.scatter.add.f32 [tilespmem:s1], [sflag:$0x7], $0x80, s22, s30, $0xb8;
	[tilespmem:$0x1E400] =	vst v63  }
0x9e: {  	_ =	swait.ge [sflag:s17], $0x2800  }
0x9f: {  	[sflag:s17] =	ssyncset.done $0x0  }
0xa0: {  	s25 =	sor.u32 $0x500, s24;
	p0 =	slt.u32 s23, $0x1F;
	[sflag:s17] =	ssyncadd.s32 $0xFFFFD800  }
0xa1: {  	[spmem:s3] =	stream.indirect.scatter.add.f32 [tilespmem:s10], [sflag:$0x8], $0x80, s25, s30, $0xb8;
	[tilespmem:$0x1E400] =	vst v63  }
.Ltmp3:
0xa2: {  	_ = 	snop;
	(pc) =	sbr.rel @!p0 .LBB2_6-.Ltmp3, $4  }
0xa3: {  	_ =	swait.ge [sflag:s18], $0x2800  }
0xa4: {  	[sflag:s18] =	ssyncset.done $0x0  }
0xa5: {  	s26 =	sor.u32 $0x580, s24;
	[sflag:s18] =	ssyncadd.s32 $0xFFFFD800  }
0xa6: {  	[spmem:s3] =	stream.indirect.scatter.add.f32 [tilespmem:s14], [sflag:$0x9], $0x80, s26, s30, $0xb8;
	[tilespmem:$0x1E400] =	vst v63  }
.LBB2_2:
0xa7: {  	_ =	swait.ge [sflag:s29], $0x50  }
0xa8: {  	[sflag:s29] =	ssyncset.done $0x0  }
0xa9: {  	[sflag:s29] =	ssyncadd.s32 $0xFFFFFFB0  }
0xaa: {  	_ =	swait.ge [sflag:s29], $0x50  }
0xab: {  	[sflag:s29] =	ssyncset.done $0x0  }
0xac: {  	[sflag:s29] =	ssyncadd.s32 $0xFFFFFFB0  }
0xad: {  	_ =	swait.ge [sflag:s29], $0x50  }
0xae: {  	[sflag:s29] =	ssyncset.done $0x0  }
0xaf: {  	[sflag:s29] =	ssyncadd.s32 $0xFFFFFFB0  }
0xb0: {  	_ =	swait.ge [sflag:s29], $0x50  }
0xb1: {  	[sflag:s29] =	ssyncset.done $0x0  }
0xb2: {  	[sflag:s29] =	ssyncadd.s32 $0xFFFFFFB0  }
0xb3: {  	_ =	swait.ge [sflag:s29], $0x50  }
0xb4: {  	[sflag:s29] =	ssyncset.done $0x0  }
0xb5: {  	[sflag:s29] =	ssyncadd.s32 $0xFFFFFFB0  }
0xb6: {  	_ =	swait.ge [sflag:s29], $0x50  }
0xb7: {  	[sflag:s29] =	ssyncset.done $0x0  }
0xb8: {  	[sflag:s29] =	ssyncadd.s32 $0xFFFFFFB0  }
0xb9: {  	_ =	swait.ge [sflag:s29], $0x50  }
0xba: {  	[sflag:s29] =	ssyncset.done $0x0  }
0xbb: {  	[sflag:s29] =	ssyncadd.s32 $0xFFFFFFB0  }
0xbc: {  	_ =	swait.ge [sflag:s29], $0x50  }
0xbd: {  	s24 =	sshll.u32 s23, $0x9;
	[sflag:s29] =	ssyncset.done $0x0  }
0xbe: {  	s24 =	sand.u32 $0x200, s24;
	[sflag:s29] =	ssyncadd.s32 $0xFFFFFFB0  }
0xbf: {  	v0 =	vld [tilespmem:s24+$0x0]  }
0xc0: {  	v1 =	vld [tilespmem:s24+$0x400]  }
0xc1: {  	v2 =	vld [tilespmem:s24+$0x10]  }
0xc2: {  	v3 =	vld [tilespmem:s24+$0x410]  }
0xc3: {  	v4 =	vld [tilespmem:s24+$0x20]  }
0xc4: {  	v5 =	vld [tilespmem:s24+$0x420]  }
0xc5: {  	v6 =	vld [tilespmem:s24+$0x30]  }
0xc6: {  	v7 =	vld [tilespmem:s24+$0x430]  }
0xc7: {  	v8 =	vld [tilespmem:s24+$0x40]  }
0xc8: {  	v9 =	vld [tilespmem:s24+$0x440]  }
0xc9: {  	v10 =	vld [tilespmem:s24+$0x80]  }
0xca: {  	v11 =	vld [tilespmem:s24+$0x480]  }
0xcb: {  	v12 =	vld [tilespmem:s24+$0x90]  }
0xcc: {  	v13 =	vld [tilespmem:s24+$0x490]  }
0xcd: {  	v14 =	vld [tilespmem:s24+$0xA0]  }
0xce: {  	v15 =	vld [tilespmem:s24+$0x4A0]  }
0xcf: {  	v16 =	vld [tilespmem:s24+$0xB0]  }
0xd0: {  	v17 =	vld [tilespmem:s24+$0x4B0]  }
0xd1: {  	v18 =	vld [tilespmem:s24+$0xC0]  }
0xd2: {  	v19 =	vld [tilespmem:s24+$0x4C0]  }
0xd3: {  	v20 =	vld [tilespmem:s24+$0x100]  }
0xd4: {  	v21 =	vld [tilespmem:s24+$0x500]  }
0xd5: {  	v22 =	vld [tilespmem:s24+$0x110]  }
0xd6: {  	v23 =	vld [tilespmem:s24+$0x510]  }
0xd7: {  	v24 =	vld [tilespmem:s24+$0x120]  }
0xd8: {  	v31 =	vld [tilespmem:s24+$0x520];
	vm0 =	veq.s32 v0, v1  }
0xd9: {  	v32 =	vld [tilespmem:s24+$0x130];
	vm9 =	veq.s32 v2, v3;
	v1 =	vsel vm0, $0x2710, v1  }
0xda: {  	v34 =	vld [tilespmem:s24+$0x530];
	vm10 =	veq.s32 v4, v5;
	v33 =	vsel vm9, $0x2710, v3;
	[tilespmem:s24+$0x400] =	vst v1  }
0xdb: {  	v36 =	vld [tilespmem:s24+$0x140];
	vm11 =	veq.s32 v6, v7;
	v35 =	vsel vm10, $0x2710, v5;
	[tilespmem:s24+$0x410] =	vst v33  }
0xdc: {  	v38 =	vld [tilespmem:s24+$0x540];
	vm12 =	veq.s32 v8, v9;
	v37 =	vsel vm11, $0x2710, v7;
	[tilespmem:s24+$0x420] =	vst v35  }
0xdd: {  	v40 =	vld [tilespmem:s24+$0x180];
	vm13 =	veq.s32 v10, v11;
	v39 =	vsel vm12, $0x2710, v9;
	[tilespmem:s24+$0x430] =	vst v37  }
0xde: {  	v42 =	vld [tilespmem:s24+$0x580];
	vm14 =	veq.s32 v12, v13;
	v41 =	vsel vm13, $0x2710, v11;
	[tilespmem:s24+$0x440] =	vst v39  }
0xdf: {  	v44 =	vld [tilespmem:s24+$0x190];
	vm15 =	veq.s32 v14, v15;
	v43 =	vsel vm14, $0x2710, v13;
	[tilespmem:s24+$0x480] =	vst v41  }
0xe0: {  	v46 =	vld [tilespmem:s24+$0x590];
	vm4 =	veq.s32 v16, v17;
	v45 =	vsel vm15, $0x2710, v15;
	[tilespmem:s24+$0x490] =	vst v43  }
0xe1: {  	v48 =	vld [tilespmem:s24+$0x1A0];
	vm5 =	veq.s32 v18, v19;
	v47 =	vsel vm4, $0x2710, v17;
	[tilespmem:s24+$0x4A0] =	vst v45  }
0xe2: {  	v50 =	vld [tilespmem:s24+$0x5A0];
	vm6 =	veq.s32 v20, v21;
	v49 =	vsel vm5, $0x2710, v19;
	[tilespmem:s24+$0x4B0] =	vst v47  }
0xe3: {  	v52 =	vld [tilespmem:s24+$0x1B0];
	vm7 =	veq.s32 v22, v23;
	v51 =	vsel vm6, $0x2710, v21;
	[tilespmem:s24+$0x4C0] =	vst v49  }
0xe4: {  	v54 =	vld [tilespmem:s24+$0x5B0];
	vm8 =	veq.s32 v24, v31;
	v53 =	vsel vm7, $0x2710, v23;
	[tilespmem:s24+$0x500] =	vst v51  }
0xe5: {  	v55 =	vld [tilespmem:s24+$0x1C0];
	v0 =	vsel vm8, $0x2710, v31;
	vm9 =	veq.s32 v32, v34;
	[tilespmem:s24+$0x510] =	vst v53  }
0xe6: {  	v57 =	vld [tilespmem:s24+$0x5C0];
	vm10 =	veq.s32 v36, v38;
	[tilespmem:s24+$0x520] =	vst v0;
	v56 =	vsel vm9, $0x2710, v34  }
0xe7: {  	vm11 =	veq.s32 v40, v42;
	v58 =	vsel vm10, $0x2710, v38;
	[tilespmem:s24+$0x530] =	vst v56  }
0xe8: {  	vm12 =	veq.s32 v44, v46;
	v59 =	vsel vm11, $0x2710, v42;
	[tilespmem:s24+$0x540] =	vst v58  }
0xe9: {  	p0 =	seq.s32 s23, $0x0;
	vm13 =	veq.s32 v48, v50;
	v60 =	vsel vm12, $0x2710, v46;
	[tilespmem:s24+$0x580] =	vst v59  }
0xea: {  	p1 =	sne.s32 @!p0 s23, $0x1E;
	vm14 =	veq.s32 v52, v54;
	v61 =	vsel vm13, $0x2710, v50;
	[tilespmem:s24+$0x590] =	vst v60  }
0xeb: {  	p1 =	por p0, p1;
	vm15 =	veq.s32 v55, v57;
	v62 =	vsel vm14, $0x2710, v54;
	[tilespmem:s24+$0x5A0] =	vst v61  }
.Ltmp4:
0xec: {  	v63 =	vsel vm15, $0x2710, v57;
	[tilespmem:s24+$0x5B0] =	vst v62;
	(pc) =	sbr.rel @p1 .LBB2_4-.Ltmp4, $4  }
0xed: {  	s19 =	simm.s32 @!p0 $0x6;
	[tilespmem:s24+$0x5C0] =	vst v63  }
0xee: {  	_ =	swait.ge @!p0 [sflag:s19], $0x2800  }
0xef: {  	[sflag:s19] =	ssyncset.done @!p0 $0x0  }
0xf0: {  	s26 =	sor.u32 $0x80, s24;
	s25 =	sor.u32 $0x100, s24;
	[sflag:s19] =	ssyncadd.s32 @!p0 $0xFFFFD800  }
0xf1: {  	[tilespmem:s31], [sflag:$0x2] =	stream.indirect.gather [hbm4b:s2+s30], $0x80, s24, s30, $0xb8;
	[tilespmem:$0x1E400] =	vst v63  }
0xf2: {  	_ =	swait.ge [sflag:s0], $0x2800  }
0xf3: {  	[sflag:s0] =	ssyncset.done $0x0  }
0xf4: {  	[sflag:s0] =	ssyncadd.s32 $0xFFFFD800  }
0xf5: {  	[tilespmem:s1], [sflag:$0x3] =	stream.indirect.gather [hbm4b:s2+s30], $0x80, s26, s30, $0xb8;
	[tilespmem:$0x1E400] =	vst v63  }
0xf6: {  	_ =	swait.ge [sflag:s9], $0x2800  }
0xf7: {  	[sflag:s9] =	ssyncset.done $0x0  }
.Ltmp5:
0xf8: {  	[sflag:s9] =	ssyncadd.s32 $0xFFFFD800;
	(pc) =	sbr.rel .LBB2_5-.Ltmp5, $4  }
0xf9: {  	[tilespmem:s10], [sflag:$0x4] =	stream.indirect.gather [hbm4b:s2+s30], $0x80, s25, s30, $0xb8;
	[tilespmem:$0x1E400] =	vst v63  }
0xfa: {  	_ =	swait.ge [sflag:s11], $0x2800  }
0xfb: {  	[sflag:s11] =	ssyncset.done $0x0  }
0xfc: {  	s23 =	simm.s32 $0x1F;
	[sflag:s11] =	ssyncadd.s32 $0xFFFFD800  }
.LBB2_7:
0xfd: {  	_ =	sfence.sel $0x180000  }
0xfe: {  	[bflag:$0x0] =	sbarrier.arrive $0xFFFF  }
0xff: {  	_ =	strace $0x9000004D  }
0x100: {  	s0 =	stileid.u32;
	[bflag:$0x2] =	sbarrier.arrive $0xFFFF  }
0x101: {  	p0 =	sne.s32 s0, $0x0;
	s0 =	rddreg [dreg:$0x3]  }
0x102: {  	s0 =	sadd.s32 @!p0 $0x100000, s0  }
0x103: {  	[sflag:s0] =	ssyncadd.tile.s32 @!p0 $0x1;
	_ =	shalt  }
.Lfunc_end2:
_tile_overlayer_lowered:
.L_overlay_start_2:
0x104: {  	(tag) =	ssettag $0x2  }
0x105: {  	s0 =	rddreg [dreg:$0x0];
	s2 =	stileid.u32  }
0x106: {  	s1 =	rddreg [dreg:$0x1];
	p0 =	sne.s32 s2, $0x0  }
0x107: {  	s3 =	rddreg [dreg:$0x2];
	[bflag:$0x3] =	sbarrier.arrive $0xFFFF;
	s2 =	simm.s32 @!p0 $0x1C0A  }
0x108: {  	[timem:s3], [sflag:s2] =	dma.local @!p0 [hbm:s0], s1  }
0x109: {  	s0 =	simm.s32 @!p0 $0xA  }
0x10a: {  	_ =	swait.ge @!p0 [sflag:s0], s1  }
0x10b: {  	s1 =	ssub.s32 @!p0 $0x0, s1;
	[sflag:s0] =	ssyncset.done @!p0 $0x0  }
0x10c: {  	[sflag:s0] =	ssyncadd.s32 @!p0 s1  }
0x10d: {  	[bflag:$0x3] =	sbarrier.arrive $0xFFFF  }
0x10e: {  	_ =	shalt  }

// kernel: kernel.9.cloned.1.call-start
scs
__scs_entry_jumppad:
0x0: {  	(pc) =	sbr.rel $0x88, $3  }
0x1: {  	(tag) =	ssettag $0x0;
	lr =	simm.s32 $0x1  }
0x2: {  	[smem:$0x3F9A] =	sst lr;
	_ =	strace $0xD0000000  }
0x3: {  	_ = 	snop  }
0x4: {  	_ = 	snop  }
0x5: {  	_ = 	snop  }
0x6: {  	_ = 	snop  }
0x7: {  	_ = 	snop  }
__scs_overlays_trampoline_lowered:
0x8: {  	[smem:$0x3FA9] =	sst s0  }
0x9: {  	[smem:$0x3FAA] =	sst s1  }
0xa: {  	[smem:$0x3FAB] =	sst s2  }
0xb: {  	[smem:$0x3FAC] =	sst s3  }
0xc: {  	[smem:$0x3FAD] =	sst s4  }
0xd: {  	[smem:$0x3FAE] =	sst s5  }
0xe: {  	[smem:$0x3FAF] =	sst s6  }
0xf: {  	[smem:$0x3FB0] =	sst s7  }
0x10: {  	[smem:$0x3FB1] =	sst s8  }
0x11: {  	[smem:$0x3FB2] =	sst s9;
	s0 =	simm.s32 @!p0 $0x0  }
0x12: {  	s1 =	sld [smem:$0x3F98];
	s0 =	simm.s32 @p0 $0x1  }
0x13: {  	[smem:$0x3FB3] =	sst s0;
	s0 =	simm.s32 @!p1 $0x0  }
0x14: {  	s2 =	sld [smem:$0x3F97];
	s0 =	simm.s32 @p1 $0x1  }
0x15: {  	[smem:$0x3FB4] =	sst s0;
	s0 =	simm.s32 @!p2 $0x0  }
0x16: {  	s3 =	sld [smem:$0x3FDB];
	s0 =	simm.s32 @p2 $0x1  }
0x17: {  	s4 =	simm.s32 $0x1BF5;
	[smem:$0x3FB6] =	sst s0  }
0x18: {  	s0 =	sld [smem:$0x3F99];
	_ =	swait.ge [sflag:s4], $0x0  }
0x19: {  	s7 =	sld [smem:$0x3F9A]  }
0x1a: {  	s8 =	sadd.s32 $0xFFFFE003, lr  }
0x1b: {  	s9 =	sadd.s32 $0xFFFFFEF7, lr;
	s5 =	simm.s32 $0xFFFFFFFF;
	p2 =	slt.u32 s8, $0xFFFFF086  }
0x1c: {  	p1 =	slt.u32 s9, $0xF7A;
	s5 =	simm.s32 @!p2 $0x0  }
0x1d: {  	s5 =	simm.s32 @p1 $0x1;
	p0 =	seq.s32 s7, s2  }
0x1e: {  	s7 =	smul.u32 @!p0 $0xF7A, s2;
	p2 =	seq.s32 @!p0 s5, $0x0  }
0x1f: {  	s9 =	smul.u32 $0xF7A, s1;
	s8 =	simm.s32 @!p0 $0x1BF5;
	p2 =	por !p2, p0  }
0x20: {  	[sflag:s8] =	ssyncset.s32 @!p0 $0xFFFFF086;
	s6 =	sadd.s32 @!p0 s3, s7;
	s7 =	simm.s32 @!p0 $0x108  }
0x21: {  	s3 =	sadd.s32 s3, s9;
	s6 =	sadd.s32 @!p0 $0x88, s6;
	s7 =	simm.s32 @p2 $0x1082  }
0x22: {  	[simem:s7], [sflag:s8] =	dma.local @!p0 [hbm:s6], $0xF7A  }
0x23: {  	s9 =	sor.u32 $0xD0000000, s2;
	s6 =	simm.s32 $0x108;
	_ =	swait.ge @!p0 [sflag:s8], $0x0  }
0x24: {  	s3 =	sadd.s32 $0x88, s3;
	s6 =	simm.s32 @!p1 $0x1082;
	[sflag:s4] =	ssyncset.s32 $0xFFFFF086  }
0x25: {  	[simem:s6], [sflag:s4] =	dma.local [hbm:s3], $0xF7A  }
0x26: {  	[smem:$0x3F9A] =	sst s1;
	(tag) =	ssettag s2;
	_ =	strace s9  }
0x27: {  	s1 =	sld [smem:$0x3FAA]  }
0x28: {  	s2 =	sld [smem:$0x3FAB]  }
0x29: {  	s4 =	sld [smem:$0x3FAD]  }
0x2a: {  	p0 =	seq.s32 s5, $0x0;
	s5 =	sld [smem:$0x3FAE]  }
0x2b: {  	s6 =	sld [smem:$0x3FAF]  }
0x2c: {  	s7 =	sld [smem:$0x3FB0]  }
0x2d: {  	s3 =	simm.s32 $0x108;
	s8 =	sld [smem:$0x3FB1]  }
0x2e: {  	s3 =	simm.s32 @!p0 $0x1082;
	s9 =	sld [smem:$0x3FB2]  }
0x2f: {  	lr =	sadd.s32 s0, s3;
	s0 =	sld [smem:$0x3FA9]  }
0x30: {  	s3 =	sld [smem:$0x3FAC]  }
0x31: {  	[smem:$0x3FB5] =	sst s10  }
0x32: {  	s10 =	sld [smem:$0x3FB3];
	_ =	sdelay $0x3  }
0x33: {  	p0 =	seq.s32 s10, $0x1;
	s10 =	sld [smem:$0x3FB5];
	_ =	sdelay $0x3  }
0x34: {  	[smem:$0x3FB5] =	sst s10  }
0x35: {  	s10 =	sld [smem:$0x3FB4];
	_ =	sdelay $0x3  }
0x36: {  	p1 =	seq.s32 s10, $0x1;
	s10 =	sld [smem:$0x3FB5];
	_ =	sdelay $0x3  }
0x37: {  	[smem:$0x3FB5] =	sst s10  }
0x38: {  	s10 =	sld [smem:$0x3FB6]  }
0x39: {  	_ = 	snop;
	(pc) =	sbr.ind lr, $3  }
0x3a: {  	_ = 	snop  }
0x3b: {  	_ = 	snop  }
0x3c: {  	p2 =	seq.s32 s10, $0x1;
	s10 =	sld [smem:$0x3FB5]  }
0x3d: {  	_ =	shalt  }
0x3e: {  	_ =	shalt  }
0x3f: {  	_ =	shalt  }
0x40: {  	_ =	shalt  }
0x41: {  	_ =	shalt  }
0x42: {  	_ =	shalt  }
0x43: {  	_ =	shalt  }
0x44: {  	_ =	shalt  }
0x45: {  	_ =	shalt  }
0x46: {  	_ =	shalt  }
0x47: {  	_ =	shalt  }
0x48: {  	_ =	shalt  }
0x49: {  	_ =	shalt  }
0x4a: {  	_ =	shalt  }
0x4b: {  	_ =	shalt  }
0x4c: {  	_ =	shalt  }
0x4d: {  	_ =	shalt  }
0x4e: {  	_ =	shalt  }
0x4f: {  	_ =	shalt  }
0x50: {  	_ =	shalt  }
0x51: {  	_ =	shalt  }
0x52: {  	_ =	shalt  }
0x53: {  	_ =	shalt  }
0x54: {  	_ =	shalt  }
0x55: {  	_ =	shalt  }
0x56: {  	_ =	shalt  }
0x57: {  	_ =	shalt  }
0x58: {  	_ =	shalt  }
0x59: {  	_ =	shalt  }
0x5a: {  	_ =	shalt  }
0x5b: {  	_ =	shalt  }
0x5c: {  	_ =	shalt  }
0x5d: {  	_ =	shalt  }
0x5e: {  	_ =	shalt  }
0x5f: {  	_ =	shalt  }
0x60: {  	_ =	shalt  }
0x61: {  	_ =	shalt  }
0x62: {  	_ =	shalt  }
0x63: {  	_ =	shalt  }
0x64: {  	_ =	shalt  }
0x65: {  	_ =	shalt  }
0x66: {  	_ =	shalt  }
0x67: {  	_ =	shalt  }
0x68: {  	_ =	shalt  }
0x69: {  	_ =	shalt  }
0x6a: {  	_ =	shalt  }
0x6b: {  	_ =	shalt  }
0x6c: {  	_ =	shalt  }
0x6d: {  	_ =	shalt  }
0x6e: {  	_ =	shalt  }
0x6f: {  	_ =	shalt  }
0x70: {  	_ =	shalt  }
0x71: {  	_ =	shalt  }
0x72: {  	_ =	shalt  }
0x73: {  	_ =	shalt  }
0x74: {  	_ =	shalt  }
0x75: {  	_ =	shalt  }
0x76: {  	_ =	shalt  }
0x77: {  	_ =	shalt  }
0x78: {  	_ =	shalt  }
0x79: {  	_ =	shalt  }
0x7a: {  	_ =	shalt  }
0x7b: {  	_ =	shalt  }
0x7c: {  	_ =	shalt  }
0x7d: {  	_ =	shalt  }
0x7e: {  	_ =	shalt  }
0x7f: {  	_ =	shalt  }
0x80: {  	_ =	shalt  }
0x81: {  	_ =	shalt  }
0x82: {  	_ =	shalt  }
0x83: {  	_ =	shalt  }
0x84: {  	_ =	shalt  }
0x85: {  	_ =	shalt  }
0x86: {  	_ =	shalt  }
0x87: {  	_ =	shalt  }
.Lfunc_end0:
.L_simem_size_0:
called_computation_lowered:
.L_overlay_start_0:
0x88: {  	s2 =	sld [smem:$0x3FD9]  }
0x89: {  	s3 =	sld [smem:$0x3FFE];
	_ =	sdelay $0x1  }
0x8a: {  	s1 =	srdreg.scid  }
0x8b: {  	s0 =	sand.u32 $0x1, s1  }
0x8c: {  	s17 =	sshll.u32 s0, $0xA;
	s2 =	sadd.s32 s3, s2  }
0x8d: {  	s2 =	sadd.s32 s2, s17  }
0x8e: {  	[smem:$0x3FC1] =	sst s2  }
0x8f: {  	_ = 	snop  }
0x90: {  	s2 =	sld [smem:$0x3FD0];
	(tm) =	ssettm $0x1  }
0x91: {  	s18 =	sld [smem:$0x3FFB];
	_ =	sdelay $0x3  }
0x92: {  	_ =	strace s18  }
0x93: {  	s3 =	sld [smem:$0x3FFC];
	_ =	sdelay $0x3  }
0x94: {  	_ =	strace s3  }
0x95: {  	s3 =	sld [smem:$0x3FFD];
	_ =	sdelay $0x3  }
0x96: {  	_ =	strace s3  }
0x97: {  	_ =	strace $0x8FFFFFFF  }
0x98: {  	s19 =	sld [smem:$0x3FDB];
	_ =	sdelay $0x1  }
0x99: {  	s4 =	simm.s32 $_scs_section_size  }
0x9a: {  	s5 =	simm.s32 $_size__tile_overlayer_lowered;
	s6 =	simm.s32 $_tile_overlayer_lowered  }
0x9b: {  	s22 =	simm.s32 $0x1BFF;
	s21 =	sshll.u32 s6, $0x1;
	s3 =	sadd.s32 s4, s19  }
0x9c: {  	s7 =	simm.s32 $0x0;
	s20 =	sshll.u32 s5, $0x1;
	s5 =	sadd.s32 s21, s3  }
0x9d: {  	[timem:s7], [sflag:s22] =	dma.local [hbm:s5], s20  }
0x9e: {  	_ =	swait.ge [sflag:s22], s20  }
0x9f: {  	s4 =	ssub.s32 $0x0, s20;
	[sflag:s22] =	ssyncset.done $0x0  }
0xa0: {  	[sflag:s22] =	ssyncadd.s32 s4;
	_ =	sdelay $0x1  }
0xa1: {  	s23 =	simm.s32 $0x1B8B  }
0xa2: {  	_ =	swait.ge [sflag:s23], $0x1  }
0xa3: {  	[sflag:s23] =	ssyncset.done $0x0  }
0xa4: {  	s25 =	simm.s32 $0x1B8E;
	s24 =	sld [smem:$0x3FFE];
	[sflag:s23] =	ssyncadd.s32 $0xFFFFFFFF  }
0xa5: {  	s26 =	simm.s32 $execute0_lowered;
	[smem:$0x3FD2] =	sst s25  }
0xa6: {  	s5 =	sshll.u32 s26, $0x1;
	_ =	strace $0x80000046;
	[dreg:$0x1] =	wrdreg $0xFFFFFFFF  }
0xa7: {  	s28 =	simm.s32 $_size_execute0_lowered;
	s3 =	sadd.s32 s3, s5;
	[dreg:$0x0] =	wrdreg $0x0  }
0xa8: {  	s5 =	sshll.u32 s28, $0x1;
	[dreg:$0x2] =	wrdreg s3  }
0xa9: {  	[dreg:$0x3] =	wrdreg s5  }
0xaa: {  	[dreg:$0x4] =	wrdreg $0xC0  }
0xab: {  	_ =	task [dreg:s7], $0x5FFFF  }
0xac: {  	[dreg:$0x1] =	wrdreg $0xFFFFFFFF  }
0xad: {  	[dreg:$0x0] =	wrdreg $0x60  }
0xae: {  	[dreg:$0x2] =	wrdreg s24  }
0xaf: {  	[dreg:$0x3] =	wrdreg s2  }
0xb0: {  	[dreg:$0x4] =	wrdreg $0x2E000  }
0xb1: {  	[dreg:$0x5] =	wrdreg $0x9  }
0xb2: {  	_ =	task.clear_ibuf [dreg:s7], $0x6FFFF;
	_ =	strace $0x90000046  }
0xb3: {  	s29 =	simm.s32 $0x9;
	_ =	strace $0x80000048  }
0xb4: {  	_ =	swait.ge [sflag:s29], $0x1  }
0xb5: {  	[sflag:s29] =	ssyncadd.s32 $0xFFFFFFFF  }
0xb6: {  	_ =	strace $0x90000048  }
0xb7: {  	_ =	sfence  }
0xb8: {  	s30 =	sld [smem:$0x0];
	_ =	sdelay $0x2  }
0xb9: {  	s31 =	sshll.u32 s1, $0xD;
	s1 =	sshrl.u32 s1, $0x2  }
0xba: {  	s3 =	sand.u32 $0x4000, s31;
	s1 =	sadd.s32 s1, s30  }
0xbb: {  	s0 =	sor.u32 s3, s0;
	s1 =	sshll.u32 s1, $0x11  }
0xbc: {  	s0 =	sor.u32 s1, s0  }
0xbd: {  	s0 =	sadd.s32 $0x8F2B, s0  }
0xbe: {  	[sflag:s0] =	ssyncadd.remote.s32 $0x1  }
0xbf: {  	_ =	sfence.sel $0xFFFF  }
0xc0: {  	[dreg:$0x0] =	wrdreg $0xFFFFFFFF;
	(pc) =	sbr.abs _section_cstart, $3  }
0xc1: {  	[dreg:$0x1] =	wrdreg $0xFFFFFFFF  }
0xc2: {  	_ =	task.clear_ibuf [dreg:s7], $0x2FFFF;
	_ =	strace $0x9FFFFFFF  }
0xc3: {  	(tm) =	ssettm $0x7FFFFFFF  }
tec
execute0_lowered:
.L_overlay_start_1:
0x0: {  	(tag) =	ssettag $0x1  }
0x1: {  	s0 =	rddreg [dreg:$0x0]  }
0x2: {  	s2 =	rddreg [dreg:$0x2]  }
0x3: {  	s4 =	simm.s32 $0x0;
	s13 =	stileid.u32;
	s1 =	srdreg.scid  }
0x4: {  	s28 =	simm.s32 $0x50;
	s29 =	simm.s32 $0x400;
	s30 =	simm.s32 $0x480  }
0x5: {  	s31 =	simm.s32 $0x500;
	[smem:$0x7FF] =	sst s4;
	s5 =	smul.u32 $0x13C00, s13  }
0x6: {  	s3 =	sadd.s32 $0xC000, s0;
	s1 =	sand.u32 $0x1, s1;
	s10 =	smul.u32 $0x4F000, s13  }
0x7: {  	s6 =	sadd.s32 $0x2200, s0;
	s12 =	smul.u32 $0x2710, s13;
	s18 =	sshll.u32 s13, $0x6  }
0x8: {  	_ =	strace $0x80000047;
	s7 =	smul.u32 $0x13C000, s1;
	s8 =	sshll.u32 s1, $0x4  }
0x9: {  	s14 =	ssub.s32 $0x2, s1;
	s1 =	smul.u32 $0x27100, s1;
	s9 =	sshrl.u32 s5, $0x3  }
0xa: {  	s8 =	sor.u32 s13, s8;
	s11 =	sshrl.u32 s14, $0x1;
	s10 =	sshrl.u32 s10, $0x2  }
0xb: {  	s9 =	sadd.s32 s9, s0;
	s5 =	sadd.s32 s5, s7;
	s26 =	smul.u32 $0x2710, s8  }
0xc: {  	s15 =	ssub.s32 s14, s11;
	s16 =	sadd.s32 s10, s2;
	s1 =	sadd.s32 s12, s1  }
0xd: {  	s5 =	sshrl.u32 s5, $0x3;
	[dreg:$0x7] =	wrdreg s16;
	s17 =	sadd.s32 $0x15E00, s9  }
0xe: {  	s20 =	sadd.s32 $0xF0, s1;
	s12 =	sadd.s32 $0xA0, s1;
	s11 =	smax.u32 s15, $0x1  }
0xf: {  	s0 =	sadd.s32 s5, s0;
	[dreg:$0x8] =	wrdreg s17;
	s7 =	sshrl.u32 s26, $0x3  }
0x10: {  	s10 =	sshrl.u32 s20, $0x3;
	s12 =	sshrl.u32 s12, $0x3;
	s26 =	sadd.s32 $0x50, s1  }
0x11: {  	s1 =	sshrl.u32 s1, $0x3;
	s17 =	simm.s32 $0x3;
	s20 =	simm.s32 $0x80  }
0x12: {  	s19 =	sadd.s32 $0x4D8, s7;
	s7 =	sor.u32 $0x1C03, s18;
	s23 =	sadd.s32 s10, s6  }
0x13: {  	s24 =	sadd.s32 s10, s3;
	s10 =	sadd.s32 $0x3D600, s0;
	s25 =	sadd.s32 s12, s6  }
0x14: {  	s12 =	sadd.s32 s12, s3;
	s0 =	sshrl.u32 s26, $0x3;
	s15 =	sadd.s32 s1, s6  }
0x15: {  	s16 =	sadd.s32 s1, s3;
	s18 =	simm.s32 $0x600;
	[dreg:$0x4] =	wrdreg s23  }
0x16: {  	s26 =	simm.s32 $0x1;
	s1 =	simm.s32 $0x0;
	[dreg:$0x5] =	wrdreg s24  }
0x17: {  	s21 =	sadd.s32 s3, s19;
	s22 =	sadd.s32 s6, s19;
	[dreg:$0x6] =	wrdreg s25  }
0x18: {  	s13 =	sadd.s32 s0, s6;
	s14 =	sadd.s32 s0, s3;
	s19 =	simm.s32 $0x200  }
0x19: {  	s23 =	simm.s32 $0x300;
	s24 =	simm.s32 $0x180;
	s25 =	simm.s32 $0x380  }
0x1a: {  	s0 =	simm.s32 $0x580;
	s3 =	simm.s32 $0x2;
	[dreg:$0x9] =	wrdreg s21  }
0x1b: {  	[dreg:$0xa] =	wrdreg s22;
	s21 =	simm.s32 $0x280;
	s22 =	simm.s32 $0x100  }
.LBB2_1:
0x1c: {  	s5 =	rddreg [dreg:$0x7]  }
0x1d: {  	s6 =	rddreg [dreg:$0x8];
	s5 =	sshrl.u32 s5, $0x3  }
0x1e: {  	[spmem:s5], [sflag:s7] =	dma.local [hbm:s6], $0x2780  }
0x1f: {  	_ =	swait.ge [sflag:s17], $0x2780  }
0x20: {  	[sflag:s17] =	ssyncset.done $0x0  }
0x21: {  	[sflag:s17] =	ssyncadd.s32 $0xFFFFD880  }
0x22: {  	s9 =	rddreg [dreg:$0x1]  }
0x23: {  	[tilespmem:s18], [sflag:$0x3] =	stream.linear.gather [hbm4b:s9+s4], $0x2800, $0x38;
	[tilespmem:$0x16A00] =	vst v63  }
0x24: {  	_ =	swait.ge [sflag:s17], $0x2800  }
0x25: {  	[sflag:s17] =	ssyncset.done $0x0  }
0x26: {  	[sflag:s17] =	ssyncadd.s32 $0xFFFFD800  }
0x27: {  	s6 =	simm.s32 $0x0;
	[bflag:$0x0] =	sbarrier.arrive $0xFFFF  }
.LBB2_2:
0x28: {  	p0 =	seq.s32 s6, $0x0  }
0x29: {  	s8 =	simm.s32 @!p0 $0x2  }
0x2a: {  	_ =	swait.ge @!p0 [sflag:s8], $0x2800  }
0x2b: {  	[sflag:s8] =	ssyncset.done @!p0 $0x0  }
0x2c: {  	[sflag:s8] =	ssyncadd.s32 @!p0 $0xFFFFD800  }
0x2d: {  	_ =	swait.ge @!p0 [sflag:s8], $0x2800  }
0x2e: {  	[sflag:s8] =	ssyncset.done @!p0 $0x0  }
0x2f: {  	[sflag:s8] =	ssyncadd.s32 @!p0 $0xFFFFD800  }
0x30: {  	_ =	swait.ge @!p0 [sflag:s8], $0x2800  }
0x31: {  	[sflag:s8] =	ssyncset.done @!p0 $0x0  }
0x32: {  	[sflag:s8] =	ssyncadd.s32 @!p0 $0xFFFFD800  }
0x33: {  	_ =	swait.ge @!p0 [sflag:s8], $0x2800  }
0x34: {  	[sflag:s8] =	ssyncset.done @!p0 $0x0  }
0x35: {  	s9 =	sadd.s32 s6, s16;
	[sflag:s8] =	ssyncadd.s32 @!p0 $0xFFFFD800  }
0x36: {  	[tilespmem:s4], [sflag:$0x1] =	stream.linear.gather [hbm4b:s9+s4], $0x50, $0x38;
	[tilespmem:$0x16A00] =	vst v63  }
0x37: {  	s9 =	sadd.s32 s6, s15  }
0x38: {  	[tilespmem:s19], [sflag:$0x1] =	stream.linear.gather [hbm4b:s9+s4], $0x50, $0x38;
	[tilespmem:$0x16A00] =	vst v63  }
0x39: {  	s9 =	sadd.s32 s6, s14  }
0x3a: {  	[tilespmem:s20], [sflag:$0x1] =	stream.linear.gather [hbm4b:s9+s4], $0x50, $0x38;
	[tilespmem:$0x16A00] =	vst v63  }
0x3b: {  	s9 =	sadd.s32 s6, s13  }
0x3c: {  	[tilespmem:s21], [sflag:$0x1] =	stream.linear.gather [hbm4b:s9+s4], $0x50, $0x38;
	[tilespmem:$0x16A00] =	vst v63  }
0x3d: {  	s8 =	rddreg [dreg:$0x6];
	s9 =	sadd.s32 s6, s12  }
0x3e: {  	[tilespmem:s22], [sflag:$0x1] =	stream.linear.gather [hbm4b:s9+s4], $0x50, $0x38;
	[tilespmem:$0x16A00] =	vst v63  }
0x3f: {  	s8 =	sadd.s32 s6, s8;
	s9 =	rddreg [dreg:$0x5]  }
0x40: {  	[tilespmem:s23], [sflag:$0x1] =	stream.linear.gather [hbm4b:s8+s4], $0x50, $0x38;
	[tilespmem:$0x16A00] =	vst v63  }
0x41: {  	s9 =	sadd.s32 s6, s9;
	s8 =	rddreg [dreg:$0x4]  }
0x42: {  	[tilespmem:s24], [sflag:$0x1] =	stream.linear.gather [hbm4b:s9+s4], $0x50, $0x38;
	[tilespmem:$0x16A00] =	vst v63  }
0x43: {  	s8 =	sadd.s32 s6, s8  }
0x44: {  	[tilespmem:s25], [sflag:$0x1] =	stream.linear.gather [hbm4b:s8+s4], $0x50, $0x38;
	[tilespmem:$0x16A00] =	vst v63  }
0x45: {  	_ =	swait.ge [sflag:s26], $0x50  }
0x46: {  	[sflag:s26] =	ssyncset.done $0x0  }
0x47: {  	[sflag:s26] =	ssyncadd.s32 $0xFFFFFFB0  }
0x48: {  	_ =	swait.ge [sflag:s26], $0x50  }
0x49: {  	[sflag:s26] =	ssyncset.done $0x0  }
0x4a: {  	[sflag:s26] =	ssyncadd.s32 $0xFFFFFFB0  }
0x4b: {  	_ =	swait.ge [sflag:s26], $0x50  }
0x4c: {  	[sflag:s26] =	ssyncset.done $0x0  }
0x4d: {  	[sflag:s26] =	ssyncadd.s32 $0xFFFFFFB0  }
0x4e: {  	_ =	swait.ge [sflag:s26], $0x50  }
0x4f: {  	[sflag:s26] =	ssyncset.done $0x0  }
0x50: {  	[sflag:s26] =	ssyncadd.s32 $0xFFFFFFB0  }
0x51: {  	_ =	swait.ge [sflag:s26], $0x50  }
0x52: {  	[sflag:s26] =	ssyncset.done $0x0  }
0x53: {  	[sflag:s26] =	ssyncadd.s32 $0xFFFFFFB0  }
0x54: {  	_ =	swait.ge [sflag:s26], $0x50  }
0x55: {  	[sflag:s26] =	ssyncset.done $0x0  }
0x56: {  	[sflag:s26] =	ssyncadd.s32 $0xFFFFFFB0  }
0x57: {  	_ =	swait.ge [sflag:s26], $0x50  }
0x58: {  	[sflag:s26] =	ssyncset.done $0x0  }
0x59: {  	[sflag:s26] =	ssyncadd.s32 $0xFFFFFFB0  }
0x5a: {  	_ =	swait.ge [sflag:s26], $0x50  }
0x5b: {  	[sflag:s26] =	ssyncset.done $0x0  }
0x5c: {  	[sflag:s26] =	ssyncadd.s32 $0xFFFFFFB0  }
0x5d: {  	v0 =	vld [tilespmem:$0x0]  }
0x5e: {  	v1 =	vld [tilespmem:$0x200]  }
0x5f: {  	v2 =	vld [tilespmem:$0x10]  }
0x60: {  	v3 =	vld [tilespmem:$0x210]  }
0x61: {  	v4 =	vld [tilespmem:$0x20]  }
0x62: {  	v5 =	vld [tilespmem:$0x220]  }
0x63: {  	v6 =	vld [tilespmem:$0x30]  }
0x64: {  	v7 =	vld [tilespmem:$0x230]  }
0x65: {  	v8 =	vld [tilespmem:$0x40]  }
0x66: {  	v9 =	vld [tilespmem:$0x240]  }
0x67: {  	vm0 =	veq.s32 v0, v1  }
0x68: {  	vm9 =	veq.s32 v2, v3;
	v0 =	vsel vm0, $0x2710, v0  }
0x69: {  	vm10 =	veq.s32 v4, v5;
	v18 =	vsel vm9, $0x2710, v2;
	[tilespmem:$0x400] =	vst v0  }
0x6a: {  	vm11 =	veq.s32 v6, v7;
	v19 =	vsel vm10, $0x2710, v4;
	[tilespmem:$0x410] =	vst v18  }
0x6b: {  	vm12 =	veq.s32 v8, v9;
	v20 =	vsel vm11, $0x2710, v6;
	[tilespmem:$0x420] =	vst v19  }
0x6c: {  	v21 =	vsel vm12, $0x2710, v8;
	[tilespmem:$0x430] =	vst v20  }
0x6d: {  	[tilespmem:$0x440] =	vst v21  }
0x6e: {  	[spmem:s2] =	stream.indirect.scatter.add.f32 [tilespmem:s18], [sflag:$0x2], $0x80, s29, s28, $0xb8;
	[tilespmem:$0x16A00] =	vst v63  }
0x6f: {  	v22 =	vld [tilespmem:$0x80]  }
0x70: {  	v23 =	vld [tilespmem:$0x280]  }
0x71: {  	v24 =	vld [tilespmem:$0x90]  }
0x72: {  	v25 =	vld [tilespmem:$0x290]  }
0x73: {  	v26 =	vld [tilespmem:$0xA0]  }
0x74: {  	v27 =	vld [tilespmem:$0x2A0]  }
0x75: {  	v28 =	vld [tilespmem:$0xB0]  }
0x76: {  	v29 =	vld [tilespmem:$0x2B0]  }
0x77: {  	v30 =	vld [tilespmem:$0xC0]  }
0x78: {  	v31 =	vld [tilespmem:$0x2C0]  }
0x79: {  	vm13 =	veq.s32 v22, v23  }
0x7a: {  	vm14 =	veq.s32 v24, v25;
	v0 =	vsel vm13, $0x2710, v22  }
0x7b: {  	vm15 =	veq.s32 v26, v27;
	v32 =	vsel vm14, $0x2710, v24;
	[tilespmem:$0x480] =	vst v0  }
0x7c: {  	vm4 =	veq.s32 v28, v29;
	v33 =	vsel vm15, $0x2710, v26;
	[tilespmem:$0x490] =	vst v32  }
0x7d: {  	vm5 =	veq.s32 v30, v31;
	v34 =	vsel vm4, $0x2710, v28;
	[tilespmem:$0x4A0] =	vst v33  }
0x7e: {  	v35 =	vsel vm5, $0x2710, v30;
	[tilespmem:$0x4B0] =	vst v34  }
0x7f: {  	[tilespmem:$0x4C0] =	vst v35  }
0x80: {  	[spmem:s2] =	stream.indirect.scatter.add.f32 [tilespmem:s18], [sflag:$0x2], $0x80, s30, s28, $0xb8;
	[tilespmem:$0x16A00] =	vst v63  }
0x81: {  	v36 =	vld [tilespmem:$0x100]  }
0x82: {  	v37 =	vld [tilespmem:$0x300]  }
0x83: {  	v38 =	vld [tilespmem:$0x110]  }
0x84: {  	v39 =	vld [tilespmem:$0x310]  }
0x85: {  	v40 =	vld [tilespmem:$0x120]  }
0x86: {  	v41 =	vld [tilespmem:$0x320]  }
0x87: {  	v42 =	vld [tilespmem:$0x130]  }
0x88: {  	v43 =	vld [tilespmem:$0x330]  }
0x89: {  	v44 =	vld [tilespmem:$0x140]  }
0x8a: {  	v45 =	vld [tilespmem:$0x340]  }
0x8b: {  	vm6 =	veq.s32 v36, v37  }
0x8c: {  	vm7 =	veq.s32 v38, v39;
	v0 =	vsel vm6, $0x2710, v36  }
0x8d: {  	vm8 =	veq.s32 v40, v41;
	v46 =	vsel vm7, $0x2710, v38;
	[tilespmem:$0x500] =	vst v0  }
0x8e: {  	vm9 =	veq.s32 v42, v43;
	v47 =	vsel vm8, $0x2710, v40;
	[tilespmem:$0x510] =	vst v46  }
0x8f: {  	vm10 =	veq.s32 v44, v45;
	v48 =	vsel vm9, $0x2710, v42;
	[tilespmem:$0x520] =	vst v47  }
0x90: {  	v49 =	vsel vm10, $0x2710, v44;
	[tilespmem:$0x530] =	vst v48  }
0x91: {  	[tilespmem:$0x540] =	vst v49  }
0x92: {  	[spmem:s2] =	stream.indirect.scatter.add.f32 [tilespmem:s18], [sflag:$0x2], $0x80, s31, s28, $0xb8;
	[tilespmem:$0x16A00] =	vst v63  }
0x93: {  	v50 =	vld [tilespmem:$0x180]  }
0x94: {  	v51 =	vld [tilespmem:$0x380]  }
0x95: {  	v52 =	vld [tilespmem:$0x190]  }
0x96: {  	v53 =	vld [tilespmem:$0x390]  }
0x97: {  	v54 =	vld [tilespmem:$0x1A0]  }
0x98: {  	v55 =	vld [tilespmem:$0x3A0]  }
0x99: {  	v56 =	vld [tilespmem:$0x1B0]  }
0x9a: {  	v57 =	vld [tilespmem:$0x3B0]  }
0x9b: {  	v58 =	vld [tilespmem:$0x1C0]  }
0x9c: {  	v59 =	vld [tilespmem:$0x3C0]  }
0x9d: {  	vm11 =	veq.s32 v50, v51  }
0x9e: {  	s6 =	sadd.s32 $0x28, s6;
	vm12 =	veq.s32 v52, v53;
	v0 =	vsel vm11, $0x2710, v50  }
0x9f: {  	p0 =	sne.s32 s6, $0x4D8;
	vm13 =	veq.s32 v54, v55;
	v60 =	vsel vm12, $0x2710, v52;
	[tilespmem:$0x580] =	vst v0  }
.Ltmp0:
0xa0: {  	vm14 =	veq.s32 v56, v57;
	v61 =	vsel vm13, $0x2710, v54;
	[tilespmem:$0x590] =	vst v60;
	(pc) =	sbr.rel @p0 .LBB2_2-.Ltmp0, $4  }
0xa1: {  	vm15 =	veq.s32 v58, v59;
	v62 =	vsel vm14, $0x2710, v56;
	[tilespmem:$0x5A0] =	vst v61  }
0xa2: {  	v63 =	vsel vm15, $0x2710, v58;
	[tilespmem:$0x5B0] =	vst v62  }
0xa3: {  	[tilespmem:$0x5C0] =	vst v63  }
0xa4: {  	[spmem:s2] =	stream.indirect.scatter.add.f32 [tilespmem:s18], [sflag:$0x2], $0x80, s0, s28, $0xb8;
	[tilespmem:$0x16A00] =	vst v63  }
0xa5: {  	_ =	swait.ge [sflag:s3], $0x2800  }
0xa6: {  	[sflag:s3] =	ssyncset.done $0x0  }
0xa7: {  	[sflag:s3] =	ssyncadd.s32 $0xFFFFD800  }
0xa8: {  	_ =	swait.ge [sflag:s3], $0x2800  }
0xa9: {  	[sflag:s3] =	ssyncset.done $0x0  }
0xaa: {  	[sflag:s3] =	ssyncadd.s32 $0xFFFFD800  }
0xab: {  	_ =	swait.ge [sflag:s3], $0x2800  }
0xac: {  	[sflag:s3] =	ssyncset.done $0x0  }
0xad: {  	[sflag:s3] =	ssyncadd.s32 $0xFFFFD800  }
0xae: {  	_ =	swait.ge [sflag:s3], $0x2800  }
0xaf: {  	[sflag:s3] =	ssyncset.done $0x0  }
0xb0: {  	s6 =	rddreg [dreg:$0x9];
	[sflag:s3] =	ssyncadd.s32 $0xFFFFD800  }
0xb1: {  	[tilespmem:s4], [sflag:$0x3] =	stream.linear.gather [hbm4b:s6+s4], $0x50, $0x38;
	[tilespmem:$0x16A00] =	vst v63  }
0xb2: {  	_ =	swait.ge [sflag:s17], $0x50  }
0xb3: {  	[sflag:s17] =	ssyncset.done $0x0  }
0xb4: {  	s9 =	rddreg [dreg:$0xa];
	[sflag:s17] =	ssyncadd.s32 $0xFFFFFFB0  }
0xb5: {  	[tilespmem:s19], [sflag:$0x3] =	stream.linear.gather [hbm4b:s9+s4], $0x50, $0x38;
	[tilespmem:$0x16A00] =	vst v63  }
0xb6: {  	_ =	swait.ge [sflag:s17], $0x50  }
0xb7: {  	[sflag:s17] =	ssyncset.done $0x0  }
0xb8: {  	[sflag:s17] =	ssyncadd.s32 $0xFFFFFFB0  }
0xb9: {  	v0 =	vld [tilespmem:$0x0]  }
0xba: {  	v1 =	vld [tilespmem:$0x200]  }
0xbb: {  	v2 =	vld [tilespmem:$0x10]  }
0xbc: {  	v3 =	vld [tilespmem:$0x210]  }
0xbd: {  	v4 =	vld [tilespmem:$0x20]  }
0xbe: {  	v5 =	vld [tilespmem:$0x220]  }
0xbf: {  	v6 =	vld [tilespmem:$0x30]  }
0xc0: {  	v7 =	vld [tilespmem:$0x230]  }
0xc1: {  	v8 =	vld [tilespmem:$0x40]  }
0xc2: {  	v9 =	vld [tilespmem:$0x240]  }
0xc3: {  	vm0 =	veq.s32 v0, v1  }
0xc4: {  	vm12 =	veq.s32 v2, v3;
	v0 =	vsel vm0, $0x2710, v0  }
0xc5: {  	vm13 =	veq.s32 v4, v5;
	v60 =	vsel vm12, $0x2710, v2;
	[tilespmem:$0x400] =	vst v0  }
0xc6: {  	vm14 =	veq.s32 v6, v7;
	v61 =	vsel vm13, $0x2710, v4;
	[tilespmem:$0x410] =	vst v60  }
0xc7: {  	vm15 =	veq.s32 v8, v9;
	v62 =	vsel vm14, $0x2710, v6;
	[tilespmem:$0x420] =	vst v61  }
0xc8: {  	v63 =	vsel vm15, $0x2710, v8;
	[tilespmem:$0x430] =	vst v62  }
0xc9: {  	[tilespmem:$0x440] =	vst v63  }
0xca: {  	[spmem:s2] =	stream.indirect.scatter.add.f32 [tilespmem:s18], [sflag:$0x3], $0x80, s29, s28, $0xb8;
	[tilespmem:$0x16A00] =	vst v63  }
0xcb: {  	_ =	swait.ge [sflag:s17], $0x2800  }
0xcc: {  	s1 =	sadd.s32 $0x1, s1;
	[sflag:s17] =	ssyncset.done $0x0  }
0xcd: {  	p0 =	sne.s32 s1, s11;
	[sflag:s17] =	ssyncadd.s32 $0xFFFFD800  }
.Ltmp1:
0xce: {  	[bflag:$0x0] =	sbarrier.arrive $0xFFFF;
	(pc) =	sbr.rel @p0 .LBB2_1-.Ltmp1, $4  }
0xcf: {  	[hbm:s10], [sflag:s7] =	dma.local [spmem:s5], $0x2780  }
0xd0: {  	_ =	swait.ge [sflag:s17], $0x2780  }
0xd1: {  	[sflag:s17] =	ssyncset.done $0x0  }
0xd2: {  	[sflag:s17] =	ssyncadd.s32 $0xFFFFD880  }
0xd3: {  	_ =	sfence.sel $0x180000  }
0xd4: {  	[bflag:$0x0] =	sbarrier.arrive $0xFFFF  }
0xd5: {  	_ =	strace $0x90000047  }
0xd6: {  	s0 =	stileid.u32;
	[bflag:$0x2] =	sbarrier.arrive $0xFFFF  }
0xd7: {  	p0 =	sne.s32 s0, $0x0;
	s0 =	rddreg [dreg:$0x3]  }
0xd8: {  	s0 =	sadd.s32 @!p0 $0x100000, s0  }
0xd9: {  	[sflag:s0] =	ssyncadd.tile.s32 @!p0 $0x1;
	_ =	shalt  }
.Lfunc_end2:
_tile_overlayer_lowered:
.L_overlay_start_2:
0xda: {  	(tag) =	ssettag $0x2  }
0xdb: {  	s0 =	rddreg [dreg:$0x0];
	s2 =	stileid.u32  }
0xdc: {  	s1 =	rddreg [dreg:$0x1];
	p0 =	sne.s32 s2, $0x0  }
0xdd: {  	s3 =	rddreg [dreg:$0x2];
	[bflag:$0x3] =	sbarrier.arrive $0xFFFF;
	s2 =	simm.s32 @!p0 $0x1C03  }
0xde: {  	[timem:s3], [sflag:s2] =	dma.local @!p0 [hbm:s0], s1  }
0xdf: {  	s0 =	simm.s32 @!p0 $0x3  }
0xe0: {  	_ =	swait.ge @!p0 [sflag:s0], s1  }
0xe1: {  	s1 =	ssub.s32 @!p0 $0x0, s1;
	[sflag:s0] =	ssyncset.done @!p0 $0x0  }
0xe2: {  	[sflag:s0] =	ssyncadd.s32 @!p0 s1  }
0xe3: {  	[bflag:$0x3] =	sbarrier.arrive $0xFFFF  }
0xe4: {  	_ =	shalt  }

</sc_bundles>
